<compile_context>
chip_gen: v7x
topology: tpu7x:2x2x1
jax: 0.10.2.dev20260603
libtpu: 0.0.44.dev20260713+nightly
codegen_flags: <defaults>
</compile_context>

<pallas_src>
import functools

import jax
import jax.numpy as jnp
from jax import lax
from jax.experimental import pallas as pl
from jax.experimental.pallas import tpu as pltpu
from jax.experimental.pallas import tpu_sc as plsc

N, C, T, V = 8, 128, 2048, 25
H = 8
NT = 512


def _vsum_kernel(xt_ref, s_ref):
    acc = xt_ref[0]
    for v in range(1, V):
        acc = acc + xt_ref[v]
    s_ref[...] = acc


def _stage_a(xt):
    Cb, Tb = 128, 512
    return pl.pallas_call(
        _vsum_kernel,
        grid=(N, C // Cb, T // Tb),
        in_specs=[pl.BlockSpec((None, V, Cb, Tb), lambda n, i, j: (n, 0, i, j))],
        out_specs=pl.BlockSpec((None, Cb, Tb), lambda n, i, j: (n, i, j)),
        out_shape=jax.ShapeDtypeStruct((N, C, T), jnp.float32),
    )(xt)


def _qk_kernel(s_ref, w_ref, b_ref, qk_ref):
    xn = s_ref[...] * jnp.float32(0.04)
    acc = lax.dot_general(w_ref[...], xn, (((1,), (0,)), ((), ())))
    qk_ref[...] = (acc + b_ref[...]).astype(jnp.bfloat16)


def _stage_b(s, W, b2):
    Tb = 512
    return pl.pallas_call(
        _qk_kernel,
        grid=(N, T // Tb),
        in_specs=[
            pl.BlockSpec((None, C, Tb), lambda n, j: (n, 0, j)),
            pl.BlockSpec((2 * C, C), lambda n, j: (0, 0)),
            pl.BlockSpec((2 * C, 1), lambda n, j: (0, 0)),
        ],
        out_specs=pl.BlockSpec((None, 2 * C, Tb), lambda n, j: (n, 0, j)),
        out_shape=jax.ShapeDtypeStruct((N, 2 * C, T), jnp.bfloat16),
    )(s, W, b2)


def _att_kernel(qt_ref, qk_ref, sc_ref):
    qk = qk_ref[...]
    qt = qt_ref[...]
    att3 = None
    for h in range(H):
        qh = lax.transpose(qt[32 * h:32 * h + 16, :], (1, 0))
        kh = lax.transpose(qk[32 * h + 16:32 * h + 32, :], (1, 0))
        prod = lax.dot_general(qh, kh, (((1,), (1,)), ((), ())),
                               preferred_element_type=jnp.float32)
        term = prod * jnp.float32(0.25)
        att3 = term if att3 is None else att3 + term
    acc = None
    for g in range(16):
        m = att3[:, g * 128:(g + 1) * 128] * jnp.float32(0.125)
        acc = m if acc is None else acc + m
    p = None
    for j2 in range(16):
        chunk = acc[:, 8 * j2:8 * j2 + 8]
        p = chunk if p is None else p + chunk
    t1 = p[:, :4] + p[:, 4:]
    t2 = t1[:, :2] + t1[:, 2:]
    res = t2[:, 0:1] + t2[:, 1:2]
    sc_ref[...] = res * jnp.float32(0.00048828125)


def _stage_c(qkb):
    Tb = 256
    return pl.pallas_call(
        _att_kernel,
        grid=(N, T // Tb),
        in_specs=[pl.BlockSpec((None, 2 * C, Tb), lambda n, j: (n, 0, j)),
                  pl.BlockSpec((None, 2 * C, T), lambda n, j: (n, 0, 0))],
        out_specs=pl.BlockSpec((None, Tb, 1), lambda n, j: (n, j, 0)),
        out_shape=jax.ShapeDtypeStruct((N, T, 1), jnp.float32),
    )(qkb, qkb)


def _sort_kernel(sc_ref, idx_ref, w_ref):
    v = sc_ref[...]
    lanes = lax.broadcasted_iota(jnp.int32, (N, T), 1)
    i = lanes
    k = 2
    while k <= T:
        j = k >> 1
        while j > 0:
            pv = jnp.where((lanes & j) == 0,
                           jnp.roll(v, -j, axis=1), jnp.roll(v, j, axis=1))
            pi = jnp.where((lanes & j) == 0,
                           jnp.roll(i, -j, axis=1), jnp.roll(i, j, axis=1))
            sg = (v > pv) | ((v == pv) & (i < pi))
            is_low = (lanes & j) == 0
            desc = (lanes & k) == 0
            take_mx = is_low == desc
            keep = take_mx == sg
            v = jnp.where(keep, v, pv)
            i = jnp.where(keep, i, pi)
            j >>= 1
        k <<= 1
    idx_ref[...] = i[:, :NT]
    sval = v[:, :NT]
    w_ref[...] = jnp.float32(1.0) / (jnp.exp(-sval) + jnp.float32(1.0))


def _stage_d(sc):
    return pl.pallas_call(
        _sort_kernel,
        grid=(1,),
        in_specs=[pl.BlockSpec((N, T), lambda _: (0, 0))],
        out_specs=[pl.BlockSpec((N, NT), lambda _: (0, 0)),
                   pl.BlockSpec((N, NT), lambda _: (0, 0))],
        out_shape=[jax.ShapeDtypeStruct((N, NT), jnp.int32),
                   jax.ShapeDtypeStruct((N, NT), jnp.float32)],
    )(sc)


def _gather_body(xr1, xidx, wexp, out, idx0_v, wexp_v, idxc_v, gat_v, idxb_v, gatb_v, sem, semb):
    cid = lax.axis_index("c")
    sid = lax.axis_index("s")
    wid = sid * 2 + cid
    n = wid // 4
    c0 = (wid % 4) * 32
    pltpu.sync_copy(xidx.at[n], idx0_v)
    pltpu.sync_copy(wexp.at[n], wexp_v)

    def build_start(idx_v, g_v, cc, sem_):
        base_v = jnp.full((16,), (n * 128 + cc) * (T * V), jnp.int32)

        def badd(i, c2):
            for u in range(8):
                sl = pl.ds(i * 128 + u * 16, 16)
                idx_v[sl] = idx0_v[sl] + base_v
            return c2

        lax.fori_loop(0, NT * V // 128, badd, 0)
        pltpu.make_async_copy(xr1.at[idx_v], g_v, sem_).start()

    def finish(idx_v, g_v, cc, sem_):
        pltpu.make_async_copy(xr1.at[idx_v], g_v, sem_).wait()

        def bmul(i, c2):
            for u in range(8):
                sl = pl.ds(i * 128 + u * 16, 16)
                g_v[sl] = g_v[sl] * wexp_v[sl]
            return c2

        lax.fori_loop(0, NT * V // 128, bmul, 0)
        pltpu.sync_copy(g_v, out.at[n, cc])

    def per_pair(i, carry):
        ca = c0 + 2 * i
        cb = ca + 1
        build_start(idxc_v, gat_v, ca, sem)
        build_start(idxb_v, gatb_v, cb, semb)
        finish(idxc_v, gat_v, ca, sem)
        finish(idxb_v, gatb_v, cb, semb)
        return carry

    lax.fori_loop(0, 16, per_pair, 0)


def _stage_e(xr1, xidx, wexp):
    mesh = plsc.VectorSubcoreMesh(core_axis_name="c", subcore_axis_name="s")
    fn = functools.partial(
        pl.kernel,
        mesh=mesh,
        out_type=jax.ShapeDtypeStruct((N, C, NT * V), jnp.float32),
        scratch_types=[
            pltpu.VMEM((NT * V,), jnp.int32),
            pltpu.VMEM((NT * V,), jnp.float32),
            pltpu.VMEM((NT * V,), jnp.int32),
            pltpu.VMEM((NT * V,), jnp.float32),
            pltpu.VMEM((NT * V,), jnp.int32),
            pltpu.VMEM((NT * V,), jnp.float32),
            pltpu.SemaphoreType.DMA,
            pltpu.SemaphoreType.DMA,
        ],
    )(_gather_body)
    return fn(xr1, xidx, wexp)


def kernel(x, W, b):
    xt = jnp.transpose(x, (0, 3, 1, 2))
    s = _stage_a(xt)
    qkb = _stage_b(s, W, b.reshape(2 * C, 1))
    sc = _stage_c(qkb).reshape(N, T)
    traw, wv = _stage_d(sc)
    idx0 = jnp.repeat(traw * V, V, axis=1) + jnp.tile(
        jnp.arange(V, dtype=jnp.int32), (N, NT))
    wexp = jnp.repeat(wv, V, axis=1)
    xr1 = x.reshape(-1)
    out = _stage_e(xr1, idx0, wexp)
    return out.reshape(N, C, NT, V)

# --- scband reference (transcript-rebuilt; emitter-appended) ---
"""Pipeline reference for scband-attention-pool-29119878267067 (READ-ONLY COPY).

The authoritative reference and input builder live on the scoring server;
editing this copy changes nothing except your own understanding.
"""

import math
import jax, jax.numpy as jnp
import numpy as np

K_FACTOR = 4
NUM_HEADS = 8

def setup_inputs(seed: int = 0):
    key = jax.random.key(seed)
    k1, k2, k3 = jax.random.split(key, 3)
    C = 128
    x = jax.random.normal(k1, (8, C, 2048, 25), dtype=jnp.float32)
    W = jax.random.normal(k2, (2 * C, C), dtype=jnp.float32) * (1.0 / np.sqrt(C))
    b = jax.random.normal(k3, (2 * C,), dtype=jnp.float32) * 0.01
    return {"x": x, "W": W, "b": b}

def reference(x, W, b):
    N, C, T, V = x.shape
    new_t = math.ceil(T / K_FACTOR)
    # xn = x.permute(0,2,1,3).mean(-1) -> [N, T, C]
    xn = jnp.transpose(x, (0, 2, 1, 3)).mean(-1)
    # qk_proj: Linear(C, 2C)
    qk = xn @ W.T + b  # [N, T, 2C]
    qk = qk.reshape(N, T, NUM_HEADS, -1)
    qk = jnp.transpose(qk, (0, 2, 1, 3))  # [N, H, T, 2C/H]
    q, k = jnp.split(qk, 2, axis=-1)
    att = jnp.matmul(q, jnp.swapaxes(k, -2, -1)) / math.sqrt(q.shape[-1])  # [N, H, T, T]
    att = att.mean(axis=1)  # [N, T, T]
    scores = att.mean(axis=-1)  # [N, T]
    values, idx = jax.lax.top_k(scores, new_t)
    values = jax.nn.sigmoid(values)
    idx_b = jnp.broadcast_to(idx[:, None, :, None], (N, C, new_t, V))
    out = jnp.take_along_axis(x, idx_b, axis=2)
    out = out * values[:, None, :, None]
    return out

if __name__ == "__main__":
    import jax
    _d = setup_inputs()
    print(jax.jit(kernel)(*tuple(_d.values())))

</pallas_src>

<mosaic_0001>
#map = affine_map<(d0, d1) -> (0)>
#map1 = affine_map<(d0, d1) -> (0, 0)>
#map2 = affine_map<(d0, d1) -> (0, 0, 0)>
module attributes {stable_mosaic.version = 14 : i64} {
  func.func @_gather_body(%arg0: i32, %arg1: i32, %arg2: memref<52428800xf32, #tpu.memory_space<hbm>>, %arg3: memref<8x12800xi32, #tpu.memory_space<hbm>>, %arg4: memref<8x12800xf32, #tpu.memory_space<hbm>>, %arg5: memref<8x128x12800xf32, #tpu.memory_space<hbm>>, %arg6: memref<12800xi32, #tpu.memory_space<vmem>>, %arg7: memref<12800xf32, #tpu.memory_space<vmem>>, %arg8: memref<12800xi32, #tpu.memory_space<vmem>>, %arg9: memref<12800xf32, #tpu.memory_space<vmem>>, %arg10: memref<12800xi32, #tpu.memory_space<vmem>>, %arg11: memref<12800xf32, #tpu.memory_space<vmem>>, %arg12: memref<!tpu.dma_semaphore, #tpu.memory_space<semaphore_mem>>, %arg13: memref<!tpu.dma_semaphore, #tpu.memory_space<semaphore_mem>>) attributes {dimension_semantics = [#tpu.dimension_semantics<core_parallel>, #tpu.dimension_semantics<subcore_parallel>], iteration_bounds = array<i64: 2, 16>, scalar_prefetch = 0 : i64, scratch_operands = 8 : i64, tpu.core_type = #tpu.core_type<sc_vector_subcore>, window_params = [{transform_indices = #map}, {transform_indices = #map1}, {transform_indices = #map1}, {transform_indices = #map2}]} {
    %mul3A = arith.constant 2 : i32
    %mul3A_0 = arith.muli %arg1, %mul3A : i32
    %add3A = arith.addi %mul3A_0, %arg0 : i32
    %jit3A = arith.constant 4 : i32
    %div3A = arith.divsi %add3A, %jit3A : i32
    %sign3A = arith.constant 0 : i32
    %sign3A_1 = arith.cmpi sgt, %add3A, %sign3A : i32
    %sign3A_2 = arith.extui %sign3A_1 : i1 to i32
    %sign3A_3 = arith.constant 0 : i32
    %sign3A_4 = arith.cmpi slt, %add3A, %sign3A_3 : i32
    %sign3A_5 = arith.extui %sign3A_4 : i1 to i32
    %sign3A_6 = arith.subi %sign3A_2, %sign3A_5 : i32
    %sign3A_7 = arith.constant 0 : i32
    %sign3A_8 = arith.cmpi sgt, %jit3A, %sign3A_7 : i32
    %sign3A_9 = arith.extui %sign3A_8 : i1 to i32
    %sign3A_10 = arith.constant 0 : i32
    %sign3A_11 = arith.cmpi slt, %jit3A, %sign3A_10 : i32
    %sign3A_12 = arith.extui %sign3A_11 : i1 to i32
    %sign3A_13 = arith.subi %sign3A_9, %sign3A_12 : i32
    %ne3A = arith.cmpi ne, %sign3A_6, %sign3A_13 : i32
    %rem3A = arith.remsi %add3A, %jit3A : i32
    %ne3A_14 = arith.constant 0 : i32
    %ne3A_15 = arith.cmpi ne, %rem3A, %ne3A_14 : i32
    %and3A = arith.andi %ne3A, %ne3A_15 : i1
    %sub3A = arith.constant 1 : i32
    %sub3A_16 = arith.subi %div3A, %sub3A : i32
    %select_n3A = arith.select %and3A, %sub3A_16, %div3A : i32
    %jit3A_17 = arith.constant 4 : i32
    %eq3A = arith.constant 0 : i32
    %eq3A_18 = arith.cmpi eq, %jit3A_17, %eq3A : i32
    %jit3A_19 = arith.constant 1 : i32
    %select_n3A_20 = arith.select %eq3A_18, %jit3A_19, %jit3A_17 : i32
    %rem3A_21 = arith.remsi %add3A, %select_n3A_20 : i32
    %ne3A_22 = arith.constant 0 : i32
    %ne3A_23 = arith.cmpi ne, %rem3A_21, %ne3A_22 : i32
    %lt3A = arith.constant 0 : i32
    %lt3A_24 = arith.cmpi slt, %rem3A_21, %lt3A : i32
    %lt3A_25 = arith.constant 0 : i32
    %lt3A_26 = arith.cmpi slt, %select_n3A_20, %lt3A_25 : i32
    %ne3A_27 = arith.xori %lt3A_24, %lt3A_26 : i1
    %and3A_28 = arith.andi %ne3A_27, %ne3A_23 : i1
    %add3A_29 = arith.addi %rem3A_21, %select_n3A_20 : i32
    %select_n3A_30 = arith.select %and3A_28, %add3A_29, %rem3A_21 : i32
    %mul3A_31 = arith.constant 32 : i32
    %mul3A_32 = arith.muli %select_n3A_30, %mul3A_31 : i32
    "tpu.region"() ({
      %run_scoped3A = tpu.sem_alloc : memref<!tpu.dma_semaphore, #tpu.memory_space<semaphore_mem>>
      %dma_start3A = arith.constant 0 : i32
      %dma_start3A_38 = tpu.memref_slice %arg3[%select_n3A, %dma_start3A] : memref<8x12800xi32, #tpu.memory_space<hbm>> -> memref<1x12800xi32, #tpu.memory_space<hbm>>
      %dma_start3A_39 = tpu.memref_squeeze %dma_start3A_38 : memref<1x12800xi32, #tpu.memory_space<hbm>> -> memref<12800xi32, #tpu.memory_space<hbm>>
      %dma_start3A_40 = arith.constant 0 : i32
      %dma_start3A_41 = tpu.memref_slice %arg3[%select_n3A, %dma_start3A_40] : memref<8x12800xi32, #tpu.memory_space<hbm>> -> memref<1x12800xi32, #tpu.memory_space<hbm>>
      %dma_start3A_42 = tpu.memref_squeeze %dma_start3A_41 : memref<1x12800xi32, #tpu.memory_space<hbm>> -> memref<12800xi32, #tpu.memory_space<hbm>>
      tpu.enqueue_dma source(%dma_start3A_42 : memref<12800xi32, #tpu.memory_space<hbm>>) target(%arg6 : memref<12800xi32, #tpu.memory_space<vmem>>) target_semaphore(%run_scoped3A : memref<!tpu.dma_semaphore, #tpu.memory_space<semaphore_mem>>)
      %dma_wait3A = arith.constant 0 : i32
      %dma_wait3A_43 = tpu.memref_slice %arg3[%select_n3A, %dma_wait3A] : memref<8x12800xi32, #tpu.memory_space<hbm>> -> memref<1x12800xi32, #tpu.memory_space<hbm>>
      %dma_wait3A_44 = tpu.memref_squeeze %dma_wait3A_43 : memref<1x12800xi32, #tpu.memory_space<hbm>> -> memref<12800xi32, #tpu.memory_space<hbm>>
      %dma_wait3A_45 = arith.constant 0 : i32
      %dma_wait3A_46 = tpu.memref_slice %arg3[%select_n3A, %dma_wait3A_45] : memref<8x12800xi32, #tpu.memory_space<hbm>> -> memref<1x12800xi32, #tpu.memory_space<hbm>>
      %dma_wait3A_47 = tpu.memref_squeeze %dma_wait3A_46 : memref<1x12800xi32, #tpu.memory_space<hbm>> -> memref<12800xi32, #tpu.memory_space<hbm>>
      tpu.wait_dma2 semaphore(%run_scoped3A : memref<!tpu.dma_semaphore, #tpu.memory_space<semaphore_mem>>) src(%dma_wait3A_47 : memref<12800xi32, #tpu.memory_space<hbm>>) dst(%arg6 : memref<12800xi32, #tpu.memory_space<vmem>>)
      tpu.yield
    }) : () -> ()
    "tpu.region"() ({
      %run_scoped3A = tpu.sem_alloc : memref<!tpu.dma_semaphore, #tpu.memory_space<semaphore_mem>>
      %dma_start3A = arith.constant 0 : i32
      %dma_start3A_38 = tpu.memref_slice %arg4[%select_n3A, %dma_start3A] : memref<8x12800xf32, #tpu.memory_space<hbm>> -> memref<1x12800xf32, #tpu.memory_space<hbm>>
      %dma_start3A_39 = tpu.memref_squeeze %dma_start3A_38 : memref<1x12800xf32, #tpu.memory_space<hbm>> -> memref<12800xf32, #tpu.memory_space<hbm>>
      %dma_start3A_40 = arith.constant 0 : i32
      %dma_start3A_41 = tpu.memref_slice %arg4[%select_n3A, %dma_start3A_40] : memref<8x12800xf32, #tpu.memory_space<hbm>> -> memref<1x12800xf32, #tpu.memory_space<hbm>>
      %dma_start3A_42 = tpu.memref_squeeze %dma_start3A_41 : memref<1x12800xf32, #tpu.memory_space<hbm>> -> memref<12800xf32, #tpu.memory_space<hbm>>
      tpu.enqueue_dma source(%dma_start3A_42 : memref<12800xf32, #tpu.memory_space<hbm>>) target(%arg7 : memref<12800xf32, #tpu.memory_space<vmem>>) target_semaphore(%run_scoped3A : memref<!tpu.dma_semaphore, #tpu.memory_space<semaphore_mem>>)
      %dma_wait3A = arith.constant 0 : i32
      %dma_wait3A_43 = tpu.memref_slice %arg4[%select_n3A, %dma_wait3A] : memref<8x12800xf32, #tpu.memory_space<hbm>> -> memref<1x12800xf32, #tpu.memory_space<hbm>>
      %dma_wait3A_44 = tpu.memref_squeeze %dma_wait3A_43 : memref<1x12800xf32, #tpu.memory_space<hbm>> -> memref<12800xf32, #tpu.memory_space<hbm>>
      %dma_wait3A_45 = arith.constant 0 : i32
      %dma_wait3A_46 = tpu.memref_slice %arg4[%select_n3A, %dma_wait3A_45] : memref<8x12800xf32, #tpu.memory_space<hbm>> -> memref<1x12800xf32, #tpu.memory_space<hbm>>
      %dma_wait3A_47 = tpu.memref_squeeze %dma_wait3A_46 : memref<1x12800xf32, #tpu.memory_space<hbm>> -> memref<12800xf32, #tpu.memory_space<hbm>>
      tpu.wait_dma2 semaphore(%run_scoped3A : memref<!tpu.dma_semaphore, #tpu.memory_space<semaphore_mem>>) src(%dma_wait3A_47 : memref<12800xf32, #tpu.memory_space<hbm>>) dst(%arg7 : memref<12800xf32, #tpu.memory_space<vmem>>)
      tpu.yield
    }) : () -> ()
    %scan3A = arith.constant 0 : i32
    %scan3A_33 = arith.constant 0 : i32
    %scan3A_34 = arith.constant 16 : i32
    %scan3A_35 = arith.addi %scan3A_33, %scan3A_34 : i32
    %scan3A_36 = arith.constant 1 : i32
    scf.for %scan3A_38 = %scan3A_33 to %scan3A_35 step %scan3A_36  : i32 {
      %mul3A_39 = arith.constant 2 : i32
      %mul3A_40 = arith.muli %mul3A_39, %scan3A_38 : i32
      %add3A_41 = arith.addi %mul3A_32, %mul3A_40 : i32
      %add3A_42 = arith.constant 1 : i32
      %add3A_43 = arith.addi %add3A_41, %add3A_42 : i32
      %mul3A_44 = arith.constant 128 : i32
      %mul3A_45 = arith.muli %select_n3A, %mul3A_44 : i32
      %add3A_46 = arith.addi %mul3A_45, %add3A_41 : i32
      %mul3A_47 = arith.constant 51200 : i32
      %mul3A_48 = arith.muli %add3A_46, %mul3A_47 : i32
      %broadcast_in_dim3A = vector.broadcast %mul3A_48 : i32 to vector<16xi32>
      %scan3A_49 = arith.constant 0 : i32
      %scan3A_50 = arith.constant 0 : i32
      %scan3A_51 = arith.constant 100 : i32
      %scan3A_52 = arith.addi %scan3A_50, %scan3A_51 : i32
      %scan3A_53 = arith.constant 1 : i32
      scf.for %scan3A_85 = %scan3A_50 to %scan3A_52 step %scan3A_53  : i32 {
        %mul3A_86 = arith.constant 128 : i32
        %mul3A_87 = arith.muli %scan3A_85, %mul3A_86 : i32
        %add3A_88 = arith.constant 0 : i32
        %add3A_89 = arith.addi %mul3A_87, %add3A_88 : i32
        %get3A = arith.index_cast %add3A_89 : i32 to index
        %get3A_90 = tpu.vector_load %arg6[%get3A] {strides = array<i32>} : memref<12800xi32, #tpu.memory_space<vmem>>, vector<16xi32>,
        %get3A_91 = vector.shape_cast %get3A_90 : vector<16xi32> to vector<16xi32>
        %add3A_92 = arith.addi %get3A_91, %broadcast_in_dim3A : vector<16xi32>
        %swap3A = arith.index_cast %add3A_89 : i32 to index
        %swap3A_93 = tpu.vector_load %arg8[%swap3A] {strides = array<i32>} : memref<12800xi32, #tpu.memory_space<vmem>>, vector<16xi32>,
        %swap3A_94 = vector.shape_cast %swap3A_93 : vector<16xi32> to vector<16xi32>
        %swap3A_95 = vector.shape_cast %add3A_92 : vector<16xi32> to vector<16xi32>
        tpu.vector_store %arg8[%swap3A], %swap3A_95 {strides = array<i32>} : memref<12800xi32, #tpu.memory_space<vmem>>, vector<16xi32>,
        %mul3A_96 = arith.constant 128 : i32
        %mul3A_97 = arith.muli %scan3A_85, %mul3A_96 : i32
        %add3A_98 = arith.constant 16 : i32
        %add3A_99 = arith.addi %mul3A_97, %add3A_98 : i32
        %get3A_100 = arith.index_cast %add3A_99 : i32 to index
        %get3A_101 = tpu.vector_load %arg6[%get3A_100] {strides = array<i32>} : memref<12800xi32, #tpu.memory_space<vmem>>, vector<16xi32>,
        %get3A_102 = vector.shape_cast %get3A_101 : vector<16xi32> to vector<16xi32>
        %add3A_103 = arith.addi %get3A_102, %broadcast_in_dim3A : vector<16xi32>
        %swap3A_104 = arith.index_cast %add3A_99 : i32 to index
        %swap3A_105 = tpu.vector_load %arg8[%swap3A_104] {strides = array<i32>} : memref<12800xi32, #tpu.memory_space<vmem>>, vector<16xi32>,
        %swap3A_106 = vector.shape_cast %swap3A_105 : vector<16xi32> to vector<16xi32>
        %swap3A_107 = vector.shape_cast %add3A_103 : vector<16xi32> to vector<16xi32>
        tpu.vector_store %arg8[%swap3A_104], %swap3A_107 {strides = array<i32>} : memref<12800xi32, #tpu.memory_space<vmem>>, vector<16xi32>,
        %mul3A_108 = arith.constant 128 : i32
        %mul3A_109 = arith.muli %scan3A_85, %mul3A_108 : i32
        %add3A_110 = arith.constant 32 : i32
        %add3A_111 = arith.addi %mul3A_109, %add3A_110 : i32
        %get3A_112 = arith.index_cast %add3A_111 : i32 to index
        %get3A_113 = tpu.vector_load %arg6[%get3A_112] {strides = array<i32>} : memref<12800xi32, #tpu.memory_space<vmem>>, vector<16xi32>,
        %get3A_114 = vector.shape_cast %get3A_113 : vector<16xi32> to vector<16xi32>
        %add3A_115 = arith.addi %get3A_114, %broadcast_in_dim3A : vector<16xi32>
        %swap3A_116 = arith.index_cast %add3A_111 : i32 to index
        %swap3A_117 = tpu.vector_load %arg8[%swap3A_116] {strides = array<i32>} : memref<12800xi32, #tpu.memory_space<vmem>>, vector<16xi32>,
        %swap3A_118 = vector.shape_cast %swap3A_117 : vector<16xi32> to vector<16xi32>
        %swap3A_119 = vector.shape_cast %add3A_115 : vector<16xi32> to vector<16xi32>
        tpu.vector_store %arg8[%swap3A_116], %swap3A_119 {strides = array<i32>} : memref<12800xi32, #tpu.memory_space<vmem>>, vector<16xi32>,
        %mul3A_120 = arith.constant 128 : i32
        %mul3A_121 = arith.muli %scan3A_85, %mul3A_120 : i32
        %add3A_122 = arith.constant 48 : i32
        %add3A_123 = arith.addi %mul3A_121, %add3A_122 : i32
        %get3A_124 = arith.index_cast %add3A_123 : i32 to index
        %get3A_125 = tpu.vector_load %arg6[%get3A_124] {strides = array<i32>} : memref<12800xi32, #tpu.memory_space<vmem>>, vector<16xi32>,
        %get3A_126 = vector.shape_cast %get3A_125 : vector<16xi32> to vector<16xi32>
        %add3A_127 = arith.addi %get3A_126, %broadcast_in_dim3A : vector<16xi32>
        %swap3A_128 = arith.index_cast %add3A_123 : i32 to index
        %swap3A_129 = tpu.vector_load %arg8[%swap3A_128] {strides = array<i32>} : memref<12800xi32, #tpu.memory_space<vmem>>, vector<16xi32>,
        %swap3A_130 = vector.shape_cast %swap3A_129 : vector<16xi32> to vector<16xi32>
        %swap3A_131 = vector.shape_cast %add3A_127 : vector<16xi32> to vector<16xi32>
        tpu.vector_store %arg8[%swap3A_128], %swap3A_131 {strides = array<i32>} : memref<12800xi32, #tpu.memory_space<vmem>>, vector<16xi32>,
        %mul3A_132 = arith.constant 128 : i32
        %mul3A_133 = arith.muli %scan3A_85, %mul3A_132 : i32
        %add3A_134 = arith.constant 64 : i32
        %add3A_135 = arith.addi %mul3A_133, %add3A_134 : i32
        %get3A_136 = arith.index_cast %add3A_135 : i32 to index
        %get3A_137 = tpu.vector_load %arg6[%get3A_136] {strides = array<i32>} : memref<12800xi32, #tpu.memory_space<vmem>>, vector<16xi32>,
        %get3A_138 = vector.shape_cast %get3A_137 : vector<16xi32> to vector<16xi32>
        %add3A_139 = arith.addi %get3A_138, %broadcast_in_dim3A : vector<16xi32>
        %swap3A_140 = arith.index_cast %add3A_135 : i32 to index
        %swap3A_141 = tpu.vector_load %arg8[%swap3A_140] {strides = array<i32>} : memref<12800xi32, #tpu.memory_space<vmem>>, vector<16xi32>,
        %swap3A_142 = vector.shape_cast %swap3A_141 : vector<16xi32> to vector<16xi32>
        %swap3A_143 = vector.shape_cast %add3A_139 : vector<16xi32> to vector<16xi32>
        tpu.vector_store %arg8[%swap3A_140], %swap3A_143 {strides = array<i32>} : memref<12800xi32, #tpu.memory_space<vmem>>, vector<16xi32>,
        %mul3A_144 = arith.constant 128 : i32
        %mul3A_145 = arith.muli %scan3A_85, %mul3A_144 : i32
        %add3A_146 = arith.constant 80 : i32
        %add3A_147 = arith.addi %mul3A_145, %add3A_146 : i32
        %get3A_148 = arith.index_cast %add3A_147 : i32 to index
        %get3A_149 = tpu.vector_load %arg6[%get3A_148] {strides = array<i32>} : memref<12800xi32, #tpu.memory_space<vmem>>, vector<16xi32>,
        %get3A_150 = vector.shape_cast %get3A_149 : vector<16xi32> to vector<16xi32>
        %add3A_151 = arith.addi %get3A_150, %broadcast_in_dim3A : vector<16xi32>
        %swap3A_152 = arith.index_cast %add3A_147 : i32 to index
        %swap3A_153 = tpu.vector_load %arg8[%swap3A_152] {strides = array<i32>} : memref<12800xi32, #tpu.memory_space<vmem>>, vector<16xi32>,
        %swap3A_154 = vector.shape_cast %swap3A_153 : vector<16xi32> to vector<16xi32>
        %swap3A_155 = vector.shape_cast %add3A_151 : vector<16xi32> to vector<16xi32>
        tpu.vector_store %arg8[%swap3A_152], %swap3A_155 {strides = array<i32>} : memref<12800xi32, #tpu.memory_space<vmem>>, vector<16xi32>,
        %mul3A_156 = arith.constant 128 : i32
        %mul3A_157 = arith.muli %scan3A_85, %mul3A_156 : i32
        %add3A_158 = arith.constant 96 : i32
        %add3A_159 = arith.addi %mul3A_157, %add3A_158 : i32
        %get3A_160 = arith.index_cast %add3A_159 : i32 to index
        %get3A_161 = tpu.vector_load %arg6[%get3A_160] {strides = array<i32>} : memref<12800xi32, #tpu.memory_space<vmem>>, vector<16xi32>,
        %get3A_162 = vector.shape_cast %get3A_161 : vector<16xi32> to vector<16xi32>
        %add3A_163 = arith.addi %get3A_162, %broadcast_in_dim3A : vector<16xi32>
        %swap3A_164 = arith.index_cast %add3A_159 : i32 to index
        %swap3A_165 = tpu.vector_load %arg8[%swap3A_164] {strides = array<i32>} : memref<12800xi32, #tpu.memory_space<vmem>>, vector<16xi32>,
        %swap3A_166 = vector.shape_cast %swap3A_165 : vector<16xi32> to vector<16xi32>
        %swap3A_167 = vector.shape_cast %add3A_163 : vector<16xi32> to vector<16xi32>
        tpu.vector_store %arg8[%swap3A_164], %swap3A_167 {strides = array<i32>} : memref<12800xi32, #tpu.memory_space<vmem>>, vector<16xi32>,
        %mul3A_168 = arith.constant 128 : i32
        %mul3A_169 = arith.muli %scan3A_85, %mul3A_168 : i32
        %add3A_170 = arith.constant 112 : i32
        %add3A_171 = arith.addi %mul3A_169, %add3A_170 : i32
        %get3A_172 = arith.index_cast %add3A_171 : i32 to index
        %get3A_173 = tpu.vector_load %arg6[%get3A_172] {strides = array<i32>} : memref<12800xi32, #tpu.memory_space<vmem>>, vector<16xi32>,
        %get3A_174 = vector.shape_cast %get3A_173 : vector<16xi32> to vector<16xi32>
        %add3A_175 = arith.addi %get3A_174, %broadcast_in_dim3A : vector<16xi32>
        %swap3A_176 = arith.index_cast %add3A_171 : i32 to index
        %swap3A_177 = tpu.vector_load %arg8[%swap3A_176] {strides = array<i32>} : memref<12800xi32, #tpu.memory_space<vmem>>, vector<16xi32>,
        %swap3A_178 = vector.shape_cast %swap3A_177 : vector<16xi32> to vector<16xi32>
        %swap3A_179 = vector.shape_cast %add3A_175 : vector<16xi32> to vector<16xi32>
        tpu.vector_store %arg8[%swap3A_176], %swap3A_179 {strides = array<i32>} : memref<12800xi32, #tpu.memory_space<vmem>>, vector<16xi32>,
      }
      %scan3A_54 = arith.constant 100 : i32
      %dma_start3A = arith.constant 0 : i32
      %dma_start3A_55 = tpu.memref_slice %arg2[%dma_start3A] : memref<52428800xf32, #tpu.memory_space<hbm>> -> memref<52428800xf32, #tpu.memory_space<hbm>>
      tpu.enqueue_indirect_dma source(%dma_start3A_55 : memref<52428800xf32, #tpu.memory_space<hbm>>) target(%arg9 : memref<12800xf32, #tpu.memory_space<vmem>>) offsets(%arg8 : memref<12800xi32, #tpu.memory_space<vmem>>) semaphore(%arg12 : memref<!tpu.dma_semaphore, #tpu.memory_space<semaphore_mem>>)
      %mul3A_56 = arith.constant 128 : i32
      %mul3A_57 = arith.muli %select_n3A, %mul3A_56 : i32
      %add3A_58 = arith.addi %mul3A_57, %add3A_43 : i32
      %mul3A_59 = arith.constant 51200 : i32
      %mul3A_60 = arith.muli %add3A_58, %mul3A_59 : i32
      %broadcast_in_dim3A_61 = vector.broadcast %mul3A_60 : i32 to vector<16xi32>
      %scan3A_62 = arith.constant 0 : i32
      %scan3A_63 = arith.constant 0 : i32
      %scan3A_64 = arith.constant 100 : i32
      %scan3A_65 = arith.addi %scan3A_63, %scan3A_64 : i32
      %scan3A_66 = arith.constant 1 : i32
      scf.for %scan3A_85 = %scan3A_63 to %scan3A_65 step %scan3A_66  : i32 {
        %mul3A_86 = arith.constant 128 : i32
        %mul3A_87 = arith.muli %scan3A_85, %mul3A_86 : i32
        %add3A_88 = arith.constant 0 : i32
        %add3A_89 = arith.addi %mul3A_87, %add3A_88 : i32
        %get3A = arith.index_cast %add3A_89 : i32 to index
        %get3A_90 = tpu.vector_load %arg6[%get3A] {strides = array<i32>} : memref<12800xi32, #tpu.memory_space<vmem>>, vector<16xi32>,
        %get3A_91 = vector.shape_cast %get3A_90 : vector<16xi32> to vector<16xi32>
        %add3A_92 = arith.addi %get3A_91, %broadcast_in_dim3A_61 : vector<16xi32>
        %swap3A = arith.index_cast %add3A_89 : i32 to index
        %swap3A_93 = tpu.vector_load %arg10[%swap3A] {strides = array<i32>} : memref<12800xi32, #tpu.memory_space<vmem>>, vector<16xi32>,
        %swap3A_94 = vector.shape_cast %swap3A_93 : vector<16xi32> to vector<16xi32>
        %swap3A_95 = vector.shape_cast %add3A_92 : vector<16xi32> to vector<16xi32>
        tpu.vector_store %arg10[%swap3A], %swap3A_95 {strides = array<i32>} : memref<12800xi32, #tpu.memory_space<vmem>>, vector<16xi32>,
        %mul3A_96 = arith.constant 128 : i32
        %mul3A_97 = arith.muli %scan3A_85, %mul3A_96 : i32
        %add3A_98 = arith.constant 16 : i32
        %add3A_99 = arith.addi %mul3A_97, %add3A_98 : i32
        %get3A_100 = arith.index_cast %add3A_99 : i32 to index
        %get3A_101 = tpu.vector_load %arg6[%get3A_100] {strides = array<i32>} : memref<12800xi32, #tpu.memory_space<vmem>>, vector<16xi32>,
        %get3A_102 = vector.shape_cast %get3A_101 : vector<16xi32> to vector<16xi32>
        %add3A_103 = arith.addi %get3A_102, %broadcast_in_dim3A_61 : vector<16xi32>
        %swap3A_104 = arith.index_cast %add3A_99 : i32 to index
        %swap3A_105 = tpu.vector_load %arg10[%swap3A_104] {strides = array<i32>} : memref<12800xi32, #tpu.memory_space<vmem>>, vector<16xi32>,
        %swap3A_106 = vector.shape_cast %swap3A_105 : vector<16xi32> to vector<16xi32>
        %swap3A_107 = vector.shape_cast %add3A_103 : vector<16xi32> to vector<16xi32>
        tpu.vector_store %arg10[%swap3A_104], %swap3A_107 {strides = array<i32>} : memref<12800xi32, #tpu.memory_space<vmem>>, vector<16xi32>,
        %mul3A_108 = arith.constant 128 : i32
        %mul3A_109 = arith.muli %scan3A_85, %mul3A_108 : i32
        %add3A_110 = arith.constant 32 : i32
        %add3A_111 = arith.addi %mul3A_109, %add3A_110 : i32
        %get3A_112 = arith.index_cast %add3A_111 : i32 to index
        %get3A_113 = tpu.vector_load %arg6[%get3A_112] {strides = array<i32>} : memref<12800xi32, #tpu.memory_space<vmem>>, vector<16xi32>,
        %get3A_114 = vector.shape_cast %get3A_113 : vector<16xi32> to vector<16xi32>
        %add3A_115 = arith.addi %get3A_114, %broadcast_in_dim3A_61 : vector<16xi32>
        %swap3A_116 = arith.index_cast %add3A_111 : i32 to index
        %swap3A_117 = tpu.vector_load %arg10[%swap3A_116] {strides = array<i32>} : memref<12800xi32, #tpu.memory_space<vmem>>, vector<16xi32>,
        %swap3A_118 = vector.shape_cast %swap3A_117 : vector<16xi32> to vector<16xi32>
        %swap3A_119 = vector.shape_cast %add3A_115 : vector<16xi32> to vector<16xi32>
        tpu.vector_store %arg10[%swap3A_116], %swap3A_119 {strides = array<i32>} : memref<12800xi32, #tpu.memory_space<vmem>>, vector<16xi32>,
        %mul3A_120 = arith.constant 128 : i32
        %mul3A_121 = arith.muli %scan3A_85, %mul3A_120 : i32
        %add3A_122 = arith.constant 48 : i32
        %add3A_123 = arith.addi %mul3A_121, %add3A_122 : i32
        %get3A_124 = arith.index_cast %add3A_123 : i32 to index
        %get3A_125 = tpu.vector_load %arg6[%get3A_124] {strides = array<i32>} : memref<12800xi32, #tpu.memory_space<vmem>>, vector<16xi32>,
        %get3A_126 = vector.shape_cast %get3A_125 : vector<16xi32> to vector<16xi32>
        %add3A_127 = arith.addi %get3A_126, %broadcast_in_dim3A_61 : vector<16xi32>
        %swap3A_128 = arith.index_cast %add3A_123 : i32 to index
        %swap3A_129 = tpu.vector_load %arg10[%swap3A_128] {strides = array<i32>} : memref<12800xi32, #tpu.memory_space<vmem>>, vector<16xi32>,
        %swap3A_130 = vector.shape_cast %swap3A_129 : vector<16xi32> to vector<16xi32>
        %swap3A_131 = vector.shape_cast %add3A_127 : vector<16xi32> to vector<16xi32>
        tpu.vector_store %arg10[%swap3A_128], %swap3A_131 {strides = array<i32>} : memref<12800xi32, #tpu.memory_space<vmem>>, vector<16xi32>,
        %mul3A_132 = arith.constant 128 : i32
        %mul3A_133 = arith.muli %scan3A_85, %mul3A_132 : i32
        %add3A_134 = arith.constant 64 : i32
        %add3A_135 = arith.addi %mul3A_133, %add3A_134 : i32
        %get3A_136 = arith.index_cast %add3A_135 : i32 to index
        %get3A_137 = tpu.vector_load %arg6[%get3A_136] {strides = array<i32>} : memref<12800xi32, #tpu.memory_space<vmem>>, vector<16xi32>,
        %get3A_138 = vector.shape_cast %get3A_137 : vector<16xi32> to vector<16xi32>
        %add3A_139 = arith.addi %get3A_138, %broadcast_in_dim3A_61 : vector<16xi32>
        %swap3A_140 = arith.index_cast %add3A_135 : i32 to index
        %swap3A_141 = tpu.vector_load %arg10[%swap3A_140] {strides = array<i32>} : memref<12800xi32, #tpu.memory_space<vmem>>, vector<16xi32>,
        %swap3A_142 = vector.shape_cast %swap3A_141 : vector<16xi32> to vector<16xi32>
        %swap3A_143 = vector.shape_cast %add3A_139 : vector<16xi32> to vector<16xi32>
        tpu.vector_store %arg10[%swap3A_140], %swap3A_143 {strides = array<i32>} : memref<12800xi32, #tpu.memory_space<vmem>>, vector<16xi32>,
        %mul3A_144 = arith.constant 128 : i32
        %mul3A_145 = arith.muli %scan3A_85, %mul3A_144 : i32
        %add3A_146 = arith.constant 80 : i32
        %add3A_147 = arith.addi %mul3A_145, %add3A_146 : i32
        %get3A_148 = arith.index_cast %add3A_147 : i32 to index
        %get3A_149 = tpu.vector_load %arg6[%get3A_148] {strides = array<i32>} : memref<12800xi32, #tpu.memory_space<vmem>>, vector<16xi32>,
        %get3A_150 = vector.shape_cast %get3A_149 : vector<16xi32> to vector<16xi32>
        %add3A_151 = arith.addi %get3A_150, %broadcast_in_dim3A_61 : vector<16xi32>
        %swap3A_152 = arith.index_cast %add3A_147 : i32 to index
        %swap3A_153 = tpu.vector_load %arg10[%swap3A_152] {strides = array<i32>} : memref<12800xi32, #tpu.memory_space<vmem>>, vector<16xi32>,
        %swap3A_154 = vector.shape_cast %swap3A_153 : vector<16xi32> to vector<16xi32>
        %swap3A_155 = vector.shape_cast %add3A_151 : vector<16xi32> to vector<16xi32>
        tpu.vector_store %arg10[%swap3A_152], %swap3A_155 {strides = array<i32>} : memref<12800xi32, #tpu.memory_space<vmem>>, vector<16xi32>,
        %mul3A_156 = arith.constant 128 : i32
        %mul3A_157 = arith.muli %scan3A_85, %mul3A_156 : i32
        %add3A_158 = arith.constant 96 : i32
        %add3A_159 = arith.addi %mul3A_157, %add3A_158 : i32
        %get3A_160 = arith.index_cast %add3A_159 : i32 to index
        %get3A_161 = tpu.vector_load %arg6[%get3A_160] {strides = array<i32>} : memref<12800xi32, #tpu.memory_space<vmem>>, vector<16xi32>,
        %get3A_162 = vector.shape_cast %get3A_161 : vector<16xi32> to vector<16xi32>
        %add3A_163 = arith.addi %get3A_162, %broadcast_in_dim3A_61 : vector<16xi32>
        %swap3A_164 = arith.index_cast %add3A_159 : i32 to index
        %swap3A_165 = tpu.vector_load %arg10[%swap3A_164] {strides = array<i32>} : memref<12800xi32, #tpu.memory_space<vmem>>, vector<16xi32>,
        %swap3A_166 = vector.shape_cast %swap3A_165 : vector<16xi32> to vector<16xi32>
        %swap3A_167 = vector.shape_cast %add3A_163 : vector<16xi32> to vector<16xi32>
        tpu.vector_store %arg10[%swap3A_164], %swap3A_167 {strides = array<i32>} : memref<12800xi32, #tpu.memory_space<vmem>>, vector<16xi32>,
        %mul3A_168 = arith.constant 128 : i32
        %mul3A_169 = arith.muli %scan3A_85, %mul3A_168 : i32
        %add3A_170 = arith.constant 112 : i32
        %add3A_171 = arith.addi %mul3A_169, %add3A_170 : i32
        %get3A_172 = arith.index_cast %add3A_171 : i32 to index
        %get3A_173 = tpu.vector_load %arg6[%get3A_172] {strides = array<i32>} : memref<12800xi32, #tpu.memory_space<vmem>>, vector<16xi32>,
        %get3A_174 = vector.shape_cast %get3A_173 : vector<16xi32> to vector<16xi32>
        %add3A_175 = arith.addi %get3A_174, %broadcast_in_dim3A_61 : vector<16xi32>
        %swap3A_176 = arith.index_cast %add3A_171 : i32 to index
        %swap3A_177 = tpu.vector_load %arg10[%swap3A_176] {strides = array<i32>} : memref<12800xi32, #tpu.memory_space<vmem>>, vector<16xi32>,
        %swap3A_178 = vector.shape_cast %swap3A_177 : vector<16xi32> to vector<16xi32>
        %swap3A_179 = vector.shape_cast %add3A_175 : vector<16xi32> to vector<16xi32>
        tpu.vector_store %arg10[%swap3A_176], %swap3A_179 {strides = array<i32>} : memref<12800xi32, #tpu.memory_space<vmem>>, vector<16xi32>,
      }
      %scan3A_67 = arith.constant 100 : i32
      %dma_start3A_68 = arith.constant 0 : i32
      %dma_start3A_69 = tpu.memref_slice %arg2[%dma_start3A_68] : memref<52428800xf32, #tpu.memory_space<hbm>> -> memref<52428800xf32, #tpu.memory_space<hbm>>
      tpu.enqueue_indirect_dma source(%dma_start3A_69 : memref<52428800xf32, #tpu.memory_space<hbm>>) target(%arg11 : memref<12800xf32, #tpu.memory_space<vmem>>) offsets(%arg10 : memref<12800xi32, #tpu.memory_space<vmem>>) semaphore(%arg13 : memref<!tpu.dma_semaphore, #tpu.memory_space<semaphore_mem>>)
      %dma_wait3A = arith.constant 0 : i32
      %dma_wait3A_70 = tpu.memref_slice %arg2[%dma_wait3A] : memref<52428800xf32, #tpu.memory_space<hbm>> -> memref<52428800xf32, #tpu.memory_space<hbm>>
      tpu.wait_indirect_dma semaphore(%arg12 : memref<!tpu.dma_semaphore, #tpu.memory_space<semaphore_mem>>) src(%dma_wait3A_70 : memref<52428800xf32, #tpu.memory_space<hbm>>) dst(%arg9 : memref<12800xf32, #tpu.memory_space<vmem>>)
      %scan3A_71 = arith.constant 0 : i32
      %scan3A_72 = arith.constant 0 : i32
      %scan3A_73 = arith.constant 100 : i32
      %scan3A_74 = arith.addi %scan3A_72, %scan3A_73 : i32
      %scan3A_75 = arith.constant 1 : i32
      scf.for %scan3A_85 = %scan3A_72 to %scan3A_74 step %scan3A_75  : i32 {
        %mul3A_86 = arith.constant 128 : i32
        %mul3A_87 = arith.muli %scan3A_85, %mul3A_86 : i32
        %add3A_88 = arith.constant 0 : i32
        %add3A_89 = arith.addi %mul3A_87, %add3A_88 : i32
        %get3A = arith.index_cast %add3A_89 : i32 to index
        %get3A_90 = tpu.vector_load %arg9[%get3A] {strides = array<i32>} : memref<12800xf32, #tpu.memory_space<vmem>>, vector<16xf32>,
        %get3A_91 = vector.shape_cast %get3A_90 : vector<16xf32> to vector<16xf32>
        %get3A_92 = arith.index_cast %add3A_89 : i32 to index
        %get3A_93 = tpu.vector_load %arg7[%get3A_92] {strides = array<i32>} : memref<12800xf32, #tpu.memory_space<vmem>>, vector<16xf32>,
        %get3A_94 = vector.shape_cast %get3A_93 : vector<16xf32> to vector<16xf32>
        %mul3A_95 = arith.mulf %get3A_91, %get3A_94 : vector<16xf32>
        %swap3A = arith.index_cast %add3A_89 : i32 to index
        %swap3A_96 = tpu.vector_load %arg9[%swap3A] {strides = array<i32>} : memref<12800xf32, #tpu.memory_space<vmem>>, vector<16xf32>,
        %swap3A_97 = vector.shape_cast %swap3A_96 : vector<16xf32> to vector<16xf32>
        %swap3A_98 = vector.shape_cast %mul3A_95 : vector<16xf32> to vector<16xf32>
        tpu.vector_store %arg9[%swap3A], %swap3A_98 {strides = array<i32>} : memref<12800xf32, #tpu.memory_space<vmem>>, vector<16xf32>,
        %mul3A_99 = arith.constant 128 : i32
        %mul3A_100 = arith.muli %scan3A_85, %mul3A_99 : i32
        %add3A_101 = arith.constant 16 : i32
        %add3A_102 = arith.addi %mul3A_100, %add3A_101 : i32
        %get3A_103 = arith.index_cast %add3A_102 : i32 to index
        %get3A_104 = tpu.vector_load %arg9[%get3A_103] {strides = array<i32>} : memref<12800xf32, #tpu.memory_space<vmem>>, vector<16xf32>,
        %get3A_105 = vector.shape_cast %get3A_104 : vector<16xf32> to vector<16xf32>
        %get3A_106 = arith.index_cast %add3A_102 : i32 to index
        %get3A_107 = tpu.vector_load %arg7[%get3A_106] {strides = array<i32>} : memref<12800xf32, #tpu.memory_space<vmem>>, vector<16xf32>,
        %get3A_108 = vector.shape_cast %get3A_107 : vector<16xf32> to vector<16xf32>
        %mul3A_109 = arith.mulf %get3A_105, %get3A_108 : vector<16xf32>
        %swap3A_110 = arith.index_cast %add3A_102 : i32 to index
        %swap3A_111 = tpu.vector_load %arg9[%swap3A_110] {strides = array<i32>} : memref<12800xf32, #tpu.memory_space<vmem>>, vector<16xf32>,
        %swap3A_112 = vector.shape_cast %swap3A_111 : vector<16xf32> to vector<16xf32>
        %swap3A_113 = vector.shape_cast %mul3A_109 : vector<16xf32> to vector<16xf32>
        tpu.vector_store %arg9[%swap3A_110], %swap3A_113 {strides = array<i32>} : memref<12800xf32, #tpu.memory_space<vmem>>, vector<16xf32>,
        %mul3A_114 = arith.constant 128 : i32
        %mul3A_115 = arith.muli %scan3A_85, %mul3A_114 : i32
        %add3A_116 = arith.constant 32 : i32
        %add3A_117 = arith.addi %mul3A_115, %add3A_116 : i32
        %get3A_118 = arith.index_cast %add3A_117 : i32 to index
        %get3A_119 = tpu.vector_load %arg9[%get3A_118] {strides = array<i32>} : memref<12800xf32, #tpu.memory_space<vmem>>, vector<16xf32>,
        %get3A_120 = vector.shape_cast %get3A_119 : vector<16xf32> to vector<16xf32>
        %get3A_121 = arith.index_cast %add3A_117 : i32 to index
        %get3A_122 = tpu.vector_load %arg7[%get3A_121] {strides = array<i32>} : memref<12800xf32, #tpu.memory_space<vmem>>, vector<16xf32>,
        %get3A_123 = vector.shape_cast %get3A_122 : vector<16xf32> to vector<16xf32>
        %mul3A_124 = arith.mulf %get3A_120, %get3A_123 : vector<16xf32>
        %swap3A_125 = arith.index_cast %add3A_117 : i32 to index
        %swap3A_126 = tpu.vector_load %arg9[%swap3A_125] {strides = array<i32>} : memref<12800xf32, #tpu.memory_space<vmem>>, vector<16xf32>,
        %swap3A_127 = vector.shape_cast %swap3A_126 : vector<16xf32> to vector<16xf32>
        %swap3A_128 = vector.shape_cast %mul3A_124 : vector<16xf32> to vector<16xf32>
        tpu.vector_store %arg9[%swap3A_125], %swap3A_128 {strides = array<i32>} : memref<12800xf32, #tpu.memory_space<vmem>>, vector<16xf32>,
        %mul3A_129 = arith.constant 128 : i32
        %mul3A_130 = arith.muli %scan3A_85, %mul3A_129 : i32
        %add3A_131 = arith.constant 48 : i32
        %add3A_132 = arith.addi %mul3A_130, %add3A_131 : i32
        %get3A_133 = arith.index_cast %add3A_132 : i32 to index
        %get3A_134 = tpu.vector_load %arg9[%get3A_133] {strides = array<i32>} : memref<12800xf32, #tpu.memory_space<vmem>>, vector<16xf32>,
        %get3A_135 = vector.shape_cast %get3A_134 : vector<16xf32> to vector<16xf32>
        %get3A_136 = arith.index_cast %add3A_132 : i32 to index
        %get3A_137 = tpu.vector_load %arg7[%get3A_136] {strides = array<i32>} : memref<12800xf32, #tpu.memory_space<vmem>>, vector<16xf32>,
        %get3A_138 = vector.shape_cast %get3A_137 : vector<16xf32> to vector<16xf32>
        %mul3A_139 = arith.mulf %get3A_135, %get3A_138 : vector<16xf32>
        %swap3A_140 = arith.index_cast %add3A_132 : i32 to index
        %swap3A_141 = tpu.vector_load %arg9[%swap3A_140] {strides = array<i32>} : memref<12800xf32, #tpu.memory_space<vmem>>, vector<16xf32>,
        %swap3A_142 = vector.shape_cast %swap3A_141 : vector<16xf32> to vector<16xf32>
        %swap3A_143 = vector.shape_cast %mul3A_139 : vector<16xf32> to vector<16xf32>
        tpu.vector_store %arg9[%swap3A_140], %swap3A_143 {strides = array<i32>} : memref<12800xf32, #tpu.memory_space<vmem>>, vector<16xf32>,
        %mul3A_144 = arith.constant 128 : i32
        %mul3A_145 = arith.muli %scan3A_85, %mul3A_144 : i32
        %add3A_146 = arith.constant 64 : i32
        %add3A_147 = arith.addi %mul3A_145, %add3A_146 : i32
        %get3A_148 = arith.index_cast %add3A_147 : i32 to index
        %get3A_149 = tpu.vector_load %arg9[%get3A_148] {strides = array<i32>} : memref<12800xf32, #tpu.memory_space<vmem>>, vector<16xf32>,
        %get3A_150 = vector.shape_cast %get3A_149 : vector<16xf32> to vector<16xf32>
        %get3A_151 = arith.index_cast %add3A_147 : i32 to index
        %get3A_152 = tpu.vector_load %arg7[%get3A_151] {strides = array<i32>} : memref<12800xf32, #tpu.memory_space<vmem>>, vector<16xf32>,
        %get3A_153 = vector.shape_cast %get3A_152 : vector<16xf32> to vector<16xf32>
        %mul3A_154 = arith.mulf %get3A_150, %get3A_153 : vector<16xf32>
        %swap3A_155 = arith.index_cast %add3A_147 : i32 to index
        %swap3A_156 = tpu.vector_load %arg9[%swap3A_155] {strides = array<i32>} : memref<12800xf32, #tpu.memory_space<vmem>>, vector<16xf32>,
        %swap3A_157 = vector.shape_cast %swap3A_156 : vector<16xf32> to vector<16xf32>
        %swap3A_158 = vector.shape_cast %mul3A_154 : vector<16xf32> to vector<16xf32>
        tpu.vector_store %arg9[%swap3A_155], %swap3A_158 {strides = array<i32>} : memref<12800xf32, #tpu.memory_space<vmem>>, vector<16xf32>,
        %mul3A_159 = arith.constant 128 : i32
        %mul3A_160 = arith.muli %scan3A_85, %mul3A_159 : i32
        %add3A_161 = arith.constant 80 : i32
        %add3A_162 = arith.addi %mul3A_160, %add3A_161 : i32
        %get3A_163 = arith.index_cast %add3A_162 : i32 to index
        %get3A_164 = tpu.vector_load %arg9[%get3A_163] {strides = array<i32>} : memref<12800xf32, #tpu.memory_space<vmem>>, vector<16xf32>,
        %get3A_165 = vector.shape_cast %get3A_164 : vector<16xf32> to vector<16xf32>
        %get3A_166 = arith.index_cast %add3A_162 : i32 to index
        %get3A_167 = tpu.vector_load %arg7[%get3A_166] {strides = array<i32>} : memref<12800xf32, #tpu.memory_space<vmem>>, vector<16xf32>,
        %get3A_168 = vector.shape_cast %get3A_167 : vector<16xf32> to vector<16xf32>
        %mul3A_169 = arith.mulf %get3A_165, %get3A_168 : vector<16xf32>
        %swap3A_170 = arith.index_cast %add3A_162 : i32 to index
        %swap3A_171 = tpu.vector_load %arg9[%swap3A_170] {strides = array<i32>} : memref<12800xf32, #tpu.memory_space<vmem>>, vector<16xf32>,
        %swap3A_172 = vector.shape_cast %swap3A_171 : vector<16xf32> to vector<16xf32>
        %swap3A_173 = vector.shape_cast %mul3A_169 : vector<16xf32> to vector<16xf32>
        tpu.vector_store %arg9[%swap3A_170], %swap3A_173 {strides = array<i32>} : memref<12800xf32, #tpu.memory_space<vmem>>, vector<16xf32>,
        %mul3A_174 = arith.constant 128 : i32
        %mul3A_175 = arith.muli %scan3A_85, %mul3A_174 : i32
        %add3A_176 = arith.constant 96 : i32
        %add3A_177 = arith.addi %mul3A_175, %add3A_176 : i32
        %get3A_178 = arith.index_cast %add3A_177 : i32 to index
        %get3A_179 = tpu.vector_load %arg9[%get3A_178] {strides = array<i32>} : memref<12800xf32, #tpu.memory_space<vmem>>, vector<16xf32>,
        %get3A_180 = vector.shape_cast %get3A_179 : vector<16xf32> to vector<16xf32>
        %get3A_181 = arith.index_cast %add3A_177 : i32 to index
        %get3A_182 = tpu.vector_load %arg7[%get3A_181] {strides = array<i32>} : memref<12800xf32, #tpu.memory_space<vmem>>, vector<16xf32>,
        %get3A_183 = vector.shape_cast %get3A_182 : vector<16xf32> to vector<16xf32>
        %mul3A_184 = arith.mulf %get3A_180, %get3A_183 : vector<16xf32>
        %swap3A_185 = arith.index_cast %add3A_177 : i32 to index
        %swap3A_186 = tpu.vector_load %arg9[%swap3A_185] {strides = array<i32>} : memref<12800xf32, #tpu.memory_space<vmem>>, vector<16xf32>,
        %swap3A_187 = vector.shape_cast %swap3A_186 : vector<16xf32> to vector<16xf32>
        %swap3A_188 = vector.shape_cast %mul3A_184 : vector<16xf32> to vector<16xf32>
        tpu.vector_store %arg9[%swap3A_185], %swap3A_188 {strides = array<i32>} : memref<12800xf32, #tpu.memory_space<vmem>>, vector<16xf32>,
        %mul3A_189 = arith.constant 128 : i32
        %mul3A_190 = arith.muli %scan3A_85, %mul3A_189 : i32
        %add3A_191 = arith.constant 112 : i32
        %add3A_192 = arith.addi %mul3A_190, %add3A_191 : i32
        %get3A_193 = arith.index_cast %add3A_192 : i32 to index
        %get3A_194 = tpu.vector_load %arg9[%get3A_193] {strides = array<i32>} : memref<12800xf32, #tpu.memory_space<vmem>>, vector<16xf32>,
        %get3A_195 = vector.shape_cast %get3A_194 : vector<16xf32> to vector<16xf32>
        %get3A_196 = arith.index_cast %add3A_192 : i32 to index
        %get3A_197 = tpu.vector_load %arg7[%get3A_196] {strides = array<i32>} : memref<12800xf32, #tpu.memory_space<vmem>>, vector<16xf32>,
        %get3A_198 = vector.shape_cast %get3A_197 : vector<16xf32> to vector<16xf32>
        %mul3A_199 = arith.mulf %get3A_195, %get3A_198 : vector<16xf32>
        %swap3A_200 = arith.index_cast %add3A_192 : i32 to index
        %swap3A_201 = tpu.vector_load %arg9[%swap3A_200] {strides = array<i32>} : memref<12800xf32, #tpu.memory_space<vmem>>, vector<16xf32>,
        %swap3A_202 = vector.shape_cast %swap3A_201 : vector<16xf32> to vector<16xf32>
        %swap3A_203 = vector.shape_cast %mul3A_199 : vector<16xf32> to vector<16xf32>
        tpu.vector_store %arg9[%swap3A_200], %swap3A_203 {strides = array<i32>} : memref<12800xf32, #tpu.memory_space<vmem>>, vector<16xf32>,
      }
      %scan3A_76 = arith.constant 100 : i32
      "tpu.region"() ({
        %run_scoped3A = tpu.sem_alloc : memref<!tpu.dma_semaphore, #tpu.memory_space<semaphore_mem>>
        %dma_start3A_85 = arith.constant 0 : i32
        %dma_start3A_86 = tpu.memref_slice %arg5[%select_n3A, %add3A_41, %dma_start3A_85] : memref<8x128x12800xf32, #tpu.memory_space<hbm>> -> memref<1x1x12800xf32, #tpu.memory_space<hbm>>
        %dma_start3A_87 = tpu.memref_squeeze %dma_start3A_86 : memref<1x1x12800xf32, #tpu.memory_space<hbm>> -> memref<12800xf32, #tpu.memory_space<hbm>>
        %dma_start3A_88 = arith.constant 0 : i32
        %dma_start3A_89 = tpu.memref_slice %arg5[%select_n3A, %add3A_41, %dma_start3A_88] : memref<8x128x12800xf32, #tpu.memory_space<hbm>> -> memref<1x1x12800xf32, #tpu.memory_space<hbm>>
        %dma_start3A_90 = tpu.memref_squeeze %dma_start3A_89 : memref<1x1x12800xf32, #tpu.memory_space<hbm>> -> memref<12800xf32, #tpu.memory_space<hbm>>
        tpu.enqueue_dma source(%arg9 : memref<12800xf32, #tpu.memory_space<vmem>>) target(%dma_start3A_90 : memref<12800xf32, #tpu.memory_space<hbm>>) target_semaphore(%run_scoped3A : memref<!tpu.dma_semaphore, #tpu.memory_space<semaphore_mem>>)
        %dma_wait3A_91 = arith.constant 0 : i32
        %dma_wait3A_92 = tpu.memref_slice %arg5[%select_n3A, %add3A_41, %dma_wait3A_91] : memref<8x128x12800xf32, #tpu.memory_space<hbm>> -> memref<1x1x12800xf32, #tpu.memory_space<hbm>>
        %dma_wait3A_93 = tpu.memref_squeeze %dma_wait3A_92 : memref<1x1x12800xf32, #tpu.memory_space<hbm>> -> memref<12800xf32, #tpu.memory_space<hbm>>
        %dma_wait3A_94 = arith.constant 0 : i32
        %dma_wait3A_95 = tpu.memref_slice %arg5[%select_n3A, %add3A_41, %dma_wait3A_94] : memref<8x128x12800xf32, #tpu.memory_space<hbm>> -> memref<1x1x12800xf32, #tpu.memory_space<hbm>>
        %dma_wait3A_96 = tpu.memref_squeeze %dma_wait3A_95 : memref<1x1x12800xf32, #tpu.memory_space<hbm>> -> memref<12800xf32, #tpu.memory_space<hbm>>
        tpu.wait_dma2 semaphore(%run_scoped3A : memref<!tpu.dma_semaphore, #tpu.memory_space<semaphore_mem>>) src(%arg9 : memref<12800xf32, #tpu.memory_space<vmem>>) dst(%dma_wait3A_96 : memref<12800xf32, #tpu.memory_space<hbm>>)
        tpu.yield
      }) : () -> ()
      %dma_wait3A_77 = arith.constant 0 : i32
      %dma_wait3A_78 = tpu.memref_slice %arg2[%dma_wait3A_77] : memref<52428800xf32, #tpu.memory_space<hbm>> -> memref<52428800xf32, #tpu.memory_space<hbm>>
      tpu.wait_indirect_dma semaphore(%arg13 : memref<!tpu.dma_semaphore, #tpu.memory_space<semaphore_mem>>) src(%dma_wait3A_78 : memref<52428800xf32, #tpu.memory_space<hbm>>) dst(%arg11 : memref<12800xf32, #tpu.memory_space<vmem>>)
      %scan3A_79 = arith.constant 0 : i32
      %scan3A_80 = arith.constant 0 : i32
      %scan3A_81 = arith.constant 100 : i32
      %scan3A_82 = arith.addi %scan3A_80, %scan3A_81 : i32
      %scan3A_83 = arith.constant 1 : i32
      scf.for %scan3A_85 = %scan3A_80 to %scan3A_82 step %scan3A_83  : i32 {
        %mul3A_86 = arith.constant 128 : i32
        %mul3A_87 = arith.muli %scan3A_85, %mul3A_86 : i32
        %add3A_88 = arith.constant 0 : i32
        %add3A_89 = arith.addi %mul3A_87, %add3A_88 : i32
        %get3A = arith.index_cast %add3A_89 : i32 to index
        %get3A_90 = tpu.vector_load %arg11[%get3A] {strides = array<i32>} : memref<12800xf32, #tpu.memory_space<vmem>>, vector<16xf32>,
        %get3A_91 = vector.shape_cast %get3A_90 : vector<16xf32> to vector<16xf32>
        %get3A_92 = arith.index_cast %add3A_89 : i32 to index
        %get3A_93 = tpu.vector_load %arg7[%get3A_92] {strides = array<i32>} : memref<12800xf32, #tpu.memory_space<vmem>>, vector<16xf32>,
        %get3A_94 = vector.shape_cast %get3A_93 : vector<16xf32> to vector<16xf32>
        %mul3A_95 = arith.mulf %get3A_91, %get3A_94 : vector<16xf32>
        %swap3A = arith.index_cast %add3A_89 : i32 to index
        %swap3A_96 = tpu.vector_load %arg11[%swap3A] {strides = array<i32>} : memref<12800xf32, #tpu.memory_space<vmem>>, vector<16xf32>,
        %swap3A_97 = vector.shape_cast %swap3A_96 : vector<16xf32> to vector<16xf32>
        %swap3A_98 = vector.shape_cast %mul3A_95 : vector<16xf32> to vector<16xf32>
        tpu.vector_store %arg11[%swap3A], %swap3A_98 {strides = array<i32>} : memref<12800xf32, #tpu.memory_space<vmem>>, vector<16xf32>,
        %mul3A_99 = arith.constant 128 : i32
        %mul3A_100 = arith.muli %scan3A_85, %mul3A_99 : i32
        %add3A_101 = arith.constant 16 : i32
        %add3A_102 = arith.addi %mul3A_100, %add3A_101 : i32
        %get3A_103 = arith.index_cast %add3A_102 : i32 to index
        %get3A_104 = tpu.vector_load %arg11[%get3A_103] {strides = array<i32>} : memref<12800xf32, #tpu.memory_space<vmem>>, vector<16xf32>,
        %get3A_105 = vector.shape_cast %get3A_104 : vector<16xf32> to vector<16xf32>
        %get3A_106 = arith.index_cast %add3A_102 : i32 to index
        %get3A_107 = tpu.vector_load %arg7[%get3A_106] {strides = array<i32>} : memref<12800xf32, #tpu.memory_space<vmem>>, vector<16xf32>,
        %get3A_108 = vector.shape_cast %get3A_107 : vector<16xf32> to vector<16xf32>
        %mul3A_109 = arith.mulf %get3A_105, %get3A_108 : vector<16xf32>
        %swap3A_110 = arith.index_cast %add3A_102 : i32 to index
        %swap3A_111 = tpu.vector_load %arg11[%swap3A_110] {strides = array<i32>} : memref<12800xf32, #tpu.memory_space<vmem>>, vector<16xf32>,
        %swap3A_112 = vector.shape_cast %swap3A_111 : vector<16xf32> to vector<16xf32>
        %swap3A_113 = vector.shape_cast %mul3A_109 : vector<16xf32> to vector<16xf32>
        tpu.vector_store %arg11[%swap3A_110], %swap3A_113 {strides = array<i32>} : memref<12800xf32, #tpu.memory_space<vmem>>, vector<16xf32>,
        %mul3A_114 = arith.constant 128 : i32
        %mul3A_115 = arith.muli %scan3A_85, %mul3A_114 : i32
        %add3A_116 = arith.constant 32 : i32
        %add3A_117 = arith.addi %mul3A_115, %add3A_116 : i32
        %get3A_118 = arith.index_cast %add3A_117 : i32 to index
        %get3A_119 = tpu.vector_load %arg11[%get3A_118] {strides = array<i32>} : memref<12800xf32, #tpu.memory_space<vmem>>, vector<16xf32>,
        %get3A_120 = vector.shape_cast %get3A_119 : vector<16xf32> to vector<16xf32>
        %get3A_121 = arith.index_cast %add3A_117 : i32 to index
        %get3A_122 = tpu.vector_load %arg7[%get3A_121] {strides = array<i32>} : memref<12800xf32, #tpu.memory_space<vmem>>, vector<16xf32>,
        %get3A_123 = vector.shape_cast %get3A_122 : vector<16xf32> to vector<16xf32>
        %mul3A_124 = arith.mulf %get3A_120, %get3A_123 : vector<16xf32>
        %swap3A_125 = arith.index_cast %add3A_117 : i32 to index
        %swap3A_126 = tpu.vector_load %arg11[%swap3A_125] {strides = array<i32>} : memref<12800xf32, #tpu.memory_space<vmem>>, vector<16xf32>,
        %swap3A_127 = vector.shape_cast %swap3A_126 : vector<16xf32> to vector<16xf32>
        %swap3A_128 = vector.shape_cast %mul3A_124 : vector<16xf32> to vector<16xf32>
        tpu.vector_store %arg11[%swap3A_125], %swap3A_128 {strides = array<i32>} : memref<12800xf32, #tpu.memory_space<vmem>>, vector<16xf32>,
        %mul3A_129 = arith.constant 128 : i32
        %mul3A_130 = arith.muli %scan3A_85, %mul3A_129 : i32
        %add3A_131 = arith.constant 48 : i32
        %add3A_132 = arith.addi %mul3A_130, %add3A_131 : i32
        %get3A_133 = arith.index_cast %add3A_132 : i32 to index
        %get3A_134 = tpu.vector_load %arg11[%get3A_133] {strides = array<i32>} : memref<12800xf32, #tpu.memory_space<vmem>>, vector<16xf32>,
        %get3A_135 = vector.shape_cast %get3A_134 : vector<16xf32> to vector<16xf32>
        %get3A_136 = arith.index_cast %add3A_132 : i32 to index
        %get3A_137 = tpu.vector_load %arg7[%get3A_136] {strides = array<i32>} : memref<12800xf32, #tpu.memory_space<vmem>>, vector<16xf32>,
        %get3A_138 = vector.shape_cast %get3A_137 : vector<16xf32> to vector<16xf32>
        %mul3A_139 = arith.mulf %get3A_135, %get3A_138 : vector<16xf32>
        %swap3A_140 = arith.index_cast %add3A_132 : i32 to index
        %swap3A_141 = tpu.vector_load %arg11[%swap3A_140] {strides = array<i32>} : memref<12800xf32, #tpu.memory_space<vmem>>, vector<16xf32>,
        %swap3A_142 = vector.shape_cast %swap3A_141 : vector<16xf32> to vector<16xf32>
        %swap3A_143 = vector.shape_cast %mul3A_139 : vector<16xf32> to vector<16xf32>
        tpu.vector_store %arg11[%swap3A_140], %swap3A_143 {strides = array<i32>} : memref<12800xf32, #tpu.memory_space<vmem>>, vector<16xf32>,
        %mul3A_144 = arith.constant 128 : i32
        %mul3A_145 = arith.muli %scan3A_85, %mul3A_144 : i32
        %add3A_146 = arith.constant 64 : i32
        %add3A_147 = arith.addi %mul3A_145, %add3A_146 : i32
        %get3A_148 = arith.index_cast %add3A_147 : i32 to index
        %get3A_149 = tpu.vector_load %arg11[%get3A_148] {strides = array<i32>} : memref<12800xf32, #tpu.memory_space<vmem>>, vector<16xf32>,
        %get3A_150 = vector.shape_cast %get3A_149 : vector<16xf32> to vector<16xf32>
        %get3A_151 = arith.index_cast %add3A_147 : i32 to index
        %get3A_152 = tpu.vector_load %arg7[%get3A_151] {strides = array<i32>} : memref<12800xf32, #tpu.memory_space<vmem>>, vector<16xf32>,
        %get3A_153 = vector.shape_cast %get3A_152 : vector<16xf32> to vector<16xf32>
        %mul3A_154 = arith.mulf %get3A_150, %get3A_153 : vector<16xf32>
        %swap3A_155 = arith.index_cast %add3A_147 : i32 to index
        %swap3A_156 = tpu.vector_load %arg11[%swap3A_155] {strides = array<i32>} : memref<12800xf32, #tpu.memory_space<vmem>>, vector<16xf32>,
        %swap3A_157 = vector.shape_cast %swap3A_156 : vector<16xf32> to vector<16xf32>
        %swap3A_158 = vector.shape_cast %mul3A_154 : vector<16xf32> to vector<16xf32>
        tpu.vector_store %arg11[%swap3A_155], %swap3A_158 {strides = array<i32>} : memref<12800xf32, #tpu.memory_space<vmem>>, vector<16xf32>,
        %mul3A_159 = arith.constant 128 : i32
        %mul3A_160 = arith.muli %scan3A_85, %mul3A_159 : i32
        %add3A_161 = arith.constant 80 : i32
        %add3A_162 = arith.addi %mul3A_160, %add3A_161 : i32
        %get3A_163 = arith.index_cast %add3A_162 : i32 to index
        %get3A_164 = tpu.vector_load %arg11[%get3A_163] {strides = array<i32>} : memref<12800xf32, #tpu.memory_space<vmem>>, vector<16xf32>,
        %get3A_165 = vector.shape_cast %get3A_164 : vector<16xf32> to vector<16xf32>
        %get3A_166 = arith.index_cast %add3A_162 : i32 to index
        %get3A_167 = tpu.vector_load %arg7[%get3A_166] {strides = array<i32>} : memref<12800xf32, #tpu.memory_space<vmem>>, vector<16xf32>,
        %get3A_168 = vector.shape_cast %get3A_167 : vector<16xf32> to vector<16xf32>
        %mul3A_169 = arith.mulf %get3A_165, %get3A_168 : vector<16xf32>
        %swap3A_170 = arith.index_cast %add3A_162 : i32 to index
        %swap3A_171 = tpu.vector_load %arg11[%swap3A_170] {strides = array<i32>} : memref<12800xf32, #tpu.memory_space<vmem>>, vector<16xf32>,
        %swap3A_172 = vector.shape_cast %swap3A_171 : vector<16xf32> to vector<16xf32>
        %swap3A_173 = vector.shape_cast %mul3A_169 : vector<16xf32> to vector<16xf32>
        tpu.vector_store %arg11[%swap3A_170], %swap3A_173 {strides = array<i32>} : memref<12800xf32, #tpu.memory_space<vmem>>, vector<16xf32>,
        %mul3A_174 = arith.constant 128 : i32
        %mul3A_175 = arith.muli %scan3A_85, %mul3A_174 : i32
        %add3A_176 = arith.constant 96 : i32
        %add3A_177 = arith.addi %mul3A_175, %add3A_176 : i32
        %get3A_178 = arith.index_cast %add3A_177 : i32 to index
        %get3A_179 = tpu.vector_load %arg11[%get3A_178] {strides = array<i32>} : memref<12800xf32, #tpu.memory_space<vmem>>, vector<16xf32>,
        %get3A_180 = vector.shape_cast %get3A_179 : vector<16xf32> to vector<16xf32>
        %get3A_181 = arith.index_cast %add3A_177 : i32 to index
        %get3A_182 = tpu.vector_load %arg7[%get3A_181] {strides = array<i32>} : memref<12800xf32, #tpu.memory_space<vmem>>, vector<16xf32>,
        %get3A_183 = vector.shape_cast %get3A_182 : vector<16xf32> to vector<16xf32>
        %mul3A_184 = arith.mulf %get3A_180, %get3A_183 : vector<16xf32>
        %swap3A_185 = arith.index_cast %add3A_177 : i32 to index
        %swap3A_186 = tpu.vector_load %arg11[%swap3A_185] {strides = array<i32>} : memref<12800xf32, #tpu.memory_space<vmem>>, vector<16xf32>,
        %swap3A_187 = vector.shape_cast %swap3A_186 : vector<16xf32> to vector<16xf32>
        %swap3A_188 = vector.shape_cast %mul3A_184 : vector<16xf32> to vector<16xf32>
        tpu.vector_store %arg11[%swap3A_185], %swap3A_188 {strides = array<i32>} : memref<12800xf32, #tpu.memory_space<vmem>>, vector<16xf32>,
        %mul3A_189 = arith.constant 128 : i32
        %mul3A_190 = arith.muli %scan3A_85, %mul3A_189 : i32
        %add3A_191 = arith.constant 112 : i32
        %add3A_192 = arith.addi %mul3A_190, %add3A_191 : i32
        %get3A_193 = arith.index_cast %add3A_192 : i32 to index
        %get3A_194 = tpu.vector_load %arg11[%get3A_193] {strides = array<i32>} : memref<12800xf32, #tpu.memory_space<vmem>>, vector<16xf32>,
        %get3A_195 = vector.shape_cast %get3A_194 : vector<16xf32> to vector<16xf32>
        %get3A_196 = arith.index_cast %add3A_192 : i32 to index
        %get3A_197 = tpu.vector_load %arg7[%get3A_196] {strides = array<i32>} : memref<12800xf32, #tpu.memory_space<vmem>>, vector<16xf32>,
        %get3A_198 = vector.shape_cast %get3A_197 : vector<16xf32> to vector<16xf32>
        %mul3A_199 = arith.mulf %get3A_195, %get3A_198 : vector<16xf32>
        %swap3A_200 = arith.index_cast %add3A_192 : i32 to index
        %swap3A_201 = tpu.vector_load %arg11[%swap3A_200] {strides = array<i32>} : memref<12800xf32, #tpu.memory_space<vmem>>, vector<16xf32>,
        %swap3A_202 = vector.shape_cast %swap3A_201 : vector<16xf32> to vector<16xf32>
        %swap3A_203 = vector.shape_cast %mul3A_199 : vector<16xf32> to vector<16xf32>
        tpu.vector_store %arg11[%swap3A_200], %swap3A_203 {strides = array<i32>} : memref<12800xf32, #tpu.memory_space<vmem>>, vector<16xf32>,
      }
      %scan3A_84 = arith.constant 100 : i32
      "tpu.region"() ({
        %run_scoped3A = tpu.sem_alloc : memref<!tpu.dma_semaphore, #tpu.memory_space<semaphore_mem>>
        %dma_start3A_85 = arith.constant 0 : i32
        %dma_start3A_86 = tpu.memref_slice %arg5[%select_n3A, %add3A_43, %dma_start3A_85] : memref<8x128x12800xf32, #tpu.memory_space<hbm>> -> memref<1x1x12800xf32, #tpu.memory_space<hbm>>
        %dma_start3A_87 = tpu.memref_squeeze %dma_start3A_86 : memref<1x1x12800xf32, #tpu.memory_space<hbm>> -> memref<12800xf32, #tpu.memory_space<hbm>>
        %dma_start3A_88 = arith.constant 0 : i32
        %dma_start3A_89 = tpu.memref_slice %arg5[%select_n3A, %add3A_43, %dma_start3A_88] : memref<8x128x12800xf32, #tpu.memory_space<hbm>> -> memref<1x1x12800xf32, #tpu.memory_space<hbm>>
        %dma_start3A_90 = tpu.memref_squeeze %dma_start3A_89 : memref<1x1x12800xf32, #tpu.memory_space<hbm>> -> memref<12800xf32, #tpu.memory_space<hbm>>
        tpu.enqueue_dma source(%arg11 : memref<12800xf32, #tpu.memory_space<vmem>>) target(%dma_start3A_90 : memref<12800xf32, #tpu.memory_space<hbm>>) target_semaphore(%run_scoped3A : memref<!tpu.dma_semaphore, #tpu.memory_space<semaphore_mem>>)
        %dma_wait3A_91 = arith.constant 0 : i32
        %dma_wait3A_92 = tpu.memref_slice %arg5[%select_n3A, %add3A_43, %dma_wait3A_91] : memref<8x128x12800xf32, #tpu.memory_space<hbm>> -> memref<1x1x12800xf32, #tpu.memory_space<hbm>>
        %dma_wait3A_93 = tpu.memref_squeeze %dma_wait3A_92 : memref<1x1x12800xf32, #tpu.memory_space<hbm>> -> memref<12800xf32, #tpu.memory_space<hbm>>
        %dma_wait3A_94 = arith.constant 0 : i32
        %dma_wait3A_95 = tpu.memref_slice %arg5[%select_n3A, %add3A_43, %dma_wait3A_94] : memref<8x128x12800xf32, #tpu.memory_space<hbm>> -> memref<1x1x12800xf32, #tpu.memory_space<hbm>>
        %dma_wait3A_96 = tpu.memref_squeeze %dma_wait3A_95 : memref<1x1x12800xf32, #tpu.memory_space<hbm>> -> memref<12800xf32, #tpu.memory_space<hbm>>
        tpu.wait_dma2 semaphore(%run_scoped3A : memref<!tpu.dma_semaphore, #tpu.memory_space<semaphore_mem>>) src(%arg11 : memref<12800xf32, #tpu.memory_space<vmem>>) dst(%dma_wait3A_96 : memref<12800xf32, #tpu.memory_space<hbm>>)
        tpu.yield
      }) : () -> ()
    }
    %scan3A_37 = arith.constant 16 : i32
    return
  }
}

module attributes {stable_mosaic.version = 14 : i64} {
  func.func @_vsum_kernel(%arg0: i32, %arg1: i32, %arg2: i32, %arg3: memref<1x25x128x512xf32, #tpu.memory_space<vmem>>, %arg4: memref<1x128x512xf32, #tpu.memory_space<vmem>>) attributes {dimension_semantics = [#tpu.dimension_semantics<arbitrary>, #tpu.dimension_semantics<arbitrary>, #tpu.dimension_semantics<arbitrary>], iteration_bounds = array<i64: 8, 1, 4>, scalar_prefetch = 0 : i64, scratch_operands = 0 : i64, tpu.core_type = #tpu.core_type<tc>, window_params = [{transform_indices = @transform_0, window_bounds = array<i64: 1, 25, 128, 512>}, {transform_indices = @transform_1, window_bounds = array<i64: 1, 128, 512>}]} {
    %get3A = arith.constant 0 : index
    %get3A_0 = arith.constant 0 : index
    %get3A_1 = arith.constant 0 : index
    %get3A_2 = arith.constant 0 : index
    %get3A_3 = vector.load %arg3[%get3A, %get3A_0, %get3A_1, %get3A_2] : memref<1x25x128x512xf32, #tpu.memory_space<vmem>>, vector<1x1x128x512xf32>
    %get3A_4 = vector.shape_cast %get3A_3 : vector<1x1x128x512xf32> to vector<128x512xf32>
    %get3A_5 = arith.constant 0 : index
    %get3A_6 = arith.constant 1 : index
    %get3A_7 = arith.constant 0 : index
    %get3A_8 = arith.constant 0 : index
    %get3A_9 = vector.load %arg3[%get3A_5, %get3A_6, %get3A_7, %get3A_8] : memref<1x25x128x512xf32, #tpu.memory_space<vmem>>, vector<1x1x128x512xf32>
    %get3A_10 = vector.shape_cast %get3A_9 : vector<1x1x128x512xf32> to vector<128x512xf32>
    %add3A = arith.addf %get3A_4, %get3A_10 : vector<128x512xf32>
    %get3A_11 = arith.constant 0 : index
    %get3A_12 = arith.constant 2 : index
    %get3A_13 = arith.constant 0 : index
    %get3A_14 = arith.constant 0 : index
    %get3A_15 = vector.load %arg3[%get3A_11, %get3A_12, %get3A_13, %get3A_14] : memref<1x25x128x512xf32, #tpu.memory_space<vmem>>, vector<1x1x128x512xf32>
    %get3A_16 = vector.shape_cast %get3A_15 : vector<1x1x128x512xf32> to vector<128x512xf32>
    %add3A_17 = arith.addf %add3A, %get3A_16 : vector<128x512xf32>
    %get3A_18 = arith.constant 0 : index
    %get3A_19 = arith.constant 3 : index
    %get3A_20 = arith.constant 0 : index
    %get3A_21 = arith.constant 0 : index
    %get3A_22 = vector.load %arg3[%get3A_18, %get3A_19, %get3A_20, %get3A_21] : memref<1x25x128x512xf32, #tpu.memory_space<vmem>>, vector<1x1x128x512xf32>
    %get3A_23 = vector.shape_cast %get3A_22 : vector<1x1x128x512xf32> to vector<128x512xf32>
    %add3A_24 = arith.addf %add3A_17, %get3A_23 : vector<128x512xf32>
    %get3A_25 = arith.constant 0 : index
    %get3A_26 = arith.constant 4 : index
    %get3A_27 = arith.constant 0 : index
    %get3A_28 = arith.constant 0 : index
    %get3A_29 = vector.load %arg3[%get3A_25, %get3A_26, %get3A_27, %get3A_28] : memref<1x25x128x512xf32, #tpu.memory_space<vmem>>, vector<1x1x128x512xf32>
    %get3A_30 = vector.shape_cast %get3A_29 : vector<1x1x128x512xf32> to vector<128x512xf32>
    %add3A_31 = arith.addf %add3A_24, %get3A_30 : vector<128x512xf32>
    %get3A_32 = arith.constant 0 : index
    %get3A_33 = arith.constant 5 : index
    %get3A_34 = arith.constant 0 : index
    %get3A_35 = arith.constant 0 : index
    %get3A_36 = vector.load %arg3[%get3A_32, %get3A_33, %get3A_34, %get3A_35] : memref<1x25x128x512xf32, #tpu.memory_space<vmem>>, vector<1x1x128x512xf32>
    %get3A_37 = vector.shape_cast %get3A_36 : vector<1x1x128x512xf32> to vector<128x512xf32>
    %add3A_38 = arith.addf %add3A_31, %get3A_37 : vector<128x512xf32>
    %get3A_39 = arith.constant 0 : index
    %get3A_40 = arith.constant 6 : index
    %get3A_41 = arith.constant 0 : index
    %get3A_42 = arith.constant 0 : index
    %get3A_43 = vector.load %arg3[%get3A_39, %get3A_40, %get3A_41, %get3A_42] : memref<1x25x128x512xf32, #tpu.memory_space<vmem>>, vector<1x1x128x512xf32>
    %get3A_44 = vector.shape_cast %get3A_43 : vector<1x1x128x512xf32> to vector<128x512xf32>
    %add3A_45 = arith.addf %add3A_38, %get3A_44 : vector<128x512xf32>
    %get3A_46 = arith.constant 0 : index
    %get3A_47 = arith.constant 7 : index
    %get3A_48 = arith.constant 0 : index
    %get3A_49 = arith.constant 0 : index
    %get3A_50 = vector.load %arg3[%get3A_46, %get3A_47, %get3A_48, %get3A_49] : memref<1x25x128x512xf32, #tpu.memory_space<vmem>>, vector<1x1x128x512xf32>
    %get3A_51 = vector.shape_cast %get3A_50 : vector<1x1x128x512xf32> to vector<128x512xf32>
    %add3A_52 = arith.addf %add3A_45, %get3A_51 : vector<128x512xf32>
    %get3A_53 = arith.constant 0 : index
    %get3A_54 = arith.constant 8 : index
    %get3A_55 = arith.constant 0 : index
    %get3A_56 = arith.constant 0 : index
    %get3A_57 = vector.load %arg3[%get3A_53, %get3A_54, %get3A_55, %get3A_56] : memref<1x25x128x512xf32, #tpu.memory_space<vmem>>, vector<1x1x128x512xf32>
    %get3A_58 = vector.shape_cast %get3A_57 : vector<1x1x128x512xf32> to vector<128x512xf32>
    %add3A_59 = arith.addf %add3A_52, %get3A_58 : vector<128x512xf32>
    %get3A_60 = arith.constant 0 : index
    %get3A_61 = arith.constant 9 : index
    %get3A_62 = arith.constant 0 : index
    %get3A_63 = arith.constant 0 : index
    %get3A_64 = vector.load %arg3[%get3A_60, %get3A_61, %get3A_62, %get3A_63] : memref<1x25x128x512xf32, #tpu.memory_space<vmem>>, vector<1x1x128x512xf32>
    %get3A_65 = vector.shape_cast %get3A_64 : vector<1x1x128x512xf32> to vector<128x512xf32>
    %add3A_66 = arith.addf %add3A_59, %get3A_65 : vector<128x512xf32>
    %get3A_67 = arith.constant 0 : index
    %get3A_68 = arith.constant 10 : index
    %get3A_69 = arith.constant 0 : index
    %get3A_70 = arith.constant 0 : index
    %get3A_71 = vector.load %arg3[%get3A_67, %get3A_68, %get3A_69, %get3A_70] : memref<1x25x128x512xf32, #tpu.memory_space<vmem>>, vector<1x1x128x512xf32>
    %get3A_72 = vector.shape_cast %get3A_71 : vector<1x1x128x512xf32> to vector<128x512xf32>
    %add3A_73 = arith.addf %add3A_66, %get3A_72 : vector<128x512xf32>
    %get3A_74 = arith.constant 0 : index
    %get3A_75 = arith.constant 11 : index
    %get3A_76 = arith.constant 0 : index
    %get3A_77 = arith.constant 0 : index
    %get3A_78 = vector.load %arg3[%get3A_74, %get3A_75, %get3A_76, %get3A_77] : memref<1x25x128x512xf32, #tpu.memory_space<vmem>>, vector<1x1x128x512xf32>
    %get3A_79 = vector.shape_cast %get3A_78 : vector<1x1x128x512xf32> to vector<128x512xf32>
    %add3A_80 = arith.addf %add3A_73, %get3A_79 : vector<128x512xf32>
    %get3A_81 = arith.constant 0 : index
    %get3A_82 = arith.constant 12 : index
    %get3A_83 = arith.constant 0 : index
    %get3A_84 = arith.constant 0 : index
    %get3A_85 = vector.load %arg3[%get3A_81, %get3A_82, %get3A_83, %get3A_84] : memref<1x25x128x512xf32, #tpu.memory_space<vmem>>, vector<1x1x128x512xf32>
    %get3A_86 = vector.shape_cast %get3A_85 : vector<1x1x128x512xf32> to vector<128x512xf32>
    %add3A_87 = arith.addf %add3A_80, %get3A_86 : vector<128x512xf32>
    %get3A_88 = arith.constant 0 : index
    %get3A_89 = arith.constant 13 : index
    %get3A_90 = arith.constant 0 : index
    %get3A_91 = arith.constant 0 : index
    %get3A_92 = vector.load %arg3[%get3A_88, %get3A_89, %get3A_90, %get3A_91] : memref<1x25x128x512xf32, #tpu.memory_space<vmem>>, vector<1x1x128x512xf32>
    %get3A_93 = vector.shape_cast %get3A_92 : vector<1x1x128x512xf32> to vector<128x512xf32>
    %add3A_94 = arith.addf %add3A_87, %get3A_93 : vector<128x512xf32>
    %get3A_95 = arith.constant 0 : index
    %get3A_96 = arith.constant 14 : index
    %get3A_97 = arith.constant 0 : index
    %get3A_98 = arith.constant 0 : index
    %get3A_99 = vector.load %arg3[%get3A_95, %get3A_96, %get3A_97, %get3A_98] : memref<1x25x128x512xf32, #tpu.memory_space<vmem>>, vector<1x1x128x512xf32>
    %get3A_100 = vector.shape_cast %get3A_99 : vector<1x1x128x512xf32> to vector<128x512xf32>
    %add3A_101 = arith.addf %add3A_94, %get3A_100 : vector<128x512xf32>
    %get3A_102 = arith.constant 0 : index
    %get3A_103 = arith.constant 15 : index
    %get3A_104 = arith.constant 0 : index
    %get3A_105 = arith.constant 0 : index
    %get3A_106 = vector.load %arg3[%get3A_102, %get3A_103, %get3A_104, %get3A_105] : memref<1x25x128x512xf32, #tpu.memory_space<vmem>>, vector<1x1x128x512xf32>
    %get3A_107 = vector.shape_cast %get3A_106 : vector<1x1x128x512xf32> to vector<128x512xf32>
    %add3A_108 = arith.addf %add3A_101, %get3A_107 : vector<128x512xf32>
    %get3A_109 = arith.constant 0 : index
    %get3A_110 = arith.constant 16 : index
    %get3A_111 = arith.constant 0 : index
    %get3A_112 = arith.constant 0 : index
    %get3A_113 = vector.load %arg3[%get3A_109, %get3A_110, %get3A_111, %get3A_112] : memref<1x25x128x512xf32, #tpu.memory_space<vmem>>, vector<1x1x128x512xf32>
    %get3A_114 = vector.shape_cast %get3A_113 : vector<1x1x128x512xf32> to vector<128x512xf32>
    %add3A_115 = arith.addf %add3A_108, %get3A_114 : vector<128x512xf32>
    %get3A_116 = arith.constant 0 : index
    %get3A_117 = arith.constant 17 : index
    %get3A_118 = arith.constant 0 : index
    %get3A_119 = arith.constant 0 : index
    %get3A_120 = vector.load %arg3[%get3A_116, %get3A_117, %get3A_118, %get3A_119] : memref<1x25x128x512xf32, #tpu.memory_space<vmem>>, vector<1x1x128x512xf32>
    %get3A_121 = vector.shape_cast %get3A_120 : vector<1x1x128x512xf32> to vector<128x512xf32>
    %add3A_122 = arith.addf %add3A_115, %get3A_121 : vector<128x512xf32>
    %get3A_123 = arith.constant 0 : index
    %get3A_124 = arith.constant 18 : index
    %get3A_125 = arith.constant 0 : index
    %get3A_126 = arith.constant 0 : index
    %get3A_127 = vector.load %arg3[%get3A_123, %get3A_124, %get3A_125, %get3A_126] : memref<1x25x128x512xf32, #tpu.memory_space<vmem>>, vector<1x1x128x512xf32>
    %get3A_128 = vector.shape_cast %get3A_127 : vector<1x1x128x512xf32> to vector<128x512xf32>
    %add3A_129 = arith.addf %add3A_122, %get3A_128 : vector<128x512xf32>
    %get3A_130 = arith.constant 0 : index
    %get3A_131 = arith.constant 19 : index
    %get3A_132 = arith.constant 0 : index
    %get3A_133 = arith.constant 0 : index
    %get3A_134 = vector.load %arg3[%get3A_130, %get3A_131, %get3A_132, %get3A_133] : memref<1x25x128x512xf32, #tpu.memory_space<vmem>>, vector<1x1x128x512xf32>
    %get3A_135 = vector.shape_cast %get3A_134 : vector<1x1x128x512xf32> to vector<128x512xf32>
    %add3A_136 = arith.addf %add3A_129, %get3A_135 : vector<128x512xf32>
    %get3A_137 = arith.constant 0 : index
    %get3A_138 = arith.constant 20 : index
    %get3A_139 = arith.constant 0 : index
    %get3A_140 = arith.constant 0 : index
    %get3A_141 = vector.load %arg3[%get3A_137, %get3A_138, %get3A_139, %get3A_140] : memref<1x25x128x512xf32, #tpu.memory_space<vmem>>, vector<1x1x128x512xf32>
    %get3A_142 = vector.shape_cast %get3A_141 : vector<1x1x128x512xf32> to vector<128x512xf32>
    %add3A_143 = arith.addf %add3A_136, %get3A_142 : vector<128x512xf32>
    %get3A_144 = arith.constant 0 : index
    %get3A_145 = arith.constant 21 : index
    %get3A_146 = arith.constant 0 : index
    %get3A_147 = arith.constant 0 : index
    %get3A_148 = vector.load %arg3[%get3A_144, %get3A_145, %get3A_146, %get3A_147] : memref<1x25x128x512xf32, #tpu.memory_space<vmem>>, vector<1x1x128x512xf32>
    %get3A_149 = vector.shape_cast %get3A_148 : vector<1x1x128x512xf32> to vector<128x512xf32>
    %add3A_150 = arith.addf %add3A_143, %get3A_149 : vector<128x512xf32>
    %get3A_151 = arith.constant 0 : index
    %get3A_152 = arith.constant 22 : index
    %get3A_153 = arith.constant 0 : index
    %get3A_154 = arith.constant 0 : index
    %get3A_155 = vector.load %arg3[%get3A_151, %get3A_152, %get3A_153, %get3A_154] : memref<1x25x128x512xf32, #tpu.memory_space<vmem>>, vector<1x1x128x512xf32>
    %get3A_156 = vector.shape_cast %get3A_155 : vector<1x1x128x512xf32> to vector<128x512xf32>
    %add3A_157 = arith.addf %add3A_150, %get3A_156 : vector<128x512xf32>
    %get3A_158 = arith.constant 0 : index
    %get3A_159 = arith.constant 23 : index
    %get3A_160 = arith.constant 0 : index
    %get3A_161 = arith.constant 0 : index
    %get3A_162 = vector.load %arg3[%get3A_158, %get3A_159, %get3A_160, %get3A_161] : memref<1x25x128x512xf32, #tpu.memory_space<vmem>>, vector<1x1x128x512xf32>
    %get3A_163 = vector.shape_cast %get3A_162 : vector<1x1x128x512xf32> to vector<128x512xf32>
    %add3A_164 = arith.addf %add3A_157, %get3A_163 : vector<128x512xf32>
    %get3A_165 = arith.constant 0 : index
    %get3A_166 = arith.constant 24 : index
    %get3A_167 = arith.constant 0 : index
    %get3A_168 = arith.constant 0 : index
    %get3A_169 = vector.load %arg3[%get3A_165, %get3A_166, %get3A_167, %get3A_168] : memref<1x25x128x512xf32, #tpu.memory_space<vmem>>, vector<1x1x128x512xf32>
    %get3A_170 = vector.shape_cast %get3A_169 : vector<1x1x128x512xf32> to vector<128x512xf32>
    %add3A_171 = arith.addf %add3A_164, %get3A_170 : vector<128x512xf32>
    %swap3A = arith.constant 0 : index
    %swap3A_172 = arith.constant 0 : index
    %swap3A_173 = arith.constant 0 : index
    %swap3A_174 = vector.load %arg4[%swap3A, %swap3A_172, %swap3A_173] : memref<1x128x512xf32, #tpu.memory_space<vmem>>, vector<1x128x512xf32>
    %swap3A_175 = vector.shape_cast %swap3A_174 : vector<1x128x512xf32> to vector<128x512xf32>
    %swap3A_176 = vector.shape_cast %add3A_171 : vector<128x512xf32> to vector<1x128x512xf32>
    tpu.vector_store %arg4[%swap3A, %swap3A_172, %swap3A_173], %swap3A_176 {strides = array<i32>} : memref<1x128x512xf32, #tpu.memory_space<vmem>>, vector<1x128x512xf32>,
    return
  }
  func.func @transform_0(%arg0: i32, %arg1: i32, %arg2: i32) -> (i32, i32, i32, i32) {
    %c0_i32 = arith.constant 0 : i32
    %c0_i32_0 = arith.constant 0 : i32
    return %arg0, %c0_i32, %arg1, %arg2 : i32, i32, i32, i32
  }
  func.func @transform_1(%arg0: i32, %arg1: i32, %arg2: i32) -> (i32, i32, i32) {
    %c0_i32 = arith.constant 0 : i32
    return %arg0, %arg1, %arg2 : i32, i32, i32
  }
}

module attributes {stable_mosaic.version = 14 : i64} {
  func.func @_qk_kernel(%arg0: i32, %arg1: i32, %arg2: memref<1x128x512xf32, #tpu.memory_space<vmem>>, %arg3: memref<256x128xf32, #tpu.memory_space<vmem>>, %arg4: memref<256x1xf32, #tpu.memory_space<vmem>>, %arg5: memref<1x256x512xbf16, #tpu.memory_space<vmem>>) attributes {dimension_semantics = [#tpu.dimension_semantics<arbitrary>, #tpu.dimension_semantics<arbitrary>], iteration_bounds = array<i64: 8, 4>, scalar_prefetch = 0 : i64, scratch_operands = 0 : i64, tpu.core_type = #tpu.core_type<tc>, window_params = [{transform_indices = @transform_0, window_bounds = array<i64: 1, 128, 512>}, {pipeline_mode = #tpu.pipeline_mode<synchronous>, transform_indices = @transform_1, window_bounds = array<i64: 256, 128>}, {pipeline_mode = #tpu.pipeline_mode<synchronous>, transform_indices = @transform_2, window_bounds = array<i64: 256, 1>}, {transform_indices = @transform_3, window_bounds = array<i64: 1, 256, 512>}]} {
    %get3A = arith.constant 0 : index
    %get3A_0 = arith.constant 0 : index
    %get3A_1 = arith.constant 0 : index
    %get3A_2 = vector.load %arg2[%get3A, %get3A_0, %get3A_1] : memref<1x128x512xf32, #tpu.memory_space<vmem>>, vector<1x128x512xf32>
    %get3A_3 = vector.shape_cast %get3A_2 : vector<1x128x512xf32> to vector<128x512xf32>
    %mul3A = arith.constant 4.000000e-02 : f32
    %mul3A_4 = vector.broadcast %mul3A : f32 to vector<128x512xf32>
    %mul3A_5 = arith.mulf %get3A_3, %mul3A_4 : vector<128x512xf32>
    %get3A_6 = arith.constant 0 : index
    %get3A_7 = arith.constant 0 : index
    %get3A_8 = vector.load %arg3[%get3A_6, %get3A_7] : memref<256x128xf32, #tpu.memory_space<vmem>>, vector<256x128xf32>
    %dot_general3A = arith.constant dense<0.000000e+00> : vector<256x512xf32>
    %dot_general3A_9 = tpu.matmul %get3A_8, %mul3A_5, %dot_general3A {dimension_numbers = #tpu.dot_dimension_numbers<[1], [0], [0], [1], [0, 0, 1, 1], [], []>, transpose_lhs_hint = false} : vector<256x128xf32>, vector<128x512xf32>, vector<256x512xf32> -> vector<256x512xf32>
    %get3A_10 = arith.constant 0 : index
    %get3A_11 = arith.constant 0 : index
    %get3A_12 = vector.load %arg4[%get3A_10, %get3A_11] : memref<256x1xf32, #tpu.memory_space<vmem>>, vector<256x1xf32>
    %add3A = vector.broadcast %get3A_12 : vector<256x1xf32> to vector<256x512xf32>
    %add3A_13 = arith.addf %dot_general3A_9, %add3A : vector<256x512xf32>
    %convert_element_type3A = arith.truncf %add3A_13 : vector<256x512xf32> to vector<256x512xbf16>
    %swap3A = arith.constant 0 : index
    %swap3A_14 = arith.constant 0 : index
    %swap3A_15 = arith.constant 0 : index
    %swap3A_16 = vector.load %arg5[%swap3A, %swap3A_14, %swap3A_15] : memref<1x256x512xbf16, #tpu.memory_space<vmem>>, vector<1x256x512xbf16>
    %swap3A_17 = vector.shape_cast %swap3A_16 : vector<1x256x512xbf16> to vector<256x512xbf16>
    %swap3A_18 = vector.shape_cast %convert_element_type3A : vector<256x512xbf16> to vector<1x256x512xbf16>
    tpu.vector_store %arg5[%swap3A, %swap3A_14, %swap3A_15], %swap3A_18 {strides = array<i32>} : memref<1x256x512xbf16, #tpu.memory_space<vmem>>, vector<1x256x512xbf16>,
    return
  }
  func.func @transform_0(%arg0: i32, %arg1: i32) -> (i32, i32, i32) {
    %c0_i32 = arith.constant 0 : i32
    %c0_i32_0 = arith.constant 0 : i32
    return %arg0, %c0_i32, %arg1 : i32, i32, i32
  }
  func.func @transform_1(%arg0: i32, %arg1: i32) -> (i32, i32) {
    %c0_i32 = arith.constant 0 : i32
    %c0_i32_0 = arith.constant 0 : i32
    %c0_i32_1 = arith.constant 0 : i32
    return %c0_i32, %c0_i32_0 : i32, i32
  }
  func.func @transform_2(%arg0: i32, %arg1: i32) -> (i32, i32) {
    %c0_i32 = arith.constant 0 : i32
    %c0_i32_0 = arith.constant 0 : i32
    %c0_i32_1 = arith.constant 0 : i32
    return %c0_i32, %c0_i32_0 : i32, i32
  }
  func.func @transform_3(%arg0: i32, %arg1: i32) -> (i32, i32, i32) {
    %c0_i32 = arith.constant 0 : i32
    %c0_i32_0 = arith.constant 0 : i32
    return %arg0, %c0_i32, %arg1 : i32, i32, i32
  }
}

module attributes {stable_mosaic.version = 14 : i64} {
  func.func @_att_kernel(%arg0: i32, %arg1: i32, %arg2: memref<1x256x256xbf16, #tpu.memory_space<vmem>>, %arg3: memref<1x256x2048xbf16, #tpu.memory_space<vmem>>, %arg4: memref<1x256x1xf32, #tpu.memory_space<vmem>>) attributes {dimension_semantics = [#tpu.dimension_semantics<arbitrary>, #tpu.dimension_semantics<arbitrary>], iteration_bounds = array<i64: 8, 8>, scalar_prefetch = 0 : i64, scratch_operands = 0 : i64, tpu.core_type = #tpu.core_type<tc>, window_params = [{transform_indices = @transform_0, window_bounds = array<i64: 1, 256, 256>}, {transform_indices = @transform_1, window_bounds = array<i64: 1, 256, 2048>}, {transform_indices = @transform_2, window_bounds = array<i64: 1, 256, 1>}]} {
    %get3A = arith.constant 0 : index
    %get3A_0 = arith.constant 0 : index
    %get3A_1 = arith.constant 0 : index
    %get3A_2 = vector.load %arg3[%get3A, %get3A_0, %get3A_1] : memref<1x256x2048xbf16, #tpu.memory_space<vmem>>, vector<1x256x2048xbf16>
    %get3A_3 = vector.shape_cast %get3A_2 : vector<1x256x2048xbf16> to vector<256x2048xbf16>
    %get3A_4 = arith.constant 0 : index
    %get3A_5 = arith.constant 0 : index
    %get3A_6 = arith.constant 0 : index
    %get3A_7 = vector.load %arg2[%get3A_4, %get3A_5, %get3A_6] : memref<1x256x256xbf16, #tpu.memory_space<vmem>>, vector<1x256x256xbf16>
    %get3A_8 = vector.shape_cast %get3A_7 : vector<1x256x256xbf16> to vector<256x256xbf16>
    %slice3A = vector.extract_strided_slice %get3A_8 {offsets = [0, 0], sizes = [16, 256], strides = [1, 1]} : vector<256x256xbf16> to vector<16x256xbf16>
    %transpose3A = tpu.transpose %slice3A, [1, 0] : vector<16x256xbf16> -> vector<256x16xbf16>
    %slice3A_9 = vector.extract_strided_slice %get3A_3 {offsets = [16, 0], sizes = [16, 2048], strides = [1, 1]} : vector<256x2048xbf16> to vector<16x2048xbf16>
    %transpose3A_10 = tpu.transpose %slice3A_9, [1, 0] : vector<16x2048xbf16> -> vector<2048x16xbf16>
    %dot_general3A = arith.constant dense<0.000000e+00> : vector<256x2048xf32>
    %dot_general3A_11 = tpu.matmul %transpose3A, %transpose3A_10, %dot_general3A {dimension_numbers = #tpu.dot_dimension_numbers<[1], [1], [0], [0], [0, 0, 1, 0], [], []>, transpose_lhs_hint = false} : vector<256x16xbf16>, vector<2048x16xbf16>, vector<256x2048xf32> -> vector<256x2048xf32>
    %mul3A = arith.constant 2.500000e-01 : f32
    %mul3A_12 = vector.broadcast %mul3A : f32 to vector<256x2048xf32>
    %mul3A_13 = arith.mulf %dot_general3A_11, %mul3A_12 : vector<256x2048xf32>
    %slice3A_14 = vector.extract_strided_slice %get3A_8 {offsets = [32, 0], sizes = [16, 256], strides = [1, 1]} : vector<256x256xbf16> to vector<16x256xbf16>
    %transpose3A_15 = tpu.transpose %slice3A_14, [1, 0] : vector<16x256xbf16> -> vector<256x16xbf16>
    %slice3A_16 = vector.extract_strided_slice %get3A_3 {offsets = [48, 0], sizes = [16, 2048], strides = [1, 1]} : vector<256x2048xbf16> to vector<16x2048xbf16>
    %transpose3A_17 = tpu.transpose %slice3A_16, [1, 0] : vector<16x2048xbf16> -> vector<2048x16xbf16>
    %dot_general3A_18 = arith.constant dense<0.000000e+00> : vector<256x2048xf32>
    %dot_general3A_19 = tpu.matmul %transpose3A_15, %transpose3A_17, %dot_general3A_18 {dimension_numbers = #tpu.dot_dimension_numbers<[1], [1], [0], [0], [0, 0, 1, 0], [], []>, transpose_lhs_hint = false} : vector<256x16xbf16>, vector<2048x16xbf16>, vector<256x2048xf32> -> vector<256x2048xf32>
    %mul3A_20 = arith.constant 2.500000e-01 : f32
    %mul3A_21 = vector.broadcast %mul3A_20 : f32 to vector<256x2048xf32>
    %mul3A_22 = arith.mulf %dot_general3A_19, %mul3A_21 : vector<256x2048xf32>
    %add3A = arith.addf %mul3A_13, %mul3A_22 : vector<256x2048xf32>
    %slice3A_23 = vector.extract_strided_slice %get3A_8 {offsets = [64, 0], sizes = [16, 256], strides = [1, 1]} : vector<256x256xbf16> to vector<16x256xbf16>
    %transpose3A_24 = tpu.transpose %slice3A_23, [1, 0] : vector<16x256xbf16> -> vector<256x16xbf16>
    %slice3A_25 = vector.extract_strided_slice %get3A_3 {offsets = [80, 0], sizes = [16, 2048], strides = [1, 1]} : vector<256x2048xbf16> to vector<16x2048xbf16>
    %transpose3A_26 = tpu.transpose %slice3A_25, [1, 0] : vector<16x2048xbf16> -> vector<2048x16xbf16>
    %dot_general3A_27 = arith.constant dense<0.000000e+00> : vector<256x2048xf32>
    %dot_general3A_28 = tpu.matmul %transpose3A_24, %transpose3A_26, %dot_general3A_27 {dimension_numbers = #tpu.dot_dimension_numbers<[1], [1], [0], [0], [0, 0, 1, 0], [], []>, transpose_lhs_hint = false} : vector<256x16xbf16>, vector<2048x16xbf16>, vector<256x2048xf32> -> vector<256x2048xf32>
    %mul3A_29 = arith.constant 2.500000e-01 : f32
    %mul3A_30 = vector.broadcast %mul3A_29 : f32 to vector<256x2048xf32>
    %mul3A_31 = arith.mulf %dot_general3A_28, %mul3A_30 : vector<256x2048xf32>
    %add3A_32 = arith.addf %add3A, %mul3A_31 : vector<256x2048xf32>
    %slice3A_33 = vector.extract_strided_slice %get3A_8 {offsets = [96, 0], sizes = [16, 256], strides = [1, 1]} : vector<256x256xbf16> to vector<16x256xbf16>
    %transpose3A_34 = tpu.transpose %slice3A_33, [1, 0] : vector<16x256xbf16> -> vector<256x16xbf16>
    %slice3A_35 = vector.extract_strided_slice %get3A_3 {offsets = [112, 0], sizes = [16, 2048], strides = [1, 1]} : vector<256x2048xbf16> to vector<16x2048xbf16>
    %transpose3A_36 = tpu.transpose %slice3A_35, [1, 0] : vector<16x2048xbf16> -> vector<2048x16xbf16>
    %dot_general3A_37 = arith.constant dense<0.000000e+00> : vector<256x2048xf32>
    %dot_general3A_38 = tpu.matmul %transpose3A_34, %transpose3A_36, %dot_general3A_37 {dimension_numbers = #tpu.dot_dimension_numbers<[1], [1], [0], [0], [0, 0, 1, 0], [], []>, transpose_lhs_hint = false} : vector<256x16xbf16>, vector<2048x16xbf16>, vector<256x2048xf32> -> vector<256x2048xf32>
    %mul3A_39 = arith.constant 2.500000e-01 : f32
    %mul3A_40 = vector.broadcast %mul3A_39 : f32 to vector<256x2048xf32>
    %mul3A_41 = arith.mulf %dot_general3A_38, %mul3A_40 : vector<256x2048xf32>
    %add3A_42 = arith.addf %add3A_32, %mul3A_41 : vector<256x2048xf32>
    %slice3A_43 = vector.extract_strided_slice %get3A_8 {offsets = [128, 0], sizes = [16, 256], strides = [1, 1]} : vector<256x256xbf16> to vector<16x256xbf16>
    %transpose3A_44 = tpu.transpose %slice3A_43, [1, 0] : vector<16x256xbf16> -> vector<256x16xbf16>
    %slice3A_45 = vector.extract_strided_slice %get3A_3 {offsets = [144, 0], sizes = [16, 2048], strides = [1, 1]} : vector<256x2048xbf16> to vector<16x2048xbf16>
    %transpose3A_46 = tpu.transpose %slice3A_45, [1, 0] : vector<16x2048xbf16> -> vector<2048x16xbf16>
    %dot_general3A_47 = arith.constant dense<0.000000e+00> : vector<256x2048xf32>
    %dot_general3A_48 = tpu.matmul %transpose3A_44, %transpose3A_46, %dot_general3A_47 {dimension_numbers = #tpu.dot_dimension_numbers<[1], [1], [0], [0], [0, 0, 1, 0], [], []>, transpose_lhs_hint = false} : vector<256x16xbf16>, vector<2048x16xbf16>, vector<256x2048xf32> -> vector<256x2048xf32>
    %mul3A_49 = arith.constant 2.500000e-01 : f32
    %mul3A_50 = vector.broadcast %mul3A_49 : f32 to vector<256x2048xf32>
    %mul3A_51 = arith.mulf %dot_general3A_48, %mul3A_50 : vector<256x2048xf32>
    %add3A_52 = arith.addf %add3A_42, %mul3A_51 : vector<256x2048xf32>
    %slice3A_53 = vector.extract_strided_slice %get3A_8 {offsets = [160, 0], sizes = [16, 256], strides = [1, 1]} : vector<256x256xbf16> to vector<16x256xbf16>
    %transpose3A_54 = tpu.transpose %slice3A_53, [1, 0] : vector<16x256xbf16> -> vector<256x16xbf16>
    %slice3A_55 = vector.extract_strided_slice %get3A_3 {offsets = [176, 0], sizes = [16, 2048], strides = [1, 1]} : vector<256x2048xbf16> to vector<16x2048xbf16>
    %transpose3A_56 = tpu.transpose %slice3A_55, [1, 0] : vector<16x2048xbf16> -> vector<2048x16xbf16>
    %dot_general3A_57 = arith.constant dense<0.000000e+00> : vector<256x2048xf32>
    %dot_general3A_58 = tpu.matmul %transpose3A_54, %transpose3A_56, %dot_general3A_57 {dimension_numbers = #tpu.dot_dimension_numbers<[1], [1], [0], [0], [0, 0, 1, 0], [], []>, transpose_lhs_hint = false} : vector<256x16xbf16>, vector<2048x16xbf16>, vector<256x2048xf32> -> vector<256x2048xf32>
    %mul3A_59 = arith.constant 2.500000e-01 : f32
    %mul3A_60 = vector.broadcast %mul3A_59 : f32 to vector<256x2048xf32>
    %mul3A_61 = arith.mulf %dot_general3A_58, %mul3A_60 : vector<256x2048xf32>
    %add3A_62 = arith.addf %add3A_52, %mul3A_61 : vector<256x2048xf32>
    %slice3A_63 = vector.extract_strided_slice %get3A_8 {offsets = [192, 0], sizes = [16, 256], strides = [1, 1]} : vector<256x256xbf16> to vector<16x256xbf16>
    %transpose3A_64 = tpu.transpose %slice3A_63, [1, 0] : vector<16x256xbf16> -> vector<256x16xbf16>
    %slice3A_65 = vector.extract_strided_slice %get3A_3 {offsets = [208, 0], sizes = [16, 2048], strides = [1, 1]} : vector<256x2048xbf16> to vector<16x2048xbf16>
    %transpose3A_66 = tpu.transpose %slice3A_65, [1, 0] : vector<16x2048xbf16> -> vector<2048x16xbf16>
    %dot_general3A_67 = arith.constant dense<0.000000e+00> : vector<256x2048xf32>
    %dot_general3A_68 = tpu.matmul %transpose3A_64, %transpose3A_66, %dot_general3A_67 {dimension_numbers = #tpu.dot_dimension_numbers<[1], [1], [0], [0], [0, 0, 1, 0], [], []>, transpose_lhs_hint = false} : vector<256x16xbf16>, vector<2048x16xbf16>, vector<256x2048xf32> -> vector<256x2048xf32>
    %mul3A_69 = arith.constant 2.500000e-01 : f32
    %mul3A_70 = vector.broadcast %mul3A_69 : f32 to vector<256x2048xf32>
    %mul3A_71 = arith.mulf %dot_general3A_68, %mul3A_70 : vector<256x2048xf32>
    %add3A_72 = arith.addf %add3A_62, %mul3A_71 : vector<256x2048xf32>
    %slice3A_73 = vector.extract_strided_slice %get3A_8 {offsets = [224, 0], sizes = [16, 256], strides = [1, 1]} : vector<256x256xbf16> to vector<16x256xbf16>
    %transpose3A_74 = tpu.transpose %slice3A_73, [1, 0] : vector<16x256xbf16> -> vector<256x16xbf16>
    %slice3A_75 = vector.extract_strided_slice %get3A_3 {offsets = [240, 0], sizes = [16, 2048], strides = [1, 1]} : vector<256x2048xbf16> to vector<16x2048xbf16>
    %transpose3A_76 = tpu.transpose %slice3A_75, [1, 0] : vector<16x2048xbf16> -> vector<2048x16xbf16>
    %dot_general3A_77 = arith.constant dense<0.000000e+00> : vector<256x2048xf32>
    %dot_general3A_78 = tpu.matmul %transpose3A_74, %transpose3A_76, %dot_general3A_77 {dimension_numbers = #tpu.dot_dimension_numbers<[1], [1], [0], [0], [0, 0, 1, 0], [], []>, transpose_lhs_hint = false} : vector<256x16xbf16>, vector<2048x16xbf16>, vector<256x2048xf32> -> vector<256x2048xf32>
    %mul3A_79 = arith.constant 2.500000e-01 : f32
    %mul3A_80 = vector.broadcast %mul3A_79 : f32 to vector<256x2048xf32>
    %mul3A_81 = arith.mulf %dot_general3A_78, %mul3A_80 : vector<256x2048xf32>
    %add3A_82 = arith.addf %add3A_72, %mul3A_81 : vector<256x2048xf32>
    %slice3A_83 = vector.extract_strided_slice %add3A_82 {offsets = [0, 0], sizes = [256, 128], strides = [1, 1]} : vector<256x2048xf32> to vector<256x128xf32>
    %mul3A_84 = arith.constant 1.250000e-01 : f32
    %mul3A_85 = vector.broadcast %mul3A_84 : f32 to vector<256x128xf32>
    %mul3A_86 = arith.mulf %slice3A_83, %mul3A_85 : vector<256x128xf32>
    %slice3A_87 = vector.extract_strided_slice %add3A_82 {offsets = [0, 128], sizes = [256, 128], strides = [1, 1]} : vector<256x2048xf32> to vector<256x128xf32>
    %mul3A_88 = arith.constant 1.250000e-01 : f32
    %mul3A_89 = vector.broadcast %mul3A_88 : f32 to vector<256x128xf32>
    %mul3A_90 = arith.mulf %slice3A_87, %mul3A_89 : vector<256x128xf32>
    %add3A_91 = arith.addf %mul3A_86, %mul3A_90 : vector<256x128xf32>
    %slice3A_92 = vector.extract_strided_slice %add3A_82 {offsets = [0, 256], sizes = [256, 128], strides = [1, 1]} : vector<256x2048xf32> to vector<256x128xf32>
    %mul3A_93 = arith.constant 1.250000e-01 : f32
    %mul3A_94 = vector.broadcast %mul3A_93 : f32 to vector<256x128xf32>
    %mul3A_95 = arith.mulf %slice3A_92, %mul3A_94 : vector<256x128xf32>
    %add3A_96 = arith.addf %add3A_91, %mul3A_95 : vector<256x128xf32>
    %slice3A_97 = vector.extract_strided_slice %add3A_82 {offsets = [0, 384], sizes = [256, 128], strides = [1, 1]} : vector<256x2048xf32> to vector<256x128xf32>
    %mul3A_98 = arith.constant 1.250000e-01 : f32
    %mul3A_99 = vector.broadcast %mul3A_98 : f32 to vector<256x128xf32>
    %mul3A_100 = arith.mulf %slice3A_97, %mul3A_99 : vector<256x128xf32>
    %add3A_101 = arith.addf %add3A_96, %mul3A_100 : vector<256x128xf32>
    %slice3A_102 = vector.extract_strided_slice %add3A_82 {offsets = [0, 512], sizes = [256, 128], strides = [1, 1]} : vector<256x2048xf32> to vector<256x128xf32>
    %mul3A_103 = arith.constant 1.250000e-01 : f32
    %mul3A_104 = vector.broadcast %mul3A_103 : f32 to vector<256x128xf32>
    %mul3A_105 = arith.mulf %slice3A_102, %mul3A_104 : vector<256x128xf32>
    %add3A_106 = arith.addf %add3A_101, %mul3A_105 : vector<256x128xf32>
    %slice3A_107 = vector.extract_strided_slice %add3A_82 {offsets = [0, 640], sizes = [256, 128], strides = [1, 1]} : vector<256x2048xf32> to vector<256x128xf32>
    %mul3A_108 = arith.constant 1.250000e-01 : f32
    %mul3A_109 = vector.broadcast %mul3A_108 : f32 to vector<256x128xf32>
    %mul3A_110 = arith.mulf %slice3A_107, %mul3A_109 : vector<256x128xf32>
    %add3A_111 = arith.addf %add3A_106, %mul3A_110 : vector<256x128xf32>
    %slice3A_112 = vector.extract_strided_slice %add3A_82 {offsets = [0, 768], sizes = [256, 128], strides = [1, 1]} : vector<256x2048xf32> to vector<256x128xf32>
    %mul3A_113 = arith.constant 1.250000e-01 : f32
    %mul3A_114 = vector.broadcast %mul3A_113 : f32 to vector<256x128xf32>
    %mul3A_115 = arith.mulf %slice3A_112, %mul3A_114 : vector<256x128xf32>
    %add3A_116 = arith.addf %add3A_111, %mul3A_115 : vector<256x128xf32>
    %slice3A_117 = vector.extract_strided_slice %add3A_82 {offsets = [0, 896], sizes = [256, 128], strides = [1, 1]} : vector<256x2048xf32> to vector<256x128xf32>
    %mul3A_118 = arith.constant 1.250000e-01 : f32
    %mul3A_119 = vector.broadcast %mul3A_118 : f32 to vector<256x128xf32>
    %mul3A_120 = arith.mulf %slice3A_117, %mul3A_119 : vector<256x128xf32>
    %add3A_121 = arith.addf %add3A_116, %mul3A_120 : vector<256x128xf32>
    %slice3A_122 = vector.extract_strided_slice %add3A_82 {offsets = [0, 1024], sizes = [256, 128], strides = [1, 1]} : vector<256x2048xf32> to vector<256x128xf32>
    %mul3A_123 = arith.constant 1.250000e-01 : f32
    %mul3A_124 = vector.broadcast %mul3A_123 : f32 to vector<256x128xf32>
    %mul3A_125 = arith.mulf %slice3A_122, %mul3A_124 : vector<256x128xf32>
    %add3A_126 = arith.addf %add3A_121, %mul3A_125 : vector<256x128xf32>
    %slice3A_127 = vector.extract_strided_slice %add3A_82 {offsets = [0, 1152], sizes = [256, 128], strides = [1, 1]} : vector<256x2048xf32> to vector<256x128xf32>
    %mul3A_128 = arith.constant 1.250000e-01 : f32
    %mul3A_129 = vector.broadcast %mul3A_128 : f32 to vector<256x128xf32>
    %mul3A_130 = arith.mulf %slice3A_127, %mul3A_129 : vector<256x128xf32>
    %add3A_131 = arith.addf %add3A_126, %mul3A_130 : vector<256x128xf32>
    %slice3A_132 = vector.extract_strided_slice %add3A_82 {offsets = [0, 1280], sizes = [256, 128], strides = [1, 1]} : vector<256x2048xf32> to vector<256x128xf32>
    %mul3A_133 = arith.constant 1.250000e-01 : f32
    %mul3A_134 = vector.broadcast %mul3A_133 : f32 to vector<256x128xf32>
    %mul3A_135 = arith.mulf %slice3A_132, %mul3A_134 : vector<256x128xf32>
    %add3A_136 = arith.addf %add3A_131, %mul3A_135 : vector<256x128xf32>
    %slice3A_137 = vector.extract_strided_slice %add3A_82 {offsets = [0, 1408], sizes = [256, 128], strides = [1, 1]} : vector<256x2048xf32> to vector<256x128xf32>
    %mul3A_138 = arith.constant 1.250000e-01 : f32
    %mul3A_139 = vector.broadcast %mul3A_138 : f32 to vector<256x128xf32>
    %mul3A_140 = arith.mulf %slice3A_137, %mul3A_139 : vector<256x128xf32>
    %add3A_141 = arith.addf %add3A_136, %mul3A_140 : vector<256x128xf32>
    %slice3A_142 = vector.extract_strided_slice %add3A_82 {offsets = [0, 1536], sizes = [256, 128], strides = [1, 1]} : vector<256x2048xf32> to vector<256x128xf32>
    %mul3A_143 = arith.constant 1.250000e-01 : f32
    %mul3A_144 = vector.broadcast %mul3A_143 : f32 to vector<256x128xf32>
    %mul3A_145 = arith.mulf %slice3A_142, %mul3A_144 : vector<256x128xf32>
    %add3A_146 = arith.addf %add3A_141, %mul3A_145 : vector<256x128xf32>
    %slice3A_147 = vector.extract_strided_slice %add3A_82 {offsets = [0, 1664], sizes = [256, 128], strides = [1, 1]} : vector<256x2048xf32> to vector<256x128xf32>
    %mul3A_148 = arith.constant 1.250000e-01 : f32
    %mul3A_149 = vector.broadcast %mul3A_148 : f32 to vector<256x128xf32>
    %mul3A_150 = arith.mulf %slice3A_147, %mul3A_149 : vector<256x128xf32>
    %add3A_151 = arith.addf %add3A_146, %mul3A_150 : vector<256x128xf32>
    %slice3A_152 = vector.extract_strided_slice %add3A_82 {offsets = [0, 1792], sizes = [256, 128], strides = [1, 1]} : vector<256x2048xf32> to vector<256x128xf32>
    %mul3A_153 = arith.constant 1.250000e-01 : f32
    %mul3A_154 = vector.broadcast %mul3A_153 : f32 to vector<256x128xf32>
    %mul3A_155 = arith.mulf %slice3A_152, %mul3A_154 : vector<256x128xf32>
    %add3A_156 = arith.addf %add3A_151, %mul3A_155 : vector<256x128xf32>
    %slice3A_157 = vector.extract_strided_slice %add3A_82 {offsets = [0, 1920], sizes = [256, 128], strides = [1, 1]} : vector<256x2048xf32> to vector<256x128xf32>
    %mul3A_158 = arith.constant 1.250000e-01 : f32
    %mul3A_159 = vector.broadcast %mul3A_158 : f32 to vector<256x128xf32>
    %mul3A_160 = arith.mulf %slice3A_157, %mul3A_159 : vector<256x128xf32>
    %add3A_161 = arith.addf %add3A_156, %mul3A_160 : vector<256x128xf32>
    %slice3A_162 = vector.extract_strided_slice %add3A_161 {offsets = [0, 0], sizes = [256, 8], strides = [1, 1]} : vector<256x128xf32> to vector<256x8xf32>
    %slice3A_163 = vector.extract_strided_slice %add3A_161 {offsets = [0, 8], sizes = [256, 8], strides = [1, 1]} : vector<256x128xf32> to vector<256x8xf32>
    %add3A_164 = arith.addf %slice3A_162, %slice3A_163 : vector<256x8xf32>
    %slice3A_165 = vector.extract_strided_slice %add3A_161 {offsets = [0, 16], sizes = [256, 8], strides = [1, 1]} : vector<256x128xf32> to vector<256x8xf32>
    %add3A_166 = arith.addf %add3A_164, %slice3A_165 : vector<256x8xf32>
    %slice3A_167 = vector.extract_strided_slice %add3A_161 {offsets = [0, 24], sizes = [256, 8], strides = [1, 1]} : vector<256x128xf32> to vector<256x8xf32>
    %add3A_168 = arith.addf %add3A_166, %slice3A_167 : vector<256x8xf32>
    %slice3A_169 = vector.extract_strided_slice %add3A_161 {offsets = [0, 32], sizes = [256, 8], strides = [1, 1]} : vector<256x128xf32> to vector<256x8xf32>
    %add3A_170 = arith.addf %add3A_168, %slice3A_169 : vector<256x8xf32>
    %slice3A_171 = vector.extract_strided_slice %add3A_161 {offsets = [0, 40], sizes = [256, 8], strides = [1, 1]} : vector<256x128xf32> to vector<256x8xf32>
    %add3A_172 = arith.addf %add3A_170, %slice3A_171 : vector<256x8xf32>
    %slice3A_173 = vector.extract_strided_slice %add3A_161 {offsets = [0, 48], sizes = [256, 8], strides = [1, 1]} : vector<256x128xf32> to vector<256x8xf32>
    %add3A_174 = arith.addf %add3A_172, %slice3A_173 : vector<256x8xf32>
    %slice3A_175 = vector.extract_strided_slice %add3A_161 {offsets = [0, 56], sizes = [256, 8], strides = [1, 1]} : vector<256x128xf32> to vector<256x8xf32>
    %add3A_176 = arith.addf %add3A_174, %slice3A_175 : vector<256x8xf32>
    %slice3A_177 = vector.extract_strided_slice %add3A_161 {offsets = [0, 64], sizes = [256, 8], strides = [1, 1]} : vector<256x128xf32> to vector<256x8xf32>
    %add3A_178 = arith.addf %add3A_176, %slice3A_177 : vector<256x8xf32>
    %slice3A_179 = vector.extract_strided_slice %add3A_161 {offsets = [0, 72], sizes = [256, 8], strides = [1, 1]} : vector<256x128xf32> to vector<256x8xf32>
    %add3A_180 = arith.addf %add3A_178, %slice3A_179 : vector<256x8xf32>
    %slice3A_181 = vector.extract_strided_slice %add3A_161 {offsets = [0, 80], sizes = [256, 8], strides = [1, 1]} : vector<256x128xf32> to vector<256x8xf32>
    %add3A_182 = arith.addf %add3A_180, %slice3A_181 : vector<256x8xf32>
    %slice3A_183 = vector.extract_strided_slice %add3A_161 {offsets = [0, 88], sizes = [256, 8], strides = [1, 1]} : vector<256x128xf32> to vector<256x8xf32>
    %add3A_184 = arith.addf %add3A_182, %slice3A_183 : vector<256x8xf32>
    %slice3A_185 = vector.extract_strided_slice %add3A_161 {offsets = [0, 96], sizes = [256, 8], strides = [1, 1]} : vector<256x128xf32> to vector<256x8xf32>
    %add3A_186 = arith.addf %add3A_184, %slice3A_185 : vector<256x8xf32>
    %slice3A_187 = vector.extract_strided_slice %add3A_161 {offsets = [0, 104], sizes = [256, 8], strides = [1, 1]} : vector<256x128xf32> to vector<256x8xf32>
    %add3A_188 = arith.addf %add3A_186, %slice3A_187 : vector<256x8xf32>
    %slice3A_189 = vector.extract_strided_slice %add3A_161 {offsets = [0, 112], sizes = [256, 8], strides = [1, 1]} : vector<256x128xf32> to vector<256x8xf32>
    %add3A_190 = arith.addf %add3A_188, %slice3A_189 : vector<256x8xf32>
    %slice3A_191 = vector.extract_strided_slice %add3A_161 {offsets = [0, 120], sizes = [256, 8], strides = [1, 1]} : vector<256x128xf32> to vector<256x8xf32>
    %add3A_192 = arith.addf %add3A_190, %slice3A_191 : vector<256x8xf32>
    %slice3A_193 = vector.extract_strided_slice %add3A_192 {offsets = [0, 0], sizes = [256, 4], strides = [1, 1]} : vector<256x8xf32> to vector<256x4xf32>
    %slice3A_194 = vector.extract_strided_slice %add3A_192 {offsets = [0, 4], sizes = [256, 4], strides = [1, 1]} : vector<256x8xf32> to vector<256x4xf32>
    %add3A_195 = arith.addf %slice3A_193, %slice3A_194 : vector<256x4xf32>
    %slice3A_196 = vector.extract_strided_slice %add3A_195 {offsets = [0, 0], sizes = [256, 2], strides = [1, 1]} : vector<256x4xf32> to vector<256x2xf32>
    %slice3A_197 = vector.extract_strided_slice %add3A_195 {offsets = [0, 2], sizes = [256, 2], strides = [1, 1]} : vector<256x4xf32> to vector<256x2xf32>
    %add3A_198 = arith.addf %slice3A_196, %slice3A_197 : vector<256x2xf32>
    %slice3A_199 = vector.extract_strided_slice %add3A_198 {offsets = [0, 0], sizes = [256, 1], strides = [1, 1]} : vector<256x2xf32> to vector<256x1xf32>
    %slice3A_200 = vector.extract_strided_slice %add3A_198 {offsets = [0, 1], sizes = [256, 1], strides = [1, 1]} : vector<256x2xf32> to vector<256x1xf32>
    %add3A_201 = arith.addf %slice3A_199, %slice3A_200 : vector<256x1xf32>
    %mul3A_202 = arith.constant 4.8828125E-4 : f32
    %mul3A_203 = vector.broadcast %mul3A_202 : f32 to vector<256x1xf32>
    %mul3A_204 = arith.mulf %add3A_201, %mul3A_203 : vector<256x1xf32>
    %swap3A = arith.constant 0 : index
    %swap3A_205 = arith.constant 0 : index
    %swap3A_206 = arith.constant 0 : index
    %swap3A_207 = vector.load %arg4[%swap3A, %swap3A_205, %swap3A_206] : memref<1x256x1xf32, #tpu.memory_space<vmem>>, vector<1x256x1xf32>
    %swap3A_208 = vector.shape_cast %swap3A_207 : vector<1x256x1xf32> to vector<256x1xf32>
    %swap3A_209 = vector.shape_cast %mul3A_204 : vector<256x1xf32> to vector<1x256x1xf32>
    tpu.vector_store %arg4[%swap3A, %swap3A_205, %swap3A_206], %swap3A_209 {strides = array<i32>} : memref<1x256x1xf32, #tpu.memory_space<vmem>>, vector<1x256x1xf32>,
    return
  }
  func.func @transform_0(%arg0: i32, %arg1: i32) -> (i32, i32, i32) {
    %c0_i32 = arith.constant 0 : i32
    %c0_i32_0 = arith.constant 0 : i32
    return %arg0, %c0_i32, %arg1 : i32, i32, i32
  }
  func.func @transform_1(%arg0: i32, %arg1: i32) -> (i32, i32, i32) {
    %c0_i32 = arith.constant 0 : i32
    %c0_i32_0 = arith.constant 0 : i32
    %c0_i32_1 = arith.constant 0 : i32
    return %arg0, %c0_i32, %c0_i32_0 : i32, i32, i32
  }
  func.func @transform_2(%arg0: i32, %arg1: i32) -> (i32, i32, i32) {
    %c0_i32 = arith.constant 0 : i32
    %c0_i32_0 = arith.constant 0 : i32
    return %arg0, %arg1, %c0_i32 : i32, i32, i32
  }
}

module attributes {stable_mosaic.version = 14 : i64} {
  func.func @_sort_kernel(%arg0: i32, %arg1: memref<8x2048xf32, #tpu.memory_space<vmem>>, %arg2: memref<8x512xi32, #tpu.memory_space<vmem>>, %arg3: memref<8x512xf32, #tpu.memory_space<vmem>>) attributes {dimension_semantics = [#tpu.dimension_semantics<arbitrary>], iteration_bounds = array<i64: 1>, scalar_prefetch = 0 : i64, scratch_operands = 0 : i64, tpu.core_type = #tpu.core_type<tc>, window_params = [{pipeline_mode = #tpu.pipeline_mode<synchronous>, transform_indices = @transform_0, window_bounds = array<i64: 8, 2048>}, {pipeline_mode = #tpu.pipeline_mode<synchronous>, transform_indices = @transform_1, window_bounds = array<i64: 8, 512>}, {pipeline_mode = #tpu.pipeline_mode<synchronous>, transform_indices = @transform_2, window_bounds = array<i64: 8, 512>}]} {
    %get3A = arith.constant 0 : index
    %get3A_0 = arith.constant 0 : index
    %get3A_1 = vector.load %arg1[%get3A, %get3A_0] : memref<8x2048xf32, #tpu.memory_space<vmem>>, vector<8x2048xf32>
    %iota3A = tpu.iota {dimensions = array<i32: 1>} : vector<8x2048xi32>
    %and3A = arith.constant 1 : i32
    %and3A_2 = vector.broadcast %and3A : i32 to vector<8x2048xi32>
    %and3A_3 = arith.andi %iota3A, %and3A_2 : vector<8x2048xi32>
    %eq3A = arith.constant 0 : i32
    %eq3A_4 = vector.broadcast %eq3A : i32 to vector<8x2048xi32>
    %eq3A_5 = arith.cmpi eq, %and3A_3, %eq3A_4 : vector<8x2048xi32>
    %slice3A = vector.extract_strided_slice %get3A_1 {offsets = [0, 1], sizes = [8, 2047], strides = [1, 1]} : vector<8x2048xf32> to vector<8x2047xf32>
    %slice3A_6 = vector.extract_strided_slice %get3A_1 {offsets = [0, 0], sizes = [8, 1], strides = [1, 1]} : vector<8x2048xf32> to vector<8x1xf32>
    %concatenate3A = tpu.concatenate %slice3A, %slice3A_6 in 1 : vector<8x2047xf32>, vector<8x1xf32> -> vector<8x2048xf32>
    %slice3A_7 = vector.extract_strided_slice %get3A_1 {offsets = [0, 2047], sizes = [8, 1], strides = [1, 1]} : vector<8x2048xf32> to vector<8x1xf32>
    %slice3A_8 = vector.extract_strided_slice %get3A_1 {offsets = [0, 0], sizes = [8, 2047], strides = [1, 1]} : vector<8x2048xf32> to vector<8x2047xf32>
    %concatenate3A_9 = tpu.concatenate %slice3A_7, %slice3A_8 in 1 : vector<8x1xf32>, vector<8x2047xf32> -> vector<8x2048xf32>
    %select_n3A = arith.select %eq3A_5, %concatenate3A, %concatenate3A_9 : vector<8x2048xi1>, vector<8x2048xf32>
    %and3A_10 = arith.constant 1 : i32
    %and3A_11 = vector.broadcast %and3A_10 : i32 to vector<8x2048xi32>
    %and3A_12 = arith.andi %iota3A, %and3A_11 : vector<8x2048xi32>
    %eq3A_13 = arith.constant 0 : i32
    %eq3A_14 = vector.broadcast %eq3A_13 : i32 to vector<8x2048xi32>
    %eq3A_15 = arith.cmpi eq, %and3A_12, %eq3A_14 : vector<8x2048xi32>
    %slice3A_16 = vector.extract_strided_slice %iota3A {offsets = [0, 1], sizes = [8, 2047], strides = [1, 1]} : vector<8x2048xi32> to vector<8x2047xi32>
    %slice3A_17 = vector.extract_strided_slice %iota3A {offsets = [0, 0], sizes = [8, 1], strides = [1, 1]} : vector<8x2048xi32> to vector<8x1xi32>
    %concatenate3A_18 = tpu.concatenate %slice3A_16, %slice3A_17 in 1 : vector<8x2047xi32>, vector<8x1xi32> -> vector<8x2048xi32>
    %slice3A_19 = vector.extract_strided_slice %iota3A {offsets = [0, 2047], sizes = [8, 1], strides = [1, 1]} : vector<8x2048xi32> to vector<8x1xi32>
    %slice3A_20 = vector.extract_strided_slice %iota3A {offsets = [0, 0], sizes = [8, 2047], strides = [1, 1]} : vector<8x2048xi32> to vector<8x2047xi32>
    %concatenate3A_21 = tpu.concatenate %slice3A_19, %slice3A_20 in 1 : vector<8x1xi32>, vector<8x2047xi32> -> vector<8x2048xi32>
    %select_n3A_22 = arith.select %eq3A_15, %concatenate3A_18, %concatenate3A_21 : vector<8x2048xi1>, vector<8x2048xi32>
    %gt3A = arith.cmpf ogt, %get3A_1, %select_n3A : vector<8x2048xf32>
    %eq3A_23 = arith.cmpf oeq, %get3A_1, %select_n3A : vector<8x2048xf32>
    %lt3A = arith.cmpi slt, %iota3A, %select_n3A_22 : vector<8x2048xi32>
    %and3A_24 = arith.andi %eq3A_23, %lt3A : vector<8x2048xi1>
    %or3A = arith.ori %gt3A, %and3A_24 : vector<8x2048xi1>
    %and3A_25 = arith.constant 1 : i32
    %and3A_26 = vector.broadcast %and3A_25 : i32 to vector<8x2048xi32>
    %and3A_27 = arith.andi %iota3A, %and3A_26 : vector<8x2048xi32>
    %eq3A_28 = arith.constant 0 : i32
    %eq3A_29 = vector.broadcast %eq3A_28 : i32 to vector<8x2048xi32>
    %eq3A_30 = arith.cmpi eq, %and3A_27, %eq3A_29 : vector<8x2048xi32>
    %and3A_31 = arith.constant 2 : i32
    %and3A_32 = vector.broadcast %and3A_31 : i32 to vector<8x2048xi32>
    %and3A_33 = arith.andi %iota3A, %and3A_32 : vector<8x2048xi32>
    %eq3A_34 = arith.constant 0 : i32
    %eq3A_35 = vector.broadcast %eq3A_34 : i32 to vector<8x2048xi32>
    %eq3A_36 = arith.cmpi eq, %and3A_33, %eq3A_35 : vector<8x2048xi32>
    %eq3A_37 = arith.xori %eq3A_30, %eq3A_36 : vector<8x2048xi1>
    %eq3A_38 = arith.constant dense<true> : vector<8x2048xi1>
    %eq3A_39 = arith.xori %eq3A_37, %eq3A_38 : vector<8x2048xi1>
    %eq3A_40 = arith.xori %eq3A_39, %or3A : vector<8x2048xi1>
    %eq3A_41 = arith.constant dense<true> : vector<8x2048xi1>
    %eq3A_42 = arith.xori %eq3A_40, %eq3A_41 : vector<8x2048xi1>
    %select_n3A_43 = arith.select %eq3A_42, %get3A_1, %select_n3A : vector<8x2048xi1>, vector<8x2048xf32>
    %select_n3A_44 = arith.select %eq3A_42, %iota3A, %select_n3A_22 : vector<8x2048xi1>, vector<8x2048xi32>
    %and3A_45 = arith.constant 2 : i32
    %and3A_46 = vector.broadcast %and3A_45 : i32 to vector<8x2048xi32>
    %and3A_47 = arith.andi %iota3A, %and3A_46 : vector<8x2048xi32>
    %eq3A_48 = arith.constant 0 : i32
    %eq3A_49 = vector.broadcast %eq3A_48 : i32 to vector<8x2048xi32>
    %eq3A_50 = arith.cmpi eq, %and3A_47, %eq3A_49 : vector<8x2048xi32>
    %slice3A_51 = vector.extract_strided_slice %select_n3A_43 {offsets = [0, 2], sizes = [8, 2046], strides = [1, 1]} : vector<8x2048xf32> to vector<8x2046xf32>
    %slice3A_52 = vector.extract_strided_slice %select_n3A_43 {offsets = [0, 0], sizes = [8, 2], strides = [1, 1]} : vector<8x2048xf32> to vector<8x2xf32>
    %concatenate3A_53 = tpu.concatenate %slice3A_51, %slice3A_52 in 1 : vector<8x2046xf32>, vector<8x2xf32> -> vector<8x2048xf32>
    %slice3A_54 = vector.extract_strided_slice %select_n3A_43 {offsets = [0, 2046], sizes = [8, 2], strides = [1, 1]} : vector<8x2048xf32> to vector<8x2xf32>
    %slice3A_55 = vector.extract_strided_slice %select_n3A_43 {offsets = [0, 0], sizes = [8, 2046], strides = [1, 1]} : vector<8x2048xf32> to vector<8x2046xf32>
    %concatenate3A_56 = tpu.concatenate %slice3A_54, %slice3A_55 in 1 : vector<8x2xf32>, vector<8x2046xf32> -> vector<8x2048xf32>
    %select_n3A_57 = arith.select %eq3A_50, %concatenate3A_53, %concatenate3A_56 : vector<8x2048xi1>, vector<8x2048xf32>
    %and3A_58 = arith.constant 2 : i32
    %and3A_59 = vector.broadcast %and3A_58 : i32 to vector<8x2048xi32>
    %and3A_60 = arith.andi %iota3A, %and3A_59 : vector<8x2048xi32>
    %eq3A_61 = arith.constant 0 : i32
    %eq3A_62 = vector.broadcast %eq3A_61 : i32 to vector<8x2048xi32>
    %eq3A_63 = arith.cmpi eq, %and3A_60, %eq3A_62 : vector<8x2048xi32>
    %slice3A_64 = vector.extract_strided_slice %select_n3A_44 {offsets = [0, 2], sizes = [8, 2046], strides = [1, 1]} : vector<8x2048xi32> to vector<8x2046xi32>
    %slice3A_65 = vector.extract_strided_slice %select_n3A_44 {offsets = [0, 0], sizes = [8, 2], strides = [1, 1]} : vector<8x2048xi32> to vector<8x2xi32>
    %concatenate3A_66 = tpu.concatenate %slice3A_64, %slice3A_65 in 1 : vector<8x2046xi32>, vector<8x2xi32> -> vector<8x2048xi32>
    %slice3A_67 = vector.extract_strided_slice %select_n3A_44 {offsets = [0, 2046], sizes = [8, 2], strides = [1, 1]} : vector<8x2048xi32> to vector<8x2xi32>
    %slice3A_68 = vector.extract_strided_slice %select_n3A_44 {offsets = [0, 0], sizes = [8, 2046], strides = [1, 1]} : vector<8x2048xi32> to vector<8x2046xi32>
    %concatenate3A_69 = tpu.concatenate %slice3A_67, %slice3A_68 in 1 : vector<8x2xi32>, vector<8x2046xi32> -> vector<8x2048xi32>
    %select_n3A_70 = arith.select %eq3A_63, %concatenate3A_66, %concatenate3A_69 : vector<8x2048xi1>, vector<8x2048xi32>
    %gt3A_71 = arith.cmpf ogt, %select_n3A_43, %select_n3A_57 : vector<8x2048xf32>
    %eq3A_72 = arith.cmpf oeq, %select_n3A_43, %select_n3A_57 : vector<8x2048xf32>
    %lt3A_73 = arith.cmpi slt, %select_n3A_44, %select_n3A_70 : vector<8x2048xi32>
    %and3A_74 = arith.andi %eq3A_72, %lt3A_73 : vector<8x2048xi1>
    %or3A_75 = arith.ori %gt3A_71, %and3A_74 : vector<8x2048xi1>
    %and3A_76 = arith.constant 2 : i32
    %and3A_77 = vector.broadcast %and3A_76 : i32 to vector<8x2048xi32>
    %and3A_78 = arith.andi %iota3A, %and3A_77 : vector<8x2048xi32>
    %eq3A_79 = arith.constant 0 : i32
    %eq3A_80 = vector.broadcast %eq3A_79 : i32 to vector<8x2048xi32>
    %eq3A_81 = arith.cmpi eq, %and3A_78, %eq3A_80 : vector<8x2048xi32>
    %and3A_82 = arith.constant 4 : i32
    %and3A_83 = vector.broadcast %and3A_82 : i32 to vector<8x2048xi32>
    %and3A_84 = arith.andi %iota3A, %and3A_83 : vector<8x2048xi32>
    %eq3A_85 = arith.constant 0 : i32
    %eq3A_86 = vector.broadcast %eq3A_85 : i32 to vector<8x2048xi32>
    %eq3A_87 = arith.cmpi eq, %and3A_84, %eq3A_86 : vector<8x2048xi32>
    %eq3A_88 = arith.xori %eq3A_81, %eq3A_87 : vector<8x2048xi1>
    %eq3A_89 = arith.constant dense<true> : vector<8x2048xi1>
    %eq3A_90 = arith.xori %eq3A_88, %eq3A_89 : vector<8x2048xi1>
    %eq3A_91 = arith.xori %eq3A_90, %or3A_75 : vector<8x2048xi1>
    %eq3A_92 = arith.constant dense<true> : vector<8x2048xi1>
    %eq3A_93 = arith.xori %eq3A_91, %eq3A_92 : vector<8x2048xi1>
    %select_n3A_94 = arith.select %eq3A_93, %select_n3A_43, %select_n3A_57 : vector<8x2048xi1>, vector<8x2048xf32>
    %select_n3A_95 = arith.select %eq3A_93, %select_n3A_44, %select_n3A_70 : vector<8x2048xi1>, vector<8x2048xi32>
    %and3A_96 = arith.constant 1 : i32
    %and3A_97 = vector.broadcast %and3A_96 : i32 to vector<8x2048xi32>
    %and3A_98 = arith.andi %iota3A, %and3A_97 : vector<8x2048xi32>
    %eq3A_99 = arith.constant 0 : i32
    %eq3A_100 = vector.broadcast %eq3A_99 : i32 to vector<8x2048xi32>
    %eq3A_101 = arith.cmpi eq, %and3A_98, %eq3A_100 : vector<8x2048xi32>
    %slice3A_102 = vector.extract_strided_slice %select_n3A_94 {offsets = [0, 1], sizes = [8, 2047], strides = [1, 1]} : vector<8x2048xf32> to vector<8x2047xf32>
    %slice3A_103 = vector.extract_strided_slice %select_n3A_94 {offsets = [0, 0], sizes = [8, 1], strides = [1, 1]} : vector<8x2048xf32> to vector<8x1xf32>
    %concatenate3A_104 = tpu.concatenate %slice3A_102, %slice3A_103 in 1 : vector<8x2047xf32>, vector<8x1xf32> -> vector<8x2048xf32>
    %slice3A_105 = vector.extract_strided_slice %select_n3A_94 {offsets = [0, 2047], sizes = [8, 1], strides = [1, 1]} : vector<8x2048xf32> to vector<8x1xf32>
    %slice3A_106 = vector.extract_strided_slice %select_n3A_94 {offsets = [0, 0], sizes = [8, 2047], strides = [1, 1]} : vector<8x2048xf32> to vector<8x2047xf32>
    %concatenate3A_107 = tpu.concatenate %slice3A_105, %slice3A_106 in 1 : vector<8x1xf32>, vector<8x2047xf32> -> vector<8x2048xf32>
    %select_n3A_108 = arith.select %eq3A_101, %concatenate3A_104, %concatenate3A_107 : vector<8x2048xi1>, vector<8x2048xf32>
    %and3A_109 = arith.constant 1 : i32
    %and3A_110 = vector.broadcast %and3A_109 : i32 to vector<8x2048xi32>
    %and3A_111 = arith.andi %iota3A, %and3A_110 : vector<8x2048xi32>
    %eq3A_112 = arith.constant 0 : i32
    %eq3A_113 = vector.broadcast %eq3A_112 : i32 to vector<8x2048xi32>
    %eq3A_114 = arith.cmpi eq, %and3A_111, %eq3A_113 : vector<8x2048xi32>
    %slice3A_115 = vector.extract_strided_slice %select_n3A_95 {offsets = [0, 1], sizes = [8, 2047], strides = [1, 1]} : vector<8x2048xi32> to vector<8x2047xi32>
    %slice3A_116 = vector.extract_strided_slice %select_n3A_95 {offsets = [0, 0], sizes = [8, 1], strides = [1, 1]} : vector<8x2048xi32> to vector<8x1xi32>
    %concatenate3A_117 = tpu.concatenate %slice3A_115, %slice3A_116 in 1 : vector<8x2047xi32>, vector<8x1xi32> -> vector<8x2048xi32>
    %slice3A_118 = vector.extract_strided_slice %select_n3A_95 {offsets = [0, 2047], sizes = [8, 1], strides = [1, 1]} : vector<8x2048xi32> to vector<8x1xi32>
    %slice3A_119 = vector.extract_strided_slice %select_n3A_95 {offsets = [0, 0], sizes = [8, 2047], strides = [1, 1]} : vector<8x2048xi32> to vector<8x2047xi32>
    %concatenate3A_120 = tpu.concatenate %slice3A_118, %slice3A_119 in 1 : vector<8x1xi32>, vector<8x2047xi32> -> vector<8x2048xi32>
    %select_n3A_121 = arith.select %eq3A_114, %concatenate3A_117, %concatenate3A_120 : vector<8x2048xi1>, vector<8x2048xi32>
    %gt3A_122 = arith.cmpf ogt, %select_n3A_94, %select_n3A_108 : vector<8x2048xf32>
    %eq3A_123 = arith.cmpf oeq, %select_n3A_94, %select_n3A_108 : vector<8x2048xf32>
    %lt3A_124 = arith.cmpi slt, %select_n3A_95, %select_n3A_121 : vector<8x2048xi32>
    %and3A_125 = arith.andi %eq3A_123, %lt3A_124 : vector<8x2048xi1>
    %or3A_126 = arith.ori %gt3A_122, %and3A_125 : vector<8x2048xi1>
    %and3A_127 = arith.constant 1 : i32
    %and3A_128 = vector.broadcast %and3A_127 : i32 to vector<8x2048xi32>
    %and3A_129 = arith.andi %iota3A, %and3A_128 : vector<8x2048xi32>
    %eq3A_130 = arith.constant 0 : i32
    %eq3A_131 = vector.broadcast %eq3A_130 : i32 to vector<8x2048xi32>
    %eq3A_132 = arith.cmpi eq, %and3A_129, %eq3A_131 : vector<8x2048xi32>
    %and3A_133 = arith.constant 4 : i32
    %and3A_134 = vector.broadcast %and3A_133 : i32 to vector<8x2048xi32>
    %and3A_135 = arith.andi %iota3A, %and3A_134 : vector<8x2048xi32>
    %eq3A_136 = arith.constant 0 : i32
    %eq3A_137 = vector.broadcast %eq3A_136 : i32 to vector<8x2048xi32>
    %eq3A_138 = arith.cmpi eq, %and3A_135, %eq3A_137 : vector<8x2048xi32>
    %eq3A_139 = arith.xori %eq3A_132, %eq3A_138 : vector<8x2048xi1>
    %eq3A_140 = arith.constant dense<true> : vector<8x2048xi1>
    %eq3A_141 = arith.xori %eq3A_139, %eq3A_140 : vector<8x2048xi1>
    %eq3A_142 = arith.xori %eq3A_141, %or3A_126 : vector<8x2048xi1>
    %eq3A_143 = arith.constant dense<true> : vector<8x2048xi1>
    %eq3A_144 = arith.xori %eq3A_142, %eq3A_143 : vector<8x2048xi1>
    %select_n3A_145 = arith.select %eq3A_144, %select_n3A_94, %select_n3A_108 : vector<8x2048xi1>, vector<8x2048xf32>
    %select_n3A_146 = arith.select %eq3A_144, %select_n3A_95, %select_n3A_121 : vector<8x2048xi1>, vector<8x2048xi32>
    %and3A_147 = arith.constant 4 : i32
    %and3A_148 = vector.broadcast %and3A_147 : i32 to vector<8x2048xi32>
    %and3A_149 = arith.andi %iota3A, %and3A_148 : vector<8x2048xi32>
    %eq3A_150 = arith.constant 0 : i32
    %eq3A_151 = vector.broadcast %eq3A_150 : i32 to vector<8x2048xi32>
    %eq3A_152 = arith.cmpi eq, %and3A_149, %eq3A_151 : vector<8x2048xi32>
    %slice3A_153 = vector.extract_strided_slice %select_n3A_145 {offsets = [0, 4], sizes = [8, 2044], strides = [1, 1]} : vector<8x2048xf32> to vector<8x2044xf32>
    %slice3A_154 = vector.extract_strided_slice %select_n3A_145 {offsets = [0, 0], sizes = [8, 4], strides = [1, 1]} : vector<8x2048xf32> to vector<8x4xf32>
    %concatenate3A_155 = tpu.concatenate %slice3A_153, %slice3A_154 in 1 : vector<8x2044xf32>, vector<8x4xf32> -> vector<8x2048xf32>
    %slice3A_156 = vector.extract_strided_slice %select_n3A_145 {offsets = [0, 2044], sizes = [8, 4], strides = [1, 1]} : vector<8x2048xf32> to vector<8x4xf32>
    %slice3A_157 = vector.extract_strided_slice %select_n3A_145 {offsets = [0, 0], sizes = [8, 2044], strides = [1, 1]} : vector<8x2048xf32> to vector<8x2044xf32>
    %concatenate3A_158 = tpu.concatenate %slice3A_156, %slice3A_157 in 1 : vector<8x4xf32>, vector<8x2044xf32> -> vector<8x2048xf32>
    %select_n3A_159 = arith.select %eq3A_152, %concatenate3A_155, %concatenate3A_158 : vector<8x2048xi1>, vector<8x2048xf32>
    %and3A_160 = arith.constant 4 : i32
    %and3A_161 = vector.broadcast %and3A_160 : i32 to vector<8x2048xi32>
    %and3A_162 = arith.andi %iota3A, %and3A_161 : vector<8x2048xi32>
    %eq3A_163 = arith.constant 0 : i32
    %eq3A_164 = vector.broadcast %eq3A_163 : i32 to vector<8x2048xi32>
    %eq3A_165 = arith.cmpi eq, %and3A_162, %eq3A_164 : vector<8x2048xi32>
    %slice3A_166 = vector.extract_strided_slice %select_n3A_146 {offsets = [0, 4], sizes = [8, 2044], strides = [1, 1]} : vector<8x2048xi32> to vector<8x2044xi32>
    %slice3A_167 = vector.extract_strided_slice %select_n3A_146 {offsets = [0, 0], sizes = [8, 4], strides = [1, 1]} : vector<8x2048xi32> to vector<8x4xi32>
    %concatenate3A_168 = tpu.concatenate %slice3A_166, %slice3A_167 in 1 : vector<8x2044xi32>, vector<8x4xi32> -> vector<8x2048xi32>
    %slice3A_169 = vector.extract_strided_slice %select_n3A_146 {offsets = [0, 2044], sizes = [8, 4], strides = [1, 1]} : vector<8x2048xi32> to vector<8x4xi32>
    %slice3A_170 = vector.extract_strided_slice %select_n3A_146 {offsets = [0, 0], sizes = [8, 2044], strides = [1, 1]} : vector<8x2048xi32> to vector<8x2044xi32>
    %concatenate3A_171 = tpu.concatenate %slice3A_169, %slice3A_170 in 1 : vector<8x4xi32>, vector<8x2044xi32> -> vector<8x2048xi32>
    %select_n3A_172 = arith.select %eq3A_165, %concatenate3A_168, %concatenate3A_171 : vector<8x2048xi1>, vector<8x2048xi32>
    %gt3A_173 = arith.cmpf ogt, %select_n3A_145, %select_n3A_159 : vector<8x2048xf32>
    %eq3A_174 = arith.cmpf oeq, %select_n3A_145, %select_n3A_159 : vector<8x2048xf32>
    %lt3A_175 = arith.cmpi slt, %select_n3A_146, %select_n3A_172 : vector<8x2048xi32>
    %and3A_176 = arith.andi %eq3A_174, %lt3A_175 : vector<8x2048xi1>
    %or3A_177 = arith.ori %gt3A_173, %and3A_176 : vector<8x2048xi1>
    %and3A_178 = arith.constant 4 : i32
    %and3A_179 = vector.broadcast %and3A_178 : i32 to vector<8x2048xi32>
    %and3A_180 = arith.andi %iota3A, %and3A_179 : vector<8x2048xi32>
    %eq3A_181 = arith.constant 0 : i32
    %eq3A_182 = vector.broadcast %eq3A_181 : i32 to vector<8x2048xi32>
    %eq3A_183 = arith.cmpi eq, %and3A_180, %eq3A_182 : vector<8x2048xi32>
    %and3A_184 = arith.constant 8 : i32
    %and3A_185 = vector.broadcast %and3A_184 : i32 to vector<8x2048xi32>
    %and3A_186 = arith.andi %iota3A, %and3A_185 : vector<8x2048xi32>
    %eq3A_187 = arith.constant 0 : i32
    %eq3A_188 = vector.broadcast %eq3A_187 : i32 to vector<8x2048xi32>
    %eq3A_189 = arith.cmpi eq, %and3A_186, %eq3A_188 : vector<8x2048xi32>
    %eq3A_190 = arith.xori %eq3A_183, %eq3A_189 : vector<8x2048xi1>
    %eq3A_191 = arith.constant dense<true> : vector<8x2048xi1>
    %eq3A_192 = arith.xori %eq3A_190, %eq3A_191 : vector<8x2048xi1>
    %eq3A_193 = arith.xori %eq3A_192, %or3A_177 : vector<8x2048xi1>
    %eq3A_194 = arith.constant dense<true> : vector<8x2048xi1>
    %eq3A_195 = arith.xori %eq3A_193, %eq3A_194 : vector<8x2048xi1>
    %select_n3A_196 = arith.select %eq3A_195, %select_n3A_145, %select_n3A_159 : vector<8x2048xi1>, vector<8x2048xf32>
    %select_n3A_197 = arith.select %eq3A_195, %select_n3A_146, %select_n3A_172 : vector<8x2048xi1>, vector<8x2048xi32>
    %and3A_198 = arith.constant 2 : i32
    %and3A_199 = vector.broadcast %and3A_198 : i32 to vector<8x2048xi32>
    %and3A_200 = arith.andi %iota3A, %and3A_199 : vector<8x2048xi32>
    %eq3A_201 = arith.constant 0 : i32
    %eq3A_202 = vector.broadcast %eq3A_201 : i32 to vector<8x2048xi32>
    %eq3A_203 = arith.cmpi eq, %and3A_200, %eq3A_202 : vector<8x2048xi32>
    %slice3A_204 = vector.extract_strided_slice %select_n3A_196 {offsets = [0, 2], sizes = [8, 2046], strides = [1, 1]} : vector<8x2048xf32> to vector<8x2046xf32>
    %slice3A_205 = vector.extract_strided_slice %select_n3A_196 {offsets = [0, 0], sizes = [8, 2], strides = [1, 1]} : vector<8x2048xf32> to vector<8x2xf32>
    %concatenate3A_206 = tpu.concatenate %slice3A_204, %slice3A_205 in 1 : vector<8x2046xf32>, vector<8x2xf32> -> vector<8x2048xf32>
    %slice3A_207 = vector.extract_strided_slice %select_n3A_196 {offsets = [0, 2046], sizes = [8, 2], strides = [1, 1]} : vector<8x2048xf32> to vector<8x2xf32>
    %slice3A_208 = vector.extract_strided_slice %select_n3A_196 {offsets = [0, 0], sizes = [8, 2046], strides = [1, 1]} : vector<8x2048xf32> to vector<8x2046xf32>
    %concatenate3A_209 = tpu.concatenate %slice3A_207, %slice3A_208 in 1 : vector<8x2xf32>, vector<8x2046xf32> -> vector<8x2048xf32>
    %select_n3A_210 = arith.select %eq3A_203, %concatenate3A_206, %concatenate3A_209 : vector<8x2048xi1>, vector<8x2048xf32>
    %and3A_211 = arith.constant 2 : i32
    %and3A_212 = vector.broadcast %and3A_211 : i32 to vector<8x2048xi32>
    %and3A_213 = arith.andi %iota3A, %and3A_212 : vector<8x2048xi32>
    %eq3A_214 = arith.constant 0 : i32
    %eq3A_215 = vector.broadcast %eq3A_214 : i32 to vector<8x2048xi32>
    %eq3A_216 = arith.cmpi eq, %and3A_213, %eq3A_215 : vector<8x2048xi32>
    %slice3A_217 = vector.extract_strided_slice %select_n3A_197 {offsets = [0, 2], sizes = [8, 2046], strides = [1, 1]} : vector<8x2048xi32> to vector<8x2046xi32>
    %slice3A_218 = vector.extract_strided_slice %select_n3A_197 {offsets = [0, 0], sizes = [8, 2], strides = [1, 1]} : vector<8x2048xi32> to vector<8x2xi32>
    %concatenate3A_219 = tpu.concatenate %slice3A_217, %slice3A_218 in 1 : vector<8x2046xi32>, vector<8x2xi32> -> vector<8x2048xi32>
    %slice3A_220 = vector.extract_strided_slice %select_n3A_197 {offsets = [0, 2046], sizes = [8, 2], strides = [1, 1]} : vector<8x2048xi32> to vector<8x2xi32>
    %slice3A_221 = vector.extract_strided_slice %select_n3A_197 {offsets = [0, 0], sizes = [8, 2046], strides = [1, 1]} : vector<8x2048xi32> to vector<8x2046xi32>
    %concatenate3A_222 = tpu.concatenate %slice3A_220, %slice3A_221 in 1 : vector<8x2xi32>, vector<8x2046xi32> -> vector<8x2048xi32>
    %select_n3A_223 = arith.select %eq3A_216, %concatenate3A_219, %concatenate3A_222 : vector<8x2048xi1>, vector<8x2048xi32>
    %gt3A_224 = arith.cmpf ogt, %select_n3A_196, %select_n3A_210 : vector<8x2048xf32>
    %eq3A_225 = arith.cmpf oeq, %select_n3A_196, %select_n3A_210 : vector<8x2048xf32>
    %lt3A_226 = arith.cmpi slt, %select_n3A_197, %select_n3A_223 : vector<8x2048xi32>
    %and3A_227 = arith.andi %eq3A_225, %lt3A_226 : vector<8x2048xi1>
    %or3A_228 = arith.ori %gt3A_224, %and3A_227 : vector<8x2048xi1>
    %and3A_229 = arith.constant 2 : i32
    %and3A_230 = vector.broadcast %and3A_229 : i32 to vector<8x2048xi32>
    %and3A_231 = arith.andi %iota3A, %and3A_230 : vector<8x2048xi32>
    %eq3A_232 = arith.constant 0 : i32
    %eq3A_233 = vector.broadcast %eq3A_232 : i32 to vector<8x2048xi32>
    %eq3A_234 = arith.cmpi eq, %and3A_231, %eq3A_233 : vector<8x2048xi32>
    %and3A_235 = arith.constant 8 : i32
    %and3A_236 = vector.broadcast %and3A_235 : i32 to vector<8x2048xi32>
    %and3A_237 = arith.andi %iota3A, %and3A_236 : vector<8x2048xi32>
    %eq3A_238 = arith.constant 0 : i32
    %eq3A_239 = vector.broadcast %eq3A_238 : i32 to vector<8x2048xi32>
    %eq3A_240 = arith.cmpi eq, %and3A_237, %eq3A_239 : vector<8x2048xi32>
    %eq3A_241 = arith.xori %eq3A_234, %eq3A_240 : vector<8x2048xi1>
    %eq3A_242 = arith.constant dense<true> : vector<8x2048xi1>
    %eq3A_243 = arith.xori %eq3A_241, %eq3A_242 : vector<8x2048xi1>
    %eq3A_244 = arith.xori %eq3A_243, %or3A_228 : vector<8x2048xi1>
    %eq3A_245 = arith.constant dense<true> : vector<8x2048xi1>
    %eq3A_246 = arith.xori %eq3A_244, %eq3A_245 : vector<8x2048xi1>
    %select_n3A_247 = arith.select %eq3A_246, %select_n3A_196, %select_n3A_210 : vector<8x2048xi1>, vector<8x2048xf32>
    %select_n3A_248 = arith.select %eq3A_246, %select_n3A_197, %select_n3A_223 : vector<8x2048xi1>, vector<8x2048xi32>
    %and3A_249 = arith.constant 1 : i32
    %and3A_250 = vector.broadcast %and3A_249 : i32 to vector<8x2048xi32>
    %and3A_251 = arith.andi %iota3A, %and3A_250 : vector<8x2048xi32>
    %eq3A_252 = arith.constant 0 : i32
    %eq3A_253 = vector.broadcast %eq3A_252 : i32 to vector<8x2048xi32>
    %eq3A_254 = arith.cmpi eq, %and3A_251, %eq3A_253 : vector<8x2048xi32>
    %slice3A_255 = vector.extract_strided_slice %select_n3A_247 {offsets = [0, 1], sizes = [8, 2047], strides = [1, 1]} : vector<8x2048xf32> to vector<8x2047xf32>
    %slice3A_256 = vector.extract_strided_slice %select_n3A_247 {offsets = [0, 0], sizes = [8, 1], strides = [1, 1]} : vector<8x2048xf32> to vector<8x1xf32>
    %concatenate3A_257 = tpu.concatenate %slice3A_255, %slice3A_256 in 1 : vector<8x2047xf32>, vector<8x1xf32> -> vector<8x2048xf32>
    %slice3A_258 = vector.extract_strided_slice %select_n3A_247 {offsets = [0, 2047], sizes = [8, 1], strides = [1, 1]} : vector<8x2048xf32> to vector<8x1xf32>
    %slice3A_259 = vector.extract_strided_slice %select_n3A_247 {offsets = [0, 0], sizes = [8, 2047], strides = [1, 1]} : vector<8x2048xf32> to vector<8x2047xf32>
    %concatenate3A_260 = tpu.concatenate %slice3A_258, %slice3A_259 in 1 : vector<8x1xf32>, vector<8x2047xf32> -> vector<8x2048xf32>
    %select_n3A_261 = arith.select %eq3A_254, %concatenate3A_257, %concatenate3A_260 : vector<8x2048xi1>, vector<8x2048xf32>
    %and3A_262 = arith.constant 1 : i32
    %and3A_263 = vector.broadcast %and3A_262 : i32 to vector<8x2048xi32>
    %and3A_264 = arith.andi %iota3A, %and3A_263 : vector<8x2048xi32>
    %eq3A_265 = arith.constant 0 : i32
    %eq3A_266 = vector.broadcast %eq3A_265 : i32 to vector<8x2048xi32>
    %eq3A_267 = arith.cmpi eq, %and3A_264, %eq3A_266 : vector<8x2048xi32>
    %slice3A_268 = vector.extract_strided_slice %select_n3A_248 {offsets = [0, 1], sizes = [8, 2047], strides = [1, 1]} : vector<8x2048xi32> to vector<8x2047xi32>
    %slice3A_269 = vector.extract_strided_slice %select_n3A_248 {offsets = [0, 0], sizes = [8, 1], strides = [1, 1]} : vector<8x2048xi32> to vector<8x1xi32>
    %concatenate3A_270 = tpu.concatenate %slice3A_268, %slice3A_269 in 1 : vector<8x2047xi32>, vector<8x1xi32> -> vector<8x2048xi32>
    %slice3A_271 = vector.extract_strided_slice %select_n3A_248 {offsets = [0, 2047], sizes = [8, 1], strides = [1, 1]} : vector<8x2048xi32> to vector<8x1xi32>
    %slice3A_272 = vector.extract_strided_slice %select_n3A_248 {offsets = [0, 0], sizes = [8, 2047], strides = [1, 1]} : vector<8x2048xi32> to vector<8x2047xi32>
    %concatenate3A_273 = tpu.concatenate %slice3A_271, %slice3A_272 in 1 : vector<8x1xi32>, vector<8x2047xi32> -> vector<8x2048xi32>
    %select_n3A_274 = arith.select %eq3A_267, %concatenate3A_270, %concatenate3A_273 : vector<8x2048xi1>, vector<8x2048xi32>
    %gt3A_275 = arith.cmpf ogt, %select_n3A_247, %select_n3A_261 : vector<8x2048xf32>
    %eq3A_276 = arith.cmpf oeq, %select_n3A_247, %select_n3A_261 : vector<8x2048xf32>
    %lt3A_277 = arith.cmpi slt, %select_n3A_248, %select_n3A_274 : vector<8x2048xi32>
    %and3A_278 = arith.andi %eq3A_276, %lt3A_277 : vector<8x2048xi1>
    %or3A_279 = arith.ori %gt3A_275, %and3A_278 : vector<8x2048xi1>
    %and3A_280 = arith.constant 1 : i32
    %and3A_281 = vector.broadcast %and3A_280 : i32 to vector<8x2048xi32>
    %and3A_282 = arith.andi %iota3A, %and3A_281 : vector<8x2048xi32>
    %eq3A_283 = arith.constant 0 : i32
    %eq3A_284 = vector.broadcast %eq3A_283 : i32 to vector<8x2048xi32>
    %eq3A_285 = arith.cmpi eq, %and3A_282, %eq3A_284 : vector<8x2048xi32>
    %and3A_286 = arith.constant 8 : i32
    %and3A_287 = vector.broadcast %and3A_286 : i32 to vector<8x2048xi32>
    %and3A_288 = arith.andi %iota3A, %and3A_287 : vector<8x2048xi32>
    %eq3A_289 = arith.constant 0 : i32
    %eq3A_290 = vector.broadcast %eq3A_289 : i32 to vector<8x2048xi32>
    %eq3A_291 = arith.cmpi eq, %and3A_288, %eq3A_290 : vector<8x2048xi32>
    %eq3A_292 = arith.xori %eq3A_285, %eq3A_291 : vector<8x2048xi1>
    %eq3A_293 = arith.constant dense<true> : vector<8x2048xi1>
    %eq3A_294 = arith.xori %eq3A_292, %eq3A_293 : vector<8x2048xi1>
    %eq3A_295 = arith.xori %eq3A_294, %or3A_279 : vector<8x2048xi1>
    %eq3A_296 = arith.constant dense<true> : vector<8x2048xi1>
    %eq3A_297 = arith.xori %eq3A_295, %eq3A_296 : vector<8x2048xi1>
    %select_n3A_298 = arith.select %eq3A_297, %select_n3A_247, %select_n3A_261 : vector<8x2048xi1>, vector<8x2048xf32>
    %select_n3A_299 = arith.select %eq3A_297, %select_n3A_248, %select_n3A_274 : vector<8x2048xi1>, vector<8x2048xi32>
    %and3A_300 = arith.constant 8 : i32
    %and3A_301 = vector.broadcast %and3A_300 : i32 to vector<8x2048xi32>
    %and3A_302 = arith.andi %iota3A, %and3A_301 : vector<8x2048xi32>
    %eq3A_303 = arith.constant 0 : i32
    %eq3A_304 = vector.broadcast %eq3A_303 : i32 to vector<8x2048xi32>
    %eq3A_305 = arith.cmpi eq, %and3A_302, %eq3A_304 : vector<8x2048xi32>
    %slice3A_306 = vector.extract_strided_slice %select_n3A_298 {offsets = [0, 8], sizes = [8, 2040], strides = [1, 1]} : vector<8x2048xf32> to vector<8x2040xf32>
    %slice3A_307 = vector.extract_strided_slice %select_n3A_298 {offsets = [0, 0], sizes = [8, 8], strides = [1, 1]} : vector<8x2048xf32> to vector<8x8xf32>
    %concatenate3A_308 = tpu.concatenate %slice3A_306, %slice3A_307 in 1 : vector<8x2040xf32>, vector<8x8xf32> -> vector<8x2048xf32>
    %slice3A_309 = vector.extract_strided_slice %select_n3A_298 {offsets = [0, 2040], sizes = [8, 8], strides = [1, 1]} : vector<8x2048xf32> to vector<8x8xf32>
    %slice3A_310 = vector.extract_strided_slice %select_n3A_298 {offsets = [0, 0], sizes = [8, 2040], strides = [1, 1]} : vector<8x2048xf32> to vector<8x2040xf32>
    %concatenate3A_311 = tpu.concatenate %slice3A_309, %slice3A_310 in 1 : vector<8x8xf32>, vector<8x2040xf32> -> vector<8x2048xf32>
    %select_n3A_312 = arith.select %eq3A_305, %concatenate3A_308, %concatenate3A_311 : vector<8x2048xi1>, vector<8x2048xf32>
    %and3A_313 = arith.constant 8 : i32
    %and3A_314 = vector.broadcast %and3A_313 : i32 to vector<8x2048xi32>
    %and3A_315 = arith.andi %iota3A, %and3A_314 : vector<8x2048xi32>
    %eq3A_316 = arith.constant 0 : i32
    %eq3A_317 = vector.broadcast %eq3A_316 : i32 to vector<8x2048xi32>
    %eq3A_318 = arith.cmpi eq, %and3A_315, %eq3A_317 : vector<8x2048xi32>
    %slice3A_319 = vector.extract_strided_slice %select_n3A_299 {offsets = [0, 8], sizes = [8, 2040], strides = [1, 1]} : vector<8x2048xi32> to vector<8x2040xi32>
    %slice3A_320 = vector.extract_strided_slice %select_n3A_299 {offsets = [0, 0], sizes = [8, 8], strides = [1, 1]} : vector<8x2048xi32> to vector<8x8xi32>
    %concatenate3A_321 = tpu.concatenate %slice3A_319, %slice3A_320 in 1 : vector<8x2040xi32>, vector<8x8xi32> -> vector<8x2048xi32>
    %slice3A_322 = vector.extract_strided_slice %select_n3A_299 {offsets = [0, 2040], sizes = [8, 8], strides = [1, 1]} : vector<8x2048xi32> to vector<8x8xi32>
    %slice3A_323 = vector.extract_strided_slice %select_n3A_299 {offsets = [0, 0], sizes = [8, 2040], strides = [1, 1]} : vector<8x2048xi32> to vector<8x2040xi32>
    %concatenate3A_324 = tpu.concatenate %slice3A_322, %slice3A_323 in 1 : vector<8x8xi32>, vector<8x2040xi32> -> vector<8x2048xi32>
    %select_n3A_325 = arith.select %eq3A_318, %concatenate3A_321, %concatenate3A_324 : vector<8x2048xi1>, vector<8x2048xi32>
    %gt3A_326 = arith.cmpf ogt, %select_n3A_298, %select_n3A_312 : vector<8x2048xf32>
    %eq3A_327 = arith.cmpf oeq, %select_n3A_298, %select_n3A_312 : vector<8x2048xf32>
    %lt3A_328 = arith.cmpi slt, %select_n3A_299, %select_n3A_325 : vector<8x2048xi32>
    %and3A_329 = arith.andi %eq3A_327, %lt3A_328 : vector<8x2048xi1>
    %or3A_330 = arith.ori %gt3A_326, %and3A_329 : vector<8x2048xi1>
    %and3A_331 = arith.constant 8 : i32
    %and3A_332 = vector.broadcast %and3A_331 : i32 to vector<8x2048xi32>
    %and3A_333 = arith.andi %iota3A, %and3A_332 : vector<8x2048xi32>
    %eq3A_334 = arith.constant 0 : i32
    %eq3A_335 = vector.broadcast %eq3A_334 : i32 to vector<8x2048xi32>
    %eq3A_336 = arith.cmpi eq, %and3A_333, %eq3A_335 : vector<8x2048xi32>
    %and3A_337 = arith.constant 16 : i32
    %and3A_338 = vector.broadcast %and3A_337 : i32 to vector<8x2048xi32>
    %and3A_339 = arith.andi %iota3A, %and3A_338 : vector<8x2048xi32>
    %eq3A_340 = arith.constant 0 : i32
    %eq3A_341 = vector.broadcast %eq3A_340 : i32 to vector<8x2048xi32>
    %eq3A_342 = arith.cmpi eq, %and3A_339, %eq3A_341 : vector<8x2048xi32>
    %eq3A_343 = arith.xori %eq3A_336, %eq3A_342 : vector<8x2048xi1>
    %eq3A_344 = arith.constant dense<true> : vector<8x2048xi1>
    %eq3A_345 = arith.xori %eq3A_343, %eq3A_344 : vector<8x2048xi1>
    %eq3A_346 = arith.xori %eq3A_345, %or3A_330 : vector<8x2048xi1>
    %eq3A_347 = arith.constant dense<true> : vector<8x2048xi1>
    %eq3A_348 = arith.xori %eq3A_346, %eq3A_347 : vector<8x2048xi1>
    %select_n3A_349 = arith.select %eq3A_348, %select_n3A_298, %select_n3A_312 : vector<8x2048xi1>, vector<8x2048xf32>
    %select_n3A_350 = arith.select %eq3A_348, %select_n3A_299, %select_n3A_325 : vector<8x2048xi1>, vector<8x2048xi32>
    %and3A_351 = arith.constant 4 : i32
    %and3A_352 = vector.broadcast %and3A_351 : i32 to vector<8x2048xi32>
    %and3A_353 = arith.andi %iota3A, %and3A_352 : vector<8x2048xi32>
    %eq3A_354 = arith.constant 0 : i32
    %eq3A_355 = vector.broadcast %eq3A_354 : i32 to vector<8x2048xi32>
    %eq3A_356 = arith.cmpi eq, %and3A_353, %eq3A_355 : vector<8x2048xi32>
    %slice3A_357 = vector.extract_strided_slice %select_n3A_349 {offsets = [0, 4], sizes = [8, 2044], strides = [1, 1]} : vector<8x2048xf32> to vector<8x2044xf32>
    %slice3A_358 = vector.extract_strided_slice %select_n3A_349 {offsets = [0, 0], sizes = [8, 4], strides = [1, 1]} : vector<8x2048xf32> to vector<8x4xf32>
    %concatenate3A_359 = tpu.concatenate %slice3A_357, %slice3A_358 in 1 : vector<8x2044xf32>, vector<8x4xf32> -> vector<8x2048xf32>
    %slice3A_360 = vector.extract_strided_slice %select_n3A_349 {offsets = [0, 2044], sizes = [8, 4], strides = [1, 1]} : vector<8x2048xf32> to vector<8x4xf32>
    %slice3A_361 = vector.extract_strided_slice %select_n3A_349 {offsets = [0, 0], sizes = [8, 2044], strides = [1, 1]} : vector<8x2048xf32> to vector<8x2044xf32>
    %concatenate3A_362 = tpu.concatenate %slice3A_360, %slice3A_361 in 1 : vector<8x4xf32>, vector<8x2044xf32> -> vector<8x2048xf32>
    %select_n3A_363 = arith.select %eq3A_356, %concatenate3A_359, %concatenate3A_362 : vector<8x2048xi1>, vector<8x2048xf32>
    %and3A_364 = arith.constant 4 : i32
    %and3A_365 = vector.broadcast %and3A_364 : i32 to vector<8x2048xi32>
    %and3A_366 = arith.andi %iota3A, %and3A_365 : vector<8x2048xi32>
    %eq3A_367 = arith.constant 0 : i32
    %eq3A_368 = vector.broadcast %eq3A_367 : i32 to vector<8x2048xi32>
    %eq3A_369 = arith.cmpi eq, %and3A_366, %eq3A_368 : vector<8x2048xi32>
    %slice3A_370 = vector.extract_strided_slice %select_n3A_350 {offsets = [0, 4], sizes = [8, 2044], strides = [1, 1]} : vector<8x2048xi32> to vector<8x2044xi32>
    %slice3A_371 = vector.extract_strided_slice %select_n3A_350 {offsets = [0, 0], sizes = [8, 4], strides = [1, 1]} : vector<8x2048xi32> to vector<8x4xi32>
    %concatenate3A_372 = tpu.concatenate %slice3A_370, %slice3A_371 in 1 : vector<8x2044xi32>, vector<8x4xi32> -> vector<8x2048xi32>
    %slice3A_373 = vector.extract_strided_slice %select_n3A_350 {offsets = [0, 2044], sizes = [8, 4], strides = [1, 1]} : vector<8x2048xi32> to vector<8x4xi32>
    %slice3A_374 = vector.extract_strided_slice %select_n3A_350 {offsets = [0, 0], sizes = [8, 2044], strides = [1, 1]} : vector<8x2048xi32> to vector<8x2044xi32>
    %concatenate3A_375 = tpu.concatenate %slice3A_373, %slice3A_374 in 1 : vector<8x4xi32>, vector<8x2044xi32> -> vector<8x2048xi32>
    %select_n3A_376 = arith.select %eq3A_369, %concatenate3A_372, %concatenate3A_375 : vector<8x2048xi1>, vector<8x2048xi32>
    %gt3A_377 = arith.cmpf ogt, %select_n3A_349, %select_n3A_363 : vector<8x2048xf32>
    %eq3A_378 = arith.cmpf oeq, %select_n3A_349, %select_n3A_363 : vector<8x2048xf32>
    %lt3A_379 = arith.cmpi slt, %select_n3A_350, %select_n3A_376 : vector<8x2048xi32>
    %and3A_380 = arith.andi %eq3A_378, %lt3A_379 : vector<8x2048xi1>
    %or3A_381 = arith.ori %gt3A_377, %and3A_380 : vector<8x2048xi1>
    %and3A_382 = arith.constant 4 : i32
    %and3A_383 = vector.broadcast %and3A_382 : i32 to vector<8x2048xi32>
    %and3A_384 = arith.andi %iota3A, %and3A_383 : vector<8x2048xi32>
    %eq3A_385 = arith.constant 0 : i32
    %eq3A_386 = vector.broadcast %eq3A_385 : i32 to vector<8x2048xi32>
    %eq3A_387 = arith.cmpi eq, %and3A_384, %eq3A_386 : vector<8x2048xi32>
    %and3A_388 = arith.constant 16 : i32
    %and3A_389 = vector.broadcast %and3A_388 : i32 to vector<8x2048xi32>
    %and3A_390 = arith.andi %iota3A, %and3A_389 : vector<8x2048xi32>
    %eq3A_391 = arith.constant 0 : i32
    %eq3A_392 = vector.broadcast %eq3A_391 : i32 to vector<8x2048xi32>
    %eq3A_393 = arith.cmpi eq, %and3A_390, %eq3A_392 : vector<8x2048xi32>
    %eq3A_394 = arith.xori %eq3A_387, %eq3A_393 : vector<8x2048xi1>
    %eq3A_395 = arith.constant dense<true> : vector<8x2048xi1>
    %eq3A_396 = arith.xori %eq3A_394, %eq3A_395 : vector<8x2048xi1>
    %eq3A_397 = arith.xori %eq3A_396, %or3A_381 : vector<8x2048xi1>
    %eq3A_398 = arith.constant dense<true> : vector<8x2048xi1>
    %eq3A_399 = arith.xori %eq3A_397, %eq3A_398 : vector<8x2048xi1>
    %select_n3A_400 = arith.select %eq3A_399, %select_n3A_349, %select_n3A_363 : vector<8x2048xi1>, vector<8x2048xf32>
    %select_n3A_401 = arith.select %eq3A_399, %select_n3A_350, %select_n3A_376 : vector<8x2048xi1>, vector<8x2048xi32>
    %and3A_402 = arith.constant 2 : i32
    %and3A_403 = vector.broadcast %and3A_402 : i32 to vector<8x2048xi32>
    %and3A_404 = arith.andi %iota3A, %and3A_403 : vector<8x2048xi32>
    %eq3A_405 = arith.constant 0 : i32
    %eq3A_406 = vector.broadcast %eq3A_405 : i32 to vector<8x2048xi32>
    %eq3A_407 = arith.cmpi eq, %and3A_404, %eq3A_406 : vector<8x2048xi32>
    %slice3A_408 = vector.extract_strided_slice %select_n3A_400 {offsets = [0, 2], sizes = [8, 2046], strides = [1, 1]} : vector<8x2048xf32> to vector<8x2046xf32>
    %slice3A_409 = vector.extract_strided_slice %select_n3A_400 {offsets = [0, 0], sizes = [8, 2], strides = [1, 1]} : vector<8x2048xf32> to vector<8x2xf32>
    %concatenate3A_410 = tpu.concatenate %slice3A_408, %slice3A_409 in 1 : vector<8x2046xf32>, vector<8x2xf32> -> vector<8x2048xf32>
    %slice3A_411 = vector.extract_strided_slice %select_n3A_400 {offsets = [0, 2046], sizes = [8, 2], strides = [1, 1]} : vector<8x2048xf32> to vector<8x2xf32>
    %slice3A_412 = vector.extract_strided_slice %select_n3A_400 {offsets = [0, 0], sizes = [8, 2046], strides = [1, 1]} : vector<8x2048xf32> to vector<8x2046xf32>
    %concatenate3A_413 = tpu.concatenate %slice3A_411, %slice3A_412 in 1 : vector<8x2xf32>, vector<8x2046xf32> -> vector<8x2048xf32>
    %select_n3A_414 = arith.select %eq3A_407, %concatenate3A_410, %concatenate3A_413 : vector<8x2048xi1>, vector<8x2048xf32>
    %and3A_415 = arith.constant 2 : i32
    %and3A_416 = vector.broadcast %and3A_415 : i32 to vector<8x2048xi32>
    %and3A_417 = arith.andi %iota3A, %and3A_416 : vector<8x2048xi32>
    %eq3A_418 = arith.constant 0 : i32
    %eq3A_419 = vector.broadcast %eq3A_418 : i32 to vector<8x2048xi32>
    %eq3A_420 = arith.cmpi eq, %and3A_417, %eq3A_419 : vector<8x2048xi32>
    %slice3A_421 = vector.extract_strided_slice %select_n3A_401 {offsets = [0, 2], sizes = [8, 2046], strides = [1, 1]} : vector<8x2048xi32> to vector<8x2046xi32>
    %slice3A_422 = vector.extract_strided_slice %select_n3A_401 {offsets = [0, 0], sizes = [8, 2], strides = [1, 1]} : vector<8x2048xi32> to vector<8x2xi32>
    %concatenate3A_423 = tpu.concatenate %slice3A_421, %slice3A_422 in 1 : vector<8x2046xi32>, vector<8x2xi32> -> vector<8x2048xi32>
    %slice3A_424 = vector.extract_strided_slice %select_n3A_401 {offsets = [0, 2046], sizes = [8, 2], strides = [1, 1]} : vector<8x2048xi32> to vector<8x2xi32>
    %slice3A_425 = vector.extract_strided_slice %select_n3A_401 {offsets = [0, 0], sizes = [8, 2046], strides = [1, 1]} : vector<8x2048xi32> to vector<8x2046xi32>
    %concatenate3A_426 = tpu.concatenate %slice3A_424, %slice3A_425 in 1 : vector<8x2xi32>, vector<8x2046xi32> -> vector<8x2048xi32>
    %select_n3A_427 = arith.select %eq3A_420, %concatenate3A_423, %concatenate3A_426 : vector<8x2048xi1>, vector<8x2048xi32>
    %gt3A_428 = arith.cmpf ogt, %select_n3A_400, %select_n3A_414 : vector<8x2048xf32>
    %eq3A_429 = arith.cmpf oeq, %select_n3A_400, %select_n3A_414 : vector<8x2048xf32>
    %lt3A_430 = arith.cmpi slt, %select_n3A_401, %select_n3A_427 : vector<8x2048xi32>
    %and3A_431 = arith.andi %eq3A_429, %lt3A_430 : vector<8x2048xi1>
    %or3A_432 = arith.ori %gt3A_428, %and3A_431 : vector<8x2048xi1>
    %and3A_433 = arith.constant 2 : i32
    %and3A_434 = vector.broadcast %and3A_433 : i32 to vector<8x2048xi32>
    %and3A_435 = arith.andi %iota3A, %and3A_434 : vector<8x2048xi32>
    %eq3A_436 = arith.constant 0 : i32
    %eq3A_437 = vector.broadcast %eq3A_436 : i32 to vector<8x2048xi32>
    %eq3A_438 = arith.cmpi eq, %and3A_435, %eq3A_437 : vector<8x2048xi32>
    %and3A_439 = arith.constant 16 : i32
    %and3A_440 = vector.broadcast %and3A_439 : i32 to vector<8x2048xi32>
    %and3A_441 = arith.andi %iota3A, %and3A_440 : vector<8x2048xi32>
    %eq3A_442 = arith.constant 0 : i32
    %eq3A_443 = vector.broadcast %eq3A_442 : i32 to vector<8x2048xi32>
    %eq3A_444 = arith.cmpi eq, %and3A_441, %eq3A_443 : vector<8x2048xi32>
    %eq3A_445 = arith.xori %eq3A_438, %eq3A_444 : vector<8x2048xi1>
    %eq3A_446 = arith.constant dense<true> : vector<8x2048xi1>
    %eq3A_447 = arith.xori %eq3A_445, %eq3A_446 : vector<8x2048xi1>
    %eq3A_448 = arith.xori %eq3A_447, %or3A_432 : vector<8x2048xi1>
    %eq3A_449 = arith.constant dense<true> : vector<8x2048xi1>
    %eq3A_450 = arith.xori %eq3A_448, %eq3A_449 : vector<8x2048xi1>
    %select_n3A_451 = arith.select %eq3A_450, %select_n3A_400, %select_n3A_414 : vector<8x2048xi1>, vector<8x2048xf32>
    %select_n3A_452 = arith.select %eq3A_450, %select_n3A_401, %select_n3A_427 : vector<8x2048xi1>, vector<8x2048xi32>
    %and3A_453 = arith.constant 1 : i32
    %and3A_454 = vector.broadcast %and3A_453 : i32 to vector<8x2048xi32>
    %and3A_455 = arith.andi %iota3A, %and3A_454 : vector<8x2048xi32>
    %eq3A_456 = arith.constant 0 : i32
    %eq3A_457 = vector.broadcast %eq3A_456 : i32 to vector<8x2048xi32>
    %eq3A_458 = arith.cmpi eq, %and3A_455, %eq3A_457 : vector<8x2048xi32>
    %slice3A_459 = vector.extract_strided_slice %select_n3A_451 {offsets = [0, 1], sizes = [8, 2047], strides = [1, 1]} : vector<8x2048xf32> to vector<8x2047xf32>
    %slice3A_460 = vector.extract_strided_slice %select_n3A_451 {offsets = [0, 0], sizes = [8, 1], strides = [1, 1]} : vector<8x2048xf32> to vector<8x1xf32>
    %concatenate3A_461 = tpu.concatenate %slice3A_459, %slice3A_460 in 1 : vector<8x2047xf32>, vector<8x1xf32> -> vector<8x2048xf32>
    %slice3A_462 = vector.extract_strided_slice %select_n3A_451 {offsets = [0, 2047], sizes = [8, 1], strides = [1, 1]} : vector<8x2048xf32> to vector<8x1xf32>
    %slice3A_463 = vector.extract_strided_slice %select_n3A_451 {offsets = [0, 0], sizes = [8, 2047], strides = [1, 1]} : vector<8x2048xf32> to vector<8x2047xf32>
    %concatenate3A_464 = tpu.concatenate %slice3A_462, %slice3A_463 in 1 : vector<8x1xf32>, vector<8x2047xf32> -> vector<8x2048xf32>
    %select_n3A_465 = arith.select %eq3A_458, %concatenate3A_461, %concatenate3A_464 : vector<8x2048xi1>, vector<8x2048xf32>
    %and3A_466 = arith.constant 1 : i32
    %and3A_467 = vector.broadcast %and3A_466 : i32 to vector<8x2048xi32>
    %and3A_468 = arith.andi %iota3A, %and3A_467 : vector<8x2048xi32>
    %eq3A_469 = arith.constant 0 : i32
    %eq3A_470 = vector.broadcast %eq3A_469 : i32 to vector<8x2048xi32>
    %eq3A_471 = arith.cmpi eq, %and3A_468, %eq3A_470 : vector<8x2048xi32>
    %slice3A_472 = vector.extract_strided_slice %select_n3A_452 {offsets = [0, 1], sizes = [8, 2047], strides = [1, 1]} : vector<8x2048xi32> to vector<8x2047xi32>
    %slice3A_473 = vector.extract_strided_slice %select_n3A_452 {offsets = [0, 0], sizes = [8, 1], strides = [1, 1]} : vector<8x2048xi32> to vector<8x1xi32>
    %concatenate3A_474 = tpu.concatenate %slice3A_472, %slice3A_473 in 1 : vector<8x2047xi32>, vector<8x1xi32> -> vector<8x2048xi32>
    %slice3A_475 = vector.extract_strided_slice %select_n3A_452 {offsets = [0, 2047], sizes = [8, 1], strides = [1, 1]} : vector<8x2048xi32> to vector<8x1xi32>
    %slice3A_476 = vector.extract_strided_slice %select_n3A_452 {offsets = [0, 0], sizes = [8, 2047], strides = [1, 1]} : vector<8x2048xi32> to vector<8x2047xi32>
    %concatenate3A_477 = tpu.concatenate %slice3A_475, %slice3A_476 in 1 : vector<8x1xi32>, vector<8x2047xi32> -> vector<8x2048xi32>
    %select_n3A_478 = arith.select %eq3A_471, %concatenate3A_474, %concatenate3A_477 : vector<8x2048xi1>, vector<8x2048xi32>
    %gt3A_479 = arith.cmpf ogt, %select_n3A_451, %select_n3A_465 : vector<8x2048xf32>
    %eq3A_480 = arith.cmpf oeq, %select_n3A_451, %select_n3A_465 : vector<8x2048xf32>
    %lt3A_481 = arith.cmpi slt, %select_n3A_452, %select_n3A_478 : vector<8x2048xi32>
    %and3A_482 = arith.andi %eq3A_480, %lt3A_481 : vector<8x2048xi1>
    %or3A_483 = arith.ori %gt3A_479, %and3A_482 : vector<8x2048xi1>
    %and3A_484 = arith.constant 1 : i32
    %and3A_485 = vector.broadcast %and3A_484 : i32 to vector<8x2048xi32>
    %and3A_486 = arith.andi %iota3A, %and3A_485 : vector<8x2048xi32>
    %eq3A_487 = arith.constant 0 : i32
    %eq3A_488 = vector.broadcast %eq3A_487 : i32 to vector<8x2048xi32>
    %eq3A_489 = arith.cmpi eq, %and3A_486, %eq3A_488 : vector<8x2048xi32>
    %and3A_490 = arith.constant 16 : i32
    %and3A_491 = vector.broadcast %and3A_490 : i32 to vector<8x2048xi32>
    %and3A_492 = arith.andi %iota3A, %and3A_491 : vector<8x2048xi32>
    %eq3A_493 = arith.constant 0 : i32
    %eq3A_494 = vector.broadcast %eq3A_493 : i32 to vector<8x2048xi32>
    %eq3A_495 = arith.cmpi eq, %and3A_492, %eq3A_494 : vector<8x2048xi32>
    %eq3A_496 = arith.xori %eq3A_489, %eq3A_495 : vector<8x2048xi1>
    %eq3A_497 = arith.constant dense<true> : vector<8x2048xi1>
    %eq3A_498 = arith.xori %eq3A_496, %eq3A_497 : vector<8x2048xi1>
    %eq3A_499 = arith.xori %eq3A_498, %or3A_483 : vector<8x2048xi1>
    %eq3A_500 = arith.constant dense<true> : vector<8x2048xi1>
    %eq3A_501 = arith.xori %eq3A_499, %eq3A_500 : vector<8x2048xi1>
    %select_n3A_502 = arith.select %eq3A_501, %select_n3A_451, %select_n3A_465 : vector<8x2048xi1>, vector<8x2048xf32>
    %select_n3A_503 = arith.select %eq3A_501, %select_n3A_452, %select_n3A_478 : vector<8x2048xi1>, vector<8x2048xi32>
    %and3A_504 = arith.constant 16 : i32
    %and3A_505 = vector.broadcast %and3A_504 : i32 to vector<8x2048xi32>
    %and3A_506 = arith.andi %iota3A, %and3A_505 : vector<8x2048xi32>
    %eq3A_507 = arith.constant 0 : i32
    %eq3A_508 = vector.broadcast %eq3A_507 : i32 to vector<8x2048xi32>
    %eq3A_509 = arith.cmpi eq, %and3A_506, %eq3A_508 : vector<8x2048xi32>
    %slice3A_510 = vector.extract_strided_slice %select_n3A_502 {offsets = [0, 16], sizes = [8, 2032], strides = [1, 1]} : vector<8x2048xf32> to vector<8x2032xf32>
    %slice3A_511 = vector.extract_strided_slice %select_n3A_502 {offsets = [0, 0], sizes = [8, 16], strides = [1, 1]} : vector<8x2048xf32> to vector<8x16xf32>
    %concatenate3A_512 = tpu.concatenate %slice3A_510, %slice3A_511 in 1 : vector<8x2032xf32>, vector<8x16xf32> -> vector<8x2048xf32>
    %slice3A_513 = vector.extract_strided_slice %select_n3A_502 {offsets = [0, 2032], sizes = [8, 16], strides = [1, 1]} : vector<8x2048xf32> to vector<8x16xf32>
    %slice3A_514 = vector.extract_strided_slice %select_n3A_502 {offsets = [0, 0], sizes = [8, 2032], strides = [1, 1]} : vector<8x2048xf32> to vector<8x2032xf32>
    %concatenate3A_515 = tpu.concatenate %slice3A_513, %slice3A_514 in 1 : vector<8x16xf32>, vector<8x2032xf32> -> vector<8x2048xf32>
    %select_n3A_516 = arith.select %eq3A_509, %concatenate3A_512, %concatenate3A_515 : vector<8x2048xi1>, vector<8x2048xf32>
    %and3A_517 = arith.constant 16 : i32
    %and3A_518 = vector.broadcast %and3A_517 : i32 to vector<8x2048xi32>
    %and3A_519 = arith.andi %iota3A, %and3A_518 : vector<8x2048xi32>
    %eq3A_520 = arith.constant 0 : i32
    %eq3A_521 = vector.broadcast %eq3A_520 : i32 to vector<8x2048xi32>
    %eq3A_522 = arith.cmpi eq, %and3A_519, %eq3A_521 : vector<8x2048xi32>
    %slice3A_523 = vector.extract_strided_slice %select_n3A_503 {offsets = [0, 16], sizes = [8, 2032], strides = [1, 1]} : vector<8x2048xi32> to vector<8x2032xi32>
    %slice3A_524 = vector.extract_strided_slice %select_n3A_503 {offsets = [0, 0], sizes = [8, 16], strides = [1, 1]} : vector<8x2048xi32> to vector<8x16xi32>
    %concatenate3A_525 = tpu.concatenate %slice3A_523, %slice3A_524 in 1 : vector<8x2032xi32>, vector<8x16xi32> -> vector<8x2048xi32>
    %slice3A_526 = vector.extract_strided_slice %select_n3A_503 {offsets = [0, 2032], sizes = [8, 16], strides = [1, 1]} : vector<8x2048xi32> to vector<8x16xi32>
    %slice3A_527 = vector.extract_strided_slice %select_n3A_503 {offsets = [0, 0], sizes = [8, 2032], strides = [1, 1]} : vector<8x2048xi32> to vector<8x2032xi32>
    %concatenate3A_528 = tpu.concatenate %slice3A_526, %slice3A_527 in 1 : vector<8x16xi32>, vector<8x2032xi32> -> vector<8x2048xi32>
    %select_n3A_529 = arith.select %eq3A_522, %concatenate3A_525, %concatenate3A_528 : vector<8x2048xi1>, vector<8x2048xi32>
    %gt3A_530 = arith.cmpf ogt, %select_n3A_502, %select_n3A_516 : vector<8x2048xf32>
    %eq3A_531 = arith.cmpf oeq, %select_n3A_502, %select_n3A_516 : vector<8x2048xf32>
    %lt3A_532 = arith.cmpi slt, %select_n3A_503, %select_n3A_529 : vector<8x2048xi32>
    %and3A_533 = arith.andi %eq3A_531, %lt3A_532 : vector<8x2048xi1>
    %or3A_534 = arith.ori %gt3A_530, %and3A_533 : vector<8x2048xi1>
    %and3A_535 = arith.constant 16 : i32
    %and3A_536 = vector.broadcast %and3A_535 : i32 to vector<8x2048xi32>
    %and3A_537 = arith.andi %iota3A, %and3A_536 : vector<8x2048xi32>
    %eq3A_538 = arith.constant 0 : i32
    %eq3A_539 = vector.broadcast %eq3A_538 : i32 to vector<8x2048xi32>
    %eq3A_540 = arith.cmpi eq, %and3A_537, %eq3A_539 : vector<8x2048xi32>
    %and3A_541 = arith.constant 32 : i32
    %and3A_542 = vector.broadcast %and3A_541 : i32 to vector<8x2048xi32>
    %and3A_543 = arith.andi %iota3A, %and3A_542 : vector<8x2048xi32>
    %eq3A_544 = arith.constant 0 : i32
    %eq3A_545 = vector.broadcast %eq3A_544 : i32 to vector<8x2048xi32>
    %eq3A_546 = arith.cmpi eq, %and3A_543, %eq3A_545 : vector<8x2048xi32>
    %eq3A_547 = arith.xori %eq3A_540, %eq3A_546 : vector<8x2048xi1>
    %eq3A_548 = arith.constant dense<true> : vector<8x2048xi1>
    %eq3A_549 = arith.xori %eq3A_547, %eq3A_548 : vector<8x2048xi1>
    %eq3A_550 = arith.xori %eq3A_549, %or3A_534 : vector<8x2048xi1>
    %eq3A_551 = arith.constant dense<true> : vector<8x2048xi1>
    %eq3A_552 = arith.xori %eq3A_550, %eq3A_551 : vector<8x2048xi1>
    %select_n3A_553 = arith.select %eq3A_552, %select_n3A_502, %select_n3A_516 : vector<8x2048xi1>, vector<8x2048xf32>
    %select_n3A_554 = arith.select %eq3A_552, %select_n3A_503, %select_n3A_529 : vector<8x2048xi1>, vector<8x2048xi32>
    %and3A_555 = arith.constant 8 : i32
    %and3A_556 = vector.broadcast %and3A_555 : i32 to vector<8x2048xi32>
    %and3A_557 = arith.andi %iota3A, %and3A_556 : vector<8x2048xi32>
    %eq3A_558 = arith.constant 0 : i32
    %eq3A_559 = vector.broadcast %eq3A_558 : i32 to vector<8x2048xi32>
    %eq3A_560 = arith.cmpi eq, %and3A_557, %eq3A_559 : vector<8x2048xi32>
    %slice3A_561 = vector.extract_strided_slice %select_n3A_553 {offsets = [0, 8], sizes = [8, 2040], strides = [1, 1]} : vector<8x2048xf32> to vector<8x2040xf32>
    %slice3A_562 = vector.extract_strided_slice %select_n3A_553 {offsets = [0, 0], sizes = [8, 8], strides = [1, 1]} : vector<8x2048xf32> to vector<8x8xf32>
    %concatenate3A_563 = tpu.concatenate %slice3A_561, %slice3A_562 in 1 : vector<8x2040xf32>, vector<8x8xf32> -> vector<8x2048xf32>
    %slice3A_564 = vector.extract_strided_slice %select_n3A_553 {offsets = [0, 2040], sizes = [8, 8], strides = [1, 1]} : vector<8x2048xf32> to vector<8x8xf32>
    %slice3A_565 = vector.extract_strided_slice %select_n3A_553 {offsets = [0, 0], sizes = [8, 2040], strides = [1, 1]} : vector<8x2048xf32> to vector<8x2040xf32>
    %concatenate3A_566 = tpu.concatenate %slice3A_564, %slice3A_565 in 1 : vector<8x8xf32>, vector<8x2040xf32> -> vector<8x2048xf32>
    %select_n3A_567 = arith.select %eq3A_560, %concatenate3A_563, %concatenate3A_566 : vector<8x2048xi1>, vector<8x2048xf32>
    %and3A_568 = arith.constant 8 : i32
    %and3A_569 = vector.broadcast %and3A_568 : i32 to vector<8x2048xi32>
    %and3A_570 = arith.andi %iota3A, %and3A_569 : vector<8x2048xi32>
    %eq3A_571 = arith.constant 0 : i32
    %eq3A_572 = vector.broadcast %eq3A_571 : i32 to vector<8x2048xi32>
    %eq3A_573 = arith.cmpi eq, %and3A_570, %eq3A_572 : vector<8x2048xi32>
    %slice3A_574 = vector.extract_strided_slice %select_n3A_554 {offsets = [0, 8], sizes = [8, 2040], strides = [1, 1]} : vector<8x2048xi32> to vector<8x2040xi32>
    %slice3A_575 = vector.extract_strided_slice %select_n3A_554 {offsets = [0, 0], sizes = [8, 8], strides = [1, 1]} : vector<8x2048xi32> to vector<8x8xi32>
    %concatenate3A_576 = tpu.concatenate %slice3A_574, %slice3A_575 in 1 : vector<8x2040xi32>, vector<8x8xi32> -> vector<8x2048xi32>
    %slice3A_577 = vector.extract_strided_slice %select_n3A_554 {offsets = [0, 2040], sizes = [8, 8], strides = [1, 1]} : vector<8x2048xi32> to vector<8x8xi32>
    %slice3A_578 = vector.extract_strided_slice %select_n3A_554 {offsets = [0, 0], sizes = [8, 2040], strides = [1, 1]} : vector<8x2048xi32> to vector<8x2040xi32>
    %concatenate3A_579 = tpu.concatenate %slice3A_577, %slice3A_578 in 1 : vector<8x8xi32>, vector<8x2040xi32> -> vector<8x2048xi32>
    %select_n3A_580 = arith.select %eq3A_573, %concatenate3A_576, %concatenate3A_579 : vector<8x2048xi1>, vector<8x2048xi32>
    %gt3A_581 = arith.cmpf ogt, %select_n3A_553, %select_n3A_567 : vector<8x2048xf32>
    %eq3A_582 = arith.cmpf oeq, %select_n3A_553, %select_n3A_567 : vector<8x2048xf32>
    %lt3A_583 = arith.cmpi slt, %select_n3A_554, %select_n3A_580 : vector<8x2048xi32>
    %and3A_584 = arith.andi %eq3A_582, %lt3A_583 : vector<8x2048xi1>
    %or3A_585 = arith.ori %gt3A_581, %and3A_584 : vector<8x2048xi1>
    %and3A_586 = arith.constant 8 : i32
    %and3A_587 = vector.broadcast %and3A_586 : i32 to vector<8x2048xi32>
    %and3A_588 = arith.andi %iota3A, %and3A_587 : vector<8x2048xi32>
    %eq3A_589 = arith.constant 0 : i32
    %eq3A_590 = vector.broadcast %eq3A_589 : i32 to vector<8x2048xi32>
    %eq3A_591 = arith.cmpi eq, %and3A_588, %eq3A_590 : vector<8x2048xi32>
    %and3A_592 = arith.constant 32 : i32
    %and3A_593 = vector.broadcast %and3A_592 : i32 to vector<8x2048xi32>
    %and3A_594 = arith.andi %iota3A, %and3A_593 : vector<8x2048xi32>
    %eq3A_595 = arith.constant 0 : i32
    %eq3A_596 = vector.broadcast %eq3A_595 : i32 to vector<8x2048xi32>
    %eq3A_597 = arith.cmpi eq, %and3A_594, %eq3A_596 : vector<8x2048xi32>
    %eq3A_598 = arith.xori %eq3A_591, %eq3A_597 : vector<8x2048xi1>
    %eq3A_599 = arith.constant dense<true> : vector<8x2048xi1>
    %eq3A_600 = arith.xori %eq3A_598, %eq3A_599 : vector<8x2048xi1>
    %eq3A_601 = arith.xori %eq3A_600, %or3A_585 : vector<8x2048xi1>
    %eq3A_602 = arith.constant dense<true> : vector<8x2048xi1>
    %eq3A_603 = arith.xori %eq3A_601, %eq3A_602 : vector<8x2048xi1>
    %select_n3A_604 = arith.select %eq3A_603, %select_n3A_553, %select_n3A_567 : vector<8x2048xi1>, vector<8x2048xf32>
    %select_n3A_605 = arith.select %eq3A_603, %select_n3A_554, %select_n3A_580 : vector<8x2048xi1>, vector<8x2048xi32>
    %and3A_606 = arith.constant 4 : i32
    %and3A_607 = vector.broadcast %and3A_606 : i32 to vector<8x2048xi32>
    %and3A_608 = arith.andi %iota3A, %and3A_607 : vector<8x2048xi32>
    %eq3A_609 = arith.constant 0 : i32
    %eq3A_610 = vector.broadcast %eq3A_609 : i32 to vector<8x2048xi32>
    %eq3A_611 = arith.cmpi eq, %and3A_608, %eq3A_610 : vector<8x2048xi32>
    %slice3A_612 = vector.extract_strided_slice %select_n3A_604 {offsets = [0, 4], sizes = [8, 2044], strides = [1, 1]} : vector<8x2048xf32> to vector<8x2044xf32>
    %slice3A_613 = vector.extract_strided_slice %select_n3A_604 {offsets = [0, 0], sizes = [8, 4], strides = [1, 1]} : vector<8x2048xf32> to vector<8x4xf32>
    %concatenate3A_614 = tpu.concatenate %slice3A_612, %slice3A_613 in 1 : vector<8x2044xf32>, vector<8x4xf32> -> vector<8x2048xf32>
    %slice3A_615 = vector.extract_strided_slice %select_n3A_604 {offsets = [0, 2044], sizes = [8, 4], strides = [1, 1]} : vector<8x2048xf32> to vector<8x4xf32>
    %slice3A_616 = vector.extract_strided_slice %select_n3A_604 {offsets = [0, 0], sizes = [8, 2044], strides = [1, 1]} : vector<8x2048xf32> to vector<8x2044xf32>
    %concatenate3A_617 = tpu.concatenate %slice3A_615, %slice3A_616 in 1 : vector<8x4xf32>, vector<8x2044xf32> -> vector<8x2048xf32>
    %select_n3A_618 = arith.select %eq3A_611, %concatenate3A_614, %concatenate3A_617 : vector<8x2048xi1>, vector<8x2048xf32>
    %and3A_619 = arith.constant 4 : i32
    %and3A_620 = vector.broadcast %and3A_619 : i32 to vector<8x2048xi32>
    %and3A_621 = arith.andi %iota3A, %and3A_620 : vector<8x2048xi32>
    %eq3A_622 = arith.constant 0 : i32
    %eq3A_623 = vector.broadcast %eq3A_622 : i32 to vector<8x2048xi32>
    %eq3A_624 = arith.cmpi eq, %and3A_621, %eq3A_623 : vector<8x2048xi32>
    %slice3A_625 = vector.extract_strided_slice %select_n3A_605 {offsets = [0, 4], sizes = [8, 2044], strides = [1, 1]} : vector<8x2048xi32> to vector<8x2044xi32>
    %slice3A_626 = vector.extract_strided_slice %select_n3A_605 {offsets = [0, 0], sizes = [8, 4], strides = [1, 1]} : vector<8x2048xi32> to vector<8x4xi32>
    %concatenate3A_627 = tpu.concatenate %slice3A_625, %slice3A_626 in 1 : vector<8x2044xi32>, vector<8x4xi32> -> vector<8x2048xi32>
    %slice3A_628 = vector.extract_strided_slice %select_n3A_605 {offsets = [0, 2044], sizes = [8, 4], strides = [1, 1]} : vector<8x2048xi32> to vector<8x4xi32>
    %slice3A_629 = vector.extract_strided_slice %select_n3A_605 {offsets = [0, 0], sizes = [8, 2044], strides = [1, 1]} : vector<8x2048xi32> to vector<8x2044xi32>
    %concatenate3A_630 = tpu.concatenate %slice3A_628, %slice3A_629 in 1 : vector<8x4xi32>, vector<8x2044xi32> -> vector<8x2048xi32>
    %select_n3A_631 = arith.select %eq3A_624, %concatenate3A_627, %concatenate3A_630 : vector<8x2048xi1>, vector<8x2048xi32>
    %gt3A_632 = arith.cmpf ogt, %select_n3A_604, %select_n3A_618 : vector<8x2048xf32>
    %eq3A_633 = arith.cmpf oeq, %select_n3A_604, %select_n3A_618 : vector<8x2048xf32>
    %lt3A_634 = arith.cmpi slt, %select_n3A_605, %select_n3A_631 : vector<8x2048xi32>
    %and3A_635 = arith.andi %eq3A_633, %lt3A_634 : vector<8x2048xi1>
    %or3A_636 = arith.ori %gt3A_632, %and3A_635 : vector<8x2048xi1>
    %and3A_637 = arith.constant 4 : i32
    %and3A_638 = vector.broadcast %and3A_637 : i32 to vector<8x2048xi32>
    %and3A_639 = arith.andi %iota3A, %and3A_638 : vector<8x2048xi32>
    %eq3A_640 = arith.constant 0 : i32
    %eq3A_641 = vector.broadcast %eq3A_640 : i32 to vector<8x2048xi32>
    %eq3A_642 = arith.cmpi eq, %and3A_639, %eq3A_641 : vector<8x2048xi32>
    %and3A_643 = arith.constant 32 : i32
    %and3A_644 = vector.broadcast %and3A_643 : i32 to vector<8x2048xi32>
    %and3A_645 = arith.andi %iota3A, %and3A_644 : vector<8x2048xi32>
    %eq3A_646 = arith.constant 0 : i32
    %eq3A_647 = vector.broadcast %eq3A_646 : i32 to vector<8x2048xi32>
    %eq3A_648 = arith.cmpi eq, %and3A_645, %eq3A_647 : vector<8x2048xi32>
    %eq3A_649 = arith.xori %eq3A_642, %eq3A_648 : vector<8x2048xi1>
    %eq3A_650 = arith.constant dense<true> : vector<8x2048xi1>
    %eq3A_651 = arith.xori %eq3A_649, %eq3A_650 : vector<8x2048xi1>
    %eq3A_652 = arith.xori %eq3A_651, %or3A_636 : vector<8x2048xi1>
    %eq3A_653 = arith.constant dense<true> : vector<8x2048xi1>
    %eq3A_654 = arith.xori %eq3A_652, %eq3A_653 : vector<8x2048xi1>
    %select_n3A_655 = arith.select %eq3A_654, %select_n3A_604, %select_n3A_618 : vector<8x2048xi1>, vector<8x2048xf32>
    %select_n3A_656 = arith.select %eq3A_654, %select_n3A_605, %select_n3A_631 : vector<8x2048xi1>, vector<8x2048xi32>
    %and3A_657 = arith.constant 2 : i32
    %and3A_658 = vector.broadcast %and3A_657 : i32 to vector<8x2048xi32>
    %and3A_659 = arith.andi %iota3A, %and3A_658 : vector<8x2048xi32>
    %eq3A_660 = arith.constant 0 : i32
    %eq3A_661 = vector.broadcast %eq3A_660 : i32 to vector<8x2048xi32>
    %eq3A_662 = arith.cmpi eq, %and3A_659, %eq3A_661 : vector<8x2048xi32>
    %slice3A_663 = vector.extract_strided_slice %select_n3A_655 {offsets = [0, 2], sizes = [8, 2046], strides = [1, 1]} : vector<8x2048xf32> to vector<8x2046xf32>
    %slice3A_664 = vector.extract_strided_slice %select_n3A_655 {offsets = [0, 0], sizes = [8, 2], strides = [1, 1]} : vector<8x2048xf32> to vector<8x2xf32>
    %concatenate3A_665 = tpu.concatenate %slice3A_663, %slice3A_664 in 1 : vector<8x2046xf32>, vector<8x2xf32> -> vector<8x2048xf32>
    %slice3A_666 = vector.extract_strided_slice %select_n3A_655 {offsets = [0, 2046], sizes = [8, 2], strides = [1, 1]} : vector<8x2048xf32> to vector<8x2xf32>
    %slice3A_667 = vector.extract_strided_slice %select_n3A_655 {offsets = [0, 0], sizes = [8, 2046], strides = [1, 1]} : vector<8x2048xf32> to vector<8x2046xf32>
    %concatenate3A_668 = tpu.concatenate %slice3A_666, %slice3A_667 in 1 : vector<8x2xf32>, vector<8x2046xf32> -> vector<8x2048xf32>
    %select_n3A_669 = arith.select %eq3A_662, %concatenate3A_665, %concatenate3A_668 : vector<8x2048xi1>, vector<8x2048xf32>
    %and3A_670 = arith.constant 2 : i32
    %and3A_671 = vector.broadcast %and3A_670 : i32 to vector<8x2048xi32>
    %and3A_672 = arith.andi %iota3A, %and3A_671 : vector<8x2048xi32>
    %eq3A_673 = arith.constant 0 : i32
    %eq3A_674 = vector.broadcast %eq3A_673 : i32 to vector<8x2048xi32>
    %eq3A_675 = arith.cmpi eq, %and3A_672, %eq3A_674 : vector<8x2048xi32>
    %slice3A_676 = vector.extract_strided_slice %select_n3A_656 {offsets = [0, 2], sizes = [8, 2046], strides = [1, 1]} : vector<8x2048xi32> to vector<8x2046xi32>
    %slice3A_677 = vector.extract_strided_slice %select_n3A_656 {offsets = [0, 0], sizes = [8, 2], strides = [1, 1]} : vector<8x2048xi32> to vector<8x2xi32>
    %concatenate3A_678 = tpu.concatenate %slice3A_676, %slice3A_677 in 1 : vector<8x2046xi32>, vector<8x2xi32> -> vector<8x2048xi32>
    %slice3A_679 = vector.extract_strided_slice %select_n3A_656 {offsets = [0, 2046], sizes = [8, 2], strides = [1, 1]} : vector<8x2048xi32> to vector<8x2xi32>
    %slice3A_680 = vector.extract_strided_slice %select_n3A_656 {offsets = [0, 0], sizes = [8, 2046], strides = [1, 1]} : vector<8x2048xi32> to vector<8x2046xi32>
    %concatenate3A_681 = tpu.concatenate %slice3A_679, %slice3A_680 in 1 : vector<8x2xi32>, vector<8x2046xi32> -> vector<8x2048xi32>
    %select_n3A_682 = arith.select %eq3A_675, %concatenate3A_678, %concatenate3A_681 : vector<8x2048xi1>, vector<8x2048xi32>
    %gt3A_683 = arith.cmpf ogt, %select_n3A_655, %select_n3A_669 : vector<8x2048xf32>
    %eq3A_684 = arith.cmpf oeq, %select_n3A_655, %select_n3A_669 : vector<8x2048xf32>
    %lt3A_685 = arith.cmpi slt, %select_n3A_656, %select_n3A_682 : vector<8x2048xi32>
    %and3A_686 = arith.andi %eq3A_684, %lt3A_685 : vector<8x2048xi1>
    %or3A_687 = arith.ori %gt3A_683, %and3A_686 : vector<8x2048xi1>
    %and3A_688 = arith.constant 2 : i32
    %and3A_689 = vector.broadcast %and3A_688 : i32 to vector<8x2048xi32>
    %and3A_690 = arith.andi %iota3A, %and3A_689 : vector<8x2048xi32>
    %eq3A_691 = arith.constant 0 : i32
    %eq3A_692 = vector.broadcast %eq3A_691 : i32 to vector<8x2048xi32>
    %eq3A_693 = arith.cmpi eq, %and3A_690, %eq3A_692 : vector<8x2048xi32>
    %and3A_694 = arith.constant 32 : i32
    %and3A_695 = vector.broadcast %and3A_694 : i32 to vector<8x2048xi32>
    %and3A_696 = arith.andi %iota3A, %and3A_695 : vector<8x2048xi32>
    %eq3A_697 = arith.constant 0 : i32
    %eq3A_698 = vector.broadcast %eq3A_697 : i32 to vector<8x2048xi32>
    %eq3A_699 = arith.cmpi eq, %and3A_696, %eq3A_698 : vector<8x2048xi32>
    %eq3A_700 = arith.xori %eq3A_693, %eq3A_699 : vector<8x2048xi1>
    %eq3A_701 = arith.constant dense<true> : vector<8x2048xi1>
    %eq3A_702 = arith.xori %eq3A_700, %eq3A_701 : vector<8x2048xi1>
    %eq3A_703 = arith.xori %eq3A_702, %or3A_687 : vector<8x2048xi1>
    %eq3A_704 = arith.constant dense<true> : vector<8x2048xi1>
    %eq3A_705 = arith.xori %eq3A_703, %eq3A_704 : vector<8x2048xi1>
    %select_n3A_706 = arith.select %eq3A_705, %select_n3A_655, %select_n3A_669 : vector<8x2048xi1>, vector<8x2048xf32>
    %select_n3A_707 = arith.select %eq3A_705, %select_n3A_656, %select_n3A_682 : vector<8x2048xi1>, vector<8x2048xi32>
    %and3A_708 = arith.constant 1 : i32
    %and3A_709 = vector.broadcast %and3A_708 : i32 to vector<8x2048xi32>
    %and3A_710 = arith.andi %iota3A, %and3A_709 : vector<8x2048xi32>
    %eq3A_711 = arith.constant 0 : i32
    %eq3A_712 = vector.broadcast %eq3A_711 : i32 to vector<8x2048xi32>
    %eq3A_713 = arith.cmpi eq, %and3A_710, %eq3A_712 : vector<8x2048xi32>
    %slice3A_714 = vector.extract_strided_slice %select_n3A_706 {offsets = [0, 1], sizes = [8, 2047], strides = [1, 1]} : vector<8x2048xf32> to vector<8x2047xf32>
    %slice3A_715 = vector.extract_strided_slice %select_n3A_706 {offsets = [0, 0], sizes = [8, 1], strides = [1, 1]} : vector<8x2048xf32> to vector<8x1xf32>
    %concatenate3A_716 = tpu.concatenate %slice3A_714, %slice3A_715 in 1 : vector<8x2047xf32>, vector<8x1xf32> -> vector<8x2048xf32>
    %slice3A_717 = vector.extract_strided_slice %select_n3A_706 {offsets = [0, 2047], sizes = [8, 1], strides = [1, 1]} : vector<8x2048xf32> to vector<8x1xf32>
    %slice3A_718 = vector.extract_strided_slice %select_n3A_706 {offsets = [0, 0], sizes = [8, 2047], strides = [1, 1]} : vector<8x2048xf32> to vector<8x2047xf32>
    %concatenate3A_719 = tpu.concatenate %slice3A_717, %slice3A_718 in 1 : vector<8x1xf32>, vector<8x2047xf32> -> vector<8x2048xf32>
    %select_n3A_720 = arith.select %eq3A_713, %concatenate3A_716, %concatenate3A_719 : vector<8x2048xi1>, vector<8x2048xf32>
    %and3A_721 = arith.constant 1 : i32
    %and3A_722 = vector.broadcast %and3A_721 : i32 to vector<8x2048xi32>
    %and3A_723 = arith.andi %iota3A, %and3A_722 : vector<8x2048xi32>
    %eq3A_724 = arith.constant 0 : i32
    %eq3A_725 = vector.broadcast %eq3A_724 : i32 to vector<8x2048xi32>
    %eq3A_726 = arith.cmpi eq, %and3A_723, %eq3A_725 : vector<8x2048xi32>
    %slice3A_727 = vector.extract_strided_slice %select_n3A_707 {offsets = [0, 1], sizes = [8, 2047], strides = [1, 1]} : vector<8x2048xi32> to vector<8x2047xi32>
    %slice3A_728 = vector.extract_strided_slice %select_n3A_707 {offsets = [0, 0], sizes = [8, 1], strides = [1, 1]} : vector<8x2048xi32> to vector<8x1xi32>
    %concatenate3A_729 = tpu.concatenate %slice3A_727, %slice3A_728 in 1 : vector<8x2047xi32>, vector<8x1xi32> -> vector<8x2048xi32>
    %slice3A_730 = vector.extract_strided_slice %select_n3A_707 {offsets = [0, 2047], sizes = [8, 1], strides = [1, 1]} : vector<8x2048xi32> to vector<8x1xi32>
    %slice3A_731 = vector.extract_strided_slice %select_n3A_707 {offsets = [0, 0], sizes = [8, 2047], strides = [1, 1]} : vector<8x2048xi32> to vector<8x2047xi32>
    %concatenate3A_732 = tpu.concatenate %slice3A_730, %slice3A_731 in 1 : vector<8x1xi32>, vector<8x2047xi32> -> vector<8x2048xi32>
    %select_n3A_733 = arith.select %eq3A_726, %concatenate3A_729, %concatenate3A_732 : vector<8x2048xi1>, vector<8x2048xi32>
    %gt3A_734 = arith.cmpf ogt, %select_n3A_706, %select_n3A_720 : vector<8x2048xf32>
    %eq3A_735 = arith.cmpf oeq, %select_n3A_706, %select_n3A_720 : vector<8x2048xf32>
    %lt3A_736 = arith.cmpi slt, %select_n3A_707, %select_n3A_733 : vector<8x2048xi32>
    %and3A_737 = arith.andi %eq3A_735, %lt3A_736 : vector<8x2048xi1>
    %or3A_738 = arith.ori %gt3A_734, %and3A_737 : vector<8x2048xi1>
    %and3A_739 = arith.constant 1 : i32
    %and3A_740 = vector.broadcast %and3A_739 : i32 to vector<8x2048xi32>
    %and3A_741 = arith.andi %iota3A, %and3A_740 : vector<8x2048xi32>
    %eq3A_742 = arith.constant 0 : i32
    %eq3A_743 = vector.broadcast %eq3A_742 : i32 to vector<8x2048xi32>
    %eq3A_744 = arith.cmpi eq, %and3A_741, %eq3A_743 : vector<8x2048xi32>
    %and3A_745 = arith.constant 32 : i32
    %and3A_746 = vector.broadcast %and3A_745 : i32 to vector<8x2048xi32>
    %and3A_747 = arith.andi %iota3A, %and3A_746 : vector<8x2048xi32>
    %eq3A_748 = arith.constant 0 : i32
    %eq3A_749 = vector.broadcast %eq3A_748 : i32 to vector<8x2048xi32>
    %eq3A_750 = arith.cmpi eq, %and3A_747, %eq3A_749 : vector<8x2048xi32>
    %eq3A_751 = arith.xori %eq3A_744, %eq3A_750 : vector<8x2048xi1>
    %eq3A_752 = arith.constant dense<true> : vector<8x2048xi1>
    %eq3A_753 = arith.xori %eq3A_751, %eq3A_752 : vector<8x2048xi1>
    %eq3A_754 = arith.xori %eq3A_753, %or3A_738 : vector<8x2048xi1>
    %eq3A_755 = arith.constant dense<true> : vector<8x2048xi1>
    %eq3A_756 = arith.xori %eq3A_754, %eq3A_755 : vector<8x2048xi1>
    %select_n3A_757 = arith.select %eq3A_756, %select_n3A_706, %select_n3A_720 : vector<8x2048xi1>, vector<8x2048xf32>
    %select_n3A_758 = arith.select %eq3A_756, %select_n3A_707, %select_n3A_733 : vector<8x2048xi1>, vector<8x2048xi32>
    %and3A_759 = arith.constant 32 : i32
    %and3A_760 = vector.broadcast %and3A_759 : i32 to vector<8x2048xi32>
    %and3A_761 = arith.andi %iota3A, %and3A_760 : vector<8x2048xi32>
    %eq3A_762 = arith.constant 0 : i32
    %eq3A_763 = vector.broadcast %eq3A_762 : i32 to vector<8x2048xi32>
    %eq3A_764 = arith.cmpi eq, %and3A_761, %eq3A_763 : vector<8x2048xi32>
    %slice3A_765 = vector.extract_strided_slice %select_n3A_757 {offsets = [0, 32], sizes = [8, 2016], strides = [1, 1]} : vector<8x2048xf32> to vector<8x2016xf32>
    %slice3A_766 = vector.extract_strided_slice %select_n3A_757 {offsets = [0, 0], sizes = [8, 32], strides = [1, 1]} : vector<8x2048xf32> to vector<8x32xf32>
    %concatenate3A_767 = tpu.concatenate %slice3A_765, %slice3A_766 in 1 : vector<8x2016xf32>, vector<8x32xf32> -> vector<8x2048xf32>
    %slice3A_768 = vector.extract_strided_slice %select_n3A_757 {offsets = [0, 2016], sizes = [8, 32], strides = [1, 1]} : vector<8x2048xf32> to vector<8x32xf32>
    %slice3A_769 = vector.extract_strided_slice %select_n3A_757 {offsets = [0, 0], sizes = [8, 2016], strides = [1, 1]} : vector<8x2048xf32> to vector<8x2016xf32>
    %concatenate3A_770 = tpu.concatenate %slice3A_768, %slice3A_769 in 1 : vector<8x32xf32>, vector<8x2016xf32> -> vector<8x2048xf32>
    %select_n3A_771 = arith.select %eq3A_764, %concatenate3A_767, %concatenate3A_770 : vector<8x2048xi1>, vector<8x2048xf32>
    %and3A_772 = arith.constant 32 : i32
    %and3A_773 = vector.broadcast %and3A_772 : i32 to vector<8x2048xi32>
    %and3A_774 = arith.andi %iota3A, %and3A_773 : vector<8x2048xi32>
    %eq3A_775 = arith.constant 0 : i32
    %eq3A_776 = vector.broadcast %eq3A_775 : i32 to vector<8x2048xi32>
    %eq3A_777 = arith.cmpi eq, %and3A_774, %eq3A_776 : vector<8x2048xi32>
    %slice3A_778 = vector.extract_strided_slice %select_n3A_758 {offsets = [0, 32], sizes = [8, 2016], strides = [1, 1]} : vector<8x2048xi32> to vector<8x2016xi32>
    %slice3A_779 = vector.extract_strided_slice %select_n3A_758 {offsets = [0, 0], sizes = [8, 32], strides = [1, 1]} : vector<8x2048xi32> to vector<8x32xi32>
    %concatenate3A_780 = tpu.concatenate %slice3A_778, %slice3A_779 in 1 : vector<8x2016xi32>, vector<8x32xi32> -> vector<8x2048xi32>
    %slice3A_781 = vector.extract_strided_slice %select_n3A_758 {offsets = [0, 2016], sizes = [8, 32], strides = [1, 1]} : vector<8x2048xi32> to vector<8x32xi32>
    %slice3A_782 = vector.extract_strided_slice %select_n3A_758 {offsets = [0, 0], sizes = [8, 2016], strides = [1, 1]} : vector<8x2048xi32> to vector<8x2016xi32>
    %concatenate3A_783 = tpu.concatenate %slice3A_781, %slice3A_782 in 1 : vector<8x32xi32>, vector<8x2016xi32> -> vector<8x2048xi32>
    %select_n3A_784 = arith.select %eq3A_777, %concatenate3A_780, %concatenate3A_783 : vector<8x2048xi1>, vector<8x2048xi32>
    %gt3A_785 = arith.cmpf ogt, %select_n3A_757, %select_n3A_771 : vector<8x2048xf32>
    %eq3A_786 = arith.cmpf oeq, %select_n3A_757, %select_n3A_771 : vector<8x2048xf32>
    %lt3A_787 = arith.cmpi slt, %select_n3A_758, %select_n3A_784 : vector<8x2048xi32>
    %and3A_788 = arith.andi %eq3A_786, %lt3A_787 : vector<8x2048xi1>
    %or3A_789 = arith.ori %gt3A_785, %and3A_788 : vector<8x2048xi1>
    %and3A_790 = arith.constant 32 : i32
    %and3A_791 = vector.broadcast %and3A_790 : i32 to vector<8x2048xi32>
    %and3A_792 = arith.andi %iota3A, %and3A_791 : vector<8x2048xi32>
    %eq3A_793 = arith.constant 0 : i32
    %eq3A_794 = vector.broadcast %eq3A_793 : i32 to vector<8x2048xi32>
    %eq3A_795 = arith.cmpi eq, %and3A_792, %eq3A_794 : vector<8x2048xi32>
    %and3A_796 = arith.constant 64 : i32
    %and3A_797 = vector.broadcast %and3A_796 : i32 to vector<8x2048xi32>
    %and3A_798 = arith.andi %iota3A, %and3A_797 : vector<8x2048xi32>
    %eq3A_799 = arith.constant 0 : i32
    %eq3A_800 = vector.broadcast %eq3A_799 : i32 to vector<8x2048xi32>
    %eq3A_801 = arith.cmpi eq, %and3A_798, %eq3A_800 : vector<8x2048xi32>
    %eq3A_802 = arith.xori %eq3A_795, %eq3A_801 : vector<8x2048xi1>
    %eq3A_803 = arith.constant dense<true> : vector<8x2048xi1>
    %eq3A_804 = arith.xori %eq3A_802, %eq3A_803 : vector<8x2048xi1>
    %eq3A_805 = arith.xori %eq3A_804, %or3A_789 : vector<8x2048xi1>
    %eq3A_806 = arith.constant dense<true> : vector<8x2048xi1>
    %eq3A_807 = arith.xori %eq3A_805, %eq3A_806 : vector<8x2048xi1>
    %select_n3A_808 = arith.select %eq3A_807, %select_n3A_757, %select_n3A_771 : vector<8x2048xi1>, vector<8x2048xf32>
    %select_n3A_809 = arith.select %eq3A_807, %select_n3A_758, %select_n3A_784 : vector<8x2048xi1>, vector<8x2048xi32>
    %and3A_810 = arith.constant 16 : i32
    %and3A_811 = vector.broadcast %and3A_810 : i32 to vector<8x2048xi32>
    %and3A_812 = arith.andi %iota3A, %and3A_811 : vector<8x2048xi32>
    %eq3A_813 = arith.constant 0 : i32
    %eq3A_814 = vector.broadcast %eq3A_813 : i32 to vector<8x2048xi32>
    %eq3A_815 = arith.cmpi eq, %and3A_812, %eq3A_814 : vector<8x2048xi32>
    %slice3A_816 = vector.extract_strided_slice %select_n3A_808 {offsets = [0, 16], sizes = [8, 2032], strides = [1, 1]} : vector<8x2048xf32> to vector<8x2032xf32>
    %slice3A_817 = vector.extract_strided_slice %select_n3A_808 {offsets = [0, 0], sizes = [8, 16], strides = [1, 1]} : vector<8x2048xf32> to vector<8x16xf32>
    %concatenate3A_818 = tpu.concatenate %slice3A_816, %slice3A_817 in 1 : vector<8x2032xf32>, vector<8x16xf32> -> vector<8x2048xf32>
    %slice3A_819 = vector.extract_strided_slice %select_n3A_808 {offsets = [0, 2032], sizes = [8, 16], strides = [1, 1]} : vector<8x2048xf32> to vector<8x16xf32>
    %slice3A_820 = vector.extract_strided_slice %select_n3A_808 {offsets = [0, 0], sizes = [8, 2032], strides = [1, 1]} : vector<8x2048xf32> to vector<8x2032xf32>
    %concatenate3A_821 = tpu.concatenate %slice3A_819, %slice3A_820 in 1 : vector<8x16xf32>, vector<8x2032xf32> -> vector<8x2048xf32>
    %select_n3A_822 = arith.select %eq3A_815, %concatenate3A_818, %concatenate3A_821 : vector<8x2048xi1>, vector<8x2048xf32>
    %and3A_823 = arith.constant 16 : i32
    %and3A_824 = vector.broadcast %and3A_823 : i32 to vector<8x2048xi32>
    %and3A_825 = arith.andi %iota3A, %and3A_824 : vector<8x2048xi32>
    %eq3A_826 = arith.constant 0 : i32
    %eq3A_827 = vector.broadcast %eq3A_826 : i32 to vector<8x2048xi32>
    %eq3A_828 = arith.cmpi eq, %and3A_825, %eq3A_827 : vector<8x2048xi32>
    %slice3A_829 = vector.extract_strided_slice %select_n3A_809 {offsets = [0, 16], sizes = [8, 2032], strides = [1, 1]} : vector<8x2048xi32> to vector<8x2032xi32>
    %slice3A_830 = vector.extract_strided_slice %select_n3A_809 {offsets = [0, 0], sizes = [8, 16], strides = [1, 1]} : vector<8x2048xi32> to vector<8x16xi32>
    %concatenate3A_831 = tpu.concatenate %slice3A_829, %slice3A_830 in 1 : vector<8x2032xi32>, vector<8x16xi32> -> vector<8x2048xi32>
    %slice3A_832 = vector.extract_strided_slice %select_n3A_809 {offsets = [0, 2032], sizes = [8, 16], strides = [1, 1]} : vector<8x2048xi32> to vector<8x16xi32>
    %slice3A_833 = vector.extract_strided_slice %select_n3A_809 {offsets = [0, 0], sizes = [8, 2032], strides = [1, 1]} : vector<8x2048xi32> to vector<8x2032xi32>
    %concatenate3A_834 = tpu.concatenate %slice3A_832, %slice3A_833 in 1 : vector<8x16xi32>, vector<8x2032xi32> -> vector<8x2048xi32>
    %select_n3A_835 = arith.select %eq3A_828, %concatenate3A_831, %concatenate3A_834 : vector<8x2048xi1>, vector<8x2048xi32>
    %gt3A_836 = arith.cmpf ogt, %select_n3A_808, %select_n3A_822 : vector<8x2048xf32>
    %eq3A_837 = arith.cmpf oeq, %select_n3A_808, %select_n3A_822 : vector<8x2048xf32>
    %lt3A_838 = arith.cmpi slt, %select_n3A_809, %select_n3A_835 : vector<8x2048xi32>
    %and3A_839 = arith.andi %eq3A_837, %lt3A_838 : vector<8x2048xi1>
    %or3A_840 = arith.ori %gt3A_836, %and3A_839 : vector<8x2048xi1>
    %and3A_841 = arith.constant 16 : i32
    %and3A_842 = vector.broadcast %and3A_841 : i32 to vector<8x2048xi32>
    %and3A_843 = arith.andi %iota3A, %and3A_842 : vector<8x2048xi32>
    %eq3A_844 = arith.constant 0 : i32
    %eq3A_845 = vector.broadcast %eq3A_844 : i32 to vector<8x2048xi32>
    %eq3A_846 = arith.cmpi eq, %and3A_843, %eq3A_845 : vector<8x2048xi32>
    %and3A_847 = arith.constant 64 : i32
    %and3A_848 = vector.broadcast %and3A_847 : i32 to vector<8x2048xi32>
    %and3A_849 = arith.andi %iota3A, %and3A_848 : vector<8x2048xi32>
    %eq3A_850 = arith.constant 0 : i32
    %eq3A_851 = vector.broadcast %eq3A_850 : i32 to vector<8x2048xi32>
    %eq3A_852 = arith.cmpi eq, %and3A_849, %eq3A_851 : vector<8x2048xi32>
    %eq3A_853 = arith.xori %eq3A_846, %eq3A_852 : vector<8x2048xi1>
    %eq3A_854 = arith.constant dense<true> : vector<8x2048xi1>
    %eq3A_855 = arith.xori %eq3A_853, %eq3A_854 : vector<8x2048xi1>
    %eq3A_856 = arith.xori %eq3A_855, %or3A_840 : vector<8x2048xi1>
    %eq3A_857 = arith.constant dense<true> : vector<8x2048xi1>
    %eq3A_858 = arith.xori %eq3A_856, %eq3A_857 : vector<8x2048xi1>
    %select_n3A_859 = arith.select %eq3A_858, %select_n3A_808, %select_n3A_822 : vector<8x2048xi1>, vector<8x2048xf32>
    %select_n3A_860 = arith.select %eq3A_858, %select_n3A_809, %select_n3A_835 : vector<8x2048xi1>, vector<8x2048xi32>
    %and3A_861 = arith.constant 8 : i32
    %and3A_862 = vector.broadcast %and3A_861 : i32 to vector<8x2048xi32>
    %and3A_863 = arith.andi %iota3A, %and3A_862 : vector<8x2048xi32>
    %eq3A_864 = arith.constant 0 : i32
    %eq3A_865 = vector.broadcast %eq3A_864 : i32 to vector<8x2048xi32>
    %eq3A_866 = arith.cmpi eq, %and3A_863, %eq3A_865 : vector<8x2048xi32>
    %slice3A_867 = vector.extract_strided_slice %select_n3A_859 {offsets = [0, 8], sizes = [8, 2040], strides = [1, 1]} : vector<8x2048xf32> to vector<8x2040xf32>
    %slice3A_868 = vector.extract_strided_slice %select_n3A_859 {offsets = [0, 0], sizes = [8, 8], strides = [1, 1]} : vector<8x2048xf32> to vector<8x8xf32>
    %concatenate3A_869 = tpu.concatenate %slice3A_867, %slice3A_868 in 1 : vector<8x2040xf32>, vector<8x8xf32> -> vector<8x2048xf32>
    %slice3A_870 = vector.extract_strided_slice %select_n3A_859 {offsets = [0, 2040], sizes = [8, 8], strides = [1, 1]} : vector<8x2048xf32> to vector<8x8xf32>
    %slice3A_871 = vector.extract_strided_slice %select_n3A_859 {offsets = [0, 0], sizes = [8, 2040], strides = [1, 1]} : vector<8x2048xf32> to vector<8x2040xf32>
    %concatenate3A_872 = tpu.concatenate %slice3A_870, %slice3A_871 in 1 : vector<8x8xf32>, vector<8x2040xf32> -> vector<8x2048xf32>
    %select_n3A_873 = arith.select %eq3A_866, %concatenate3A_869, %concatenate3A_872 : vector<8x2048xi1>, vector<8x2048xf32>
    %and3A_874 = arith.constant 8 : i32
    %and3A_875 = vector.broadcast %and3A_874 : i32 to vector<8x2048xi32>
    %and3A_876 = arith.andi %iota3A, %and3A_875 : vector<8x2048xi32>
    %eq3A_877 = arith.constant 0 : i32
    %eq3A_878 = vector.broadcast %eq3A_877 : i32 to vector<8x2048xi32>
    %eq3A_879 = arith.cmpi eq, %and3A_876, %eq3A_878 : vector<8x2048xi32>
    %slice3A_880 = vector.extract_strided_slice %select_n3A_860 {offsets = [0, 8], sizes = [8, 2040], strides = [1, 1]} : vector<8x2048xi32> to vector<8x2040xi32>
    %slice3A_881 = vector.extract_strided_slice %select_n3A_860 {offsets = [0, 0], sizes = [8, 8], strides = [1, 1]} : vector<8x2048xi32> to vector<8x8xi32>
    %concatenate3A_882 = tpu.concatenate %slice3A_880, %slice3A_881 in 1 : vector<8x2040xi32>, vector<8x8xi32> -> vector<8x2048xi32>
    %slice3A_883 = vector.extract_strided_slice %select_n3A_860 {offsets = [0, 2040], sizes = [8, 8], strides = [1, 1]} : vector<8x2048xi32> to vector<8x8xi32>
    %slice3A_884 = vector.extract_strided_slice %select_n3A_860 {offsets = [0, 0], sizes = [8, 2040], strides = [1, 1]} : vector<8x2048xi32> to vector<8x2040xi32>
    %concatenate3A_885 = tpu.concatenate %slice3A_883, %slice3A_884 in 1 : vector<8x8xi32>, vector<8x2040xi32> -> vector<8x2048xi32>
    %select_n3A_886 = arith.select %eq3A_879, %concatenate3A_882, %concatenate3A_885 : vector<8x2048xi1>, vector<8x2048xi32>
    %gt3A_887 = arith.cmpf ogt, %select_n3A_859, %select_n3A_873 : vector<8x2048xf32>
    %eq3A_888 = arith.cmpf oeq, %select_n3A_859, %select_n3A_873 : vector<8x2048xf32>
    %lt3A_889 = arith.cmpi slt, %select_n3A_860, %select_n3A_886 : vector<8x2048xi32>
    %and3A_890 = arith.andi %eq3A_888, %lt3A_889 : vector<8x2048xi1>
    %or3A_891 = arith.ori %gt3A_887, %and3A_890 : vector<8x2048xi1>
    %and3A_892 = arith.constant 8 : i32
    %and3A_893 = vector.broadcast %and3A_892 : i32 to vector<8x2048xi32>
    %and3A_894 = arith.andi %iota3A, %and3A_893 : vector<8x2048xi32>
    %eq3A_895 = arith.constant 0 : i32
    %eq3A_896 = vector.broadcast %eq3A_895 : i32 to vector<8x2048xi32>
    %eq3A_897 = arith.cmpi eq, %and3A_894, %eq3A_896 : vector<8x2048xi32>
    %and3A_898 = arith.constant 64 : i32
    %and3A_899 = vector.broadcast %and3A_898 : i32 to vector<8x2048xi32>
    %and3A_900 = arith.andi %iota3A, %and3A_899 : vector<8x2048xi32>
    %eq3A_901 = arith.constant 0 : i32
    %eq3A_902 = vector.broadcast %eq3A_901 : i32 to vector<8x2048xi32>
    %eq3A_903 = arith.cmpi eq, %and3A_900, %eq3A_902 : vector<8x2048xi32>
    %eq3A_904 = arith.xori %eq3A_897, %eq3A_903 : vector<8x2048xi1>
    %eq3A_905 = arith.constant dense<true> : vector<8x2048xi1>
    %eq3A_906 = arith.xori %eq3A_904, %eq3A_905 : vector<8x2048xi1>
    %eq3A_907 = arith.xori %eq3A_906, %or3A_891 : vector<8x2048xi1>
    %eq3A_908 = arith.constant dense<true> : vector<8x2048xi1>
    %eq3A_909 = arith.xori %eq3A_907, %eq3A_908 : vector<8x2048xi1>
    %select_n3A_910 = arith.select %eq3A_909, %select_n3A_859, %select_n3A_873 : vector<8x2048xi1>, vector<8x2048xf32>
    %select_n3A_911 = arith.select %eq3A_909, %select_n3A_860, %select_n3A_886 : vector<8x2048xi1>, vector<8x2048xi32>
    %and3A_912 = arith.constant 4 : i32
    %and3A_913 = vector.broadcast %and3A_912 : i32 to vector<8x2048xi32>
    %and3A_914 = arith.andi %iota3A, %and3A_913 : vector<8x2048xi32>
    %eq3A_915 = arith.constant 0 : i32
    %eq3A_916 = vector.broadcast %eq3A_915 : i32 to vector<8x2048xi32>
    %eq3A_917 = arith.cmpi eq, %and3A_914, %eq3A_916 : vector<8x2048xi32>
    %slice3A_918 = vector.extract_strided_slice %select_n3A_910 {offsets = [0, 4], sizes = [8, 2044], strides = [1, 1]} : vector<8x2048xf32> to vector<8x2044xf32>
    %slice3A_919 = vector.extract_strided_slice %select_n3A_910 {offsets = [0, 0], sizes = [8, 4], strides = [1, 1]} : vector<8x2048xf32> to vector<8x4xf32>
    %concatenate3A_920 = tpu.concatenate %slice3A_918, %slice3A_919 in 1 : vector<8x2044xf32>, vector<8x4xf32> -> vector<8x2048xf32>
    %slice3A_921 = vector.extract_strided_slice %select_n3A_910 {offsets = [0, 2044], sizes = [8, 4], strides = [1, 1]} : vector<8x2048xf32> to vector<8x4xf32>
    %slice3A_922 = vector.extract_strided_slice %select_n3A_910 {offsets = [0, 0], sizes = [8, 2044], strides = [1, 1]} : vector<8x2048xf32> to vector<8x2044xf32>
    %concatenate3A_923 = tpu.concatenate %slice3A_921, %slice3A_922 in 1 : vector<8x4xf32>, vector<8x2044xf32> -> vector<8x2048xf32>
    %select_n3A_924 = arith.select %eq3A_917, %concatenate3A_920, %concatenate3A_923 : vector<8x2048xi1>, vector<8x2048xf32>
    %and3A_925 = arith.constant 4 : i32
    %and3A_926 = vector.broadcast %and3A_925 : i32 to vector<8x2048xi32>
    %and3A_927 = arith.andi %iota3A, %and3A_926 : vector<8x2048xi32>
    %eq3A_928 = arith.constant 0 : i32
    %eq3A_929 = vector.broadcast %eq3A_928 : i32 to vector<8x2048xi32>
    %eq3A_930 = arith.cmpi eq, %and3A_927, %eq3A_929 : vector<8x2048xi32>
    %slice3A_931 = vector.extract_strided_slice %select_n3A_911 {offsets = [0, 4], sizes = [8, 2044], strides = [1, 1]} : vector<8x2048xi32> to vector<8x2044xi32>
    %slice3A_932 = vector.extract_strided_slice %select_n3A_911 {offsets = [0, 0], sizes = [8, 4], strides = [1, 1]} : vector<8x2048xi32> to vector<8x4xi32>
    %concatenate3A_933 = tpu.concatenate %slice3A_931, %slice3A_932 in 1 : vector<8x2044xi32>, vector<8x4xi32> -> vector<8x2048xi32>
    %slice3A_934 = vector.extract_strided_slice %select_n3A_911 {offsets = [0, 2044], sizes = [8, 4], strides = [1, 1]} : vector<8x2048xi32> to vector<8x4xi32>
    %slice3A_935 = vector.extract_strided_slice %select_n3A_911 {offsets = [0, 0], sizes = [8, 2044], strides = [1, 1]} : vector<8x2048xi32> to vector<8x2044xi32>
    %concatenate3A_936 = tpu.concatenate %slice3A_934, %slice3A_935 in 1 : vector<8x4xi32>, vector<8x2044xi32> -> vector<8x2048xi32>
    %select_n3A_937 = arith.select %eq3A_930, %concatenate3A_933, %concatenate3A_936 : vector<8x2048xi1>, vector<8x2048xi32>
    %gt3A_938 = arith.cmpf ogt, %select_n3A_910, %select_n3A_924 : vector<8x2048xf32>
    %eq3A_939 = arith.cmpf oeq, %select_n3A_910, %select_n3A_924 : vector<8x2048xf32>
    %lt3A_940 = arith.cmpi slt, %select_n3A_911, %select_n3A_937 : vector<8x2048xi32>
    %and3A_941 = arith.andi %eq3A_939, %lt3A_940 : vector<8x2048xi1>
    %or3A_942 = arith.ori %gt3A_938, %and3A_941 : vector<8x2048xi1>
    %and3A_943 = arith.constant 4 : i32
    %and3A_944 = vector.broadcast %and3A_943 : i32 to vector<8x2048xi32>
    %and3A_945 = arith.andi %iota3A, %and3A_944 : vector<8x2048xi32>
    %eq3A_946 = arith.constant 0 : i32
    %eq3A_947 = vector.broadcast %eq3A_946 : i32 to vector<8x2048xi32>
    %eq3A_948 = arith.cmpi eq, %and3A_945, %eq3A_947 : vector<8x2048xi32>
    %and3A_949 = arith.constant 64 : i32
    %and3A_950 = vector.broadcast %and3A_949 : i32 to vector<8x2048xi32>
    %and3A_951 = arith.andi %iota3A, %and3A_950 : vector<8x2048xi32>
    %eq3A_952 = arith.constant 0 : i32
    %eq3A_953 = vector.broadcast %eq3A_952 : i32 to vector<8x2048xi32>
    %eq3A_954 = arith.cmpi eq, %and3A_951, %eq3A_953 : vector<8x2048xi32>
    %eq3A_955 = arith.xori %eq3A_948, %eq3A_954 : vector<8x2048xi1>
    %eq3A_956 = arith.constant dense<true> : vector<8x2048xi1>
    %eq3A_957 = arith.xori %eq3A_955, %eq3A_956 : vector<8x2048xi1>
    %eq3A_958 = arith.xori %eq3A_957, %or3A_942 : vector<8x2048xi1>
    %eq3A_959 = arith.constant dense<true> : vector<8x2048xi1>
    %eq3A_960 = arith.xori %eq3A_958, %eq3A_959 : vector<8x2048xi1>
    %select_n3A_961 = arith.select %eq3A_960, %select_n3A_910, %select_n3A_924 : vector<8x2048xi1>, vector<8x2048xf32>
    %select_n3A_962 = arith.select %eq3A_960, %select_n3A_911, %select_n3A_937 : vector<8x2048xi1>, vector<8x2048xi32>
    %and3A_963 = arith.constant 2 : i32
    %and3A_964 = vector.broadcast %and3A_963 : i32 to vector<8x2048xi32>
    %and3A_965 = arith.andi %iota3A, %and3A_964 : vector<8x2048xi32>
    %eq3A_966 = arith.constant 0 : i32
    %eq3A_967 = vector.broadcast %eq3A_966 : i32 to vector<8x2048xi32>
    %eq3A_968 = arith.cmpi eq, %and3A_965, %eq3A_967 : vector<8x2048xi32>
    %slice3A_969 = vector.extract_strided_slice %select_n3A_961 {offsets = [0, 2], sizes = [8, 2046], strides = [1, 1]} : vector<8x2048xf32> to vector<8x2046xf32>
    %slice3A_970 = vector.extract_strided_slice %select_n3A_961 {offsets = [0, 0], sizes = [8, 2], strides = [1, 1]} : vector<8x2048xf32> to vector<8x2xf32>
    %concatenate3A_971 = tpu.concatenate %slice3A_969, %slice3A_970 in 1 : vector<8x2046xf32>, vector<8x2xf32> -> vector<8x2048xf32>
    %slice3A_972 = vector.extract_strided_slice %select_n3A_961 {offsets = [0, 2046], sizes = [8, 2], strides = [1, 1]} : vector<8x2048xf32> to vector<8x2xf32>
    %slice3A_973 = vector.extract_strided_slice %select_n3A_961 {offsets = [0, 0], sizes = [8, 2046], strides = [1, 1]} : vector<8x2048xf32> to vector<8x2046xf32>
    %concatenate3A_974 = tpu.concatenate %slice3A_972, %slice3A_973 in 1 : vector<8x2xf32>, vector<8x2046xf32> -> vector<8x2048xf32>
    %select_n3A_975 = arith.select %eq3A_968, %concatenate3A_971, %concatenate3A_974 : vector<8x2048xi1>, vector<8x2048xf32>
    %and3A_976 = arith.constant 2 : i32
    %and3A_977 = vector.broadcast %and3A_976 : i32 to vector<8x2048xi32>
    %and3A_978 = arith.andi %iota3A, %and3A_977 : vector<8x2048xi32>
    %eq3A_979 = arith.constant 0 : i32
    %eq3A_980 = vector.broadcast %eq3A_979 : i32 to vector<8x2048xi32>
    %eq3A_981 = arith.cmpi eq, %and3A_978, %eq3A_980 : vector<8x2048xi32>
    %slice3A_982 = vector.extract_strided_slice %select_n3A_962 {offsets = [0, 2], sizes = [8, 2046], strides = [1, 1]} : vector<8x2048xi32> to vector<8x2046xi32>
    %slice3A_983 = vector.extract_strided_slice %select_n3A_962 {offsets = [0, 0], sizes = [8, 2], strides = [1, 1]} : vector<8x2048xi32> to vector<8x2xi32>
    %concatenate3A_984 = tpu.concatenate %slice3A_982, %slice3A_983 in 1 : vector<8x2046xi32>, vector<8x2xi32> -> vector<8x2048xi32>
    %slice3A_985 = vector.extract_strided_slice %select_n3A_962 {offsets = [0, 2046], sizes = [8, 2], strides = [1, 1]} : vector<8x2048xi32> to vector<8x2xi32>
    %slice3A_986 = vector.extract_strided_slice %select_n3A_962 {offsets = [0, 0], sizes = [8, 2046], strides = [1, 1]} : vector<8x2048xi32> to vector<8x2046xi32>
    %concatenate3A_987 = tpu.concatenate %slice3A_985, %slice3A_986 in 1 : vector<8x2xi32>, vector<8x2046xi32> -> vector<8x2048xi32>
    %select_n3A_988 = arith.select %eq3A_981, %concatenate3A_984, %concatenate3A_987 : vector<8x2048xi1>, vector<8x2048xi32>
    %gt3A_989 = arith.cmpf ogt, %select_n3A_961, %select_n3A_975 : vector<8x2048xf32>
    %eq3A_990 = arith.cmpf oeq, %select_n3A_961, %select_n3A_975 : vector<8x2048xf32>
    %lt3A_991 = arith.cmpi slt, %select_n3A_962, %select_n3A_988 : vector<8x2048xi32>
    %and3A_992 = arith.andi %eq3A_990, %lt3A_991 : vector<8x2048xi1>
    %or3A_993 = arith.ori %gt3A_989, %and3A_992 : vector<8x2048xi1>
    %and3A_994 = arith.constant 2 : i32
    %and3A_995 = vector.broadcast %and3A_994 : i32 to vector<8x2048xi32>
    %and3A_996 = arith.andi %iota3A, %and3A_995 : vector<8x2048xi32>
    %eq3A_997 = arith.constant 0 : i32
    %eq3A_998 = vector.broadcast %eq3A_997 : i32 to vector<8x2048xi32>
    %eq3A_999 = arith.cmpi eq, %and3A_996, %eq3A_998 : vector<8x2048xi32>
    %and3A_1000 = arith.constant 64 : i32
    %and3A_1001 = vector.broadcast %and3A_1000 : i32 to vector<8x2048xi32>
    %and3A_1002 = arith.andi %iota3A, %and3A_1001 : vector<8x2048xi32>
    %eq3A_1003 = arith.constant 0 : i32
    %eq3A_1004 = vector.broadcast %eq3A_1003 : i32 to vector<8x2048xi32>
    %eq3A_1005 = arith.cmpi eq, %and3A_1002, %eq3A_1004 : vector<8x2048xi32>
    %eq3A_1006 = arith.xori %eq3A_999, %eq3A_1005 : vector<8x2048xi1>
    %eq3A_1007 = arith.constant dense<true> : vector<8x2048xi1>
    %eq3A_1008 = arith.xori %eq3A_1006, %eq3A_1007 : vector<8x2048xi1>
    %eq3A_1009 = arith.xori %eq3A_1008, %or3A_993 : vector<8x2048xi1>
    %eq3A_1010 = arith.constant dense<true> : vector<8x2048xi1>
    %eq3A_1011 = arith.xori %eq3A_1009, %eq3A_1010 : vector<8x2048xi1>
    %select_n3A_1012 = arith.select %eq3A_1011, %select_n3A_961, %select_n3A_975 : vector<8x2048xi1>, vector<8x2048xf32>
    %select_n3A_1013 = arith.select %eq3A_1011, %select_n3A_962, %select_n3A_988 : vector<8x2048xi1>, vector<8x2048xi32>
    %and3A_1014 = arith.constant 1 : i32
    %and3A_1015 = vector.broadcast %and3A_1014 : i32 to vector<8x2048xi32>
    %and3A_1016 = arith.andi %iota3A, %and3A_1015 : vector<8x2048xi32>
    %eq3A_1017 = arith.constant 0 : i32
    %eq3A_1018 = vector.broadcast %eq3A_1017 : i32 to vector<8x2048xi32>
    %eq3A_1019 = arith.cmpi eq, %and3A_1016, %eq3A_1018 : vector<8x2048xi32>
    %slice3A_1020 = vector.extract_strided_slice %select_n3A_1012 {offsets = [0, 1], sizes = [8, 2047], strides = [1, 1]} : vector<8x2048xf32> to vector<8x2047xf32>
    %slice3A_1021 = vector.extract_strided_slice %select_n3A_1012 {offsets = [0, 0], sizes = [8, 1], strides = [1, 1]} : vector<8x2048xf32> to vector<8x1xf32>
    %concatenate3A_1022 = tpu.concatenate %slice3A_1020, %slice3A_1021 in 1 : vector<8x2047xf32>, vector<8x1xf32> -> vector<8x2048xf32>
    %slice3A_1023 = vector.extract_strided_slice %select_n3A_1012 {offsets = [0, 2047], sizes = [8, 1], strides = [1, 1]} : vector<8x2048xf32> to vector<8x1xf32>
    %slice3A_1024 = vector.extract_strided_slice %select_n3A_1012 {offsets = [0, 0], sizes = [8, 2047], strides = [1, 1]} : vector<8x2048xf32> to vector<8x2047xf32>
    %concatenate3A_1025 = tpu.concatenate %slice3A_1023, %slice3A_1024 in 1 : vector<8x1xf32>, vector<8x2047xf32> -> vector<8x2048xf32>
    %select_n3A_1026 = arith.select %eq3A_1019, %concatenate3A_1022, %concatenate3A_1025 : vector<8x2048xi1>, vector<8x2048xf32>
    %and3A_1027 = arith.constant 1 : i32
    %and3A_1028 = vector.broadcast %and3A_1027 : i32 to vector<8x2048xi32>
    %and3A_1029 = arith.andi %iota3A, %and3A_1028 : vector<8x2048xi32>
    %eq3A_1030 = arith.constant 0 : i32
    %eq3A_1031 = vector.broadcast %eq3A_1030 : i32 to vector<8x2048xi32>
    %eq3A_1032 = arith.cmpi eq, %and3A_1029, %eq3A_1031 : vector<8x2048xi32>
    %slice3A_1033 = vector.extract_strided_slice %select_n3A_1013 {offsets = [0, 1], sizes = [8, 2047], strides = [1, 1]} : vector<8x2048xi32> to vector<8x2047xi32>
    %slice3A_1034 = vector.extract_strided_slice %select_n3A_1013 {offsets = [0, 0], sizes = [8, 1], strides = [1, 1]} : vector<8x2048xi32> to vector<8x1xi32>
    %concatenate3A_1035 = tpu.concatenate %slice3A_1033, %slice3A_1034 in 1 : vector<8x2047xi32>, vector<8x1xi32> -> vector<8x2048xi32>
    %slice3A_1036 = vector.extract_strided_slice %select_n3A_1013 {offsets = [0, 2047], sizes = [8, 1], strides = [1, 1]} : vector<8x2048xi32> to vector<8x1xi32>
    %slice3A_1037 = vector.extract_strided_slice %select_n3A_1013 {offsets = [0, 0], sizes = [8, 2047], strides = [1, 1]} : vector<8x2048xi32> to vector<8x2047xi32>
    %concatenate3A_1038 = tpu.concatenate %slice3A_1036, %slice3A_1037 in 1 : vector<8x1xi32>, vector<8x2047xi32> -> vector<8x2048xi32>
    %select_n3A_1039 = arith.select %eq3A_1032, %concatenate3A_1035, %concatenate3A_1038 : vector<8x2048xi1>, vector<8x2048xi32>
    %gt3A_1040 = arith.cmpf ogt, %select_n3A_1012, %select_n3A_1026 : vector<8x2048xf32>
    %eq3A_1041 = arith.cmpf oeq, %select_n3A_1012, %select_n3A_1026 : vector<8x2048xf32>
    %lt3A_1042 = arith.cmpi slt, %select_n3A_1013, %select_n3A_1039 : vector<8x2048xi32>
    %and3A_1043 = arith.andi %eq3A_1041, %lt3A_1042 : vector<8x2048xi1>
    %or3A_1044 = arith.ori %gt3A_1040, %and3A_1043 : vector<8x2048xi1>
    %and3A_1045 = arith.constant 1 : i32
    %and3A_1046 = vector.broadcast %and3A_1045 : i32 to vector<8x2048xi32>
    %and3A_1047 = arith.andi %iota3A, %and3A_1046 : vector<8x2048xi32>
    %eq3A_1048 = arith.constant 0 : i32
    %eq3A_1049 = vector.broadcast %eq3A_1048 : i32 to vector<8x2048xi32>
    %eq3A_1050 = arith.cmpi eq, %and3A_1047, %eq3A_1049 : vector<8x2048xi32>
    %and3A_1051 = arith.constant 64 : i32
    %and3A_1052 = vector.broadcast %and3A_1051 : i32 to vector<8x2048xi32>
    %and3A_1053 = arith.andi %iota3A, %and3A_1052 : vector<8x2048xi32>
    %eq3A_1054 = arith.constant 0 : i32
    %eq3A_1055 = vector.broadcast %eq3A_1054 : i32 to vector<8x2048xi32>
    %eq3A_1056 = arith.cmpi eq, %and3A_1053, %eq3A_1055 : vector<8x2048xi32>
    %eq3A_1057 = arith.xori %eq3A_1050, %eq3A_1056 : vector<8x2048xi1>
    %eq3A_1058 = arith.constant dense<true> : vector<8x2048xi1>
    %eq3A_1059 = arith.xori %eq3A_1057, %eq3A_1058 : vector<8x2048xi1>
    %eq3A_1060 = arith.xori %eq3A_1059, %or3A_1044 : vector<8x2048xi1>
    %eq3A_1061 = arith.constant dense<true> : vector<8x2048xi1>
    %eq3A_1062 = arith.xori %eq3A_1060, %eq3A_1061 : vector<8x2048xi1>
    %select_n3A_1063 = arith.select %eq3A_1062, %select_n3A_1012, %select_n3A_1026 : vector<8x2048xi1>, vector<8x2048xf32>
    %select_n3A_1064 = arith.select %eq3A_1062, %select_n3A_1013, %select_n3A_1039 : vector<8x2048xi1>, vector<8x2048xi32>
    %and3A_1065 = arith.constant 64 : i32
    %and3A_1066 = vector.broadcast %and3A_1065 : i32 to vector<8x2048xi32>
    %and3A_1067 = arith.andi %iota3A, %and3A_1066 : vector<8x2048xi32>
    %eq3A_1068 = arith.constant 0 : i32
    %eq3A_1069 = vector.broadcast %eq3A_1068 : i32 to vector<8x2048xi32>
    %eq3A_1070 = arith.cmpi eq, %and3A_1067, %eq3A_1069 : vector<8x2048xi32>
    %slice3A_1071 = vector.extract_strided_slice %select_n3A_1063 {offsets = [0, 64], sizes = [8, 1984], strides = [1, 1]} : vector<8x2048xf32> to vector<8x1984xf32>
    %slice3A_1072 = vector.extract_strided_slice %select_n3A_1063 {offsets = [0, 0], sizes = [8, 64], strides = [1, 1]} : vector<8x2048xf32> to vector<8x64xf32>
    %concatenate3A_1073 = tpu.concatenate %slice3A_1071, %slice3A_1072 in 1 : vector<8x1984xf32>, vector<8x64xf32> -> vector<8x2048xf32>
    %slice3A_1074 = vector.extract_strided_slice %select_n3A_1063 {offsets = [0, 1984], sizes = [8, 64], strides = [1, 1]} : vector<8x2048xf32> to vector<8x64xf32>
    %slice3A_1075 = vector.extract_strided_slice %select_n3A_1063 {offsets = [0, 0], sizes = [8, 1984], strides = [1, 1]} : vector<8x2048xf32> to vector<8x1984xf32>
    %concatenate3A_1076 = tpu.concatenate %slice3A_1074, %slice3A_1075 in 1 : vector<8x64xf32>, vector<8x1984xf32> -> vector<8x2048xf32>
    %select_n3A_1077 = arith.select %eq3A_1070, %concatenate3A_1073, %concatenate3A_1076 : vector<8x2048xi1>, vector<8x2048xf32>
    %and3A_1078 = arith.constant 64 : i32
    %and3A_1079 = vector.broadcast %and3A_1078 : i32 to vector<8x2048xi32>
    %and3A_1080 = arith.andi %iota3A, %and3A_1079 : vector<8x2048xi32>
    %eq3A_1081 = arith.constant 0 : i32
    %eq3A_1082 = vector.broadcast %eq3A_1081 : i32 to vector<8x2048xi32>
    %eq3A_1083 = arith.cmpi eq, %and3A_1080, %eq3A_1082 : vector<8x2048xi32>
    %slice3A_1084 = vector.extract_strided_slice %select_n3A_1064 {offsets = [0, 64], sizes = [8, 1984], strides = [1, 1]} : vector<8x2048xi32> to vector<8x1984xi32>
    %slice3A_1085 = vector.extract_strided_slice %select_n3A_1064 {offsets = [0, 0], sizes = [8, 64], strides = [1, 1]} : vector<8x2048xi32> to vector<8x64xi32>
    %concatenate3A_1086 = tpu.concatenate %slice3A_1084, %slice3A_1085 in 1 : vector<8x1984xi32>, vector<8x64xi32> -> vector<8x2048xi32>
    %slice3A_1087 = vector.extract_strided_slice %select_n3A_1064 {offsets = [0, 1984], sizes = [8, 64], strides = [1, 1]} : vector<8x2048xi32> to vector<8x64xi32>
    %slice3A_1088 = vector.extract_strided_slice %select_n3A_1064 {offsets = [0, 0], sizes = [8, 1984], strides = [1, 1]} : vector<8x2048xi32> to vector<8x1984xi32>
    %concatenate3A_1089 = tpu.concatenate %slice3A_1087, %slice3A_1088 in 1 : vector<8x64xi32>, vector<8x1984xi32> -> vector<8x2048xi32>
    %select_n3A_1090 = arith.select %eq3A_1083, %concatenate3A_1086, %concatenate3A_1089 : vector<8x2048xi1>, vector<8x2048xi32>
    %gt3A_1091 = arith.cmpf ogt, %select_n3A_1063, %select_n3A_1077 : vector<8x2048xf32>
    %eq3A_1092 = arith.cmpf oeq, %select_n3A_1063, %select_n3A_1077 : vector<8x2048xf32>
    %lt3A_1093 = arith.cmpi slt, %select_n3A_1064, %select_n3A_1090 : vector<8x2048xi32>
    %and3A_1094 = arith.andi %eq3A_1092, %lt3A_1093 : vector<8x2048xi1>
    %or3A_1095 = arith.ori %gt3A_1091, %and3A_1094 : vector<8x2048xi1>
    %and3A_1096 = arith.constant 64 : i32
    %and3A_1097 = vector.broadcast %and3A_1096 : i32 to vector<8x2048xi32>
    %and3A_1098 = arith.andi %iota3A, %and3A_1097 : vector<8x2048xi32>
    %eq3A_1099 = arith.constant 0 : i32
    %eq3A_1100 = vector.broadcast %eq3A_1099 : i32 to vector<8x2048xi32>
    %eq3A_1101 = arith.cmpi eq, %and3A_1098, %eq3A_1100 : vector<8x2048xi32>
    %and3A_1102 = arith.constant 128 : i32
    %and3A_1103 = vector.broadcast %and3A_1102 : i32 to vector<8x2048xi32>
    %and3A_1104 = arith.andi %iota3A, %and3A_1103 : vector<8x2048xi32>
    %eq3A_1105 = arith.constant 0 : i32
    %eq3A_1106 = vector.broadcast %eq3A_1105 : i32 to vector<8x2048xi32>
    %eq3A_1107 = arith.cmpi eq, %and3A_1104, %eq3A_1106 : vector<8x2048xi32>
    %eq3A_1108 = arith.xori %eq3A_1101, %eq3A_1107 : vector<8x2048xi1>
    %eq3A_1109 = arith.constant dense<true> : vector<8x2048xi1>
    %eq3A_1110 = arith.xori %eq3A_1108, %eq3A_1109 : vector<8x2048xi1>
    %eq3A_1111 = arith.xori %eq3A_1110, %or3A_1095 : vector<8x2048xi1>
    %eq3A_1112 = arith.constant dense<true> : vector<8x2048xi1>
    %eq3A_1113 = arith.xori %eq3A_1111, %eq3A_1112 : vector<8x2048xi1>
    %select_n3A_1114 = arith.select %eq3A_1113, %select_n3A_1063, %select_n3A_1077 : vector<8x2048xi1>, vector<8x2048xf32>
    %select_n3A_1115 = arith.select %eq3A_1113, %select_n3A_1064, %select_n3A_1090 : vector<8x2048xi1>, vector<8x2048xi32>
    %and3A_1116 = arith.constant 32 : i32
    %and3A_1117 = vector.broadcast %and3A_1116 : i32 to vector<8x2048xi32>
    %and3A_1118 = arith.andi %iota3A, %and3A_1117 : vector<8x2048xi32>
    %eq3A_1119 = arith.constant 0 : i32
    %eq3A_1120 = vector.broadcast %eq3A_1119 : i32 to vector<8x2048xi32>
    %eq3A_1121 = arith.cmpi eq, %and3A_1118, %eq3A_1120 : vector<8x2048xi32>
    %slice3A_1122 = vector.extract_strided_slice %select_n3A_1114 {offsets = [0, 32], sizes = [8, 2016], strides = [1, 1]} : vector<8x2048xf32> to vector<8x2016xf32>
    %slice3A_1123 = vector.extract_strided_slice %select_n3A_1114 {offsets = [0, 0], sizes = [8, 32], strides = [1, 1]} : vector<8x2048xf32> to vector<8x32xf32>
    %concatenate3A_1124 = tpu.concatenate %slice3A_1122, %slice3A_1123 in 1 : vector<8x2016xf32>, vector<8x32xf32> -> vector<8x2048xf32>
    %slice3A_1125 = vector.extract_strided_slice %select_n3A_1114 {offsets = [0, 2016], sizes = [8, 32], strides = [1, 1]} : vector<8x2048xf32> to vector<8x32xf32>
    %slice3A_1126 = vector.extract_strided_slice %select_n3A_1114 {offsets = [0, 0], sizes = [8, 2016], strides = [1, 1]} : vector<8x2048xf32> to vector<8x2016xf32>
    %concatenate3A_1127 = tpu.concatenate %slice3A_1125, %slice3A_1126 in 1 : vector<8x32xf32>, vector<8x2016xf32> -> vector<8x2048xf32>
    %select_n3A_1128 = arith.select %eq3A_1121, %concatenate3A_1124, %concatenate3A_1127 : vector<8x2048xi1>, vector<8x2048xf32>
    %and3A_1129 = arith.constant 32 : i32
    %and3A_1130 = vector.broadcast %and3A_1129 : i32 to vector<8x2048xi32>
    %and3A_1131 = arith.andi %iota3A, %and3A_1130 : vector<8x2048xi32>
    %eq3A_1132 = arith.constant 0 : i32
    %eq3A_1133 = vector.broadcast %eq3A_1132 : i32 to vector<8x2048xi32>
    %eq3A_1134 = arith.cmpi eq, %and3A_1131, %eq3A_1133 : vector<8x2048xi32>
    %slice3A_1135 = vector.extract_strided_slice %select_n3A_1115 {offsets = [0, 32], sizes = [8, 2016], strides = [1, 1]} : vector<8x2048xi32> to vector<8x2016xi32>
    %slice3A_1136 = vector.extract_strided_slice %select_n3A_1115 {offsets = [0, 0], sizes = [8, 32], strides = [1, 1]} : vector<8x2048xi32> to vector<8x32xi32>
    %concatenate3A_1137 = tpu.concatenate %slice3A_1135, %slice3A_1136 in 1 : vector<8x2016xi32>, vector<8x32xi32> -> vector<8x2048xi32>
    %slice3A_1138 = vector.extract_strided_slice %select_n3A_1115 {offsets = [0, 2016], sizes = [8, 32], strides = [1, 1]} : vector<8x2048xi32> to vector<8x32xi32>
    %slice3A_1139 = vector.extract_strided_slice %select_n3A_1115 {offsets = [0, 0], sizes = [8, 2016], strides = [1, 1]} : vector<8x2048xi32> to vector<8x2016xi32>
    %concatenate3A_1140 = tpu.concatenate %slice3A_1138, %slice3A_1139 in 1 : vector<8x32xi32>, vector<8x2016xi32> -> vector<8x2048xi32>
    %select_n3A_1141 = arith.select %eq3A_1134, %concatenate3A_1137, %concatenate3A_1140 : vector<8x2048xi1>, vector<8x2048xi32>
    %gt3A_1142 = arith.cmpf ogt, %select_n3A_1114, %select_n3A_1128 : vector<8x2048xf32>
    %eq3A_1143 = arith.cmpf oeq, %select_n3A_1114, %select_n3A_1128 : vector<8x2048xf32>
    %lt3A_1144 = arith.cmpi slt, %select_n3A_1115, %select_n3A_1141 : vector<8x2048xi32>
    %and3A_1145 = arith.andi %eq3A_1143, %lt3A_1144 : vector<8x2048xi1>
    %or3A_1146 = arith.ori %gt3A_1142, %and3A_1145 : vector<8x2048xi1>
    %and3A_1147 = arith.constant 32 : i32
    %and3A_1148 = vector.broadcast %and3A_1147 : i32 to vector<8x2048xi32>
    %and3A_1149 = arith.andi %iota3A, %and3A_1148 : vector<8x2048xi32>
    %eq3A_1150 = arith.constant 0 : i32
    %eq3A_1151 = vector.broadcast %eq3A_1150 : i32 to vector<8x2048xi32>
    %eq3A_1152 = arith.cmpi eq, %and3A_1149, %eq3A_1151 : vector<8x2048xi32>
    %and3A_1153 = arith.constant 128 : i32
    %and3A_1154 = vector.broadcast %and3A_1153 : i32 to vector<8x2048xi32>
    %and3A_1155 = arith.andi %iota3A, %and3A_1154 : vector<8x2048xi32>
    %eq3A_1156 = arith.constant 0 : i32
    %eq3A_1157 = vector.broadcast %eq3A_1156 : i32 to vector<8x2048xi32>
    %eq3A_1158 = arith.cmpi eq, %and3A_1155, %eq3A_1157 : vector<8x2048xi32>
    %eq3A_1159 = arith.xori %eq3A_1152, %eq3A_1158 : vector<8x2048xi1>
    %eq3A_1160 = arith.constant dense<true> : vector<8x2048xi1>
    %eq3A_1161 = arith.xori %eq3A_1159, %eq3A_1160 : vector<8x2048xi1>
    %eq3A_1162 = arith.xori %eq3A_1161, %or3A_1146 : vector<8x2048xi1>
    %eq3A_1163 = arith.constant dense<true> : vector<8x2048xi1>
    %eq3A_1164 = arith.xori %eq3A_1162, %eq3A_1163 : vector<8x2048xi1>
    %select_n3A_1165 = arith.select %eq3A_1164, %select_n3A_1114, %select_n3A_1128 : vector<8x2048xi1>, vector<8x2048xf32>
    %select_n3A_1166 = arith.select %eq3A_1164, %select_n3A_1115, %select_n3A_1141 : vector<8x2048xi1>, vector<8x2048xi32>
    %and3A_1167 = arith.constant 16 : i32
    %and3A_1168 = vector.broadcast %and3A_1167 : i32 to vector<8x2048xi32>
    %and3A_1169 = arith.andi %iota3A, %and3A_1168 : vector<8x2048xi32>
    %eq3A_1170 = arith.constant 0 : i32
    %eq3A_1171 = vector.broadcast %eq3A_1170 : i32 to vector<8x2048xi32>
    %eq3A_1172 = arith.cmpi eq, %and3A_1169, %eq3A_1171 : vector<8x2048xi32>
    %slice3A_1173 = vector.extract_strided_slice %select_n3A_1165 {offsets = [0, 16], sizes = [8, 2032], strides = [1, 1]} : vector<8x2048xf32> to vector<8x2032xf32>
    %slice3A_1174 = vector.extract_strided_slice %select_n3A_1165 {offsets = [0, 0], sizes = [8, 16], strides = [1, 1]} : vector<8x2048xf32> to vector<8x16xf32>
    %concatenate3A_1175 = tpu.concatenate %slice3A_1173, %slice3A_1174 in 1 : vector<8x2032xf32>, vector<8x16xf32> -> vector<8x2048xf32>
    %slice3A_1176 = vector.extract_strided_slice %select_n3A_1165 {offsets = [0, 2032], sizes = [8, 16], strides = [1, 1]} : vector<8x2048xf32> to vector<8x16xf32>
    %slice3A_1177 = vector.extract_strided_slice %select_n3A_1165 {offsets = [0, 0], sizes = [8, 2032], strides = [1, 1]} : vector<8x2048xf32> to vector<8x2032xf32>
    %concatenate3A_1178 = tpu.concatenate %slice3A_1176, %slice3A_1177 in 1 : vector<8x16xf32>, vector<8x2032xf32> -> vector<8x2048xf32>
    %select_n3A_1179 = arith.select %eq3A_1172, %concatenate3A_1175, %concatenate3A_1178 : vector<8x2048xi1>, vector<8x2048xf32>
    %and3A_1180 = arith.constant 16 : i32
    %and3A_1181 = vector.broadcast %and3A_1180 : i32 to vector<8x2048xi32>
    %and3A_1182 = arith.andi %iota3A, %and3A_1181 : vector<8x2048xi32>
    %eq3A_1183 = arith.constant 0 : i32
    %eq3A_1184 = vector.broadcast %eq3A_1183 : i32 to vector<8x2048xi32>
    %eq3A_1185 = arith.cmpi eq, %and3A_1182, %eq3A_1184 : vector<8x2048xi32>
    %slice3A_1186 = vector.extract_strided_slice %select_n3A_1166 {offsets = [0, 16], sizes = [8, 2032], strides = [1, 1]} : vector<8x2048xi32> to vector<8x2032xi32>
    %slice3A_1187 = vector.extract_strided_slice %select_n3A_1166 {offsets = [0, 0], sizes = [8, 16], strides = [1, 1]} : vector<8x2048xi32> to vector<8x16xi32>
    %concatenate3A_1188 = tpu.concatenate %slice3A_1186, %slice3A_1187 in 1 : vector<8x2032xi32>, vector<8x16xi32> -> vector<8x2048xi32>
    %slice3A_1189 = vector.extract_strided_slice %select_n3A_1166 {offsets = [0, 2032], sizes = [8, 16], strides = [1, 1]} : vector<8x2048xi32> to vector<8x16xi32>
    %slice3A_1190 = vector.extract_strided_slice %select_n3A_1166 {offsets = [0, 0], sizes = [8, 2032], strides = [1, 1]} : vector<8x2048xi32> to vector<8x2032xi32>
    %concatenate3A_1191 = tpu.concatenate %slice3A_1189, %slice3A_1190 in 1 : vector<8x16xi32>, vector<8x2032xi32> -> vector<8x2048xi32>
    %select_n3A_1192 = arith.select %eq3A_1185, %concatenate3A_1188, %concatenate3A_1191 : vector<8x2048xi1>, vector<8x2048xi32>
    %gt3A_1193 = arith.cmpf ogt, %select_n3A_1165, %select_n3A_1179 : vector<8x2048xf32>
    %eq3A_1194 = arith.cmpf oeq, %select_n3A_1165, %select_n3A_1179 : vector<8x2048xf32>
    %lt3A_1195 = arith.cmpi slt, %select_n3A_1166, %select_n3A_1192 : vector<8x2048xi32>
    %and3A_1196 = arith.andi %eq3A_1194, %lt3A_1195 : vector<8x2048xi1>
    %or3A_1197 = arith.ori %gt3A_1193, %and3A_1196 : vector<8x2048xi1>
    %and3A_1198 = arith.constant 16 : i32
    %and3A_1199 = vector.broadcast %and3A_1198 : i32 to vector<8x2048xi32>
    %and3A_1200 = arith.andi %iota3A, %and3A_1199 : vector<8x2048xi32>
    %eq3A_1201 = arith.constant 0 : i32
    %eq3A_1202 = vector.broadcast %eq3A_1201 : i32 to vector<8x2048xi32>
    %eq3A_1203 = arith.cmpi eq, %and3A_1200, %eq3A_1202 : vector<8x2048xi32>
    %and3A_1204 = arith.constant 128 : i32
    %and3A_1205 = vector.broadcast %and3A_1204 : i32 to vector<8x2048xi32>
    %and3A_1206 = arith.andi %iota3A, %and3A_1205 : vector<8x2048xi32>
    %eq3A_1207 = arith.constant 0 : i32
    %eq3A_1208 = vector.broadcast %eq3A_1207 : i32 to vector<8x2048xi32>
    %eq3A_1209 = arith.cmpi eq, %and3A_1206, %eq3A_1208 : vector<8x2048xi32>
    %eq3A_1210 = arith.xori %eq3A_1203, %eq3A_1209 : vector<8x2048xi1>
    %eq3A_1211 = arith.constant dense<true> : vector<8x2048xi1>
    %eq3A_1212 = arith.xori %eq3A_1210, %eq3A_1211 : vector<8x2048xi1>
    %eq3A_1213 = arith.xori %eq3A_1212, %or3A_1197 : vector<8x2048xi1>
    %eq3A_1214 = arith.constant dense<true> : vector<8x2048xi1>
    %eq3A_1215 = arith.xori %eq3A_1213, %eq3A_1214 : vector<8x2048xi1>
    %select_n3A_1216 = arith.select %eq3A_1215, %select_n3A_1165, %select_n3A_1179 : vector<8x2048xi1>, vector<8x2048xf32>
    %select_n3A_1217 = arith.select %eq3A_1215, %select_n3A_1166, %select_n3A_1192 : vector<8x2048xi1>, vector<8x2048xi32>
    %and3A_1218 = arith.constant 8 : i32
    %and3A_1219 = vector.broadcast %and3A_1218 : i32 to vector<8x2048xi32>
    %and3A_1220 = arith.andi %iota3A, %and3A_1219 : vector<8x2048xi32>
    %eq3A_1221 = arith.constant 0 : i32
    %eq3A_1222 = vector.broadcast %eq3A_1221 : i32 to vector<8x2048xi32>
    %eq3A_1223 = arith.cmpi eq, %and3A_1220, %eq3A_1222 : vector<8x2048xi32>
    %slice3A_1224 = vector.extract_strided_slice %select_n3A_1216 {offsets = [0, 8], sizes = [8, 2040], strides = [1, 1]} : vector<8x2048xf32> to vector<8x2040xf32>
    %slice3A_1225 = vector.extract_strided_slice %select_n3A_1216 {offsets = [0, 0], sizes = [8, 8], strides = [1, 1]} : vector<8x2048xf32> to vector<8x8xf32>
    %concatenate3A_1226 = tpu.concatenate %slice3A_1224, %slice3A_1225 in 1 : vector<8x2040xf32>, vector<8x8xf32> -> vector<8x2048xf32>
    %slice3A_1227 = vector.extract_strided_slice %select_n3A_1216 {offsets = [0, 2040], sizes = [8, 8], strides = [1, 1]} : vector<8x2048xf32> to vector<8x8xf32>
    %slice3A_1228 = vector.extract_strided_slice %select_n3A_1216 {offsets = [0, 0], sizes = [8, 2040], strides = [1, 1]} : vector<8x2048xf32> to vector<8x2040xf32>
    %concatenate3A_1229 = tpu.concatenate %slice3A_1227, %slice3A_1228 in 1 : vector<8x8xf32>, vector<8x2040xf32> -> vector<8x2048xf32>
    %select_n3A_1230 = arith.select %eq3A_1223, %concatenate3A_1226, %concatenate3A_1229 : vector<8x2048xi1>, vector<8x2048xf32>
    %and3A_1231 = arith.constant 8 : i32
    %and3A_1232 = vector.broadcast %and3A_1231 : i32 to vector<8x2048xi32>
    %and3A_1233 = arith.andi %iota3A, %and3A_1232 : vector<8x2048xi32>
    %eq3A_1234 = arith.constant 0 : i32
    %eq3A_1235 = vector.broadcast %eq3A_1234 : i32 to vector<8x2048xi32>
    %eq3A_1236 = arith.cmpi eq, %and3A_1233, %eq3A_1235 : vector<8x2048xi32>
    %slice3A_1237 = vector.extract_strided_slice %select_n3A_1217 {offsets = [0, 8], sizes = [8, 2040], strides = [1, 1]} : vector<8x2048xi32> to vector<8x2040xi32>
    %slice3A_1238 = vector.extract_strided_slice %select_n3A_1217 {offsets = [0, 0], sizes = [8, 8], strides = [1, 1]} : vector<8x2048xi32> to vector<8x8xi32>
    %concatenate3A_1239 = tpu.concatenate %slice3A_1237, %slice3A_1238 in 1 : vector<8x2040xi32>, vector<8x8xi32> -> vector<8x2048xi32>
    %slice3A_1240 = vector.extract_strided_slice %select_n3A_1217 {offsets = [0, 2040], sizes = [8, 8], strides = [1, 1]} : vector<8x2048xi32> to vector<8x8xi32>
    %slice3A_1241 = vector.extract_strided_slice %select_n3A_1217 {offsets = [0, 0], sizes = [8, 2040], strides = [1, 1]} : vector<8x2048xi32> to vector<8x2040xi32>
    %concatenate3A_1242 = tpu.concatenate %slice3A_1240, %slice3A_1241 in 1 : vector<8x8xi32>, vector<8x2040xi32> -> vector<8x2048xi32>
    %select_n3A_1243 = arith.select %eq3A_1236, %concatenate3A_1239, %concatenate3A_1242 : vector<8x2048xi1>, vector<8x2048xi32>
    %gt3A_1244 = arith.cmpf ogt, %select_n3A_1216, %select_n3A_1230 : vector<8x2048xf32>
    %eq3A_1245 = arith.cmpf oeq, %select_n3A_1216, %select_n3A_1230 : vector<8x2048xf32>
    %lt3A_1246 = arith.cmpi slt, %select_n3A_1217, %select_n3A_1243 : vector<8x2048xi32>
    %and3A_1247 = arith.andi %eq3A_1245, %lt3A_1246 : vector<8x2048xi1>
    %or3A_1248 = arith.ori %gt3A_1244, %and3A_1247 : vector<8x2048xi1>
    %and3A_1249 = arith.constant 8 : i32
    %and3A_1250 = vector.broadcast %and3A_1249 : i32 to vector<8x2048xi32>
    %and3A_1251 = arith.andi %iota3A, %and3A_1250 : vector<8x2048xi32>
    %eq3A_1252 = arith.constant 0 : i32
    %eq3A_1253 = vector.broadcast %eq3A_1252 : i32 to vector<8x2048xi32>
    %eq3A_1254 = arith.cmpi eq, %and3A_1251, %eq3A_1253 : vector<8x2048xi32>
    %and3A_1255 = arith.constant 128 : i32
    %and3A_1256 = vector.broadcast %and3A_1255 : i32 to vector<8x2048xi32>
    %and3A_1257 = arith.andi %iota3A, %and3A_1256 : vector<8x2048xi32>
    %eq3A_1258 = arith.constant 0 : i32
    %eq3A_1259 = vector.broadcast %eq3A_1258 : i32 to vector<8x2048xi32>
    %eq3A_1260 = arith.cmpi eq, %and3A_1257, %eq3A_1259 : vector<8x2048xi32>
    %eq3A_1261 = arith.xori %eq3A_1254, %eq3A_1260 : vector<8x2048xi1>
    %eq3A_1262 = arith.constant dense<true> : vector<8x2048xi1>
    %eq3A_1263 = arith.xori %eq3A_1261, %eq3A_1262 : vector<8x2048xi1>
    %eq3A_1264 = arith.xori %eq3A_1263, %or3A_1248 : vector<8x2048xi1>
    %eq3A_1265 = arith.constant dense<true> : vector<8x2048xi1>
    %eq3A_1266 = arith.xori %eq3A_1264, %eq3A_1265 : vector<8x2048xi1>
    %select_n3A_1267 = arith.select %eq3A_1266, %select_n3A_1216, %select_n3A_1230 : vector<8x2048xi1>, vector<8x2048xf32>
    %select_n3A_1268 = arith.select %eq3A_1266, %select_n3A_1217, %select_n3A_1243 : vector<8x2048xi1>, vector<8x2048xi32>
    %and3A_1269 = arith.constant 4 : i32
    %and3A_1270 = vector.broadcast %and3A_1269 : i32 to vector<8x2048xi32>
    %and3A_1271 = arith.andi %iota3A, %and3A_1270 : vector<8x2048xi32>
    %eq3A_1272 = arith.constant 0 : i32
    %eq3A_1273 = vector.broadcast %eq3A_1272 : i32 to vector<8x2048xi32>
    %eq3A_1274 = arith.cmpi eq, %and3A_1271, %eq3A_1273 : vector<8x2048xi32>
    %slice3A_1275 = vector.extract_strided_slice %select_n3A_1267 {offsets = [0, 4], sizes = [8, 2044], strides = [1, 1]} : vector<8x2048xf32> to vector<8x2044xf32>
    %slice3A_1276 = vector.extract_strided_slice %select_n3A_1267 {offsets = [0, 0], sizes = [8, 4], strides = [1, 1]} : vector<8x2048xf32> to vector<8x4xf32>
    %concatenate3A_1277 = tpu.concatenate %slice3A_1275, %slice3A_1276 in 1 : vector<8x2044xf32>, vector<8x4xf32> -> vector<8x2048xf32>
    %slice3A_1278 = vector.extract_strided_slice %select_n3A_1267 {offsets = [0, 2044], sizes = [8, 4], strides = [1, 1]} : vector<8x2048xf32> to vector<8x4xf32>
    %slice3A_1279 = vector.extract_strided_slice %select_n3A_1267 {offsets = [0, 0], sizes = [8, 2044], strides = [1, 1]} : vector<8x2048xf32> to vector<8x2044xf32>
    %concatenate3A_1280 = tpu.concatenate %slice3A_1278, %slice3A_1279 in 1 : vector<8x4xf32>, vector<8x2044xf32> -> vector<8x2048xf32>
    %select_n3A_1281 = arith.select %eq3A_1274, %concatenate3A_1277, %concatenate3A_1280 : vector<8x2048xi1>, vector<8x2048xf32>
    %and3A_1282 = arith.constant 4 : i32
    %and3A_1283 = vector.broadcast %and3A_1282 : i32 to vector<8x2048xi32>
    %and3A_1284 = arith.andi %iota3A, %and3A_1283 : vector<8x2048xi32>
    %eq3A_1285 = arith.constant 0 : i32
    %eq3A_1286 = vector.broadcast %eq3A_1285 : i32 to vector<8x2048xi32>
    %eq3A_1287 = arith.cmpi eq, %and3A_1284, %eq3A_1286 : vector<8x2048xi32>
    %slice3A_1288 = vector.extract_strided_slice %select_n3A_1268 {offsets = [0, 4], sizes = [8, 2044], strides = [1, 1]} : vector<8x2048xi32> to vector<8x2044xi32>
    %slice3A_1289 = vector.extract_strided_slice %select_n3A_1268 {offsets = [0, 0], sizes = [8, 4], strides = [1, 1]} : vector<8x2048xi32> to vector<8x4xi32>
    %concatenate3A_1290 = tpu.concatenate %slice3A_1288, %slice3A_1289 in 1 : vector<8x2044xi32>, vector<8x4xi32> -> vector<8x2048xi32>
    %slice3A_1291 = vector.extract_strided_slice %select_n3A_1268 {offsets = [0, 2044], sizes = [8, 4], strides = [1, 1]} : vector<8x2048xi32> to vector<8x4xi32>
    %slice3A_1292 = vector.extract_strided_slice %select_n3A_1268 {offsets = [0, 0], sizes = [8, 2044], strides = [1, 1]} : vector<8x2048xi32> to vector<8x2044xi32>
    %concatenate3A_1293 = tpu.concatenate %slice3A_1291, %slice3A_1292 in 1 : vector<8x4xi32>, vector<8x2044xi32> -> vector<8x2048xi32>
    %select_n3A_1294 = arith.select %eq3A_1287, %concatenate3A_1290, %concatenate3A_1293 : vector<8x2048xi1>, vector<8x2048xi32>
    %gt3A_1295 = arith.cmpf ogt, %select_n3A_1267, %select_n3A_1281 : vector<8x2048xf32>
    %eq3A_1296 = arith.cmpf oeq, %select_n3A_1267, %select_n3A_1281 : vector<8x2048xf32>
    %lt3A_1297 = arith.cmpi slt, %select_n3A_1268, %select_n3A_1294 : vector<8x2048xi32>
    %and3A_1298 = arith.andi %eq3A_1296, %lt3A_1297 : vector<8x2048xi1>
    %or3A_1299 = arith.ori %gt3A_1295, %and3A_1298 : vector<8x2048xi1>
    %and3A_1300 = arith.constant 4 : i32
    %and3A_1301 = vector.broadcast %and3A_1300 : i32 to vector<8x2048xi32>
    %and3A_1302 = arith.andi %iota3A, %and3A_1301 : vector<8x2048xi32>
    %eq3A_1303 = arith.constant 0 : i32
    %eq3A_1304 = vector.broadcast %eq3A_1303 : i32 to vector<8x2048xi32>
    %eq3A_1305 = arith.cmpi eq, %and3A_1302, %eq3A_1304 : vector<8x2048xi32>
    %and3A_1306 = arith.constant 128 : i32
    %and3A_1307 = vector.broadcast %and3A_1306 : i32 to vector<8x2048xi32>
    %and3A_1308 = arith.andi %iota3A, %and3A_1307 : vector<8x2048xi32>
    %eq3A_1309 = arith.constant 0 : i32
    %eq3A_1310 = vector.broadcast %eq3A_1309 : i32 to vector<8x2048xi32>
    %eq3A_1311 = arith.cmpi eq, %and3A_1308, %eq3A_1310 : vector<8x2048xi32>
    %eq3A_1312 = arith.xori %eq3A_1305, %eq3A_1311 : vector<8x2048xi1>
    %eq3A_1313 = arith.constant dense<true> : vector<8x2048xi1>
    %eq3A_1314 = arith.xori %eq3A_1312, %eq3A_1313 : vector<8x2048xi1>
    %eq3A_1315 = arith.xori %eq3A_1314, %or3A_1299 : vector<8x2048xi1>
    %eq3A_1316 = arith.constant dense<true> : vector<8x2048xi1>
    %eq3A_1317 = arith.xori %eq3A_1315, %eq3A_1316 : vector<8x2048xi1>
    %select_n3A_1318 = arith.select %eq3A_1317, %select_n3A_1267, %select_n3A_1281 : vector<8x2048xi1>, vector<8x2048xf32>
    %select_n3A_1319 = arith.select %eq3A_1317, %select_n3A_1268, %select_n3A_1294 : vector<8x2048xi1>, vector<8x2048xi32>
    %and3A_1320 = arith.constant 2 : i32
    %and3A_1321 = vector.broadcast %and3A_1320 : i32 to vector<8x2048xi32>
    %and3A_1322 = arith.andi %iota3A, %and3A_1321 : vector<8x2048xi32>
    %eq3A_1323 = arith.constant 0 : i32
    %eq3A_1324 = vector.broadcast %eq3A_1323 : i32 to vector<8x2048xi32>
    %eq3A_1325 = arith.cmpi eq, %and3A_1322, %eq3A_1324 : vector<8x2048xi32>
    %slice3A_1326 = vector.extract_strided_slice %select_n3A_1318 {offsets = [0, 2], sizes = [8, 2046], strides = [1, 1]} : vector<8x2048xf32> to vector<8x2046xf32>
    %slice3A_1327 = vector.extract_strided_slice %select_n3A_1318 {offsets = [0, 0], sizes = [8, 2], strides = [1, 1]} : vector<8x2048xf32> to vector<8x2xf32>
    %concatenate3A_1328 = tpu.concatenate %slice3A_1326, %slice3A_1327 in 1 : vector<8x2046xf32>, vector<8x2xf32> -> vector<8x2048xf32>
    %slice3A_1329 = vector.extract_strided_slice %select_n3A_1318 {offsets = [0, 2046], sizes = [8, 2], strides = [1, 1]} : vector<8x2048xf32> to vector<8x2xf32>
    %slice3A_1330 = vector.extract_strided_slice %select_n3A_1318 {offsets = [0, 0], sizes = [8, 2046], strides = [1, 1]} : vector<8x2048xf32> to vector<8x2046xf32>
    %concatenate3A_1331 = tpu.concatenate %slice3A_1329, %slice3A_1330 in 1 : vector<8x2xf32>, vector<8x2046xf32> -> vector<8x2048xf32>
    %select_n3A_1332 = arith.select %eq3A_1325, %concatenate3A_1328, %concatenate3A_1331 : vector<8x2048xi1>, vector<8x2048xf32>
    %and3A_1333 = arith.constant 2 : i32
    %and3A_1334 = vector.broadcast %and3A_1333 : i32 to vector<8x2048xi32>
    %and3A_1335 = arith.andi %iota3A, %and3A_1334 : vector<8x2048xi32>
    %eq3A_1336 = arith.constant 0 : i32
    %eq3A_1337 = vector.broadcast %eq3A_1336 : i32 to vector<8x2048xi32>
    %eq3A_1338 = arith.cmpi eq, %and3A_1335, %eq3A_1337 : vector<8x2048xi32>
    %slice3A_1339 = vector.extract_strided_slice %select_n3A_1319 {offsets = [0, 2], sizes = [8, 2046], strides = [1, 1]} : vector<8x2048xi32> to vector<8x2046xi32>
    %slice3A_1340 = vector.extract_strided_slice %select_n3A_1319 {offsets = [0, 0], sizes = [8, 2], strides = [1, 1]} : vector<8x2048xi32> to vector<8x2xi32>
    %concatenate3A_1341 = tpu.concatenate %slice3A_1339, %slice3A_1340 in 1 : vector<8x2046xi32>, vector<8x2xi32> -> vector<8x2048xi32>
    %slice3A_1342 = vector.extract_strided_slice %select_n3A_1319 {offsets = [0, 2046], sizes = [8, 2], strides = [1, 1]} : vector<8x2048xi32> to vector<8x2xi32>
    %slice3A_1343 = vector.extract_strided_slice %select_n3A_1319 {offsets = [0, 0], sizes = [8, 2046], strides = [1, 1]} : vector<8x2048xi32> to vector<8x2046xi32>
    %concatenate3A_1344 = tpu.concatenate %slice3A_1342, %slice3A_1343 in 1 : vector<8x2xi32>, vector<8x2046xi32> -> vector<8x2048xi32>
    %select_n3A_1345 = arith.select %eq3A_1338, %concatenate3A_1341, %concatenate3A_1344 : vector<8x2048xi1>, vector<8x2048xi32>
    %gt3A_1346 = arith.cmpf ogt, %select_n3A_1318, %select_n3A_1332 : vector<8x2048xf32>
    %eq3A_1347 = arith.cmpf oeq, %select_n3A_1318, %select_n3A_1332 : vector<8x2048xf32>
    %lt3A_1348 = arith.cmpi slt, %select_n3A_1319, %select_n3A_1345 : vector<8x2048xi32>
    %and3A_1349 = arith.andi %eq3A_1347, %lt3A_1348 : vector<8x2048xi1>
    %or3A_1350 = arith.ori %gt3A_1346, %and3A_1349 : vector<8x2048xi1>
    %and3A_1351 = arith.constant 2 : i32
    %and3A_1352 = vector.broadcast %and3A_1351 : i32 to vector<8x2048xi32>
    %and3A_1353 = arith.andi %iota3A, %and3A_1352 : vector<8x2048xi32>
    %eq3A_1354 = arith.constant 0 : i32
    %eq3A_1355 = vector.broadcast %eq3A_1354 : i32 to vector<8x2048xi32>
    %eq3A_1356 = arith.cmpi eq, %and3A_1353, %eq3A_1355 : vector<8x2048xi32>
    %and3A_1357 = arith.constant 128 : i32
    %and3A_1358 = vector.broadcast %and3A_1357 : i32 to vector<8x2048xi32>
    %and3A_1359 = arith.andi %iota3A, %and3A_1358 : vector<8x2048xi32>
    %eq3A_1360 = arith.constant 0 : i32
    %eq3A_1361 = vector.broadcast %eq3A_1360 : i32 to vector<8x2048xi32>
    %eq3A_1362 = arith.cmpi eq, %and3A_1359, %eq3A_1361 : vector<8x2048xi32>
    %eq3A_1363 = arith.xori %eq3A_1356, %eq3A_1362 : vector<8x2048xi1>
    %eq3A_1364 = arith.constant dense<true> : vector<8x2048xi1>
    %eq3A_1365 = arith.xori %eq3A_1363, %eq3A_1364 : vector<8x2048xi1>
    %eq3A_1366 = arith.xori %eq3A_1365, %or3A_1350 : vector<8x2048xi1>
    %eq3A_1367 = arith.constant dense<true> : vector<8x2048xi1>
    %eq3A_1368 = arith.xori %eq3A_1366, %eq3A_1367 : vector<8x2048xi1>
    %select_n3A_1369 = arith.select %eq3A_1368, %select_n3A_1318, %select_n3A_1332 : vector<8x2048xi1>, vector<8x2048xf32>
    %select_n3A_1370 = arith.select %eq3A_1368, %select_n3A_1319, %select_n3A_1345 : vector<8x2048xi1>, vector<8x2048xi32>
    %and3A_1371 = arith.constant 1 : i32
    %and3A_1372 = vector.broadcast %and3A_1371 : i32 to vector<8x2048xi32>
    %and3A_1373 = arith.andi %iota3A, %and3A_1372 : vector<8x2048xi32>
    %eq3A_1374 = arith.constant 0 : i32
    %eq3A_1375 = vector.broadcast %eq3A_1374 : i32 to vector<8x2048xi32>
    %eq3A_1376 = arith.cmpi eq, %and3A_1373, %eq3A_1375 : vector<8x2048xi32>
    %slice3A_1377 = vector.extract_strided_slice %select_n3A_1369 {offsets = [0, 1], sizes = [8, 2047], strides = [1, 1]} : vector<8x2048xf32> to vector<8x2047xf32>
    %slice3A_1378 = vector.extract_strided_slice %select_n3A_1369 {offsets = [0, 0], sizes = [8, 1], strides = [1, 1]} : vector<8x2048xf32> to vector<8x1xf32>
    %concatenate3A_1379 = tpu.concatenate %slice3A_1377, %slice3A_1378 in 1 : vector<8x2047xf32>, vector<8x1xf32> -> vector<8x2048xf32>
    %slice3A_1380 = vector.extract_strided_slice %select_n3A_1369 {offsets = [0, 2047], sizes = [8, 1], strides = [1, 1]} : vector<8x2048xf32> to vector<8x1xf32>
    %slice3A_1381 = vector.extract_strided_slice %select_n3A_1369 {offsets = [0, 0], sizes = [8, 2047], strides = [1, 1]} : vector<8x2048xf32> to vector<8x2047xf32>
    %concatenate3A_1382 = tpu.concatenate %slice3A_1380, %slice3A_1381 in 1 : vector<8x1xf32>, vector<8x2047xf32> -> vector<8x2048xf32>
    %select_n3A_1383 = arith.select %eq3A_1376, %concatenate3A_1379, %concatenate3A_1382 : vector<8x2048xi1>, vector<8x2048xf32>
    %and3A_1384 = arith.constant 1 : i32
    %and3A_1385 = vector.broadcast %and3A_1384 : i32 to vector<8x2048xi32>
    %and3A_1386 = arith.andi %iota3A, %and3A_1385 : vector<8x2048xi32>
    %eq3A_1387 = arith.constant 0 : i32
    %eq3A_1388 = vector.broadcast %eq3A_1387 : i32 to vector<8x2048xi32>
    %eq3A_1389 = arith.cmpi eq, %and3A_1386, %eq3A_1388 : vector<8x2048xi32>
    %slice3A_1390 = vector.extract_strided_slice %select_n3A_1370 {offsets = [0, 1], sizes = [8, 2047], strides = [1, 1]} : vector<8x2048xi32> to vector<8x2047xi32>
    %slice3A_1391 = vector.extract_strided_slice %select_n3A_1370 {offsets = [0, 0], sizes = [8, 1], strides = [1, 1]} : vector<8x2048xi32> to vector<8x1xi32>
    %concatenate3A_1392 = tpu.concatenate %slice3A_1390, %slice3A_1391 in 1 : vector<8x2047xi32>, vector<8x1xi32> -> vector<8x2048xi32>
    %slice3A_1393 = vector.extract_strided_slice %select_n3A_1370 {offsets = [0, 2047], sizes = [8, 1], strides = [1, 1]} : vector<8x2048xi32> to vector<8x1xi32>
    %slice3A_1394 = vector.extract_strided_slice %select_n3A_1370 {offsets = [0, 0], sizes = [8, 2047], strides = [1, 1]} : vector<8x2048xi32> to vector<8x2047xi32>
    %concatenate3A_1395 = tpu.concatenate %slice3A_1393, %slice3A_1394 in 1 : vector<8x1xi32>, vector<8x2047xi32> -> vector<8x2048xi32>
    %select_n3A_1396 = arith.select %eq3A_1389, %concatenate3A_1392, %concatenate3A_1395 : vector<8x2048xi1>, vector<8x2048xi32>
    %gt3A_1397 = arith.cmpf ogt, %select_n3A_1369, %select_n3A_1383 : vector<8x2048xf32>
    %eq3A_1398 = arith.cmpf oeq, %select_n3A_1369, %select_n3A_1383 : vector<8x2048xf32>
    %lt3A_1399 = arith.cmpi slt, %select_n3A_1370, %select_n3A_1396 : vector<8x2048xi32>
    %and3A_1400 = arith.andi %eq3A_1398, %lt3A_1399 : vector<8x2048xi1>
    %or3A_1401 = arith.ori %gt3A_1397, %and3A_1400 : vector<8x2048xi1>
    %and3A_1402 = arith.constant 1 : i32
    %and3A_1403 = vector.broadcast %and3A_1402 : i32 to vector<8x2048xi32>
    %and3A_1404 = arith.andi %iota3A, %and3A_1403 : vector<8x2048xi32>
    %eq3A_1405 = arith.constant 0 : i32
    %eq3A_1406 = vector.broadcast %eq3A_1405 : i32 to vector<8x2048xi32>
    %eq3A_1407 = arith.cmpi eq, %and3A_1404, %eq3A_1406 : vector<8x2048xi32>
    %and3A_1408 = arith.constant 128 : i32
    %and3A_1409 = vector.broadcast %and3A_1408 : i32 to vector<8x2048xi32>
    %and3A_1410 = arith.andi %iota3A, %and3A_1409 : vector<8x2048xi32>
    %eq3A_1411 = arith.constant 0 : i32
    %eq3A_1412 = vector.broadcast %eq3A_1411 : i32 to vector<8x2048xi32>
    %eq3A_1413 = arith.cmpi eq, %and3A_1410, %eq3A_1412 : vector<8x2048xi32>
    %eq3A_1414 = arith.xori %eq3A_1407, %eq3A_1413 : vector<8x2048xi1>
    %eq3A_1415 = arith.constant dense<true> : vector<8x2048xi1>
    %eq3A_1416 = arith.xori %eq3A_1414, %eq3A_1415 : vector<8x2048xi1>
    %eq3A_1417 = arith.xori %eq3A_1416, %or3A_1401 : vector<8x2048xi1>
    %eq3A_1418 = arith.constant dense<true> : vector<8x2048xi1>
    %eq3A_1419 = arith.xori %eq3A_1417, %eq3A_1418 : vector<8x2048xi1>
    %select_n3A_1420 = arith.select %eq3A_1419, %select_n3A_1369, %select_n3A_1383 : vector<8x2048xi1>, vector<8x2048xf32>
    %select_n3A_1421 = arith.select %eq3A_1419, %select_n3A_1370, %select_n3A_1396 : vector<8x2048xi1>, vector<8x2048xi32>
    %and3A_1422 = arith.constant 128 : i32
    %and3A_1423 = vector.broadcast %and3A_1422 : i32 to vector<8x2048xi32>
    %and3A_1424 = arith.andi %iota3A, %and3A_1423 : vector<8x2048xi32>
    %eq3A_1425 = arith.constant 0 : i32
    %eq3A_1426 = vector.broadcast %eq3A_1425 : i32 to vector<8x2048xi32>
    %eq3A_1427 = arith.cmpi eq, %and3A_1424, %eq3A_1426 : vector<8x2048xi32>
    %slice3A_1428 = vector.extract_strided_slice %select_n3A_1420 {offsets = [0, 128], sizes = [8, 1920], strides = [1, 1]} : vector<8x2048xf32> to vector<8x1920xf32>
    %slice3A_1429 = vector.extract_strided_slice %select_n3A_1420 {offsets = [0, 0], sizes = [8, 128], strides = [1, 1]} : vector<8x2048xf32> to vector<8x128xf32>
    %concatenate3A_1430 = tpu.concatenate %slice3A_1428, %slice3A_1429 in 1 : vector<8x1920xf32>, vector<8x128xf32> -> vector<8x2048xf32>
    %slice3A_1431 = vector.extract_strided_slice %select_n3A_1420 {offsets = [0, 1920], sizes = [8, 128], strides = [1, 1]} : vector<8x2048xf32> to vector<8x128xf32>
    %slice3A_1432 = vector.extract_strided_slice %select_n3A_1420 {offsets = [0, 0], sizes = [8, 1920], strides = [1, 1]} : vector<8x2048xf32> to vector<8x1920xf32>
    %concatenate3A_1433 = tpu.concatenate %slice3A_1431, %slice3A_1432 in 1 : vector<8x128xf32>, vector<8x1920xf32> -> vector<8x2048xf32>
    %select_n3A_1434 = arith.select %eq3A_1427, %concatenate3A_1430, %concatenate3A_1433 : vector<8x2048xi1>, vector<8x2048xf32>
    %and3A_1435 = arith.constant 128 : i32
    %and3A_1436 = vector.broadcast %and3A_1435 : i32 to vector<8x2048xi32>
    %and3A_1437 = arith.andi %iota3A, %and3A_1436 : vector<8x2048xi32>
    %eq3A_1438 = arith.constant 0 : i32
    %eq3A_1439 = vector.broadcast %eq3A_1438 : i32 to vector<8x2048xi32>
    %eq3A_1440 = arith.cmpi eq, %and3A_1437, %eq3A_1439 : vector<8x2048xi32>
    %slice3A_1441 = vector.extract_strided_slice %select_n3A_1421 {offsets = [0, 128], sizes = [8, 1920], strides = [1, 1]} : vector<8x2048xi32> to vector<8x1920xi32>
    %slice3A_1442 = vector.extract_strided_slice %select_n3A_1421 {offsets = [0, 0], sizes = [8, 128], strides = [1, 1]} : vector<8x2048xi32> to vector<8x128xi32>
    %concatenate3A_1443 = tpu.concatenate %slice3A_1441, %slice3A_1442 in 1 : vector<8x1920xi32>, vector<8x128xi32> -> vector<8x2048xi32>
    %slice3A_1444 = vector.extract_strided_slice %select_n3A_1421 {offsets = [0, 1920], sizes = [8, 128], strides = [1, 1]} : vector<8x2048xi32> to vector<8x128xi32>
    %slice3A_1445 = vector.extract_strided_slice %select_n3A_1421 {offsets = [0, 0], sizes = [8, 1920], strides = [1, 1]} : vector<8x2048xi32> to vector<8x1920xi32>
    %concatenate3A_1446 = tpu.concatenate %slice3A_1444, %slice3A_1445 in 1 : vector<8x128xi32>, vector<8x1920xi32> -> vector<8x2048xi32>
    %select_n3A_1447 = arith.select %eq3A_1440, %concatenate3A_1443, %concatenate3A_1446 : vector<8x2048xi1>, vector<8x2048xi32>
    %gt3A_1448 = arith.cmpf ogt, %select_n3A_1420, %select_n3A_1434 : vector<8x2048xf32>
    %eq3A_1449 = arith.cmpf oeq, %select_n3A_1420, %select_n3A_1434 : vector<8x2048xf32>
    %lt3A_1450 = arith.cmpi slt, %select_n3A_1421, %select_n3A_1447 : vector<8x2048xi32>
    %and3A_1451 = arith.andi %eq3A_1449, %lt3A_1450 : vector<8x2048xi1>
    %or3A_1452 = arith.ori %gt3A_1448, %and3A_1451 : vector<8x2048xi1>
    %and3A_1453 = arith.constant 128 : i32
    %and3A_1454 = vector.broadcast %and3A_1453 : i32 to vector<8x2048xi32>
    %and3A_1455 = arith.andi %iota3A, %and3A_1454 : vector<8x2048xi32>
    %eq3A_1456 = arith.constant 0 : i32
    %eq3A_1457 = vector.broadcast %eq3A_1456 : i32 to vector<8x2048xi32>
    %eq3A_1458 = arith.cmpi eq, %and3A_1455, %eq3A_1457 : vector<8x2048xi32>
    %and3A_1459 = arith.constant 256 : i32
    %and3A_1460 = vector.broadcast %and3A_1459 : i32 to vector<8x2048xi32>
    %and3A_1461 = arith.andi %iota3A, %and3A_1460 : vector<8x2048xi32>
    %eq3A_1462 = arith.constant 0 : i32
    %eq3A_1463 = vector.broadcast %eq3A_1462 : i32 to vector<8x2048xi32>
    %eq3A_1464 = arith.cmpi eq, %and3A_1461, %eq3A_1463 : vector<8x2048xi32>
    %eq3A_1465 = arith.xori %eq3A_1458, %eq3A_1464 : vector<8x2048xi1>
    %eq3A_1466 = arith.constant dense<true> : vector<8x2048xi1>
    %eq3A_1467 = arith.xori %eq3A_1465, %eq3A_1466 : vector<8x2048xi1>
    %eq3A_1468 = arith.xori %eq3A_1467, %or3A_1452 : vector<8x2048xi1>
    %eq3A_1469 = arith.constant dense<true> : vector<8x2048xi1>
    %eq3A_1470 = arith.xori %eq3A_1468, %eq3A_1469 : vector<8x2048xi1>
    %select_n3A_1471 = arith.select %eq3A_1470, %select_n3A_1420, %select_n3A_1434 : vector<8x2048xi1>, vector<8x2048xf32>
    %select_n3A_1472 = arith.select %eq3A_1470, %select_n3A_1421, %select_n3A_1447 : vector<8x2048xi1>, vector<8x2048xi32>
    %and3A_1473 = arith.constant 64 : i32
    %and3A_1474 = vector.broadcast %and3A_1473 : i32 to vector<8x2048xi32>
    %and3A_1475 = arith.andi %iota3A, %and3A_1474 : vector<8x2048xi32>
    %eq3A_1476 = arith.constant 0 : i32
    %eq3A_1477 = vector.broadcast %eq3A_1476 : i32 to vector<8x2048xi32>
    %eq3A_1478 = arith.cmpi eq, %and3A_1475, %eq3A_1477 : vector<8x2048xi32>
    %slice3A_1479 = vector.extract_strided_slice %select_n3A_1471 {offsets = [0, 64], sizes = [8, 1984], strides = [1, 1]} : vector<8x2048xf32> to vector<8x1984xf32>
    %slice3A_1480 = vector.extract_strided_slice %select_n3A_1471 {offsets = [0, 0], sizes = [8, 64], strides = [1, 1]} : vector<8x2048xf32> to vector<8x64xf32>
    %concatenate3A_1481 = tpu.concatenate %slice3A_1479, %slice3A_1480 in 1 : vector<8x1984xf32>, vector<8x64xf32> -> vector<8x2048xf32>
    %slice3A_1482 = vector.extract_strided_slice %select_n3A_1471 {offsets = [0, 1984], sizes = [8, 64], strides = [1, 1]} : vector<8x2048xf32> to vector<8x64xf32>
    %slice3A_1483 = vector.extract_strided_slice %select_n3A_1471 {offsets = [0, 0], sizes = [8, 1984], strides = [1, 1]} : vector<8x2048xf32> to vector<8x1984xf32>
    %concatenate3A_1484 = tpu.concatenate %slice3A_1482, %slice3A_1483 in 1 : vector<8x64xf32>, vector<8x1984xf32> -> vector<8x2048xf32>
    %select_n3A_1485 = arith.select %eq3A_1478, %concatenate3A_1481, %concatenate3A_1484 : vector<8x2048xi1>, vector<8x2048xf32>
    %and3A_1486 = arith.constant 64 : i32
    %and3A_1487 = vector.broadcast %and3A_1486 : i32 to vector<8x2048xi32>
    %and3A_1488 = arith.andi %iota3A, %and3A_1487 : vector<8x2048xi32>
    %eq3A_1489 = arith.constant 0 : i32
    %eq3A_1490 = vector.broadcast %eq3A_1489 : i32 to vector<8x2048xi32>
    %eq3A_1491 = arith.cmpi eq, %and3A_1488, %eq3A_1490 : vector<8x2048xi32>
    %slice3A_1492 = vector.extract_strided_slice %select_n3A_1472 {offsets = [0, 64], sizes = [8, 1984], strides = [1, 1]} : vector<8x2048xi32> to vector<8x1984xi32>
    %slice3A_1493 = vector.extract_strided_slice %select_n3A_1472 {offsets = [0, 0], sizes = [8, 64], strides = [1, 1]} : vector<8x2048xi32> to vector<8x64xi32>
    %concatenate3A_1494 = tpu.concatenate %slice3A_1492, %slice3A_1493 in 1 : vector<8x1984xi32>, vector<8x64xi32> -> vector<8x2048xi32>
    %slice3A_1495 = vector.extract_strided_slice %select_n3A_1472 {offsets = [0, 1984], sizes = [8, 64], strides = [1, 1]} : vector<8x2048xi32> to vector<8x64xi32>
    %slice3A_1496 = vector.extract_strided_slice %select_n3A_1472 {offsets = [0, 0], sizes = [8, 1984], strides = [1, 1]} : vector<8x2048xi32> to vector<8x1984xi32>
    %concatenate3A_1497 = tpu.concatenate %slice3A_1495, %slice3A_1496 in 1 : vector<8x64xi32>, vector<8x1984xi32> -> vector<8x2048xi32>
    %select_n3A_1498 = arith.select %eq3A_1491, %concatenate3A_1494, %concatenate3A_1497 : vector<8x2048xi1>, vector<8x2048xi32>
    %gt3A_1499 = arith.cmpf ogt, %select_n3A_1471, %select_n3A_1485 : vector<8x2048xf32>
    %eq3A_1500 = arith.cmpf oeq, %select_n3A_1471, %select_n3A_1485 : vector<8x2048xf32>
    %lt3A_1501 = arith.cmpi slt, %select_n3A_1472, %select_n3A_1498 : vector<8x2048xi32>
    %and3A_1502 = arith.andi %eq3A_1500, %lt3A_1501 : vector<8x2048xi1>
    %or3A_1503 = arith.ori %gt3A_1499, %and3A_1502 : vector<8x2048xi1>
    %and3A_1504 = arith.constant 64 : i32
    %and3A_1505 = vector.broadcast %and3A_1504 : i32 to vector<8x2048xi32>
    %and3A_1506 = arith.andi %iota3A, %and3A_1505 : vector<8x2048xi32>
    %eq3A_1507 = arith.constant 0 : i32
    %eq3A_1508 = vector.broadcast %eq3A_1507 : i32 to vector<8x2048xi32>
    %eq3A_1509 = arith.cmpi eq, %and3A_1506, %eq3A_1508 : vector<8x2048xi32>
    %and3A_1510 = arith.constant 256 : i32
    %and3A_1511 = vector.broadcast %and3A_1510 : i32 to vector<8x2048xi32>
    %and3A_1512 = arith.andi %iota3A, %and3A_1511 : vector<8x2048xi32>
    %eq3A_1513 = arith.constant 0 : i32
    %eq3A_1514 = vector.broadcast %eq3A_1513 : i32 to vector<8x2048xi32>
    %eq3A_1515 = arith.cmpi eq, %and3A_1512, %eq3A_1514 : vector<8x2048xi32>
    %eq3A_1516 = arith.xori %eq3A_1509, %eq3A_1515 : vector<8x2048xi1>
    %eq3A_1517 = arith.constant dense<true> : vector<8x2048xi1>
    %eq3A_1518 = arith.xori %eq3A_1516, %eq3A_1517 : vector<8x2048xi1>
    %eq3A_1519 = arith.xori %eq3A_1518, %or3A_1503 : vector<8x2048xi1>
    %eq3A_1520 = arith.constant dense<true> : vector<8x2048xi1>
    %eq3A_1521 = arith.xori %eq3A_1519, %eq3A_1520 : vector<8x2048xi1>
    %select_n3A_1522 = arith.select %eq3A_1521, %select_n3A_1471, %select_n3A_1485 : vector<8x2048xi1>, vector<8x2048xf32>
    %select_n3A_1523 = arith.select %eq3A_1521, %select_n3A_1472, %select_n3A_1498 : vector<8x2048xi1>, vector<8x2048xi32>
    %and3A_1524 = arith.constant 32 : i32
    %and3A_1525 = vector.broadcast %and3A_1524 : i32 to vector<8x2048xi32>
    %and3A_1526 = arith.andi %iota3A, %and3A_1525 : vector<8x2048xi32>
    %eq3A_1527 = arith.constant 0 : i32
    %eq3A_1528 = vector.broadcast %eq3A_1527 : i32 to vector<8x2048xi32>
    %eq3A_1529 = arith.cmpi eq, %and3A_1526, %eq3A_1528 : vector<8x2048xi32>
    %slice3A_1530 = vector.extract_strided_slice %select_n3A_1522 {offsets = [0, 32], sizes = [8, 2016], strides = [1, 1]} : vector<8x2048xf32> to vector<8x2016xf32>
    %slice3A_1531 = vector.extract_strided_slice %select_n3A_1522 {offsets = [0, 0], sizes = [8, 32], strides = [1, 1]} : vector<8x2048xf32> to vector<8x32xf32>
    %concatenate3A_1532 = tpu.concatenate %slice3A_1530, %slice3A_1531 in 1 : vector<8x2016xf32>, vector<8x32xf32> -> vector<8x2048xf32>
    %slice3A_1533 = vector.extract_strided_slice %select_n3A_1522 {offsets = [0, 2016], sizes = [8, 32], strides = [1, 1]} : vector<8x2048xf32> to vector<8x32xf32>
    %slice3A_1534 = vector.extract_strided_slice %select_n3A_1522 {offsets = [0, 0], sizes = [8, 2016], strides = [1, 1]} : vector<8x2048xf32> to vector<8x2016xf32>
    %concatenate3A_1535 = tpu.concatenate %slice3A_1533, %slice3A_1534 in 1 : vector<8x32xf32>, vector<8x2016xf32> -> vector<8x2048xf32>
    %select_n3A_1536 = arith.select %eq3A_1529, %concatenate3A_1532, %concatenate3A_1535 : vector<8x2048xi1>, vector<8x2048xf32>
    %and3A_1537 = arith.constant 32 : i32
    %and3A_1538 = vector.broadcast %and3A_1537 : i32 to vector<8x2048xi32>
    %and3A_1539 = arith.andi %iota3A, %and3A_1538 : vector<8x2048xi32>
    %eq3A_1540 = arith.constant 0 : i32
    %eq3A_1541 = vector.broadcast %eq3A_1540 : i32 to vector<8x2048xi32>
    %eq3A_1542 = arith.cmpi eq, %and3A_1539, %eq3A_1541 : vector<8x2048xi32>
    %slice3A_1543 = vector.extract_strided_slice %select_n3A_1523 {offsets = [0, 32], sizes = [8, 2016], strides = [1, 1]} : vector<8x2048xi32> to vector<8x2016xi32>
    %slice3A_1544 = vector.extract_strided_slice %select_n3A_1523 {offsets = [0, 0], sizes = [8, 32], strides = [1, 1]} : vector<8x2048xi32> to vector<8x32xi32>
    %concatenate3A_1545 = tpu.concatenate %slice3A_1543, %slice3A_1544 in 1 : vector<8x2016xi32>, vector<8x32xi32> -> vector<8x2048xi32>
    %slice3A_1546 = vector.extract_strided_slice %select_n3A_1523 {offsets = [0, 2016], sizes = [8, 32], strides = [1, 1]} : vector<8x2048xi32> to vector<8x32xi32>
    %slice3A_1547 = vector.extract_strided_slice %select_n3A_1523 {offsets = [0, 0], sizes = [8, 2016], strides = [1, 1]} : vector<8x2048xi32> to vector<8x2016xi32>
    %concatenate3A_1548 = tpu.concatenate %slice3A_1546, %slice3A_1547 in 1 : vector<8x32xi32>, vector<8x2016xi32> -> vector<8x2048xi32>
    %select_n3A_1549 = arith.select %eq3A_1542, %concatenate3A_1545, %concatenate3A_1548 : vector<8x2048xi1>, vector<8x2048xi32>
    %gt3A_1550 = arith.cmpf ogt, %select_n3A_1522, %select_n3A_1536 : vector<8x2048xf32>
    %eq3A_1551 = arith.cmpf oeq, %select_n3A_1522, %select_n3A_1536 : vector<8x2048xf32>
    %lt3A_1552 = arith.cmpi slt, %select_n3A_1523, %select_n3A_1549 : vector<8x2048xi32>
    %and3A_1553 = arith.andi %eq3A_1551, %lt3A_1552 : vector<8x2048xi1>
    %or3A_1554 = arith.ori %gt3A_1550, %and3A_1553 : vector<8x2048xi1>
    %and3A_1555 = arith.constant 32 : i32
    %and3A_1556 = vector.broadcast %and3A_1555 : i32 to vector<8x2048xi32>
    %and3A_1557 = arith.andi %iota3A, %and3A_1556 : vector<8x2048xi32>
    %eq3A_1558 = arith.constant 0 : i32
    %eq3A_1559 = vector.broadcast %eq3A_1558 : i32 to vector<8x2048xi32>
    %eq3A_1560 = arith.cmpi eq, %and3A_1557, %eq3A_1559 : vector<8x2048xi32>
    %and3A_1561 = arith.constant 256 : i32
    %and3A_1562 = vector.broadcast %and3A_1561 : i32 to vector<8x2048xi32>
    %and3A_1563 = arith.andi %iota3A, %and3A_1562 : vector<8x2048xi32>
    %eq3A_1564 = arith.constant 0 : i32
    %eq3A_1565 = vector.broadcast %eq3A_1564 : i32 to vector<8x2048xi32>
    %eq3A_1566 = arith.cmpi eq, %and3A_1563, %eq3A_1565 : vector<8x2048xi32>
    %eq3A_1567 = arith.xori %eq3A_1560, %eq3A_1566 : vector<8x2048xi1>
    %eq3A_1568 = arith.constant dense<true> : vector<8x2048xi1>
    %eq3A_1569 = arith.xori %eq3A_1567, %eq3A_1568 : vector<8x2048xi1>
    %eq3A_1570 = arith.xori %eq3A_1569, %or3A_1554 : vector<8x2048xi1>
    %eq3A_1571 = arith.constant dense<true> : vector<8x2048xi1>
    %eq3A_1572 = arith.xori %eq3A_1570, %eq3A_1571 : vector<8x2048xi1>
    %select_n3A_1573 = arith.select %eq3A_1572, %select_n3A_1522, %select_n3A_1536 : vector<8x2048xi1>, vector<8x2048xf32>
    %select_n3A_1574 = arith.select %eq3A_1572, %select_n3A_1523, %select_n3A_1549 : vector<8x2048xi1>, vector<8x2048xi32>
    %and3A_1575 = arith.constant 16 : i32
    %and3A_1576 = vector.broadcast %and3A_1575 : i32 to vector<8x2048xi32>
    %and3A_1577 = arith.andi %iota3A, %and3A_1576 : vector<8x2048xi32>
    %eq3A_1578 = arith.constant 0 : i32
    %eq3A_1579 = vector.broadcast %eq3A_1578 : i32 to vector<8x2048xi32>
    %eq3A_1580 = arith.cmpi eq, %and3A_1577, %eq3A_1579 : vector<8x2048xi32>
    %slice3A_1581 = vector.extract_strided_slice %select_n3A_1573 {offsets = [0, 16], sizes = [8, 2032], strides = [1, 1]} : vector<8x2048xf32> to vector<8x2032xf32>
    %slice3A_1582 = vector.extract_strided_slice %select_n3A_1573 {offsets = [0, 0], sizes = [8, 16], strides = [1, 1]} : vector<8x2048xf32> to vector<8x16xf32>
    %concatenate3A_1583 = tpu.concatenate %slice3A_1581, %slice3A_1582 in 1 : vector<8x2032xf32>, vector<8x16xf32> -> vector<8x2048xf32>
    %slice3A_1584 = vector.extract_strided_slice %select_n3A_1573 {offsets = [0, 2032], sizes = [8, 16], strides = [1, 1]} : vector<8x2048xf32> to vector<8x16xf32>
    %slice3A_1585 = vector.extract_strided_slice %select_n3A_1573 {offsets = [0, 0], sizes = [8, 2032], strides = [1, 1]} : vector<8x2048xf32> to vector<8x2032xf32>
    %concatenate3A_1586 = tpu.concatenate %slice3A_1584, %slice3A_1585 in 1 : vector<8x16xf32>, vector<8x2032xf32> -> vector<8x2048xf32>
    %select_n3A_1587 = arith.select %eq3A_1580, %concatenate3A_1583, %concatenate3A_1586 : vector<8x2048xi1>, vector<8x2048xf32>
    %and3A_1588 = arith.constant 16 : i32
    %and3A_1589 = vector.broadcast %and3A_1588 : i32 to vector<8x2048xi32>
    %and3A_1590 = arith.andi %iota3A, %and3A_1589 : vector<8x2048xi32>
    %eq3A_1591 = arith.constant 0 : i32
    %eq3A_1592 = vector.broadcast %eq3A_1591 : i32 to vector<8x2048xi32>
    %eq3A_1593 = arith.cmpi eq, %and3A_1590, %eq3A_1592 : vector<8x2048xi32>
    %slice3A_1594 = vector.extract_strided_slice %select_n3A_1574 {offsets = [0, 16], sizes = [8, 2032], strides = [1, 1]} : vector<8x2048xi32> to vector<8x2032xi32>
    %slice3A_1595 = vector.extract_strided_slice %select_n3A_1574 {offsets = [0, 0], sizes = [8, 16], strides = [1, 1]} : vector<8x2048xi32> to vector<8x16xi32>
    %concatenate3A_1596 = tpu.concatenate %slice3A_1594, %slice3A_1595 in 1 : vector<8x2032xi32>, vector<8x16xi32> -> vector<8x2048xi32>
    %slice3A_1597 = vector.extract_strided_slice %select_n3A_1574 {offsets = [0, 2032], sizes = [8, 16], strides = [1, 1]} : vector<8x2048xi32> to vector<8x16xi32>
    %slice3A_1598 = vector.extract_strided_slice %select_n3A_1574 {offsets = [0, 0], sizes = [8, 2032], strides = [1, 1]} : vector<8x2048xi32> to vector<8x2032xi32>
    %concatenate3A_1599 = tpu.concatenate %slice3A_1597, %slice3A_1598 in 1 : vector<8x16xi32>, vector<8x2032xi32> -> vector<8x2048xi32>
    %select_n3A_1600 = arith.select %eq3A_1593, %concatenate3A_1596, %concatenate3A_1599 : vector<8x2048xi1>, vector<8x2048xi32>
    %gt3A_1601 = arith.cmpf ogt, %select_n3A_1573, %select_n3A_1587 : vector<8x2048xf32>
    %eq3A_1602 = arith.cmpf oeq, %select_n3A_1573, %select_n3A_1587 : vector<8x2048xf32>
    %lt3A_1603 = arith.cmpi slt, %select_n3A_1574, %select_n3A_1600 : vector<8x2048xi32>
    %and3A_1604 = arith.andi %eq3A_1602, %lt3A_1603 : vector<8x2048xi1>
    %or3A_1605 = arith.ori %gt3A_1601, %and3A_1604 : vector<8x2048xi1>
    %and3A_1606 = arith.constant 16 : i32
    %and3A_1607 = vector.broadcast %and3A_1606 : i32 to vector<8x2048xi32>
    %and3A_1608 = arith.andi %iota3A, %and3A_1607 : vector<8x2048xi32>
    %eq3A_1609 = arith.constant 0 : i32
    %eq3A_1610 = vector.broadcast %eq3A_1609 : i32 to vector<8x2048xi32>
    %eq3A_1611 = arith.cmpi eq, %and3A_1608, %eq3A_1610 : vector<8x2048xi32>
    %and3A_1612 = arith.constant 256 : i32
    %and3A_1613 = vector.broadcast %and3A_1612 : i32 to vector<8x2048xi32>
    %and3A_1614 = arith.andi %iota3A, %and3A_1613 : vector<8x2048xi32>
    %eq3A_1615 = arith.constant 0 : i32
    %eq3A_1616 = vector.broadcast %eq3A_1615 : i32 to vector<8x2048xi32>
    %eq3A_1617 = arith.cmpi eq, %and3A_1614, %eq3A_1616 : vector<8x2048xi32>
    %eq3A_1618 = arith.xori %eq3A_1611, %eq3A_1617 : vector<8x2048xi1>
    %eq3A_1619 = arith.constant dense<true> : vector<8x2048xi1>
    %eq3A_1620 = arith.xori %eq3A_1618, %eq3A_1619 : vector<8x2048xi1>
    %eq3A_1621 = arith.xori %eq3A_1620, %or3A_1605 : vector<8x2048xi1>
    %eq3A_1622 = arith.constant dense<true> : vector<8x2048xi1>
    %eq3A_1623 = arith.xori %eq3A_1621, %eq3A_1622 : vector<8x2048xi1>
    %select_n3A_1624 = arith.select %eq3A_1623, %select_n3A_1573, %select_n3A_1587 : vector<8x2048xi1>, vector<8x2048xf32>
    %select_n3A_1625 = arith.select %eq3A_1623, %select_n3A_1574, %select_n3A_1600 : vector<8x2048xi1>, vector<8x2048xi32>
    %and3A_1626 = arith.constant 8 : i32
    %and3A_1627 = vector.broadcast %and3A_1626 : i32 to vector<8x2048xi32>
    %and3A_1628 = arith.andi %iota3A, %and3A_1627 : vector<8x2048xi32>
    %eq3A_1629 = arith.constant 0 : i32
    %eq3A_1630 = vector.broadcast %eq3A_1629 : i32 to vector<8x2048xi32>
    %eq3A_1631 = arith.cmpi eq, %and3A_1628, %eq3A_1630 : vector<8x2048xi32>
    %slice3A_1632 = vector.extract_strided_slice %select_n3A_1624 {offsets = [0, 8], sizes = [8, 2040], strides = [1, 1]} : vector<8x2048xf32> to vector<8x2040xf32>
    %slice3A_1633 = vector.extract_strided_slice %select_n3A_1624 {offsets = [0, 0], sizes = [8, 8], strides = [1, 1]} : vector<8x2048xf32> to vector<8x8xf32>
    %concatenate3A_1634 = tpu.concatenate %slice3A_1632, %slice3A_1633 in 1 : vector<8x2040xf32>, vector<8x8xf32> -> vector<8x2048xf32>
    %slice3A_1635 = vector.extract_strided_slice %select_n3A_1624 {offsets = [0, 2040], sizes = [8, 8], strides = [1, 1]} : vector<8x2048xf32> to vector<8x8xf32>
    %slice3A_1636 = vector.extract_strided_slice %select_n3A_1624 {offsets = [0, 0], sizes = [8, 2040], strides = [1, 1]} : vector<8x2048xf32> to vector<8x2040xf32>
    %concatenate3A_1637 = tpu.concatenate %slice3A_1635, %slice3A_1636 in 1 : vector<8x8xf32>, vector<8x2040xf32> -> vector<8x2048xf32>
    %select_n3A_1638 = arith.select %eq3A_1631, %concatenate3A_1634, %concatenate3A_1637 : vector<8x2048xi1>, vector<8x2048xf32>
    %and3A_1639 = arith.constant 8 : i32
    %and3A_1640 = vector.broadcast %and3A_1639 : i32 to vector<8x2048xi32>
    %and3A_1641 = arith.andi %iota3A, %and3A_1640 : vector<8x2048xi32>
    %eq3A_1642 = arith.constant 0 : i32
    %eq3A_1643 = vector.broadcast %eq3A_1642 : i32 to vector<8x2048xi32>
    %eq3A_1644 = arith.cmpi eq, %and3A_1641, %eq3A_1643 : vector<8x2048xi32>
    %slice3A_1645 = vector.extract_strided_slice %select_n3A_1625 {offsets = [0, 8], sizes = [8, 2040], strides = [1, 1]} : vector<8x2048xi32> to vector<8x2040xi32>
    %slice3A_1646 = vector.extract_strided_slice %select_n3A_1625 {offsets = [0, 0], sizes = [8, 8], strides = [1, 1]} : vector<8x2048xi32> to vector<8x8xi32>
    %concatenate3A_1647 = tpu.concatenate %slice3A_1645, %slice3A_1646 in 1 : vector<8x2040xi32>, vector<8x8xi32> -> vector<8x2048xi32>
    %slice3A_1648 = vector.extract_strided_slice %select_n3A_1625 {offsets = [0, 2040], sizes = [8, 8], strides = [1, 1]} : vector<8x2048xi32> to vector<8x8xi32>
    %slice3A_1649 = vector.extract_strided_slice %select_n3A_1625 {offsets = [0, 0], sizes = [8, 2040], strides = [1, 1]} : vector<8x2048xi32> to vector<8x2040xi32>
    %concatenate3A_1650 = tpu.concatenate %slice3A_1648, %slice3A_1649 in 1 : vector<8x8xi32>, vector<8x2040xi32> -> vector<8x2048xi32>
    %select_n3A_1651 = arith.select %eq3A_1644, %concatenate3A_1647, %concatenate3A_1650 : vector<8x2048xi1>, vector<8x2048xi32>
    %gt3A_1652 = arith.cmpf ogt, %select_n3A_1624, %select_n3A_1638 : vector<8x2048xf32>
    %eq3A_1653 = arith.cmpf oeq, %select_n3A_1624, %select_n3A_1638 : vector<8x2048xf32>
    %lt3A_1654 = arith.cmpi slt, %select_n3A_1625, %select_n3A_1651 : vector<8x2048xi32>
    %and3A_1655 = arith.andi %eq3A_1653, %lt3A_1654 : vector<8x2048xi1>
    %or3A_1656 = arith.ori %gt3A_1652, %and3A_1655 : vector<8x2048xi1>
    %and3A_1657 = arith.constant 8 : i32
    %and3A_1658 = vector.broadcast %and3A_1657 : i32 to vector<8x2048xi32>
    %and3A_1659 = arith.andi %iota3A, %and3A_1658 : vector<8x2048xi32>
    %eq3A_1660 = arith.constant 0 : i32
    %eq3A_1661 = vector.broadcast %eq3A_1660 : i32 to vector<8x2048xi32>
    %eq3A_1662 = arith.cmpi eq, %and3A_1659, %eq3A_1661 : vector<8x2048xi32>
    %and3A_1663 = arith.constant 256 : i32
    %and3A_1664 = vector.broadcast %and3A_1663 : i32 to vector<8x2048xi32>
    %and3A_1665 = arith.andi %iota3A, %and3A_1664 : vector<8x2048xi32>
    %eq3A_1666 = arith.constant 0 : i32
    %eq3A_1667 = vector.broadcast %eq3A_1666 : i32 to vector<8x2048xi32>
    %eq3A_1668 = arith.cmpi eq, %and3A_1665, %eq3A_1667 : vector<8x2048xi32>
    %eq3A_1669 = arith.xori %eq3A_1662, %eq3A_1668 : vector<8x2048xi1>
    %eq3A_1670 = arith.constant dense<true> : vector<8x2048xi1>
    %eq3A_1671 = arith.xori %eq3A_1669, %eq3A_1670 : vector<8x2048xi1>
    %eq3A_1672 = arith.xori %eq3A_1671, %or3A_1656 : vector<8x2048xi1>
    %eq3A_1673 = arith.constant dense<true> : vector<8x2048xi1>
    %eq3A_1674 = arith.xori %eq3A_1672, %eq3A_1673 : vector<8x2048xi1>
    %select_n3A_1675 = arith.select %eq3A_1674, %select_n3A_1624, %select_n3A_1638 : vector<8x2048xi1>, vector<8x2048xf32>
    %select_n3A_1676 = arith.select %eq3A_1674, %select_n3A_1625, %select_n3A_1651 : vector<8x2048xi1>, vector<8x2048xi32>
    %and3A_1677 = arith.constant 4 : i32
    %and3A_1678 = vector.broadcast %and3A_1677 : i32 to vector<8x2048xi32>
    %and3A_1679 = arith.andi %iota3A, %and3A_1678 : vector<8x2048xi32>
    %eq3A_1680 = arith.constant 0 : i32
    %eq3A_1681 = vector.broadcast %eq3A_1680 : i32 to vector<8x2048xi32>
    %eq3A_1682 = arith.cmpi eq, %and3A_1679, %eq3A_1681 : vector<8x2048xi32>
    %slice3A_1683 = vector.extract_strided_slice %select_n3A_1675 {offsets = [0, 4], sizes = [8, 2044], strides = [1, 1]} : vector<8x2048xf32> to vector<8x2044xf32>
    %slice3A_1684 = vector.extract_strided_slice %select_n3A_1675 {offsets = [0, 0], sizes = [8, 4], strides = [1, 1]} : vector<8x2048xf32> to vector<8x4xf32>
    %concatenate3A_1685 = tpu.concatenate %slice3A_1683, %slice3A_1684 in 1 : vector<8x2044xf32>, vector<8x4xf32> -> vector<8x2048xf32>
    %slice3A_1686 = vector.extract_strided_slice %select_n3A_1675 {offsets = [0, 2044], sizes = [8, 4], strides = [1, 1]} : vector<8x2048xf32> to vector<8x4xf32>
    %slice3A_1687 = vector.extract_strided_slice %select_n3A_1675 {offsets = [0, 0], sizes = [8, 2044], strides = [1, 1]} : vector<8x2048xf32> to vector<8x2044xf32>
    %concatenate3A_1688 = tpu.concatenate %slice3A_1686, %slice3A_1687 in 1 : vector<8x4xf32>, vector<8x2044xf32> -> vector<8x2048xf32>
    %select_n3A_1689 = arith.select %eq3A_1682, %concatenate3A_1685, %concatenate3A_1688 : vector<8x2048xi1>, vector<8x2048xf32>
    %and3A_1690 = arith.constant 4 : i32
    %and3A_1691 = vector.broadcast %and3A_1690 : i32 to vector<8x2048xi32>
    %and3A_1692 = arith.andi %iota3A, %and3A_1691 : vector<8x2048xi32>
    %eq3A_1693 = arith.constant 0 : i32
    %eq3A_1694 = vector.broadcast %eq3A_1693 : i32 to vector<8x2048xi32>
    %eq3A_1695 = arith.cmpi eq, %and3A_1692, %eq3A_1694 : vector<8x2048xi32>
    %slice3A_1696 = vector.extract_strided_slice %select_n3A_1676 {offsets = [0, 4], sizes = [8, 2044], strides = [1, 1]} : vector<8x2048xi32> to vector<8x2044xi32>
    %slice3A_1697 = vector.extract_strided_slice %select_n3A_1676 {offsets = [0, 0], sizes = [8, 4], strides = [1, 1]} : vector<8x2048xi32> to vector<8x4xi32>
    %concatenate3A_1698 = tpu.concatenate %slice3A_1696, %slice3A_1697 in 1 : vector<8x2044xi32>, vector<8x4xi32> -> vector<8x2048xi32>
    %slice3A_1699 = vector.extract_strided_slice %select_n3A_1676 {offsets = [0, 2044], sizes = [8, 4], strides = [1, 1]} : vector<8x2048xi32> to vector<8x4xi32>
    %slice3A_1700 = vector.extract_strided_slice %select_n3A_1676 {offsets = [0, 0], sizes = [8, 2044], strides = [1, 1]} : vector<8x2048xi32> to vector<8x2044xi32>
    %concatenate3A_1701 = tpu.concatenate %slice3A_1699, %slice3A_1700 in 1 : vector<8x4xi32>, vector<8x2044xi32> -> vector<8x2048xi32>
    %select_n3A_1702 = arith.select %eq3A_1695, %concatenate3A_1698, %concatenate3A_1701 : vector<8x2048xi1>, vector<8x2048xi32>
    %gt3A_1703 = arith.cmpf ogt, %select_n3A_1675, %select_n3A_1689 : vector<8x2048xf32>
    %eq3A_1704 = arith.cmpf oeq, %select_n3A_1675, %select_n3A_1689 : vector<8x2048xf32>
    %lt3A_1705 = arith.cmpi slt, %select_n3A_1676, %select_n3A_1702 : vector<8x2048xi32>
    %and3A_1706 = arith.andi %eq3A_1704, %lt3A_1705 : vector<8x2048xi1>
    %or3A_1707 = arith.ori %gt3A_1703, %and3A_1706 : vector<8x2048xi1>
    %and3A_1708 = arith.constant 4 : i32
    %and3A_1709 = vector.broadcast %and3A_1708 : i32 to vector<8x2048xi32>
    %and3A_1710 = arith.andi %iota3A, %and3A_1709 : vector<8x2048xi32>
    %eq3A_1711 = arith.constant 0 : i32
    %eq3A_1712 = vector.broadcast %eq3A_1711 : i32 to vector<8x2048xi32>
    %eq3A_1713 = arith.cmpi eq, %and3A_1710, %eq3A_1712 : vector<8x2048xi32>
    %and3A_1714 = arith.constant 256 : i32
    %and3A_1715 = vector.broadcast %and3A_1714 : i32 to vector<8x2048xi32>
    %and3A_1716 = arith.andi %iota3A, %and3A_1715 : vector<8x2048xi32>
    %eq3A_1717 = arith.constant 0 : i32
    %eq3A_1718 = vector.broadcast %eq3A_1717 : i32 to vector<8x2048xi32>
    %eq3A_1719 = arith.cmpi eq, %and3A_1716, %eq3A_1718 : vector<8x2048xi32>
    %eq3A_1720 = arith.xori %eq3A_1713, %eq3A_1719 : vector<8x2048xi1>
    %eq3A_1721 = arith.constant dense<true> : vector<8x2048xi1>
    %eq3A_1722 = arith.xori %eq3A_1720, %eq3A_1721 : vector<8x2048xi1>
    %eq3A_1723 = arith.xori %eq3A_1722, %or3A_1707 : vector<8x2048xi1>
    %eq3A_1724 = arith.constant dense<true> : vector<8x2048xi1>
    %eq3A_1725 = arith.xori %eq3A_1723, %eq3A_1724 : vector<8x2048xi1>
    %select_n3A_1726 = arith.select %eq3A_1725, %select_n3A_1675, %select_n3A_1689 : vector<8x2048xi1>, vector<8x2048xf32>
    %select_n3A_1727 = arith.select %eq3A_1725, %select_n3A_1676, %select_n3A_1702 : vector<8x2048xi1>, vector<8x2048xi32>
    %and3A_1728 = arith.constant 2 : i32
    %and3A_1729 = vector.broadcast %and3A_1728 : i32 to vector<8x2048xi32>
    %and3A_1730 = arith.andi %iota3A, %and3A_1729 : vector<8x2048xi32>
    %eq3A_1731 = arith.constant 0 : i32
    %eq3A_1732 = vector.broadcast %eq3A_1731 : i32 to vector<8x2048xi32>
    %eq3A_1733 = arith.cmpi eq, %and3A_1730, %eq3A_1732 : vector<8x2048xi32>
    %slice3A_1734 = vector.extract_strided_slice %select_n3A_1726 {offsets = [0, 2], sizes = [8, 2046], strides = [1, 1]} : vector<8x2048xf32> to vector<8x2046xf32>
    %slice3A_1735 = vector.extract_strided_slice %select_n3A_1726 {offsets = [0, 0], sizes = [8, 2], strides = [1, 1]} : vector<8x2048xf32> to vector<8x2xf32>
    %concatenate3A_1736 = tpu.concatenate %slice3A_1734, %slice3A_1735 in 1 : vector<8x2046xf32>, vector<8x2xf32> -> vector<8x2048xf32>
    %slice3A_1737 = vector.extract_strided_slice %select_n3A_1726 {offsets = [0, 2046], sizes = [8, 2], strides = [1, 1]} : vector<8x2048xf32> to vector<8x2xf32>
    %slice3A_1738 = vector.extract_strided_slice %select_n3A_1726 {offsets = [0, 0], sizes = [8, 2046], strides = [1, 1]} : vector<8x2048xf32> to vector<8x2046xf32>
    %concatenate3A_1739 = tpu.concatenate %slice3A_1737, %slice3A_1738 in 1 : vector<8x2xf32>, vector<8x2046xf32> -> vector<8x2048xf32>
    %select_n3A_1740 = arith.select %eq3A_1733, %concatenate3A_1736, %concatenate3A_1739 : vector<8x2048xi1>, vector<8x2048xf32>
    %and3A_1741 = arith.constant 2 : i32
    %and3A_1742 = vector.broadcast %and3A_1741 : i32 to vector<8x2048xi32>
    %and3A_1743 = arith.andi %iota3A, %and3A_1742 : vector<8x2048xi32>
    %eq3A_1744 = arith.constant 0 : i32
    %eq3A_1745 = vector.broadcast %eq3A_1744 : i32 to vector<8x2048xi32>
    %eq3A_1746 = arith.cmpi eq, %and3A_1743, %eq3A_1745 : vector<8x2048xi32>
    %slice3A_1747 = vector.extract_strided_slice %select_n3A_1727 {offsets = [0, 2], sizes = [8, 2046], strides = [1, 1]} : vector<8x2048xi32> to vector<8x2046xi32>
    %slice3A_1748 = vector.extract_strided_slice %select_n3A_1727 {offsets = [0, 0], sizes = [8, 2], strides = [1, 1]} : vector<8x2048xi32> to vector<8x2xi32>
    %concatenate3A_1749 = tpu.concatenate %slice3A_1747, %slice3A_1748 in 1 : vector<8x2046xi32>, vector<8x2xi32> -> vector<8x2048xi32>
    %slice3A_1750 = vector.extract_strided_slice %select_n3A_1727 {offsets = [0, 2046], sizes = [8, 2], strides = [1, 1]} : vector<8x2048xi32> to vector<8x2xi32>
    %slice3A_1751 = vector.extract_strided_slice %select_n3A_1727 {offsets = [0, 0], sizes = [8, 2046], strides = [1, 1]} : vector<8x2048xi32> to vector<8x2046xi32>
    %concatenate3A_1752 = tpu.concatenate %slice3A_1750, %slice3A_1751 in 1 : vector<8x2xi32>, vector<8x2046xi32> -> vector<8x2048xi32>
    %select_n3A_1753 = arith.select %eq3A_1746, %concatenate3A_1749, %concatenate3A_1752 : vector<8x2048xi1>, vector<8x2048xi32>
    %gt3A_1754 = arith.cmpf ogt, %select_n3A_1726, %select_n3A_1740 : vector<8x2048xf32>
    %eq3A_1755 = arith.cmpf oeq, %select_n3A_1726, %select_n3A_1740 : vector<8x2048xf32>
    %lt3A_1756 = arith.cmpi slt, %select_n3A_1727, %select_n3A_1753 : vector<8x2048xi32>
    %and3A_1757 = arith.andi %eq3A_1755, %lt3A_1756 : vector<8x2048xi1>
    %or3A_1758 = arith.ori %gt3A_1754, %and3A_1757 : vector<8x2048xi1>
    %and3A_1759 = arith.constant 2 : i32
    %and3A_1760 = vector.broadcast %and3A_1759 : i32 to vector<8x2048xi32>
    %and3A_1761 = arith.andi %iota3A, %and3A_1760 : vector<8x2048xi32>
    %eq3A_1762 = arith.constant 0 : i32
    %eq3A_1763 = vector.broadcast %eq3A_1762 : i32 to vector<8x2048xi32>
    %eq3A_1764 = arith.cmpi eq, %and3A_1761, %eq3A_1763 : vector<8x2048xi32>
    %and3A_1765 = arith.constant 256 : i32
    %and3A_1766 = vector.broadcast %and3A_1765 : i32 to vector<8x2048xi32>
    %and3A_1767 = arith.andi %iota3A, %and3A_1766 : vector<8x2048xi32>
    %eq3A_1768 = arith.constant 0 : i32
    %eq3A_1769 = vector.broadcast %eq3A_1768 : i32 to vector<8x2048xi32>
    %eq3A_1770 = arith.cmpi eq, %and3A_1767, %eq3A_1769 : vector<8x2048xi32>
    %eq3A_1771 = arith.xori %eq3A_1764, %eq3A_1770 : vector<8x2048xi1>
    %eq3A_1772 = arith.constant dense<true> : vector<8x2048xi1>
    %eq3A_1773 = arith.xori %eq3A_1771, %eq3A_1772 : vector<8x2048xi1>
    %eq3A_1774 = arith.xori %eq3A_1773, %or3A_1758 : vector<8x2048xi1>
    %eq3A_1775 = arith.constant dense<true> : vector<8x2048xi1>
    %eq3A_1776 = arith.xori %eq3A_1774, %eq3A_1775 : vector<8x2048xi1>
    %select_n3A_1777 = arith.select %eq3A_1776, %select_n3A_1726, %select_n3A_1740 : vector<8x2048xi1>, vector<8x2048xf32>
    %select_n3A_1778 = arith.select %eq3A_1776, %select_n3A_1727, %select_n3A_1753 : vector<8x2048xi1>, vector<8x2048xi32>
    %and3A_1779 = arith.constant 1 : i32
    %and3A_1780 = vector.broadcast %and3A_1779 : i32 to vector<8x2048xi32>
    %and3A_1781 = arith.andi %iota3A, %and3A_1780 : vector<8x2048xi32>
    %eq3A_1782 = arith.constant 0 : i32
    %eq3A_1783 = vector.broadcast %eq3A_1782 : i32 to vector<8x2048xi32>
    %eq3A_1784 = arith.cmpi eq, %and3A_1781, %eq3A_1783 : vector<8x2048xi32>
    %slice3A_1785 = vector.extract_strided_slice %select_n3A_1777 {offsets = [0, 1], sizes = [8, 2047], strides = [1, 1]} : vector<8x2048xf32> to vector<8x2047xf32>
    %slice3A_1786 = vector.extract_strided_slice %select_n3A_1777 {offsets = [0, 0], sizes = [8, 1], strides = [1, 1]} : vector<8x2048xf32> to vector<8x1xf32>
    %concatenate3A_1787 = tpu.concatenate %slice3A_1785, %slice3A_1786 in 1 : vector<8x2047xf32>, vector<8x1xf32> -> vector<8x2048xf32>
    %slice3A_1788 = vector.extract_strided_slice %select_n3A_1777 {offsets = [0, 2047], sizes = [8, 1], strides = [1, 1]} : vector<8x2048xf32> to vector<8x1xf32>
    %slice3A_1789 = vector.extract_strided_slice %select_n3A_1777 {offsets = [0, 0], sizes = [8, 2047], strides = [1, 1]} : vector<8x2048xf32> to vector<8x2047xf32>
    %concatenate3A_1790 = tpu.concatenate %slice3A_1788, %slice3A_1789 in 1 : vector<8x1xf32>, vector<8x2047xf32> -> vector<8x2048xf32>
    %select_n3A_1791 = arith.select %eq3A_1784, %concatenate3A_1787, %concatenate3A_1790 : vector<8x2048xi1>, vector<8x2048xf32>
    %and3A_1792 = arith.constant 1 : i32
    %and3A_1793 = vector.broadcast %and3A_1792 : i32 to vector<8x2048xi32>
    %and3A_1794 = arith.andi %iota3A, %and3A_1793 : vector<8x2048xi32>
    %eq3A_1795 = arith.constant 0 : i32
    %eq3A_1796 = vector.broadcast %eq3A_1795 : i32 to vector<8x2048xi32>
    %eq3A_1797 = arith.cmpi eq, %and3A_1794, %eq3A_1796 : vector<8x2048xi32>
    %slice3A_1798 = vector.extract_strided_slice %select_n3A_1778 {offsets = [0, 1], sizes = [8, 2047], strides = [1, 1]} : vector<8x2048xi32> to vector<8x2047xi32>
    %slice3A_1799 = vector.extract_strided_slice %select_n3A_1778 {offsets = [0, 0], sizes = [8, 1], strides = [1, 1]} : vector<8x2048xi32> to vector<8x1xi32>
    %concatenate3A_1800 = tpu.concatenate %slice3A_1798, %slice3A_1799 in 1 : vector<8x2047xi32>, vector<8x1xi32> -> vector<8x2048xi32>
    %slice3A_1801 = vector.extract_strided_slice %select_n3A_1778 {offsets = [0, 2047], sizes = [8, 1], strides = [1, 1]} : vector<8x2048xi32> to vector<8x1xi32>
    %slice3A_1802 = vector.extract_strided_slice %select_n3A_1778 {offsets = [0, 0], sizes = [8, 2047], strides = [1, 1]} : vector<8x2048xi32> to vector<8x2047xi32>
    %concatenate3A_1803 = tpu.concatenate %slice3A_1801, %slice3A_1802 in 1 : vector<8x1xi32>, vector<8x2047xi32> -> vector<8x2048xi32>
    %select_n3A_1804 = arith.select %eq3A_1797, %concatenate3A_1800, %concatenate3A_1803 : vector<8x2048xi1>, vector<8x2048xi32>
    %gt3A_1805 = arith.cmpf ogt, %select_n3A_1777, %select_n3A_1791 : vector<8x2048xf32>
    %eq3A_1806 = arith.cmpf oeq, %select_n3A_1777, %select_n3A_1791 : vector<8x2048xf32>
    %lt3A_1807 = arith.cmpi slt, %select_n3A_1778, %select_n3A_1804 : vector<8x2048xi32>
    %and3A_1808 = arith.andi %eq3A_1806, %lt3A_1807 : vector<8x2048xi1>
    %or3A_1809 = arith.ori %gt3A_1805, %and3A_1808 : vector<8x2048xi1>
    %and3A_1810 = arith.constant 1 : i32
    %and3A_1811 = vector.broadcast %and3A_1810 : i32 to vector<8x2048xi32>
    %and3A_1812 = arith.andi %iota3A, %and3A_1811 : vector<8x2048xi32>
    %eq3A_1813 = arith.constant 0 : i32
    %eq3A_1814 = vector.broadcast %eq3A_1813 : i32 to vector<8x2048xi32>
    %eq3A_1815 = arith.cmpi eq, %and3A_1812, %eq3A_1814 : vector<8x2048xi32>
    %and3A_1816 = arith.constant 256 : i32
    %and3A_1817 = vector.broadcast %and3A_1816 : i32 to vector<8x2048xi32>
    %and3A_1818 = arith.andi %iota3A, %and3A_1817 : vector<8x2048xi32>
    %eq3A_1819 = arith.constant 0 : i32
    %eq3A_1820 = vector.broadcast %eq3A_1819 : i32 to vector<8x2048xi32>
    %eq3A_1821 = arith.cmpi eq, %and3A_1818, %eq3A_1820 : vector<8x2048xi32>
    %eq3A_1822 = arith.xori %eq3A_1815, %eq3A_1821 : vector<8x2048xi1>
    %eq3A_1823 = arith.constant dense<true> : vector<8x2048xi1>
    %eq3A_1824 = arith.xori %eq3A_1822, %eq3A_1823 : vector<8x2048xi1>
    %eq3A_1825 = arith.xori %eq3A_1824, %or3A_1809 : vector<8x2048xi1>
    %eq3A_1826 = arith.constant dense<true> : vector<8x2048xi1>
    %eq3A_1827 = arith.xori %eq3A_1825, %eq3A_1826 : vector<8x2048xi1>
    %select_n3A_1828 = arith.select %eq3A_1827, %select_n3A_1777, %select_n3A_1791 : vector<8x2048xi1>, vector<8x2048xf32>
    %select_n3A_1829 = arith.select %eq3A_1827, %select_n3A_1778, %select_n3A_1804 : vector<8x2048xi1>, vector<8x2048xi32>
    %and3A_1830 = arith.constant 256 : i32
    %and3A_1831 = vector.broadcast %and3A_1830 : i32 to vector<8x2048xi32>
    %and3A_1832 = arith.andi %iota3A, %and3A_1831 : vector<8x2048xi32>
    %eq3A_1833 = arith.constant 0 : i32
    %eq3A_1834 = vector.broadcast %eq3A_1833 : i32 to vector<8x2048xi32>
    %eq3A_1835 = arith.cmpi eq, %and3A_1832, %eq3A_1834 : vector<8x2048xi32>
    %slice3A_1836 = vector.extract_strided_slice %select_n3A_1828 {offsets = [0, 256], sizes = [8, 1792], strides = [1, 1]} : vector<8x2048xf32> to vector<8x1792xf32>
    %slice3A_1837 = vector.extract_strided_slice %select_n3A_1828 {offsets = [0, 0], sizes = [8, 256], strides = [1, 1]} : vector<8x2048xf32> to vector<8x256xf32>
    %concatenate3A_1838 = tpu.concatenate %slice3A_1836, %slice3A_1837 in 1 : vector<8x1792xf32>, vector<8x256xf32> -> vector<8x2048xf32>
    %slice3A_1839 = vector.extract_strided_slice %select_n3A_1828 {offsets = [0, 1792], sizes = [8, 256], strides = [1, 1]} : vector<8x2048xf32> to vector<8x256xf32>
    %slice3A_1840 = vector.extract_strided_slice %select_n3A_1828 {offsets = [0, 0], sizes = [8, 1792], strides = [1, 1]} : vector<8x2048xf32> to vector<8x1792xf32>
    %concatenate3A_1841 = tpu.concatenate %slice3A_1839, %slice3A_1840 in 1 : vector<8x256xf32>, vector<8x1792xf32> -> vector<8x2048xf32>
    %select_n3A_1842 = arith.select %eq3A_1835, %concatenate3A_1838, %concatenate3A_1841 : vector<8x2048xi1>, vector<8x2048xf32>
    %and3A_1843 = arith.constant 256 : i32
    %and3A_1844 = vector.broadcast %and3A_1843 : i32 to vector<8x2048xi32>
    %and3A_1845 = arith.andi %iota3A, %and3A_1844 : vector<8x2048xi32>
    %eq3A_1846 = arith.constant 0 : i32
    %eq3A_1847 = vector.broadcast %eq3A_1846 : i32 to vector<8x2048xi32>
    %eq3A_1848 = arith.cmpi eq, %and3A_1845, %eq3A_1847 : vector<8x2048xi32>
    %slice3A_1849 = vector.extract_strided_slice %select_n3A_1829 {offsets = [0, 256], sizes = [8, 1792], strides = [1, 1]} : vector<8x2048xi32> to vector<8x1792xi32>
    %slice3A_1850 = vector.extract_strided_slice %select_n3A_1829 {offsets = [0, 0], sizes = [8, 256], strides = [1, 1]} : vector<8x2048xi32> to vector<8x256xi32>
    %concatenate3A_1851 = tpu.concatenate %slice3A_1849, %slice3A_1850 in 1 : vector<8x1792xi32>, vector<8x256xi32> -> vector<8x2048xi32>
    %slice3A_1852 = vector.extract_strided_slice %select_n3A_1829 {offsets = [0, 1792], sizes = [8, 256], strides = [1, 1]} : vector<8x2048xi32> to vector<8x256xi32>
    %slice3A_1853 = vector.extract_strided_slice %select_n3A_1829 {offsets = [0, 0], sizes = [8, 1792], strides = [1, 1]} : vector<8x2048xi32> to vector<8x1792xi32>
    %concatenate3A_1854 = tpu.concatenate %slice3A_1852, %slice3A_1853 in 1 : vector<8x256xi32>, vector<8x1792xi32> -> vector<8x2048xi32>
    %select_n3A_1855 = arith.select %eq3A_1848, %concatenate3A_1851, %concatenate3A_1854 : vector<8x2048xi1>, vector<8x2048xi32>
    %gt3A_1856 = arith.cmpf ogt, %select_n3A_1828, %select_n3A_1842 : vector<8x2048xf32>
    %eq3A_1857 = arith.cmpf oeq, %select_n3A_1828, %select_n3A_1842 : vector<8x2048xf32>
    %lt3A_1858 = arith.cmpi slt, %select_n3A_1829, %select_n3A_1855 : vector<8x2048xi32>
    %and3A_1859 = arith.andi %eq3A_1857, %lt3A_1858 : vector<8x2048xi1>
    %or3A_1860 = arith.ori %gt3A_1856, %and3A_1859 : vector<8x2048xi1>
    %and3A_1861 = arith.constant 256 : i32
    %and3A_1862 = vector.broadcast %and3A_1861 : i32 to vector<8x2048xi32>
    %and3A_1863 = arith.andi %iota3A, %and3A_1862 : vector<8x2048xi32>
    %eq3A_1864 = arith.constant 0 : i32
    %eq3A_1865 = vector.broadcast %eq3A_1864 : i32 to vector<8x2048xi32>
    %eq3A_1866 = arith.cmpi eq, %and3A_1863, %eq3A_1865 : vector<8x2048xi32>
    %and3A_1867 = arith.constant 512 : i32
    %and3A_1868 = vector.broadcast %and3A_1867 : i32 to vector<8x2048xi32>
    %and3A_1869 = arith.andi %iota3A, %and3A_1868 : vector<8x2048xi32>
    %eq3A_1870 = arith.constant 0 : i32
    %eq3A_1871 = vector.broadcast %eq3A_1870 : i32 to vector<8x2048xi32>
    %eq3A_1872 = arith.cmpi eq, %and3A_1869, %eq3A_1871 : vector<8x2048xi32>
    %eq3A_1873 = arith.xori %eq3A_1866, %eq3A_1872 : vector<8x2048xi1>
    %eq3A_1874 = arith.constant dense<true> : vector<8x2048xi1>
    %eq3A_1875 = arith.xori %eq3A_1873, %eq3A_1874 : vector<8x2048xi1>
    %eq3A_1876 = arith.xori %eq3A_1875, %or3A_1860 : vector<8x2048xi1>
    %eq3A_1877 = arith.constant dense<true> : vector<8x2048xi1>
    %eq3A_1878 = arith.xori %eq3A_1876, %eq3A_1877 : vector<8x2048xi1>
    %select_n3A_1879 = arith.select %eq3A_1878, %select_n3A_1828, %select_n3A_1842 : vector<8x2048xi1>, vector<8x2048xf32>
    %select_n3A_1880 = arith.select %eq3A_1878, %select_n3A_1829, %select_n3A_1855 : vector<8x2048xi1>, vector<8x2048xi32>
    %and3A_1881 = arith.constant 128 : i32
    %and3A_1882 = vector.broadcast %and3A_1881 : i32 to vector<8x2048xi32>
    %and3A_1883 = arith.andi %iota3A, %and3A_1882 : vector<8x2048xi32>
    %eq3A_1884 = arith.constant 0 : i32
    %eq3A_1885 = vector.broadcast %eq3A_1884 : i32 to vector<8x2048xi32>
    %eq3A_1886 = arith.cmpi eq, %and3A_1883, %eq3A_1885 : vector<8x2048xi32>
    %slice3A_1887 = vector.extract_strided_slice %select_n3A_1879 {offsets = [0, 128], sizes = [8, 1920], strides = [1, 1]} : vector<8x2048xf32> to vector<8x1920xf32>
    %slice3A_1888 = vector.extract_strided_slice %select_n3A_1879 {offsets = [0, 0], sizes = [8, 128], strides = [1, 1]} : vector<8x2048xf32> to vector<8x128xf32>
    %concatenate3A_1889 = tpu.concatenate %slice3A_1887, %slice3A_1888 in 1 : vector<8x1920xf32>, vector<8x128xf32> -> vector<8x2048xf32>
    %slice3A_1890 = vector.extract_strided_slice %select_n3A_1879 {offsets = [0, 1920], sizes = [8, 128], strides = [1, 1]} : vector<8x2048xf32> to vector<8x128xf32>
    %slice3A_1891 = vector.extract_strided_slice %select_n3A_1879 {offsets = [0, 0], sizes = [8, 1920], strides = [1, 1]} : vector<8x2048xf32> to vector<8x1920xf32>
    %concatenate3A_1892 = tpu.concatenate %slice3A_1890, %slice3A_1891 in 1 : vector<8x128xf32>, vector<8x1920xf32> -> vector<8x2048xf32>
    %select_n3A_1893 = arith.select %eq3A_1886, %concatenate3A_1889, %concatenate3A_1892 : vector<8x2048xi1>, vector<8x2048xf32>
    %and3A_1894 = arith.constant 128 : i32
    %and3A_1895 = vector.broadcast %and3A_1894 : i32 to vector<8x2048xi32>
    %and3A_1896 = arith.andi %iota3A, %and3A_1895 : vector<8x2048xi32>
    %eq3A_1897 = arith.constant 0 : i32
    %eq3A_1898 = vector.broadcast %eq3A_1897 : i32 to vector<8x2048xi32>
    %eq3A_1899 = arith.cmpi eq, %and3A_1896, %eq3A_1898 : vector<8x2048xi32>
    %slice3A_1900 = vector.extract_strided_slice %select_n3A_1880 {offsets = [0, 128], sizes = [8, 1920], strides = [1, 1]} : vector<8x2048xi32> to vector<8x1920xi32>
    %slice3A_1901 = vector.extract_strided_slice %select_n3A_1880 {offsets = [0, 0], sizes = [8, 128], strides = [1, 1]} : vector<8x2048xi32> to vector<8x128xi32>
    %concatenate3A_1902 = tpu.concatenate %slice3A_1900, %slice3A_1901 in 1 : vector<8x1920xi32>, vector<8x128xi32> -> vector<8x2048xi32>
    %slice3A_1903 = vector.extract_strided_slice %select_n3A_1880 {offsets = [0, 1920], sizes = [8, 128], strides = [1, 1]} : vector<8x2048xi32> to vector<8x128xi32>
    %slice3A_1904 = vector.extract_strided_slice %select_n3A_1880 {offsets = [0, 0], sizes = [8, 1920], strides = [1, 1]} : vector<8x2048xi32> to vector<8x1920xi32>
    %concatenate3A_1905 = tpu.concatenate %slice3A_1903, %slice3A_1904 in 1 : vector<8x128xi32>, vector<8x1920xi32> -> vector<8x2048xi32>
    %select_n3A_1906 = arith.select %eq3A_1899, %concatenate3A_1902, %concatenate3A_1905 : vector<8x2048xi1>, vector<8x2048xi32>
    %gt3A_1907 = arith.cmpf ogt, %select_n3A_1879, %select_n3A_1893 : vector<8x2048xf32>
    %eq3A_1908 = arith.cmpf oeq, %select_n3A_1879, %select_n3A_1893 : vector<8x2048xf32>
    %lt3A_1909 = arith.cmpi slt, %select_n3A_1880, %select_n3A_1906 : vector<8x2048xi32>
    %and3A_1910 = arith.andi %eq3A_1908, %lt3A_1909 : vector<8x2048xi1>
    %or3A_1911 = arith.ori %gt3A_1907, %and3A_1910 : vector<8x2048xi1>
    %and3A_1912 = arith.constant 128 : i32
    %and3A_1913 = vector.broadcast %and3A_1912 : i32 to vector<8x2048xi32>
    %and3A_1914 = arith.andi %iota3A, %and3A_1913 : vector<8x2048xi32>
    %eq3A_1915 = arith.constant 0 : i32
    %eq3A_1916 = vector.broadcast %eq3A_1915 : i32 to vector<8x2048xi32>
    %eq3A_1917 = arith.cmpi eq, %and3A_1914, %eq3A_1916 : vector<8x2048xi32>
    %and3A_1918 = arith.constant 512 : i32
    %and3A_1919 = vector.broadcast %and3A_1918 : i32 to vector<8x2048xi32>
    %and3A_1920 = arith.andi %iota3A, %and3A_1919 : vector<8x2048xi32>
    %eq3A_1921 = arith.constant 0 : i32
    %eq3A_1922 = vector.broadcast %eq3A_1921 : i32 to vector<8x2048xi32>
    %eq3A_1923 = arith.cmpi eq, %and3A_1920, %eq3A_1922 : vector<8x2048xi32>
    %eq3A_1924 = arith.xori %eq3A_1917, %eq3A_1923 : vector<8x2048xi1>
    %eq3A_1925 = arith.constant dense<true> : vector<8x2048xi1>
    %eq3A_1926 = arith.xori %eq3A_1924, %eq3A_1925 : vector<8x2048xi1>
    %eq3A_1927 = arith.xori %eq3A_1926, %or3A_1911 : vector<8x2048xi1>
    %eq3A_1928 = arith.constant dense<true> : vector<8x2048xi1>
    %eq3A_1929 = arith.xori %eq3A_1927, %eq3A_1928 : vector<8x2048xi1>
    %select_n3A_1930 = arith.select %eq3A_1929, %select_n3A_1879, %select_n3A_1893 : vector<8x2048xi1>, vector<8x2048xf32>
    %select_n3A_1931 = arith.select %eq3A_1929, %select_n3A_1880, %select_n3A_1906 : vector<8x2048xi1>, vector<8x2048xi32>
    %and3A_1932 = arith.constant 64 : i32
    %and3A_1933 = vector.broadcast %and3A_1932 : i32 to vector<8x2048xi32>
    %and3A_1934 = arith.andi %iota3A, %and3A_1933 : vector<8x2048xi32>
    %eq3A_1935 = arith.constant 0 : i32
    %eq3A_1936 = vector.broadcast %eq3A_1935 : i32 to vector<8x2048xi32>
    %eq3A_1937 = arith.cmpi eq, %and3A_1934, %eq3A_1936 : vector<8x2048xi32>
    %slice3A_1938 = vector.extract_strided_slice %select_n3A_1930 {offsets = [0, 64], sizes = [8, 1984], strides = [1, 1]} : vector<8x2048xf32> to vector<8x1984xf32>
    %slice3A_1939 = vector.extract_strided_slice %select_n3A_1930 {offsets = [0, 0], sizes = [8, 64], strides = [1, 1]} : vector<8x2048xf32> to vector<8x64xf32>
    %concatenate3A_1940 = tpu.concatenate %slice3A_1938, %slice3A_1939 in 1 : vector<8x1984xf32>, vector<8x64xf32> -> vector<8x2048xf32>
    %slice3A_1941 = vector.extract_strided_slice %select_n3A_1930 {offsets = [0, 1984], sizes = [8, 64], strides = [1, 1]} : vector<8x2048xf32> to vector<8x64xf32>
    %slice3A_1942 = vector.extract_strided_slice %select_n3A_1930 {offsets = [0, 0], sizes = [8, 1984], strides = [1, 1]} : vector<8x2048xf32> to vector<8x1984xf32>
    %concatenate3A_1943 = tpu.concatenate %slice3A_1941, %slice3A_1942 in 1 : vector<8x64xf32>, vector<8x1984xf32> -> vector<8x2048xf32>
    %select_n3A_1944 = arith.select %eq3A_1937, %concatenate3A_1940, %concatenate3A_1943 : vector<8x2048xi1>, vector<8x2048xf32>
    %and3A_1945 = arith.constant 64 : i32
    %and3A_1946 = vector.broadcast %and3A_1945 : i32 to vector<8x2048xi32>
    %and3A_1947 = arith.andi %iota3A, %and3A_1946 : vector<8x2048xi32>
    %eq3A_1948 = arith.constant 0 : i32
    %eq3A_1949 = vector.broadcast %eq3A_1948 : i32 to vector<8x2048xi32>
    %eq3A_1950 = arith.cmpi eq, %and3A_1947, %eq3A_1949 : vector<8x2048xi32>
    %slice3A_1951 = vector.extract_strided_slice %select_n3A_1931 {offsets = [0, 64], sizes = [8, 1984], strides = [1, 1]} : vector<8x2048xi32> to vector<8x1984xi32>
    %slice3A_1952 = vector.extract_strided_slice %select_n3A_1931 {offsets = [0, 0], sizes = [8, 64], strides = [1, 1]} : vector<8x2048xi32> to vector<8x64xi32>
    %concatenate3A_1953 = tpu.concatenate %slice3A_1951, %slice3A_1952 in 1 : vector<8x1984xi32>, vector<8x64xi32> -> vector<8x2048xi32>
    %slice3A_1954 = vector.extract_strided_slice %select_n3A_1931 {offsets = [0, 1984], sizes = [8, 64], strides = [1, 1]} : vector<8x2048xi32> to vector<8x64xi32>
    %slice3A_1955 = vector.extract_strided_slice %select_n3A_1931 {offsets = [0, 0], sizes = [8, 1984], strides = [1, 1]} : vector<8x2048xi32> to vector<8x1984xi32>
    %concatenate3A_1956 = tpu.concatenate %slice3A_1954, %slice3A_1955 in 1 : vector<8x64xi32>, vector<8x1984xi32> -> vector<8x2048xi32>
    %select_n3A_1957 = arith.select %eq3A_1950, %concatenate3A_1953, %concatenate3A_1956 : vector<8x2048xi1>, vector<8x2048xi32>
    %gt3A_1958 = arith.cmpf ogt, %select_n3A_1930, %select_n3A_1944 : vector<8x2048xf32>
    %eq3A_1959 = arith.cmpf oeq, %select_n3A_1930, %select_n3A_1944 : vector<8x2048xf32>
    %lt3A_1960 = arith.cmpi slt, %select_n3A_1931, %select_n3A_1957 : vector<8x2048xi32>
    %and3A_1961 = arith.andi %eq3A_1959, %lt3A_1960 : vector<8x2048xi1>
    %or3A_1962 = arith.ori %gt3A_1958, %and3A_1961 : vector<8x2048xi1>
    %and3A_1963 = arith.constant 64 : i32
    %and3A_1964 = vector.broadcast %and3A_1963 : i32 to vector<8x2048xi32>
    %and3A_1965 = arith.andi %iota3A, %and3A_1964 : vector<8x2048xi32>
    %eq3A_1966 = arith.constant 0 : i32
    %eq3A_1967 = vector.broadcast %eq3A_1966 : i32 to vector<8x2048xi32>
    %eq3A_1968 = arith.cmpi eq, %and3A_1965, %eq3A_1967 : vector<8x2048xi32>
    %and3A_1969 = arith.constant 512 : i32
    %and3A_1970 = vector.broadcast %and3A_1969 : i32 to vector<8x2048xi32>
    %and3A_1971 = arith.andi %iota3A, %and3A_1970 : vector<8x2048xi32>
    %eq3A_1972 = arith.constant 0 : i32
    %eq3A_1973 = vector.broadcast %eq3A_1972 : i32 to vector<8x2048xi32>
    %eq3A_1974 = arith.cmpi eq, %and3A_1971, %eq3A_1973 : vector<8x2048xi32>
    %eq3A_1975 = arith.xori %eq3A_1968, %eq3A_1974 : vector<8x2048xi1>
    %eq3A_1976 = arith.constant dense<true> : vector<8x2048xi1>
    %eq3A_1977 = arith.xori %eq3A_1975, %eq3A_1976 : vector<8x2048xi1>
    %eq3A_1978 = arith.xori %eq3A_1977, %or3A_1962 : vector<8x2048xi1>
    %eq3A_1979 = arith.constant dense<true> : vector<8x2048xi1>
    %eq3A_1980 = arith.xori %eq3A_1978, %eq3A_1979 : vector<8x2048xi1>
    %select_n3A_1981 = arith.select %eq3A_1980, %select_n3A_1930, %select_n3A_1944 : vector<8x2048xi1>, vector<8x2048xf32>
    %select_n3A_1982 = arith.select %eq3A_1980, %select_n3A_1931, %select_n3A_1957 : vector<8x2048xi1>, vector<8x2048xi32>
    %and3A_1983 = arith.constant 32 : i32
    %and3A_1984 = vector.broadcast %and3A_1983 : i32 to vector<8x2048xi32>
    %and3A_1985 = arith.andi %iota3A, %and3A_1984 : vector<8x2048xi32>
    %eq3A_1986 = arith.constant 0 : i32
    %eq3A_1987 = vector.broadcast %eq3A_1986 : i32 to vector<8x2048xi32>
    %eq3A_1988 = arith.cmpi eq, %and3A_1985, %eq3A_1987 : vector<8x2048xi32>
    %slice3A_1989 = vector.extract_strided_slice %select_n3A_1981 {offsets = [0, 32], sizes = [8, 2016], strides = [1, 1]} : vector<8x2048xf32> to vector<8x2016xf32>
    %slice3A_1990 = vector.extract_strided_slice %select_n3A_1981 {offsets = [0, 0], sizes = [8, 32], strides = [1, 1]} : vector<8x2048xf32> to vector<8x32xf32>
    %concatenate3A_1991 = tpu.concatenate %slice3A_1989, %slice3A_1990 in 1 : vector<8x2016xf32>, vector<8x32xf32> -> vector<8x2048xf32>
    %slice3A_1992 = vector.extract_strided_slice %select_n3A_1981 {offsets = [0, 2016], sizes = [8, 32], strides = [1, 1]} : vector<8x2048xf32> to vector<8x32xf32>
    %slice3A_1993 = vector.extract_strided_slice %select_n3A_1981 {offsets = [0, 0], sizes = [8, 2016], strides = [1, 1]} : vector<8x2048xf32> to vector<8x2016xf32>
    %concatenate3A_1994 = tpu.concatenate %slice3A_1992, %slice3A_1993 in 1 : vector<8x32xf32>, vector<8x2016xf32> -> vector<8x2048xf32>
    %select_n3A_1995 = arith.select %eq3A_1988, %concatenate3A_1991, %concatenate3A_1994 : vector<8x2048xi1>, vector<8x2048xf32>
    %and3A_1996 = arith.constant 32 : i32
    %and3A_1997 = vector.broadcast %and3A_1996 : i32 to vector<8x2048xi32>
    %and3A_1998 = arith.andi %iota3A, %and3A_1997 : vector<8x2048xi32>
    %eq3A_1999 = arith.constant 0 : i32
    %eq3A_2000 = vector.broadcast %eq3A_1999 : i32 to vector<8x2048xi32>
    %eq3A_2001 = arith.cmpi eq, %and3A_1998, %eq3A_2000 : vector<8x2048xi32>
    %slice3A_2002 = vector.extract_strided_slice %select_n3A_1982 {offsets = [0, 32], sizes = [8, 2016], strides = [1, 1]} : vector<8x2048xi32> to vector<8x2016xi32>
    %slice3A_2003 = vector.extract_strided_slice %select_n3A_1982 {offsets = [0, 0], sizes = [8, 32], strides = [1, 1]} : vector<8x2048xi32> to vector<8x32xi32>
    %concatenate3A_2004 = tpu.concatenate %slice3A_2002, %slice3A_2003 in 1 : vector<8x2016xi32>, vector<8x32xi32> -> vector<8x2048xi32>
    %slice3A_2005 = vector.extract_strided_slice %select_n3A_1982 {offsets = [0, 2016], sizes = [8, 32], strides = [1, 1]} : vector<8x2048xi32> to vector<8x32xi32>
    %slice3A_2006 = vector.extract_strided_slice %select_n3A_1982 {offsets = [0, 0], sizes = [8, 2016], strides = [1, 1]} : vector<8x2048xi32> to vector<8x2016xi32>
    %concatenate3A_2007 = tpu.concatenate %slice3A_2005, %slice3A_2006 in 1 : vector<8x32xi32>, vector<8x2016xi32> -> vector<8x2048xi32>
    %select_n3A_2008 = arith.select %eq3A_2001, %concatenate3A_2004, %concatenate3A_2007 : vector<8x2048xi1>, vector<8x2048xi32>
    %gt3A_2009 = arith.cmpf ogt, %select_n3A_1981, %select_n3A_1995 : vector<8x2048xf32>
    %eq3A_2010 = arith.cmpf oeq, %select_n3A_1981, %select_n3A_1995 : vector<8x2048xf32>
    %lt3A_2011 = arith.cmpi slt, %select_n3A_1982, %select_n3A_2008 : vector<8x2048xi32>
    %and3A_2012 = arith.andi %eq3A_2010, %lt3A_2011 : vector<8x2048xi1>
    %or3A_2013 = arith.ori %gt3A_2009, %and3A_2012 : vector<8x2048xi1>
    %and3A_2014 = arith.constant 32 : i32
    %and3A_2015 = vector.broadcast %and3A_2014 : i32 to vector<8x2048xi32>
    %and3A_2016 = arith.andi %iota3A, %and3A_2015 : vector<8x2048xi32>
    %eq3A_2017 = arith.constant 0 : i32
    %eq3A_2018 = vector.broadcast %eq3A_2017 : i32 to vector<8x2048xi32>
    %eq3A_2019 = arith.cmpi eq, %and3A_2016, %eq3A_2018 : vector<8x2048xi32>
    %and3A_2020 = arith.constant 512 : i32
    %and3A_2021 = vector.broadcast %and3A_2020 : i32 to vector<8x2048xi32>
    %and3A_2022 = arith.andi %iota3A, %and3A_2021 : vector<8x2048xi32>
    %eq3A_2023 = arith.constant 0 : i32
    %eq3A_2024 = vector.broadcast %eq3A_2023 : i32 to vector<8x2048xi32>
    %eq3A_2025 = arith.cmpi eq, %and3A_2022, %eq3A_2024 : vector<8x2048xi32>
    %eq3A_2026 = arith.xori %eq3A_2019, %eq3A_2025 : vector<8x2048xi1>
    %eq3A_2027 = arith.constant dense<true> : vector<8x2048xi1>
    %eq3A_2028 = arith.xori %eq3A_2026, %eq3A_2027 : vector<8x2048xi1>
    %eq3A_2029 = arith.xori %eq3A_2028, %or3A_2013 : vector<8x2048xi1>
    %eq3A_2030 = arith.constant dense<true> : vector<8x2048xi1>
    %eq3A_2031 = arith.xori %eq3A_2029, %eq3A_2030 : vector<8x2048xi1>
    %select_n3A_2032 = arith.select %eq3A_2031, %select_n3A_1981, %select_n3A_1995 : vector<8x2048xi1>, vector<8x2048xf32>
    %select_n3A_2033 = arith.select %eq3A_2031, %select_n3A_1982, %select_n3A_2008 : vector<8x2048xi1>, vector<8x2048xi32>
    %and3A_2034 = arith.constant 16 : i32
    %and3A_2035 = vector.broadcast %and3A_2034 : i32 to vector<8x2048xi32>
    %and3A_2036 = arith.andi %iota3A, %and3A_2035 : vector<8x2048xi32>
    %eq3A_2037 = arith.constant 0 : i32
    %eq3A_2038 = vector.broadcast %eq3A_2037 : i32 to vector<8x2048xi32>
    %eq3A_2039 = arith.cmpi eq, %and3A_2036, %eq3A_2038 : vector<8x2048xi32>
    %slice3A_2040 = vector.extract_strided_slice %select_n3A_2032 {offsets = [0, 16], sizes = [8, 2032], strides = [1, 1]} : vector<8x2048xf32> to vector<8x2032xf32>
    %slice3A_2041 = vector.extract_strided_slice %select_n3A_2032 {offsets = [0, 0], sizes = [8, 16], strides = [1, 1]} : vector<8x2048xf32> to vector<8x16xf32>
    %concatenate3A_2042 = tpu.concatenate %slice3A_2040, %slice3A_2041 in 1 : vector<8x2032xf32>, vector<8x16xf32> -> vector<8x2048xf32>
    %slice3A_2043 = vector.extract_strided_slice %select_n3A_2032 {offsets = [0, 2032], sizes = [8, 16], strides = [1, 1]} : vector<8x2048xf32> to vector<8x16xf32>
    %slice3A_2044 = vector.extract_strided_slice %select_n3A_2032 {offsets = [0, 0], sizes = [8, 2032], strides = [1, 1]} : vector<8x2048xf32> to vector<8x2032xf32>
    %concatenate3A_2045 = tpu.concatenate %slice3A_2043, %slice3A_2044 in 1 : vector<8x16xf32>, vector<8x2032xf32> -> vector<8x2048xf32>
    %select_n3A_2046 = arith.select %eq3A_2039, %concatenate3A_2042, %concatenate3A_2045 : vector<8x2048xi1>, vector<8x2048xf32>
    %and3A_2047 = arith.constant 16 : i32
    %and3A_2048 = vector.broadcast %and3A_2047 : i32 to vector<8x2048xi32>
    %and3A_2049 = arith.andi %iota3A, %and3A_2048 : vector<8x2048xi32>
    %eq3A_2050 = arith.constant 0 : i32
    %eq3A_2051 = vector.broadcast %eq3A_2050 : i32 to vector<8x2048xi32>
    %eq3A_2052 = arith.cmpi eq, %and3A_2049, %eq3A_2051 : vector<8x2048xi32>
    %slice3A_2053 = vector.extract_strided_slice %select_n3A_2033 {offsets = [0, 16], sizes = [8, 2032], strides = [1, 1]} : vector<8x2048xi32> to vector<8x2032xi32>
    %slice3A_2054 = vector.extract_strided_slice %select_n3A_2033 {offsets = [0, 0], sizes = [8, 16], strides = [1, 1]} : vector<8x2048xi32> to vector<8x16xi32>
    %concatenate3A_2055 = tpu.concatenate %slice3A_2053, %slice3A_2054 in 1 : vector<8x2032xi32>, vector<8x16xi32> -> vector<8x2048xi32>
    %slice3A_2056 = vector.extract_strided_slice %select_n3A_2033 {offsets = [0, 2032], sizes = [8, 16], strides = [1, 1]} : vector<8x2048xi32> to vector<8x16xi32>
    %slice3A_2057 = vector.extract_strided_slice %select_n3A_2033 {offsets = [0, 0], sizes = [8, 2032], strides = [1, 1]} : vector<8x2048xi32> to vector<8x2032xi32>
    %concatenate3A_2058 = tpu.concatenate %slice3A_2056, %slice3A_2057 in 1 : vector<8x16xi32>, vector<8x2032xi32> -> vector<8x2048xi32>
    %select_n3A_2059 = arith.select %eq3A_2052, %concatenate3A_2055, %concatenate3A_2058 : vector<8x2048xi1>, vector<8x2048xi32>
    %gt3A_2060 = arith.cmpf ogt, %select_n3A_2032, %select_n3A_2046 : vector<8x2048xf32>
    %eq3A_2061 = arith.cmpf oeq, %select_n3A_2032, %select_n3A_2046 : vector<8x2048xf32>
    %lt3A_2062 = arith.cmpi slt, %select_n3A_2033, %select_n3A_2059 : vector<8x2048xi32>
    %and3A_2063 = arith.andi %eq3A_2061, %lt3A_2062 : vector<8x2048xi1>
    %or3A_2064 = arith.ori %gt3A_2060, %and3A_2063 : vector<8x2048xi1>
    %and3A_2065 = arith.constant 16 : i32
    %and3A_2066 = vector.broadcast %and3A_2065 : i32 to vector<8x2048xi32>
    %and3A_2067 = arith.andi %iota3A, %and3A_2066 : vector<8x2048xi32>
    %eq3A_2068 = arith.constant 0 : i32
    %eq3A_2069 = vector.broadcast %eq3A_2068 : i32 to vector<8x2048xi32>
    %eq3A_2070 = arith.cmpi eq, %and3A_2067, %eq3A_2069 : vector<8x2048xi32>
    %and3A_2071 = arith.constant 512 : i32
    %and3A_2072 = vector.broadcast %and3A_2071 : i32 to vector<8x2048xi32>
    %and3A_2073 = arith.andi %iota3A, %and3A_2072 : vector<8x2048xi32>
    %eq3A_2074 = arith.constant 0 : i32
    %eq3A_2075 = vector.broadcast %eq3A_2074 : i32 to vector<8x2048xi32>
    %eq3A_2076 = arith.cmpi eq, %and3A_2073, %eq3A_2075 : vector<8x2048xi32>
    %eq3A_2077 = arith.xori %eq3A_2070, %eq3A_2076 : vector<8x2048xi1>
    %eq3A_2078 = arith.constant dense<true> : vector<8x2048xi1>
    %eq3A_2079 = arith.xori %eq3A_2077, %eq3A_2078 : vector<8x2048xi1>
    %eq3A_2080 = arith.xori %eq3A_2079, %or3A_2064 : vector<8x2048xi1>
    %eq3A_2081 = arith.constant dense<true> : vector<8x2048xi1>
    %eq3A_2082 = arith.xori %eq3A_2080, %eq3A_2081 : vector<8x2048xi1>
    %select_n3A_2083 = arith.select %eq3A_2082, %select_n3A_2032, %select_n3A_2046 : vector<8x2048xi1>, vector<8x2048xf32>
    %select_n3A_2084 = arith.select %eq3A_2082, %select_n3A_2033, %select_n3A_2059 : vector<8x2048xi1>, vector<8x2048xi32>
    %and3A_2085 = arith.constant 8 : i32
    %and3A_2086 = vector.broadcast %and3A_2085 : i32 to vector<8x2048xi32>
    %and3A_2087 = arith.andi %iota3A, %and3A_2086 : vector<8x2048xi32>
    %eq3A_2088 = arith.constant 0 : i32
    %eq3A_2089 = vector.broadcast %eq3A_2088 : i32 to vector<8x2048xi32>
    %eq3A_2090 = arith.cmpi eq, %and3A_2087, %eq3A_2089 : vector<8x2048xi32>
    %slice3A_2091 = vector.extract_strided_slice %select_n3A_2083 {offsets = [0, 8], sizes = [8, 2040], strides = [1, 1]} : vector<8x2048xf32> to vector<8x2040xf32>
    %slice3A_2092 = vector.extract_strided_slice %select_n3A_2083 {offsets = [0, 0], sizes = [8, 8], strides = [1, 1]} : vector<8x2048xf32> to vector<8x8xf32>
    %concatenate3A_2093 = tpu.concatenate %slice3A_2091, %slice3A_2092 in 1 : vector<8x2040xf32>, vector<8x8xf32> -> vector<8x2048xf32>
    %slice3A_2094 = vector.extract_strided_slice %select_n3A_2083 {offsets = [0, 2040], sizes = [8, 8], strides = [1, 1]} : vector<8x2048xf32> to vector<8x8xf32>
    %slice3A_2095 = vector.extract_strided_slice %select_n3A_2083 {offsets = [0, 0], sizes = [8, 2040], strides = [1, 1]} : vector<8x2048xf32> to vector<8x2040xf32>
    %concatenate3A_2096 = tpu.concatenate %slice3A_2094, %slice3A_2095 in 1 : vector<8x8xf32>, vector<8x2040xf32> -> vector<8x2048xf32>
    %select_n3A_2097 = arith.select %eq3A_2090, %concatenate3A_2093, %concatenate3A_2096 : vector<8x2048xi1>, vector<8x2048xf32>
    %and3A_2098 = arith.constant 8 : i32
    %and3A_2099 = vector.broadcast %and3A_2098 : i32 to vector<8x2048xi32>
    %and3A_2100 = arith.andi %iota3A, %and3A_2099 : vector<8x2048xi32>
    %eq3A_2101 = arith.constant 0 : i32
    %eq3A_2102 = vector.broadcast %eq3A_2101 : i32 to vector<8x2048xi32>
    %eq3A_2103 = arith.cmpi eq, %and3A_2100, %eq3A_2102 : vector<8x2048xi32>
    %slice3A_2104 = vector.extract_strided_slice %select_n3A_2084 {offsets = [0, 8], sizes = [8, 2040], strides = [1, 1]} : vector<8x2048xi32> to vector<8x2040xi32>
    %slice3A_2105 = vector.extract_strided_slice %select_n3A_2084 {offsets = [0, 0], sizes = [8, 8], strides = [1, 1]} : vector<8x2048xi32> to vector<8x8xi32>
    %concatenate3A_2106 = tpu.concatenate %slice3A_2104, %slice3A_2105 in 1 : vector<8x2040xi32>, vector<8x8xi32> -> vector<8x2048xi32>
    %slice3A_2107 = vector.extract_strided_slice %select_n3A_2084 {offsets = [0, 2040], sizes = [8, 8], strides = [1, 1]} : vector<8x2048xi32> to vector<8x8xi32>
    %slice3A_2108 = vector.extract_strided_slice %select_n3A_2084 {offsets = [0, 0], sizes = [8, 2040], strides = [1, 1]} : vector<8x2048xi32> to vector<8x2040xi32>
    %concatenate3A_2109 = tpu.concatenate %slice3A_2107, %slice3A_2108 in 1 : vector<8x8xi32>, vector<8x2040xi32> -> vector<8x2048xi32>
    %select_n3A_2110 = arith.select %eq3A_2103, %concatenate3A_2106, %concatenate3A_2109 : vector<8x2048xi1>, vector<8x2048xi32>
    %gt3A_2111 = arith.cmpf ogt, %select_n3A_2083, %select_n3A_2097 : vector<8x2048xf32>
    %eq3A_2112 = arith.cmpf oeq, %select_n3A_2083, %select_n3A_2097 : vector<8x2048xf32>
    %lt3A_2113 = arith.cmpi slt, %select_n3A_2084, %select_n3A_2110 : vector<8x2048xi32>
    %and3A_2114 = arith.andi %eq3A_2112, %lt3A_2113 : vector<8x2048xi1>
    %or3A_2115 = arith.ori %gt3A_2111, %and3A_2114 : vector<8x2048xi1>
    %and3A_2116 = arith.constant 8 : i32
    %and3A_2117 = vector.broadcast %and3A_2116 : i32 to vector<8x2048xi32>
    %and3A_2118 = arith.andi %iota3A, %and3A_2117 : vector<8x2048xi32>
    %eq3A_2119 = arith.constant 0 : i32
    %eq3A_2120 = vector.broadcast %eq3A_2119 : i32 to vector<8x2048xi32>
    %eq3A_2121 = arith.cmpi eq, %and3A_2118, %eq3A_2120 : vector<8x2048xi32>
    %and3A_2122 = arith.constant 512 : i32
    %and3A_2123 = vector.broadcast %and3A_2122 : i32 to vector<8x2048xi32>
    %and3A_2124 = arith.andi %iota3A, %and3A_2123 : vector<8x2048xi32>
    %eq3A_2125 = arith.constant 0 : i32
    %eq3A_2126 = vector.broadcast %eq3A_2125 : i32 to vector<8x2048xi32>
    %eq3A_2127 = arith.cmpi eq, %and3A_2124, %eq3A_2126 : vector<8x2048xi32>
    %eq3A_2128 = arith.xori %eq3A_2121, %eq3A_2127 : vector<8x2048xi1>
    %eq3A_2129 = arith.constant dense<true> : vector<8x2048xi1>
    %eq3A_2130 = arith.xori %eq3A_2128, %eq3A_2129 : vector<8x2048xi1>
    %eq3A_2131 = arith.xori %eq3A_2130, %or3A_2115 : vector<8x2048xi1>
    %eq3A_2132 = arith.constant dense<true> : vector<8x2048xi1>
    %eq3A_2133 = arith.xori %eq3A_2131, %eq3A_2132 : vector<8x2048xi1>
    %select_n3A_2134 = arith.select %eq3A_2133, %select_n3A_2083, %select_n3A_2097 : vector<8x2048xi1>, vector<8x2048xf32>
    %select_n3A_2135 = arith.select %eq3A_2133, %select_n3A_2084, %select_n3A_2110 : vector<8x2048xi1>, vector<8x2048xi32>
    %and3A_2136 = arith.constant 4 : i32
    %and3A_2137 = vector.broadcast %and3A_2136 : i32 to vector<8x2048xi32>
    %and3A_2138 = arith.andi %iota3A, %and3A_2137 : vector<8x2048xi32>
    %eq3A_2139 = arith.constant 0 : i32
    %eq3A_2140 = vector.broadcast %eq3A_2139 : i32 to vector<8x2048xi32>
    %eq3A_2141 = arith.cmpi eq, %and3A_2138, %eq3A_2140 : vector<8x2048xi32>
    %slice3A_2142 = vector.extract_strided_slice %select_n3A_2134 {offsets = [0, 4], sizes = [8, 2044], strides = [1, 1]} : vector<8x2048xf32> to vector<8x2044xf32>
    %slice3A_2143 = vector.extract_strided_slice %select_n3A_2134 {offsets = [0, 0], sizes = [8, 4], strides = [1, 1]} : vector<8x2048xf32> to vector<8x4xf32>
    %concatenate3A_2144 = tpu.concatenate %slice3A_2142, %slice3A_2143 in 1 : vector<8x2044xf32>, vector<8x4xf32> -> vector<8x2048xf32>
    %slice3A_2145 = vector.extract_strided_slice %select_n3A_2134 {offsets = [0, 2044], sizes = [8, 4], strides = [1, 1]} : vector<8x2048xf32> to vector<8x4xf32>
    %slice3A_2146 = vector.extract_strided_slice %select_n3A_2134 {offsets = [0, 0], sizes = [8, 2044], strides = [1, 1]} : vector<8x2048xf32> to vector<8x2044xf32>
    %concatenate3A_2147 = tpu.concatenate %slice3A_2145, %slice3A_2146 in 1 : vector<8x4xf32>, vector<8x2044xf32> -> vector<8x2048xf32>
    %select_n3A_2148 = arith.select %eq3A_2141, %concatenate3A_2144, %concatenate3A_2147 : vector<8x2048xi1>, vector<8x2048xf32>
    %and3A_2149 = arith.constant 4 : i32
    %and3A_2150 = vector.broadcast %and3A_2149 : i32 to vector<8x2048xi32>
    %and3A_2151 = arith.andi %iota3A, %and3A_2150 : vector<8x2048xi32>
    %eq3A_2152 = arith.constant 0 : i32
    %eq3A_2153 = vector.broadcast %eq3A_2152 : i32 to vector<8x2048xi32>
    %eq3A_2154 = arith.cmpi eq, %and3A_2151, %eq3A_2153 : vector<8x2048xi32>
    %slice3A_2155 = vector.extract_strided_slice %select_n3A_2135 {offsets = [0, 4], sizes = [8, 2044], strides = [1, 1]} : vector<8x2048xi32> to vector<8x2044xi32>
    %slice3A_2156 = vector.extract_strided_slice %select_n3A_2135 {offsets = [0, 0], sizes = [8, 4], strides = [1, 1]} : vector<8x2048xi32> to vector<8x4xi32>
    %concatenate3A_2157 = tpu.concatenate %slice3A_2155, %slice3A_2156 in 1 : vector<8x2044xi32>, vector<8x4xi32> -> vector<8x2048xi32>
    %slice3A_2158 = vector.extract_strided_slice %select_n3A_2135 {offsets = [0, 2044], sizes = [8, 4], strides = [1, 1]} : vector<8x2048xi32> to vector<8x4xi32>
    %slice3A_2159 = vector.extract_strided_slice %select_n3A_2135 {offsets = [0, 0], sizes = [8, 2044], strides = [1, 1]} : vector<8x2048xi32> to vector<8x2044xi32>
    %concatenate3A_2160 = tpu.concatenate %slice3A_2158, %slice3A_2159 in 1 : vector<8x4xi32>, vector<8x2044xi32> -> vector<8x2048xi32>
    %select_n3A_2161 = arith.select %eq3A_2154, %concatenate3A_2157, %concatenate3A_2160 : vector<8x2048xi1>, vector<8x2048xi32>
    %gt3A_2162 = arith.cmpf ogt, %select_n3A_2134, %select_n3A_2148 : vector<8x2048xf32>
    %eq3A_2163 = arith.cmpf oeq, %select_n3A_2134, %select_n3A_2148 : vector<8x2048xf32>
    %lt3A_2164 = arith.cmpi slt, %select_n3A_2135, %select_n3A_2161 : vector<8x2048xi32>
    %and3A_2165 = arith.andi %eq3A_2163, %lt3A_2164 : vector<8x2048xi1>
    %or3A_2166 = arith.ori %gt3A_2162, %and3A_2165 : vector<8x2048xi1>
    %and3A_2167 = arith.constant 4 : i32
    %and3A_2168 = vector.broadcast %and3A_2167 : i32 to vector<8x2048xi32>
    %and3A_2169 = arith.andi %iota3A, %and3A_2168 : vector<8x2048xi32>
    %eq3A_2170 = arith.constant 0 : i32
    %eq3A_2171 = vector.broadcast %eq3A_2170 : i32 to vector<8x2048xi32>
    %eq3A_2172 = arith.cmpi eq, %and3A_2169, %eq3A_2171 : vector<8x2048xi32>
    %and3A_2173 = arith.constant 512 : i32
    %and3A_2174 = vector.broadcast %and3A_2173 : i32 to vector<8x2048xi32>
    %and3A_2175 = arith.andi %iota3A, %and3A_2174 : vector<8x2048xi32>
    %eq3A_2176 = arith.constant 0 : i32
    %eq3A_2177 = vector.broadcast %eq3A_2176 : i32 to vector<8x2048xi32>
    %eq3A_2178 = arith.cmpi eq, %and3A_2175, %eq3A_2177 : vector<8x2048xi32>
    %eq3A_2179 = arith.xori %eq3A_2172, %eq3A_2178 : vector<8x2048xi1>
    %eq3A_2180 = arith.constant dense<true> : vector<8x2048xi1>
    %eq3A_2181 = arith.xori %eq3A_2179, %eq3A_2180 : vector<8x2048xi1>
    %eq3A_2182 = arith.xori %eq3A_2181, %or3A_2166 : vector<8x2048xi1>
    %eq3A_2183 = arith.constant dense<true> : vector<8x2048xi1>
    %eq3A_2184 = arith.xori %eq3A_2182, %eq3A_2183 : vector<8x2048xi1>
    %select_n3A_2185 = arith.select %eq3A_2184, %select_n3A_2134, %select_n3A_2148 : vector<8x2048xi1>, vector<8x2048xf32>
    %select_n3A_2186 = arith.select %eq3A_2184, %select_n3A_2135, %select_n3A_2161 : vector<8x2048xi1>, vector<8x2048xi32>
    %and3A_2187 = arith.constant 2 : i32
    %and3A_2188 = vector.broadcast %and3A_2187 : i32 to vector<8x2048xi32>
    %and3A_2189 = arith.andi %iota3A, %and3A_2188 : vector<8x2048xi32>
    %eq3A_2190 = arith.constant 0 : i32
    %eq3A_2191 = vector.broadcast %eq3A_2190 : i32 to vector<8x2048xi32>
    %eq3A_2192 = arith.cmpi eq, %and3A_2189, %eq3A_2191 : vector<8x2048xi32>
    %slice3A_2193 = vector.extract_strided_slice %select_n3A_2185 {offsets = [0, 2], sizes = [8, 2046], strides = [1, 1]} : vector<8x2048xf32> to vector<8x2046xf32>
    %slice3A_2194 = vector.extract_strided_slice %select_n3A_2185 {offsets = [0, 0], sizes = [8, 2], strides = [1, 1]} : vector<8x2048xf32> to vector<8x2xf32>
    %concatenate3A_2195 = tpu.concatenate %slice3A_2193, %slice3A_2194 in 1 : vector<8x2046xf32>, vector<8x2xf32> -> vector<8x2048xf32>
    %slice3A_2196 = vector.extract_strided_slice %select_n3A_2185 {offsets = [0, 2046], sizes = [8, 2], strides = [1, 1]} : vector<8x2048xf32> to vector<8x2xf32>
    %slice3A_2197 = vector.extract_strided_slice %select_n3A_2185 {offsets = [0, 0], sizes = [8, 2046], strides = [1, 1]} : vector<8x2048xf32> to vector<8x2046xf32>
    %concatenate3A_2198 = tpu.concatenate %slice3A_2196, %slice3A_2197 in 1 : vector<8x2xf32>, vector<8x2046xf32> -> vector<8x2048xf32>
    %select_n3A_2199 = arith.select %eq3A_2192, %concatenate3A_2195, %concatenate3A_2198 : vector<8x2048xi1>, vector<8x2048xf32>
    %and3A_2200 = arith.constant 2 : i32
    %and3A_2201 = vector.broadcast %and3A_2200 : i32 to vector<8x2048xi32>
    %and3A_2202 = arith.andi %iota3A, %and3A_2201 : vector<8x2048xi32>
    %eq3A_2203 = arith.constant 0 : i32
    %eq3A_2204 = vector.broadcast %eq3A_2203 : i32 to vector<8x2048xi32>
    %eq3A_2205 = arith.cmpi eq, %and3A_2202, %eq3A_2204 : vector<8x2048xi32>
    %slice3A_2206 = vector.extract_strided_slice %select_n3A_2186 {offsets = [0, 2], sizes = [8, 2046], strides = [1, 1]} : vector<8x2048xi32> to vector<8x2046xi32>
    %slice3A_2207 = vector.extract_strided_slice %select_n3A_2186 {offsets = [0, 0], sizes = [8, 2], strides = [1, 1]} : vector<8x2048xi32> to vector<8x2xi32>
    %concatenate3A_2208 = tpu.concatenate %slice3A_2206, %slice3A_2207 in 1 : vector<8x2046xi32>, vector<8x2xi32> -> vector<8x2048xi32>
    %slice3A_2209 = vector.extract_strided_slice %select_n3A_2186 {offsets = [0, 2046], sizes = [8, 2], strides = [1, 1]} : vector<8x2048xi32> to vector<8x2xi32>
    %slice3A_2210 = vector.extract_strided_slice %select_n3A_2186 {offsets = [0, 0], sizes = [8, 2046], strides = [1, 1]} : vector<8x2048xi32> to vector<8x2046xi32>
    %concatenate3A_2211 = tpu.concatenate %slice3A_2209, %slice3A_2210 in 1 : vector<8x2xi32>, vector<8x2046xi32> -> vector<8x2048xi32>
    %select_n3A_2212 = arith.select %eq3A_2205, %concatenate3A_2208, %concatenate3A_2211 : vector<8x2048xi1>, vector<8x2048xi32>
    %gt3A_2213 = arith.cmpf ogt, %select_n3A_2185, %select_n3A_2199 : vector<8x2048xf32>
    %eq3A_2214 = arith.cmpf oeq, %select_n3A_2185, %select_n3A_2199 : vector<8x2048xf32>
    %lt3A_2215 = arith.cmpi slt, %select_n3A_2186, %select_n3A_2212 : vector<8x2048xi32>
    %and3A_2216 = arith.andi %eq3A_2214, %lt3A_2215 : vector<8x2048xi1>
    %or3A_2217 = arith.ori %gt3A_2213, %and3A_2216 : vector<8x2048xi1>
    %and3A_2218 = arith.constant 2 : i32
    %and3A_2219 = vector.broadcast %and3A_2218 : i32 to vector<8x2048xi32>
    %and3A_2220 = arith.andi %iota3A, %and3A_2219 : vector<8x2048xi32>
    %eq3A_2221 = arith.constant 0 : i32
    %eq3A_2222 = vector.broadcast %eq3A_2221 : i32 to vector<8x2048xi32>
    %eq3A_2223 = arith.cmpi eq, %and3A_2220, %eq3A_2222 : vector<8x2048xi32>
    %and3A_2224 = arith.constant 512 : i32
    %and3A_2225 = vector.broadcast %and3A_2224 : i32 to vector<8x2048xi32>
    %and3A_2226 = arith.andi %iota3A, %and3A_2225 : vector<8x2048xi32>
    %eq3A_2227 = arith.constant 0 : i32
    %eq3A_2228 = vector.broadcast %eq3A_2227 : i32 to vector<8x2048xi32>
    %eq3A_2229 = arith.cmpi eq, %and3A_2226, %eq3A_2228 : vector<8x2048xi32>
    %eq3A_2230 = arith.xori %eq3A_2223, %eq3A_2229 : vector<8x2048xi1>
    %eq3A_2231 = arith.constant dense<true> : vector<8x2048xi1>
    %eq3A_2232 = arith.xori %eq3A_2230, %eq3A_2231 : vector<8x2048xi1>
    %eq3A_2233 = arith.xori %eq3A_2232, %or3A_2217 : vector<8x2048xi1>
    %eq3A_2234 = arith.constant dense<true> : vector<8x2048xi1>
    %eq3A_2235 = arith.xori %eq3A_2233, %eq3A_2234 : vector<8x2048xi1>
    %select_n3A_2236 = arith.select %eq3A_2235, %select_n3A_2185, %select_n3A_2199 : vector<8x2048xi1>, vector<8x2048xf32>
    %select_n3A_2237 = arith.select %eq3A_2235, %select_n3A_2186, %select_n3A_2212 : vector<8x2048xi1>, vector<8x2048xi32>
    %and3A_2238 = arith.constant 1 : i32
    %and3A_2239 = vector.broadcast %and3A_2238 : i32 to vector<8x2048xi32>
    %and3A_2240 = arith.andi %iota3A, %and3A_2239 : vector<8x2048xi32>
    %eq3A_2241 = arith.constant 0 : i32
    %eq3A_2242 = vector.broadcast %eq3A_2241 : i32 to vector<8x2048xi32>
    %eq3A_2243 = arith.cmpi eq, %and3A_2240, %eq3A_2242 : vector<8x2048xi32>
    %slice3A_2244 = vector.extract_strided_slice %select_n3A_2236 {offsets = [0, 1], sizes = [8, 2047], strides = [1, 1]} : vector<8x2048xf32> to vector<8x2047xf32>
    %slice3A_2245 = vector.extract_strided_slice %select_n3A_2236 {offsets = [0, 0], sizes = [8, 1], strides = [1, 1]} : vector<8x2048xf32> to vector<8x1xf32>
    %concatenate3A_2246 = tpu.concatenate %slice3A_2244, %slice3A_2245 in 1 : vector<8x2047xf32>, vector<8x1xf32> -> vector<8x2048xf32>
    %slice3A_2247 = vector.extract_strided_slice %select_n3A_2236 {offsets = [0, 2047], sizes = [8, 1], strides = [1, 1]} : vector<8x2048xf32> to vector<8x1xf32>
    %slice3A_2248 = vector.extract_strided_slice %select_n3A_2236 {offsets = [0, 0], sizes = [8, 2047], strides = [1, 1]} : vector<8x2048xf32> to vector<8x2047xf32>
    %concatenate3A_2249 = tpu.concatenate %slice3A_2247, %slice3A_2248 in 1 : vector<8x1xf32>, vector<8x2047xf32> -> vector<8x2048xf32>
    %select_n3A_2250 = arith.select %eq3A_2243, %concatenate3A_2246, %concatenate3A_2249 : vector<8x2048xi1>, vector<8x2048xf32>
    %and3A_2251 = arith.constant 1 : i32
    %and3A_2252 = vector.broadcast %and3A_2251 : i32 to vector<8x2048xi32>
    %and3A_2253 = arith.andi %iota3A, %and3A_2252 : vector<8x2048xi32>
    %eq3A_2254 = arith.constant 0 : i32
    %eq3A_2255 = vector.broadcast %eq3A_2254 : i32 to vector<8x2048xi32>
    %eq3A_2256 = arith.cmpi eq, %and3A_2253, %eq3A_2255 : vector<8x2048xi32>
    %slice3A_2257 = vector.extract_strided_slice %select_n3A_2237 {offsets = [0, 1], sizes = [8, 2047], strides = [1, 1]} : vector<8x2048xi32> to vector<8x2047xi32>
    %slice3A_2258 = vector.extract_strided_slice %select_n3A_2237 {offsets = [0, 0], sizes = [8, 1], strides = [1, 1]} : vector<8x2048xi32> to vector<8x1xi32>
    %concatenate3A_2259 = tpu.concatenate %slice3A_2257, %slice3A_2258 in 1 : vector<8x2047xi32>, vector<8x1xi32> -> vector<8x2048xi32>
    %slice3A_2260 = vector.extract_strided_slice %select_n3A_2237 {offsets = [0, 2047], sizes = [8, 1], strides = [1, 1]} : vector<8x2048xi32> to vector<8x1xi32>
    %slice3A_2261 = vector.extract_strided_slice %select_n3A_2237 {offsets = [0, 0], sizes = [8, 2047], strides = [1, 1]} : vector<8x2048xi32> to vector<8x2047xi32>
    %concatenate3A_2262 = tpu.concatenate %slice3A_2260, %slice3A_2261 in 1 : vector<8x1xi32>, vector<8x2047xi32> -> vector<8x2048xi32>
    %select_n3A_2263 = arith.select %eq3A_2256, %concatenate3A_2259, %concatenate3A_2262 : vector<8x2048xi1>, vector<8x2048xi32>
    %gt3A_2264 = arith.cmpf ogt, %select_n3A_2236, %select_n3A_2250 : vector<8x2048xf32>
    %eq3A_2265 = arith.cmpf oeq, %select_n3A_2236, %select_n3A_2250 : vector<8x2048xf32>
    %lt3A_2266 = arith.cmpi slt, %select_n3A_2237, %select_n3A_2263 : vector<8x2048xi32>
    %and3A_2267 = arith.andi %eq3A_2265, %lt3A_2266 : vector<8x2048xi1>
    %or3A_2268 = arith.ori %gt3A_2264, %and3A_2267 : vector<8x2048xi1>
    %and3A_2269 = arith.constant 1 : i32
    %and3A_2270 = vector.broadcast %and3A_2269 : i32 to vector<8x2048xi32>
    %and3A_2271 = arith.andi %iota3A, %and3A_2270 : vector<8x2048xi32>
    %eq3A_2272 = arith.constant 0 : i32
    %eq3A_2273 = vector.broadcast %eq3A_2272 : i32 to vector<8x2048xi32>
    %eq3A_2274 = arith.cmpi eq, %and3A_2271, %eq3A_2273 : vector<8x2048xi32>
    %and3A_2275 = arith.constant 512 : i32
    %and3A_2276 = vector.broadcast %and3A_2275 : i32 to vector<8x2048xi32>
    %and3A_2277 = arith.andi %iota3A, %and3A_2276 : vector<8x2048xi32>
    %eq3A_2278 = arith.constant 0 : i32
    %eq3A_2279 = vector.broadcast %eq3A_2278 : i32 to vector<8x2048xi32>
    %eq3A_2280 = arith.cmpi eq, %and3A_2277, %eq3A_2279 : vector<8x2048xi32>
    %eq3A_2281 = arith.xori %eq3A_2274, %eq3A_2280 : vector<8x2048xi1>
    %eq3A_2282 = arith.constant dense<true> : vector<8x2048xi1>
    %eq3A_2283 = arith.xori %eq3A_2281, %eq3A_2282 : vector<8x2048xi1>
    %eq3A_2284 = arith.xori %eq3A_2283, %or3A_2268 : vector<8x2048xi1>
    %eq3A_2285 = arith.constant dense<true> : vector<8x2048xi1>
    %eq3A_2286 = arith.xori %eq3A_2284, %eq3A_2285 : vector<8x2048xi1>
    %select_n3A_2287 = arith.select %eq3A_2286, %select_n3A_2236, %select_n3A_2250 : vector<8x2048xi1>, vector<8x2048xf32>
    %select_n3A_2288 = arith.select %eq3A_2286, %select_n3A_2237, %select_n3A_2263 : vector<8x2048xi1>, vector<8x2048xi32>
    %and3A_2289 = arith.constant 512 : i32
    %and3A_2290 = vector.broadcast %and3A_2289 : i32 to vector<8x2048xi32>
    %and3A_2291 = arith.andi %iota3A, %and3A_2290 : vector<8x2048xi32>
    %eq3A_2292 = arith.constant 0 : i32
    %eq3A_2293 = vector.broadcast %eq3A_2292 : i32 to vector<8x2048xi32>
    %eq3A_2294 = arith.cmpi eq, %and3A_2291, %eq3A_2293 : vector<8x2048xi32>
    %slice3A_2295 = vector.extract_strided_slice %select_n3A_2287 {offsets = [0, 512], sizes = [8, 1536], strides = [1, 1]} : vector<8x2048xf32> to vector<8x1536xf32>
    %slice3A_2296 = vector.extract_strided_slice %select_n3A_2287 {offsets = [0, 0], sizes = [8, 512], strides = [1, 1]} : vector<8x2048xf32> to vector<8x512xf32>
    %concatenate3A_2297 = tpu.concatenate %slice3A_2295, %slice3A_2296 in 1 : vector<8x1536xf32>, vector<8x512xf32> -> vector<8x2048xf32>
    %slice3A_2298 = vector.extract_strided_slice %select_n3A_2287 {offsets = [0, 1536], sizes = [8, 512], strides = [1, 1]} : vector<8x2048xf32> to vector<8x512xf32>
    %slice3A_2299 = vector.extract_strided_slice %select_n3A_2287 {offsets = [0, 0], sizes = [8, 1536], strides = [1, 1]} : vector<8x2048xf32> to vector<8x1536xf32>
    %concatenate3A_2300 = tpu.concatenate %slice3A_2298, %slice3A_2299 in 1 : vector<8x512xf32>, vector<8x1536xf32> -> vector<8x2048xf32>
    %select_n3A_2301 = arith.select %eq3A_2294, %concatenate3A_2297, %concatenate3A_2300 : vector<8x2048xi1>, vector<8x2048xf32>
    %and3A_2302 = arith.constant 512 : i32
    %and3A_2303 = vector.broadcast %and3A_2302 : i32 to vector<8x2048xi32>
    %and3A_2304 = arith.andi %iota3A, %and3A_2303 : vector<8x2048xi32>
    %eq3A_2305 = arith.constant 0 : i32
    %eq3A_2306 = vector.broadcast %eq3A_2305 : i32 to vector<8x2048xi32>
    %eq3A_2307 = arith.cmpi eq, %and3A_2304, %eq3A_2306 : vector<8x2048xi32>
    %slice3A_2308 = vector.extract_strided_slice %select_n3A_2288 {offsets = [0, 512], sizes = [8, 1536], strides = [1, 1]} : vector<8x2048xi32> to vector<8x1536xi32>
    %slice3A_2309 = vector.extract_strided_slice %select_n3A_2288 {offsets = [0, 0], sizes = [8, 512], strides = [1, 1]} : vector<8x2048xi32> to vector<8x512xi32>
    %concatenate3A_2310 = tpu.concatenate %slice3A_2308, %slice3A_2309 in 1 : vector<8x1536xi32>, vector<8x512xi32> -> vector<8x2048xi32>
    %slice3A_2311 = vector.extract_strided_slice %select_n3A_2288 {offsets = [0, 1536], sizes = [8, 512], strides = [1, 1]} : vector<8x2048xi32> to vector<8x512xi32>
    %slice3A_2312 = vector.extract_strided_slice %select_n3A_2288 {offsets = [0, 0], sizes = [8, 1536], strides = [1, 1]} : vector<8x2048xi32> to vector<8x1536xi32>
    %concatenate3A_2313 = tpu.concatenate %slice3A_2311, %slice3A_2312 in 1 : vector<8x512xi32>, vector<8x1536xi32> -> vector<8x2048xi32>
    %select_n3A_2314 = arith.select %eq3A_2307, %concatenate3A_2310, %concatenate3A_2313 : vector<8x2048xi1>, vector<8x2048xi32>
    %gt3A_2315 = arith.cmpf ogt, %select_n3A_2287, %select_n3A_2301 : vector<8x2048xf32>
    %eq3A_2316 = arith.cmpf oeq, %select_n3A_2287, %select_n3A_2301 : vector<8x2048xf32>
    %lt3A_2317 = arith.cmpi slt, %select_n3A_2288, %select_n3A_2314 : vector<8x2048xi32>
    %and3A_2318 = arith.andi %eq3A_2316, %lt3A_2317 : vector<8x2048xi1>
    %or3A_2319 = arith.ori %gt3A_2315, %and3A_2318 : vector<8x2048xi1>
    %and3A_2320 = arith.constant 512 : i32
    %and3A_2321 = vector.broadcast %and3A_2320 : i32 to vector<8x2048xi32>
    %and3A_2322 = arith.andi %iota3A, %and3A_2321 : vector<8x2048xi32>
    %eq3A_2323 = arith.constant 0 : i32
    %eq3A_2324 = vector.broadcast %eq3A_2323 : i32 to vector<8x2048xi32>
    %eq3A_2325 = arith.cmpi eq, %and3A_2322, %eq3A_2324 : vector<8x2048xi32>
    %and3A_2326 = arith.constant 1024 : i32
    %and3A_2327 = vector.broadcast %and3A_2326 : i32 to vector<8x2048xi32>
    %and3A_2328 = arith.andi %iota3A, %and3A_2327 : vector<8x2048xi32>
    %eq3A_2329 = arith.constant 0 : i32
    %eq3A_2330 = vector.broadcast %eq3A_2329 : i32 to vector<8x2048xi32>
    %eq3A_2331 = arith.cmpi eq, %and3A_2328, %eq3A_2330 : vector<8x2048xi32>
    %eq3A_2332 = arith.xori %eq3A_2325, %eq3A_2331 : vector<8x2048xi1>
    %eq3A_2333 = arith.constant dense<true> : vector<8x2048xi1>
    %eq3A_2334 = arith.xori %eq3A_2332, %eq3A_2333 : vector<8x2048xi1>
    %eq3A_2335 = arith.xori %eq3A_2334, %or3A_2319 : vector<8x2048xi1>
    %eq3A_2336 = arith.constant dense<true> : vector<8x2048xi1>
    %eq3A_2337 = arith.xori %eq3A_2335, %eq3A_2336 : vector<8x2048xi1>
    %select_n3A_2338 = arith.select %eq3A_2337, %select_n3A_2287, %select_n3A_2301 : vector<8x2048xi1>, vector<8x2048xf32>
    %select_n3A_2339 = arith.select %eq3A_2337, %select_n3A_2288, %select_n3A_2314 : vector<8x2048xi1>, vector<8x2048xi32>
    %and3A_2340 = arith.constant 256 : i32
    %and3A_2341 = vector.broadcast %and3A_2340 : i32 to vector<8x2048xi32>
    %and3A_2342 = arith.andi %iota3A, %and3A_2341 : vector<8x2048xi32>
    %eq3A_2343 = arith.constant 0 : i32
    %eq3A_2344 = vector.broadcast %eq3A_2343 : i32 to vector<8x2048xi32>
    %eq3A_2345 = arith.cmpi eq, %and3A_2342, %eq3A_2344 : vector<8x2048xi32>
    %slice3A_2346 = vector.extract_strided_slice %select_n3A_2338 {offsets = [0, 256], sizes = [8, 1792], strides = [1, 1]} : vector<8x2048xf32> to vector<8x1792xf32>
    %slice3A_2347 = vector.extract_strided_slice %select_n3A_2338 {offsets = [0, 0], sizes = [8, 256], strides = [1, 1]} : vector<8x2048xf32> to vector<8x256xf32>
    %concatenate3A_2348 = tpu.concatenate %slice3A_2346, %slice3A_2347 in 1 : vector<8x1792xf32>, vector<8x256xf32> -> vector<8x2048xf32>
    %slice3A_2349 = vector.extract_strided_slice %select_n3A_2338 {offsets = [0, 1792], sizes = [8, 256], strides = [1, 1]} : vector<8x2048xf32> to vector<8x256xf32>
    %slice3A_2350 = vector.extract_strided_slice %select_n3A_2338 {offsets = [0, 0], sizes = [8, 1792], strides = [1, 1]} : vector<8x2048xf32> to vector<8x1792xf32>
    %concatenate3A_2351 = tpu.concatenate %slice3A_2349, %slice3A_2350 in 1 : vector<8x256xf32>, vector<8x1792xf32> -> vector<8x2048xf32>
    %select_n3A_2352 = arith.select %eq3A_2345, %concatenate3A_2348, %concatenate3A_2351 : vector<8x2048xi1>, vector<8x2048xf32>
    %and3A_2353 = arith.constant 256 : i32
    %and3A_2354 = vector.broadcast %and3A_2353 : i32 to vector<8x2048xi32>
    %and3A_2355 = arith.andi %iota3A, %and3A_2354 : vector<8x2048xi32>
    %eq3A_2356 = arith.constant 0 : i32
    %eq3A_2357 = vector.broadcast %eq3A_2356 : i32 to vector<8x2048xi32>
    %eq3A_2358 = arith.cmpi eq, %and3A_2355, %eq3A_2357 : vector<8x2048xi32>
    %slice3A_2359 = vector.extract_strided_slice %select_n3A_2339 {offsets = [0, 256], sizes = [8, 1792], strides = [1, 1]} : vector<8x2048xi32> to vector<8x1792xi32>
    %slice3A_2360 = vector.extract_strided_slice %select_n3A_2339 {offsets = [0, 0], sizes = [8, 256], strides = [1, 1]} : vector<8x2048xi32> to vector<8x256xi32>
    %concatenate3A_2361 = tpu.concatenate %slice3A_2359, %slice3A_2360 in 1 : vector<8x1792xi32>, vector<8x256xi32> -> vector<8x2048xi32>
    %slice3A_2362 = vector.extract_strided_slice %select_n3A_2339 {offsets = [0, 1792], sizes = [8, 256], strides = [1, 1]} : vector<8x2048xi32> to vector<8x256xi32>
    %slice3A_2363 = vector.extract_strided_slice %select_n3A_2339 {offsets = [0, 0], sizes = [8, 1792], strides = [1, 1]} : vector<8x2048xi32> to vector<8x1792xi32>
    %concatenate3A_2364 = tpu.concatenate %slice3A_2362, %slice3A_2363 in 1 : vector<8x256xi32>, vector<8x1792xi32> -> vector<8x2048xi32>
    %select_n3A_2365 = arith.select %eq3A_2358, %concatenate3A_2361, %concatenate3A_2364 : vector<8x2048xi1>, vector<8x2048xi32>
    %gt3A_2366 = arith.cmpf ogt, %select_n3A_2338, %select_n3A_2352 : vector<8x2048xf32>
    %eq3A_2367 = arith.cmpf oeq, %select_n3A_2338, %select_n3A_2352 : vector<8x2048xf32>
    %lt3A_2368 = arith.cmpi slt, %select_n3A_2339, %select_n3A_2365 : vector<8x2048xi32>
    %and3A_2369 = arith.andi %eq3A_2367, %lt3A_2368 : vector<8x2048xi1>
    %or3A_2370 = arith.ori %gt3A_2366, %and3A_2369 : vector<8x2048xi1>
    %and3A_2371 = arith.constant 256 : i32
    %and3A_2372 = vector.broadcast %and3A_2371 : i32 to vector<8x2048xi32>
    %and3A_2373 = arith.andi %iota3A, %and3A_2372 : vector<8x2048xi32>
    %eq3A_2374 = arith.constant 0 : i32
    %eq3A_2375 = vector.broadcast %eq3A_2374 : i32 to vector<8x2048xi32>
    %eq3A_2376 = arith.cmpi eq, %and3A_2373, %eq3A_2375 : vector<8x2048xi32>
    %and3A_2377 = arith.constant 1024 : i32
    %and3A_2378 = vector.broadcast %and3A_2377 : i32 to vector<8x2048xi32>
    %and3A_2379 = arith.andi %iota3A, %and3A_2378 : vector<8x2048xi32>
    %eq3A_2380 = arith.constant 0 : i32
    %eq3A_2381 = vector.broadcast %eq3A_2380 : i32 to vector<8x2048xi32>
    %eq3A_2382 = arith.cmpi eq, %and3A_2379, %eq3A_2381 : vector<8x2048xi32>
    %eq3A_2383 = arith.xori %eq3A_2376, %eq3A_2382 : vector<8x2048xi1>
    %eq3A_2384 = arith.constant dense<true> : vector<8x2048xi1>
    %eq3A_2385 = arith.xori %eq3A_2383, %eq3A_2384 : vector<8x2048xi1>
    %eq3A_2386 = arith.xori %eq3A_2385, %or3A_2370 : vector<8x2048xi1>
    %eq3A_2387 = arith.constant dense<true> : vector<8x2048xi1>
    %eq3A_2388 = arith.xori %eq3A_2386, %eq3A_2387 : vector<8x2048xi1>
    %select_n3A_2389 = arith.select %eq3A_2388, %select_n3A_2338, %select_n3A_2352 : vector<8x2048xi1>, vector<8x2048xf32>
    %select_n3A_2390 = arith.select %eq3A_2388, %select_n3A_2339, %select_n3A_2365 : vector<8x2048xi1>, vector<8x2048xi32>
    %and3A_2391 = arith.constant 128 : i32
    %and3A_2392 = vector.broadcast %and3A_2391 : i32 to vector<8x2048xi32>
    %and3A_2393 = arith.andi %iota3A, %and3A_2392 : vector<8x2048xi32>
    %eq3A_2394 = arith.constant 0 : i32
    %eq3A_2395 = vector.broadcast %eq3A_2394 : i32 to vector<8x2048xi32>
    %eq3A_2396 = arith.cmpi eq, %and3A_2393, %eq3A_2395 : vector<8x2048xi32>
    %slice3A_2397 = vector.extract_strided_slice %select_n3A_2389 {offsets = [0, 128], sizes = [8, 1920], strides = [1, 1]} : vector<8x2048xf32> to vector<8x1920xf32>
    %slice3A_2398 = vector.extract_strided_slice %select_n3A_2389 {offsets = [0, 0], sizes = [8, 128], strides = [1, 1]} : vector<8x2048xf32> to vector<8x128xf32>
    %concatenate3A_2399 = tpu.concatenate %slice3A_2397, %slice3A_2398 in 1 : vector<8x1920xf32>, vector<8x128xf32> -> vector<8x2048xf32>
    %slice3A_2400 = vector.extract_strided_slice %select_n3A_2389 {offsets = [0, 1920], sizes = [8, 128], strides = [1, 1]} : vector<8x2048xf32> to vector<8x128xf32>
    %slice3A_2401 = vector.extract_strided_slice %select_n3A_2389 {offsets = [0, 0], sizes = [8, 1920], strides = [1, 1]} : vector<8x2048xf32> to vector<8x1920xf32>
    %concatenate3A_2402 = tpu.concatenate %slice3A_2400, %slice3A_2401 in 1 : vector<8x128xf32>, vector<8x1920xf32> -> vector<8x2048xf32>
    %select_n3A_2403 = arith.select %eq3A_2396, %concatenate3A_2399, %concatenate3A_2402 : vector<8x2048xi1>, vector<8x2048xf32>
    %and3A_2404 = arith.constant 128 : i32
    %and3A_2405 = vector.broadcast %and3A_2404 : i32 to vector<8x2048xi32>
    %and3A_2406 = arith.andi %iota3A, %and3A_2405 : vector<8x2048xi32>
    %eq3A_2407 = arith.constant 0 : i32
    %eq3A_2408 = vector.broadcast %eq3A_2407 : i32 to vector<8x2048xi32>
    %eq3A_2409 = arith.cmpi eq, %and3A_2406, %eq3A_2408 : vector<8x2048xi32>
    %slice3A_2410 = vector.extract_strided_slice %select_n3A_2390 {offsets = [0, 128], sizes = [8, 1920], strides = [1, 1]} : vector<8x2048xi32> to vector<8x1920xi32>
    %slice3A_2411 = vector.extract_strided_slice %select_n3A_2390 {offsets = [0, 0], sizes = [8, 128], strides = [1, 1]} : vector<8x2048xi32> to vector<8x128xi32>
    %concatenate3A_2412 = tpu.concatenate %slice3A_2410, %slice3A_2411 in 1 : vector<8x1920xi32>, vector<8x128xi32> -> vector<8x2048xi32>
    %slice3A_2413 = vector.extract_strided_slice %select_n3A_2390 {offsets = [0, 1920], sizes = [8, 128], strides = [1, 1]} : vector<8x2048xi32> to vector<8x128xi32>
    %slice3A_2414 = vector.extract_strided_slice %select_n3A_2390 {offsets = [0, 0], sizes = [8, 1920], strides = [1, 1]} : vector<8x2048xi32> to vector<8x1920xi32>
    %concatenate3A_2415 = tpu.concatenate %slice3A_2413, %slice3A_2414 in 1 : vector<8x128xi32>, vector<8x1920xi32> -> vector<8x2048xi32>
    %select_n3A_2416 = arith.select %eq3A_2409, %concatenate3A_2412, %concatenate3A_2415 : vector<8x2048xi1>, vector<8x2048xi32>
    %gt3A_2417 = arith.cmpf ogt, %select_n3A_2389, %select_n3A_2403 : vector<8x2048xf32>
    %eq3A_2418 = arith.cmpf oeq, %select_n3A_2389, %select_n3A_2403 : vector<8x2048xf32>
    %lt3A_2419 = arith.cmpi slt, %select_n3A_2390, %select_n3A_2416 : vector<8x2048xi32>
    %and3A_2420 = arith.andi %eq3A_2418, %lt3A_2419 : vector<8x2048xi1>
    %or3A_2421 = arith.ori %gt3A_2417, %and3A_2420 : vector<8x2048xi1>
    %and3A_2422 = arith.constant 128 : i32
    %and3A_2423 = vector.broadcast %and3A_2422 : i32 to vector<8x2048xi32>
    %and3A_2424 = arith.andi %iota3A, %and3A_2423 : vector<8x2048xi32>
    %eq3A_2425 = arith.constant 0 : i32
    %eq3A_2426 = vector.broadcast %eq3A_2425 : i32 to vector<8x2048xi32>
    %eq3A_2427 = arith.cmpi eq, %and3A_2424, %eq3A_2426 : vector<8x2048xi32>
    %and3A_2428 = arith.constant 1024 : i32
    %and3A_2429 = vector.broadcast %and3A_2428 : i32 to vector<8x2048xi32>
    %and3A_2430 = arith.andi %iota3A, %and3A_2429 : vector<8x2048xi32>
    %eq3A_2431 = arith.constant 0 : i32
    %eq3A_2432 = vector.broadcast %eq3A_2431 : i32 to vector<8x2048xi32>
    %eq3A_2433 = arith.cmpi eq, %and3A_2430, %eq3A_2432 : vector<8x2048xi32>
    %eq3A_2434 = arith.xori %eq3A_2427, %eq3A_2433 : vector<8x2048xi1>
    %eq3A_2435 = arith.constant dense<true> : vector<8x2048xi1>
    %eq3A_2436 = arith.xori %eq3A_2434, %eq3A_2435 : vector<8x2048xi1>
    %eq3A_2437 = arith.xori %eq3A_2436, %or3A_2421 : vector<8x2048xi1>
    %eq3A_2438 = arith.constant dense<true> : vector<8x2048xi1>
    %eq3A_2439 = arith.xori %eq3A_2437, %eq3A_2438 : vector<8x2048xi1>
    %select_n3A_2440 = arith.select %eq3A_2439, %select_n3A_2389, %select_n3A_2403 : vector<8x2048xi1>, vector<8x2048xf32>
    %select_n3A_2441 = arith.select %eq3A_2439, %select_n3A_2390, %select_n3A_2416 : vector<8x2048xi1>, vector<8x2048xi32>
    %and3A_2442 = arith.constant 64 : i32
    %and3A_2443 = vector.broadcast %and3A_2442 : i32 to vector<8x2048xi32>
    %and3A_2444 = arith.andi %iota3A, %and3A_2443 : vector<8x2048xi32>
    %eq3A_2445 = arith.constant 0 : i32
    %eq3A_2446 = vector.broadcast %eq3A_2445 : i32 to vector<8x2048xi32>
    %eq3A_2447 = arith.cmpi eq, %and3A_2444, %eq3A_2446 : vector<8x2048xi32>
    %slice3A_2448 = vector.extract_strided_slice %select_n3A_2440 {offsets = [0, 64], sizes = [8, 1984], strides = [1, 1]} : vector<8x2048xf32> to vector<8x1984xf32>
    %slice3A_2449 = vector.extract_strided_slice %select_n3A_2440 {offsets = [0, 0], sizes = [8, 64], strides = [1, 1]} : vector<8x2048xf32> to vector<8x64xf32>
    %concatenate3A_2450 = tpu.concatenate %slice3A_2448, %slice3A_2449 in 1 : vector<8x1984xf32>, vector<8x64xf32> -> vector<8x2048xf32>
    %slice3A_2451 = vector.extract_strided_slice %select_n3A_2440 {offsets = [0, 1984], sizes = [8, 64], strides = [1, 1]} : vector<8x2048xf32> to vector<8x64xf32>
    %slice3A_2452 = vector.extract_strided_slice %select_n3A_2440 {offsets = [0, 0], sizes = [8, 1984], strides = [1, 1]} : vector<8x2048xf32> to vector<8x1984xf32>
    %concatenate3A_2453 = tpu.concatenate %slice3A_2451, %slice3A_2452 in 1 : vector<8x64xf32>, vector<8x1984xf32> -> vector<8x2048xf32>
    %select_n3A_2454 = arith.select %eq3A_2447, %concatenate3A_2450, %concatenate3A_2453 : vector<8x2048xi1>, vector<8x2048xf32>
    %and3A_2455 = arith.constant 64 : i32
    %and3A_2456 = vector.broadcast %and3A_2455 : i32 to vector<8x2048xi32>
    %and3A_2457 = arith.andi %iota3A, %and3A_2456 : vector<8x2048xi32>
    %eq3A_2458 = arith.constant 0 : i32
    %eq3A_2459 = vector.broadcast %eq3A_2458 : i32 to vector<8x2048xi32>
    %eq3A_2460 = arith.cmpi eq, %and3A_2457, %eq3A_2459 : vector<8x2048xi32>
    %slice3A_2461 = vector.extract_strided_slice %select_n3A_2441 {offsets = [0, 64], sizes = [8, 1984], strides = [1, 1]} : vector<8x2048xi32> to vector<8x1984xi32>
    %slice3A_2462 = vector.extract_strided_slice %select_n3A_2441 {offsets = [0, 0], sizes = [8, 64], strides = [1, 1]} : vector<8x2048xi32> to vector<8x64xi32>
    %concatenate3A_2463 = tpu.concatenate %slice3A_2461, %slice3A_2462 in 1 : vector<8x1984xi32>, vector<8x64xi32> -> vector<8x2048xi32>
    %slice3A_2464 = vector.extract_strided_slice %select_n3A_2441 {offsets = [0, 1984], sizes = [8, 64], strides = [1, 1]} : vector<8x2048xi32> to vector<8x64xi32>
    %slice3A_2465 = vector.extract_strided_slice %select_n3A_2441 {offsets = [0, 0], sizes = [8, 1984], strides = [1, 1]} : vector<8x2048xi32> to vector<8x1984xi32>
    %concatenate3A_2466 = tpu.concatenate %slice3A_2464, %slice3A_2465 in 1 : vector<8x64xi32>, vector<8x1984xi32> -> vector<8x2048xi32>
    %select_n3A_2467 = arith.select %eq3A_2460, %concatenate3A_2463, %concatenate3A_2466 : vector<8x2048xi1>, vector<8x2048xi32>
    %gt3A_2468 = arith.cmpf ogt, %select_n3A_2440, %select_n3A_2454 : vector<8x2048xf32>
    %eq3A_2469 = arith.cmpf oeq, %select_n3A_2440, %select_n3A_2454 : vector<8x2048xf32>
    %lt3A_2470 = arith.cmpi slt, %select_n3A_2441, %select_n3A_2467 : vector<8x2048xi32>
    %and3A_2471 = arith.andi %eq3A_2469, %lt3A_2470 : vector<8x2048xi1>
    %or3A_2472 = arith.ori %gt3A_2468, %and3A_2471 : vector<8x2048xi1>
    %and3A_2473 = arith.constant 64 : i32
    %and3A_2474 = vector.broadcast %and3A_2473 : i32 to vector<8x2048xi32>
    %and3A_2475 = arith.andi %iota3A, %and3A_2474 : vector<8x2048xi32>
    %eq3A_2476 = arith.constant 0 : i32
    %eq3A_2477 = vector.broadcast %eq3A_2476 : i32 to vector<8x2048xi32>
    %eq3A_2478 = arith.cmpi eq, %and3A_2475, %eq3A_2477 : vector<8x2048xi32>
    %and3A_2479 = arith.constant 1024 : i32
    %and3A_2480 = vector.broadcast %and3A_2479 : i32 to vector<8x2048xi32>
    %and3A_2481 = arith.andi %iota3A, %and3A_2480 : vector<8x2048xi32>
    %eq3A_2482 = arith.constant 0 : i32
    %eq3A_2483 = vector.broadcast %eq3A_2482 : i32 to vector<8x2048xi32>
    %eq3A_2484 = arith.cmpi eq, %and3A_2481, %eq3A_2483 : vector<8x2048xi32>
    %eq3A_2485 = arith.xori %eq3A_2478, %eq3A_2484 : vector<8x2048xi1>
    %eq3A_2486 = arith.constant dense<true> : vector<8x2048xi1>
    %eq3A_2487 = arith.xori %eq3A_2485, %eq3A_2486 : vector<8x2048xi1>
    %eq3A_2488 = arith.xori %eq3A_2487, %or3A_2472 : vector<8x2048xi1>
    %eq3A_2489 = arith.constant dense<true> : vector<8x2048xi1>
    %eq3A_2490 = arith.xori %eq3A_2488, %eq3A_2489 : vector<8x2048xi1>
    %select_n3A_2491 = arith.select %eq3A_2490, %select_n3A_2440, %select_n3A_2454 : vector<8x2048xi1>, vector<8x2048xf32>
    %select_n3A_2492 = arith.select %eq3A_2490, %select_n3A_2441, %select_n3A_2467 : vector<8x2048xi1>, vector<8x2048xi32>
    %and3A_2493 = arith.constant 32 : i32
    %and3A_2494 = vector.broadcast %and3A_2493 : i32 to vector<8x2048xi32>
    %and3A_2495 = arith.andi %iota3A, %and3A_2494 : vector<8x2048xi32>
    %eq3A_2496 = arith.constant 0 : i32
    %eq3A_2497 = vector.broadcast %eq3A_2496 : i32 to vector<8x2048xi32>
    %eq3A_2498 = arith.cmpi eq, %and3A_2495, %eq3A_2497 : vector<8x2048xi32>
    %slice3A_2499 = vector.extract_strided_slice %select_n3A_2491 {offsets = [0, 32], sizes = [8, 2016], strides = [1, 1]} : vector<8x2048xf32> to vector<8x2016xf32>
    %slice3A_2500 = vector.extract_strided_slice %select_n3A_2491 {offsets = [0, 0], sizes = [8, 32], strides = [1, 1]} : vector<8x2048xf32> to vector<8x32xf32>
    %concatenate3A_2501 = tpu.concatenate %slice3A_2499, %slice3A_2500 in 1 : vector<8x2016xf32>, vector<8x32xf32> -> vector<8x2048xf32>
    %slice3A_2502 = vector.extract_strided_slice %select_n3A_2491 {offsets = [0, 2016], sizes = [8, 32], strides = [1, 1]} : vector<8x2048xf32> to vector<8x32xf32>
    %slice3A_2503 = vector.extract_strided_slice %select_n3A_2491 {offsets = [0, 0], sizes = [8, 2016], strides = [1, 1]} : vector<8x2048xf32> to vector<8x2016xf32>
    %concatenate3A_2504 = tpu.concatenate %slice3A_2502, %slice3A_2503 in 1 : vector<8x32xf32>, vector<8x2016xf32> -> vector<8x2048xf32>
    %select_n3A_2505 = arith.select %eq3A_2498, %concatenate3A_2501, %concatenate3A_2504 : vector<8x2048xi1>, vector<8x2048xf32>
    %and3A_2506 = arith.constant 32 : i32
    %and3A_2507 = vector.broadcast %and3A_2506 : i32 to vector<8x2048xi32>
    %and3A_2508 = arith.andi %iota3A, %and3A_2507 : vector<8x2048xi32>
    %eq3A_2509 = arith.constant 0 : i32
    %eq3A_2510 = vector.broadcast %eq3A_2509 : i32 to vector<8x2048xi32>
    %eq3A_2511 = arith.cmpi eq, %and3A_2508, %eq3A_2510 : vector<8x2048xi32>
    %slice3A_2512 = vector.extract_strided_slice %select_n3A_2492 {offsets = [0, 32], sizes = [8, 2016], strides = [1, 1]} : vector<8x2048xi32> to vector<8x2016xi32>
    %slice3A_2513 = vector.extract_strided_slice %select_n3A_2492 {offsets = [0, 0], sizes = [8, 32], strides = [1, 1]} : vector<8x2048xi32> to vector<8x32xi32>
    %concatenate3A_2514 = tpu.concatenate %slice3A_2512, %slice3A_2513 in 1 : vector<8x2016xi32>, vector<8x32xi32> -> vector<8x2048xi32>
    %slice3A_2515 = vector.extract_strided_slice %select_n3A_2492 {offsets = [0, 2016], sizes = [8, 32], strides = [1, 1]} : vector<8x2048xi32> to vector<8x32xi32>
    %slice3A_2516 = vector.extract_strided_slice %select_n3A_2492 {offsets = [0, 0], sizes = [8, 2016], strides = [1, 1]} : vector<8x2048xi32> to vector<8x2016xi32>
    %concatenate3A_2517 = tpu.concatenate %slice3A_2515, %slice3A_2516 in 1 : vector<8x32xi32>, vector<8x2016xi32> -> vector<8x2048xi32>
    %select_n3A_2518 = arith.select %eq3A_2511, %concatenate3A_2514, %concatenate3A_2517 : vector<8x2048xi1>, vector<8x2048xi32>
    %gt3A_2519 = arith.cmpf ogt, %select_n3A_2491, %select_n3A_2505 : vector<8x2048xf32>
    %eq3A_2520 = arith.cmpf oeq, %select_n3A_2491, %select_n3A_2505 : vector<8x2048xf32>
    %lt3A_2521 = arith.cmpi slt, %select_n3A_2492, %select_n3A_2518 : vector<8x2048xi32>
    %and3A_2522 = arith.andi %eq3A_2520, %lt3A_2521 : vector<8x2048xi1>
    %or3A_2523 = arith.ori %gt3A_2519, %and3A_2522 : vector<8x2048xi1>
    %and3A_2524 = arith.constant 32 : i32
    %and3A_2525 = vector.broadcast %and3A_2524 : i32 to vector<8x2048xi32>
    %and3A_2526 = arith.andi %iota3A, %and3A_2525 : vector<8x2048xi32>
    %eq3A_2527 = arith.constant 0 : i32
    %eq3A_2528 = vector.broadcast %eq3A_2527 : i32 to vector<8x2048xi32>
    %eq3A_2529 = arith.cmpi eq, %and3A_2526, %eq3A_2528 : vector<8x2048xi32>
    %and3A_2530 = arith.constant 1024 : i32
    %and3A_2531 = vector.broadcast %and3A_2530 : i32 to vector<8x2048xi32>
    %and3A_2532 = arith.andi %iota3A, %and3A_2531 : vector<8x2048xi32>
    %eq3A_2533 = arith.constant 0 : i32
    %eq3A_2534 = vector.broadcast %eq3A_2533 : i32 to vector<8x2048xi32>
    %eq3A_2535 = arith.cmpi eq, %and3A_2532, %eq3A_2534 : vector<8x2048xi32>
    %eq3A_2536 = arith.xori %eq3A_2529, %eq3A_2535 : vector<8x2048xi1>
    %eq3A_2537 = arith.constant dense<true> : vector<8x2048xi1>
    %eq3A_2538 = arith.xori %eq3A_2536, %eq3A_2537 : vector<8x2048xi1>
    %eq3A_2539 = arith.xori %eq3A_2538, %or3A_2523 : vector<8x2048xi1>
    %eq3A_2540 = arith.constant dense<true> : vector<8x2048xi1>
    %eq3A_2541 = arith.xori %eq3A_2539, %eq3A_2540 : vector<8x2048xi1>
    %select_n3A_2542 = arith.select %eq3A_2541, %select_n3A_2491, %select_n3A_2505 : vector<8x2048xi1>, vector<8x2048xf32>
    %select_n3A_2543 = arith.select %eq3A_2541, %select_n3A_2492, %select_n3A_2518 : vector<8x2048xi1>, vector<8x2048xi32>
    %and3A_2544 = arith.constant 16 : i32
    %and3A_2545 = vector.broadcast %and3A_2544 : i32 to vector<8x2048xi32>
    %and3A_2546 = arith.andi %iota3A, %and3A_2545 : vector<8x2048xi32>
    %eq3A_2547 = arith.constant 0 : i32
    %eq3A_2548 = vector.broadcast %eq3A_2547 : i32 to vector<8x2048xi32>
    %eq3A_2549 = arith.cmpi eq, %and3A_2546, %eq3A_2548 : vector<8x2048xi32>
    %slice3A_2550 = vector.extract_strided_slice %select_n3A_2542 {offsets = [0, 16], sizes = [8, 2032], strides = [1, 1]} : vector<8x2048xf32> to vector<8x2032xf32>
    %slice3A_2551 = vector.extract_strided_slice %select_n3A_2542 {offsets = [0, 0], sizes = [8, 16], strides = [1, 1]} : vector<8x2048xf32> to vector<8x16xf32>
    %concatenate3A_2552 = tpu.concatenate %slice3A_2550, %slice3A_2551 in 1 : vector<8x2032xf32>, vector<8x16xf32> -> vector<8x2048xf32>
    %slice3A_2553 = vector.extract_strided_slice %select_n3A_2542 {offsets = [0, 2032], sizes = [8, 16], strides = [1, 1]} : vector<8x2048xf32> to vector<8x16xf32>
    %slice3A_2554 = vector.extract_strided_slice %select_n3A_2542 {offsets = [0, 0], sizes = [8, 2032], strides = [1, 1]} : vector<8x2048xf32> to vector<8x2032xf32>
    %concatenate3A_2555 = tpu.concatenate %slice3A_2553, %slice3A_2554 in 1 : vector<8x16xf32>, vector<8x2032xf32> -> vector<8x2048xf32>
    %select_n3A_2556 = arith.select %eq3A_2549, %concatenate3A_2552, %concatenate3A_2555 : vector<8x2048xi1>, vector<8x2048xf32>
    %and3A_2557 = arith.constant 16 : i32
    %and3A_2558 = vector.broadcast %and3A_2557 : i32 to vector<8x2048xi32>
    %and3A_2559 = arith.andi %iota3A, %and3A_2558 : vector<8x2048xi32>
    %eq3A_2560 = arith.constant 0 : i32
    %eq3A_2561 = vector.broadcast %eq3A_2560 : i32 to vector<8x2048xi32>
    %eq3A_2562 = arith.cmpi eq, %and3A_2559, %eq3A_2561 : vector<8x2048xi32>
    %slice3A_2563 = vector.extract_strided_slice %select_n3A_2543 {offsets = [0, 16], sizes = [8, 2032], strides = [1, 1]} : vector<8x2048xi32> to vector<8x2032xi32>
    %slice3A_2564 = vector.extract_strided_slice %select_n3A_2543 {offsets = [0, 0], sizes = [8, 16], strides = [1, 1]} : vector<8x2048xi32> to vector<8x16xi32>
    %concatenate3A_2565 = tpu.concatenate %slice3A_2563, %slice3A_2564 in 1 : vector<8x2032xi32>, vector<8x16xi32> -> vector<8x2048xi32>
    %slice3A_2566 = vector.extract_strided_slice %select_n3A_2543 {offsets = [0, 2032], sizes = [8, 16], strides = [1, 1]} : vector<8x2048xi32> to vector<8x16xi32>
    %slice3A_2567 = vector.extract_strided_slice %select_n3A_2543 {offsets = [0, 0], sizes = [8, 2032], strides = [1, 1]} : vector<8x2048xi32> to vector<8x2032xi32>
    %concatenate3A_2568 = tpu.concatenate %slice3A_2566, %slice3A_2567 in 1 : vector<8x16xi32>, vector<8x2032xi32> -> vector<8x2048xi32>
    %select_n3A_2569 = arith.select %eq3A_2562, %concatenate3A_2565, %concatenate3A_2568 : vector<8x2048xi1>, vector<8x2048xi32>
    %gt3A_2570 = arith.cmpf ogt, %select_n3A_2542, %select_n3A_2556 : vector<8x2048xf32>
    %eq3A_2571 = arith.cmpf oeq, %select_n3A_2542, %select_n3A_2556 : vector<8x2048xf32>
    %lt3A_2572 = arith.cmpi slt, %select_n3A_2543, %select_n3A_2569 : vector<8x2048xi32>
    %and3A_2573 = arith.andi %eq3A_2571, %lt3A_2572 : vector<8x2048xi1>
    %or3A_2574 = arith.ori %gt3A_2570, %and3A_2573 : vector<8x2048xi1>
    %and3A_2575 = arith.constant 16 : i32
    %and3A_2576 = vector.broadcast %and3A_2575 : i32 to vector<8x2048xi32>
    %and3A_2577 = arith.andi %iota3A, %and3A_2576 : vector<8x2048xi32>
    %eq3A_2578 = arith.constant 0 : i32
    %eq3A_2579 = vector.broadcast %eq3A_2578 : i32 to vector<8x2048xi32>
    %eq3A_2580 = arith.cmpi eq, %and3A_2577, %eq3A_2579 : vector<8x2048xi32>
    %and3A_2581 = arith.constant 1024 : i32
    %and3A_2582 = vector.broadcast %and3A_2581 : i32 to vector<8x2048xi32>
    %and3A_2583 = arith.andi %iota3A, %and3A_2582 : vector<8x2048xi32>
    %eq3A_2584 = arith.constant 0 : i32
    %eq3A_2585 = vector.broadcast %eq3A_2584 : i32 to vector<8x2048xi32>
    %eq3A_2586 = arith.cmpi eq, %and3A_2583, %eq3A_2585 : vector<8x2048xi32>
    %eq3A_2587 = arith.xori %eq3A_2580, %eq3A_2586 : vector<8x2048xi1>
    %eq3A_2588 = arith.constant dense<true> : vector<8x2048xi1>
    %eq3A_2589 = arith.xori %eq3A_2587, %eq3A_2588 : vector<8x2048xi1>
    %eq3A_2590 = arith.xori %eq3A_2589, %or3A_2574 : vector<8x2048xi1>
    %eq3A_2591 = arith.constant dense<true> : vector<8x2048xi1>
    %eq3A_2592 = arith.xori %eq3A_2590, %eq3A_2591 : vector<8x2048xi1>
    %select_n3A_2593 = arith.select %eq3A_2592, %select_n3A_2542, %select_n3A_2556 : vector<8x2048xi1>, vector<8x2048xf32>
    %select_n3A_2594 = arith.select %eq3A_2592, %select_n3A_2543, %select_n3A_2569 : vector<8x2048xi1>, vector<8x2048xi32>
    %and3A_2595 = arith.constant 8 : i32
    %and3A_2596 = vector.broadcast %and3A_2595 : i32 to vector<8x2048xi32>
    %and3A_2597 = arith.andi %iota3A, %and3A_2596 : vector<8x2048xi32>
    %eq3A_2598 = arith.constant 0 : i32
    %eq3A_2599 = vector.broadcast %eq3A_2598 : i32 to vector<8x2048xi32>
    %eq3A_2600 = arith.cmpi eq, %and3A_2597, %eq3A_2599 : vector<8x2048xi32>
    %slice3A_2601 = vector.extract_strided_slice %select_n3A_2593 {offsets = [0, 8], sizes = [8, 2040], strides = [1, 1]} : vector<8x2048xf32> to vector<8x2040xf32>
    %slice3A_2602 = vector.extract_strided_slice %select_n3A_2593 {offsets = [0, 0], sizes = [8, 8], strides = [1, 1]} : vector<8x2048xf32> to vector<8x8xf32>
    %concatenate3A_2603 = tpu.concatenate %slice3A_2601, %slice3A_2602 in 1 : vector<8x2040xf32>, vector<8x8xf32> -> vector<8x2048xf32>
    %slice3A_2604 = vector.extract_strided_slice %select_n3A_2593 {offsets = [0, 2040], sizes = [8, 8], strides = [1, 1]} : vector<8x2048xf32> to vector<8x8xf32>
    %slice3A_2605 = vector.extract_strided_slice %select_n3A_2593 {offsets = [0, 0], sizes = [8, 2040], strides = [1, 1]} : vector<8x2048xf32> to vector<8x2040xf32>
    %concatenate3A_2606 = tpu.concatenate %slice3A_2604, %slice3A_2605 in 1 : vector<8x8xf32>, vector<8x2040xf32> -> vector<8x2048xf32>
    %select_n3A_2607 = arith.select %eq3A_2600, %concatenate3A_2603, %concatenate3A_2606 : vector<8x2048xi1>, vector<8x2048xf32>
    %and3A_2608 = arith.constant 8 : i32
    %and3A_2609 = vector.broadcast %and3A_2608 : i32 to vector<8x2048xi32>
    %and3A_2610 = arith.andi %iota3A, %and3A_2609 : vector<8x2048xi32>
    %eq3A_2611 = arith.constant 0 : i32
    %eq3A_2612 = vector.broadcast %eq3A_2611 : i32 to vector<8x2048xi32>
    %eq3A_2613 = arith.cmpi eq, %and3A_2610, %eq3A_2612 : vector<8x2048xi32>
    %slice3A_2614 = vector.extract_strided_slice %select_n3A_2594 {offsets = [0, 8], sizes = [8, 2040], strides = [1, 1]} : vector<8x2048xi32> to vector<8x2040xi32>
    %slice3A_2615 = vector.extract_strided_slice %select_n3A_2594 {offsets = [0, 0], sizes = [8, 8], strides = [1, 1]} : vector<8x2048xi32> to vector<8x8xi32>
    %concatenate3A_2616 = tpu.concatenate %slice3A_2614, %slice3A_2615 in 1 : vector<8x2040xi32>, vector<8x8xi32> -> vector<8x2048xi32>
    %slice3A_2617 = vector.extract_strided_slice %select_n3A_2594 {offsets = [0, 2040], sizes = [8, 8], strides = [1, 1]} : vector<8x2048xi32> to vector<8x8xi32>
    %slice3A_2618 = vector.extract_strided_slice %select_n3A_2594 {offsets = [0, 0], sizes = [8, 2040], strides = [1, 1]} : vector<8x2048xi32> to vector<8x2040xi32>
    %concatenate3A_2619 = tpu.concatenate %slice3A_2617, %slice3A_2618 in 1 : vector<8x8xi32>, vector<8x2040xi32> -> vector<8x2048xi32>
    %select_n3A_2620 = arith.select %eq3A_2613, %concatenate3A_2616, %concatenate3A_2619 : vector<8x2048xi1>, vector<8x2048xi32>
    %gt3A_2621 = arith.cmpf ogt, %select_n3A_2593, %select_n3A_2607 : vector<8x2048xf32>
    %eq3A_2622 = arith.cmpf oeq, %select_n3A_2593, %select_n3A_2607 : vector<8x2048xf32>
    %lt3A_2623 = arith.cmpi slt, %select_n3A_2594, %select_n3A_2620 : vector<8x2048xi32>
    %and3A_2624 = arith.andi %eq3A_2622, %lt3A_2623 : vector<8x2048xi1>
    %or3A_2625 = arith.ori %gt3A_2621, %and3A_2624 : vector<8x2048xi1>
    %and3A_2626 = arith.constant 8 : i32
    %and3A_2627 = vector.broadcast %and3A_2626 : i32 to vector<8x2048xi32>
    %and3A_2628 = arith.andi %iota3A, %and3A_2627 : vector<8x2048xi32>
    %eq3A_2629 = arith.constant 0 : i32
    %eq3A_2630 = vector.broadcast %eq3A_2629 : i32 to vector<8x2048xi32>
    %eq3A_2631 = arith.cmpi eq, %and3A_2628, %eq3A_2630 : vector<8x2048xi32>
    %and3A_2632 = arith.constant 1024 : i32
    %and3A_2633 = vector.broadcast %and3A_2632 : i32 to vector<8x2048xi32>
    %and3A_2634 = arith.andi %iota3A, %and3A_2633 : vector<8x2048xi32>
    %eq3A_2635 = arith.constant 0 : i32
    %eq3A_2636 = vector.broadcast %eq3A_2635 : i32 to vector<8x2048xi32>
    %eq3A_2637 = arith.cmpi eq, %and3A_2634, %eq3A_2636 : vector<8x2048xi32>
    %eq3A_2638 = arith.xori %eq3A_2631, %eq3A_2637 : vector<8x2048xi1>
    %eq3A_2639 = arith.constant dense<true> : vector<8x2048xi1>
    %eq3A_2640 = arith.xori %eq3A_2638, %eq3A_2639 : vector<8x2048xi1>
    %eq3A_2641 = arith.xori %eq3A_2640, %or3A_2625 : vector<8x2048xi1>
    %eq3A_2642 = arith.constant dense<true> : vector<8x2048xi1>
    %eq3A_2643 = arith.xori %eq3A_2641, %eq3A_2642 : vector<8x2048xi1>
    %select_n3A_2644 = arith.select %eq3A_2643, %select_n3A_2593, %select_n3A_2607 : vector<8x2048xi1>, vector<8x2048xf32>
    %select_n3A_2645 = arith.select %eq3A_2643, %select_n3A_2594, %select_n3A_2620 : vector<8x2048xi1>, vector<8x2048xi32>
    %and3A_2646 = arith.constant 4 : i32
    %and3A_2647 = vector.broadcast %and3A_2646 : i32 to vector<8x2048xi32>
    %and3A_2648 = arith.andi %iota3A, %and3A_2647 : vector<8x2048xi32>
    %eq3A_2649 = arith.constant 0 : i32
    %eq3A_2650 = vector.broadcast %eq3A_2649 : i32 to vector<8x2048xi32>
    %eq3A_2651 = arith.cmpi eq, %and3A_2648, %eq3A_2650 : vector<8x2048xi32>
    %slice3A_2652 = vector.extract_strided_slice %select_n3A_2644 {offsets = [0, 4], sizes = [8, 2044], strides = [1, 1]} : vector<8x2048xf32> to vector<8x2044xf32>
    %slice3A_2653 = vector.extract_strided_slice %select_n3A_2644 {offsets = [0, 0], sizes = [8, 4], strides = [1, 1]} : vector<8x2048xf32> to vector<8x4xf32>
    %concatenate3A_2654 = tpu.concatenate %slice3A_2652, %slice3A_2653 in 1 : vector<8x2044xf32>, vector<8x4xf32> -> vector<8x2048xf32>
    %slice3A_2655 = vector.extract_strided_slice %select_n3A_2644 {offsets = [0, 2044], sizes = [8, 4], strides = [1, 1]} : vector<8x2048xf32> to vector<8x4xf32>
    %slice3A_2656 = vector.extract_strided_slice %select_n3A_2644 {offsets = [0, 0], sizes = [8, 2044], strides = [1, 1]} : vector<8x2048xf32> to vector<8x2044xf32>
    %concatenate3A_2657 = tpu.concatenate %slice3A_2655, %slice3A_2656 in 1 : vector<8x4xf32>, vector<8x2044xf32> -> vector<8x2048xf32>
    %select_n3A_2658 = arith.select %eq3A_2651, %concatenate3A_2654, %concatenate3A_2657 : vector<8x2048xi1>, vector<8x2048xf32>
    %and3A_2659 = arith.constant 4 : i32
    %and3A_2660 = vector.broadcast %and3A_2659 : i32 to vector<8x2048xi32>
    %and3A_2661 = arith.andi %iota3A, %and3A_2660 : vector<8x2048xi32>
    %eq3A_2662 = arith.constant 0 : i32
    %eq3A_2663 = vector.broadcast %eq3A_2662 : i32 to vector<8x2048xi32>
    %eq3A_2664 = arith.cmpi eq, %and3A_2661, %eq3A_2663 : vector<8x2048xi32>
    %slice3A_2665 = vector.extract_strided_slice %select_n3A_2645 {offsets = [0, 4], sizes = [8, 2044], strides = [1, 1]} : vector<8x2048xi32> to vector<8x2044xi32>
    %slice3A_2666 = vector.extract_strided_slice %select_n3A_2645 {offsets = [0, 0], sizes = [8, 4], strides = [1, 1]} : vector<8x2048xi32> to vector<8x4xi32>
    %concatenate3A_2667 = tpu.concatenate %slice3A_2665, %slice3A_2666 in 1 : vector<8x2044xi32>, vector<8x4xi32> -> vector<8x2048xi32>
    %slice3A_2668 = vector.extract_strided_slice %select_n3A_2645 {offsets = [0, 2044], sizes = [8, 4], strides = [1, 1]} : vector<8x2048xi32> to vector<8x4xi32>
    %slice3A_2669 = vector.extract_strided_slice %select_n3A_2645 {offsets = [0, 0], sizes = [8, 2044], strides = [1, 1]} : vector<8x2048xi32> to vector<8x2044xi32>
    %concatenate3A_2670 = tpu.concatenate %slice3A_2668, %slice3A_2669 in 1 : vector<8x4xi32>, vector<8x2044xi32> -> vector<8x2048xi32>
    %select_n3A_2671 = arith.select %eq3A_2664, %concatenate3A_2667, %concatenate3A_2670 : vector<8x2048xi1>, vector<8x2048xi32>
    %gt3A_2672 = arith.cmpf ogt, %select_n3A_2644, %select_n3A_2658 : vector<8x2048xf32>
    %eq3A_2673 = arith.cmpf oeq, %select_n3A_2644, %select_n3A_2658 : vector<8x2048xf32>
    %lt3A_2674 = arith.cmpi slt, %select_n3A_2645, %select_n3A_2671 : vector<8x2048xi32>
    %and3A_2675 = arith.andi %eq3A_2673, %lt3A_2674 : vector<8x2048xi1>
    %or3A_2676 = arith.ori %gt3A_2672, %and3A_2675 : vector<8x2048xi1>
    %and3A_2677 = arith.constant 4 : i32
    %and3A_2678 = vector.broadcast %and3A_2677 : i32 to vector<8x2048xi32>
    %and3A_2679 = arith.andi %iota3A, %and3A_2678 : vector<8x2048xi32>
    %eq3A_2680 = arith.constant 0 : i32
    %eq3A_2681 = vector.broadcast %eq3A_2680 : i32 to vector<8x2048xi32>
    %eq3A_2682 = arith.cmpi eq, %and3A_2679, %eq3A_2681 : vector<8x2048xi32>
    %and3A_2683 = arith.constant 1024 : i32
    %and3A_2684 = vector.broadcast %and3A_2683 : i32 to vector<8x2048xi32>
    %and3A_2685 = arith.andi %iota3A, %and3A_2684 : vector<8x2048xi32>
    %eq3A_2686 = arith.constant 0 : i32
    %eq3A_2687 = vector.broadcast %eq3A_2686 : i32 to vector<8x2048xi32>
    %eq3A_2688 = arith.cmpi eq, %and3A_2685, %eq3A_2687 : vector<8x2048xi32>
    %eq3A_2689 = arith.xori %eq3A_2682, %eq3A_2688 : vector<8x2048xi1>
    %eq3A_2690 = arith.constant dense<true> : vector<8x2048xi1>
    %eq3A_2691 = arith.xori %eq3A_2689, %eq3A_2690 : vector<8x2048xi1>
    %eq3A_2692 = arith.xori %eq3A_2691, %or3A_2676 : vector<8x2048xi1>
    %eq3A_2693 = arith.constant dense<true> : vector<8x2048xi1>
    %eq3A_2694 = arith.xori %eq3A_2692, %eq3A_2693 : vector<8x2048xi1>
    %select_n3A_2695 = arith.select %eq3A_2694, %select_n3A_2644, %select_n3A_2658 : vector<8x2048xi1>, vector<8x2048xf32>
    %select_n3A_2696 = arith.select %eq3A_2694, %select_n3A_2645, %select_n3A_2671 : vector<8x2048xi1>, vector<8x2048xi32>
    %and3A_2697 = arith.constant 2 : i32
    %and3A_2698 = vector.broadcast %and3A_2697 : i32 to vector<8x2048xi32>
    %and3A_2699 = arith.andi %iota3A, %and3A_2698 : vector<8x2048xi32>
    %eq3A_2700 = arith.constant 0 : i32
    %eq3A_2701 = vector.broadcast %eq3A_2700 : i32 to vector<8x2048xi32>
    %eq3A_2702 = arith.cmpi eq, %and3A_2699, %eq3A_2701 : vector<8x2048xi32>
    %slice3A_2703 = vector.extract_strided_slice %select_n3A_2695 {offsets = [0, 2], sizes = [8, 2046], strides = [1, 1]} : vector<8x2048xf32> to vector<8x2046xf32>
    %slice3A_2704 = vector.extract_strided_slice %select_n3A_2695 {offsets = [0, 0], sizes = [8, 2], strides = [1, 1]} : vector<8x2048xf32> to vector<8x2xf32>
    %concatenate3A_2705 = tpu.concatenate %slice3A_2703, %slice3A_2704 in 1 : vector<8x2046xf32>, vector<8x2xf32> -> vector<8x2048xf32>
    %slice3A_2706 = vector.extract_strided_slice %select_n3A_2695 {offsets = [0, 2046], sizes = [8, 2], strides = [1, 1]} : vector<8x2048xf32> to vector<8x2xf32>
    %slice3A_2707 = vector.extract_strided_slice %select_n3A_2695 {offsets = [0, 0], sizes = [8, 2046], strides = [1, 1]} : vector<8x2048xf32> to vector<8x2046xf32>
    %concatenate3A_2708 = tpu.concatenate %slice3A_2706, %slice3A_2707 in 1 : vector<8x2xf32>, vector<8x2046xf32> -> vector<8x2048xf32>
    %select_n3A_2709 = arith.select %eq3A_2702, %concatenate3A_2705, %concatenate3A_2708 : vector<8x2048xi1>, vector<8x2048xf32>
    %and3A_2710 = arith.constant 2 : i32
    %and3A_2711 = vector.broadcast %and3A_2710 : i32 to vector<8x2048xi32>
    %and3A_2712 = arith.andi %iota3A, %and3A_2711 : vector<8x2048xi32>
    %eq3A_2713 = arith.constant 0 : i32
    %eq3A_2714 = vector.broadcast %eq3A_2713 : i32 to vector<8x2048xi32>
    %eq3A_2715 = arith.cmpi eq, %and3A_2712, %eq3A_2714 : vector<8x2048xi32>
    %slice3A_2716 = vector.extract_strided_slice %select_n3A_2696 {offsets = [0, 2], sizes = [8, 2046], strides = [1, 1]} : vector<8x2048xi32> to vector<8x2046xi32>
    %slice3A_2717 = vector.extract_strided_slice %select_n3A_2696 {offsets = [0, 0], sizes = [8, 2], strides = [1, 1]} : vector<8x2048xi32> to vector<8x2xi32>
    %concatenate3A_2718 = tpu.concatenate %slice3A_2716, %slice3A_2717 in 1 : vector<8x2046xi32>, vector<8x2xi32> -> vector<8x2048xi32>
    %slice3A_2719 = vector.extract_strided_slice %select_n3A_2696 {offsets = [0, 2046], sizes = [8, 2], strides = [1, 1]} : vector<8x2048xi32> to vector<8x2xi32>
    %slice3A_2720 = vector.extract_strided_slice %select_n3A_2696 {offsets = [0, 0], sizes = [8, 2046], strides = [1, 1]} : vector<8x2048xi32> to vector<8x2046xi32>
    %concatenate3A_2721 = tpu.concatenate %slice3A_2719, %slice3A_2720 in 1 : vector<8x2xi32>, vector<8x2046xi32> -> vector<8x2048xi32>
    %select_n3A_2722 = arith.select %eq3A_2715, %concatenate3A_2718, %concatenate3A_2721 : vector<8x2048xi1>, vector<8x2048xi32>
    %gt3A_2723 = arith.cmpf ogt, %select_n3A_2695, %select_n3A_2709 : vector<8x2048xf32>
    %eq3A_2724 = arith.cmpf oeq, %select_n3A_2695, %select_n3A_2709 : vector<8x2048xf32>
    %lt3A_2725 = arith.cmpi slt, %select_n3A_2696, %select_n3A_2722 : vector<8x2048xi32>
    %and3A_2726 = arith.andi %eq3A_2724, %lt3A_2725 : vector<8x2048xi1>
    %or3A_2727 = arith.ori %gt3A_2723, %and3A_2726 : vector<8x2048xi1>
    %and3A_2728 = arith.constant 2 : i32
    %and3A_2729 = vector.broadcast %and3A_2728 : i32 to vector<8x2048xi32>
    %and3A_2730 = arith.andi %iota3A, %and3A_2729 : vector<8x2048xi32>
    %eq3A_2731 = arith.constant 0 : i32
    %eq3A_2732 = vector.broadcast %eq3A_2731 : i32 to vector<8x2048xi32>
    %eq3A_2733 = arith.cmpi eq, %and3A_2730, %eq3A_2732 : vector<8x2048xi32>
    %and3A_2734 = arith.constant 1024 : i32
    %and3A_2735 = vector.broadcast %and3A_2734 : i32 to vector<8x2048xi32>
    %and3A_2736 = arith.andi %iota3A, %and3A_2735 : vector<8x2048xi32>
    %eq3A_2737 = arith.constant 0 : i32
    %eq3A_2738 = vector.broadcast %eq3A_2737 : i32 to vector<8x2048xi32>
    %eq3A_2739 = arith.cmpi eq, %and3A_2736, %eq3A_2738 : vector<8x2048xi32>
    %eq3A_2740 = arith.xori %eq3A_2733, %eq3A_2739 : vector<8x2048xi1>
    %eq3A_2741 = arith.constant dense<true> : vector<8x2048xi1>
    %eq3A_2742 = arith.xori %eq3A_2740, %eq3A_2741 : vector<8x2048xi1>
    %eq3A_2743 = arith.xori %eq3A_2742, %or3A_2727 : vector<8x2048xi1>
    %eq3A_2744 = arith.constant dense<true> : vector<8x2048xi1>
    %eq3A_2745 = arith.xori %eq3A_2743, %eq3A_2744 : vector<8x2048xi1>
    %select_n3A_2746 = arith.select %eq3A_2745, %select_n3A_2695, %select_n3A_2709 : vector<8x2048xi1>, vector<8x2048xf32>
    %select_n3A_2747 = arith.select %eq3A_2745, %select_n3A_2696, %select_n3A_2722 : vector<8x2048xi1>, vector<8x2048xi32>
    %and3A_2748 = arith.constant 1 : i32
    %and3A_2749 = vector.broadcast %and3A_2748 : i32 to vector<8x2048xi32>
    %and3A_2750 = arith.andi %iota3A, %and3A_2749 : vector<8x2048xi32>
    %eq3A_2751 = arith.constant 0 : i32
    %eq3A_2752 = vector.broadcast %eq3A_2751 : i32 to vector<8x2048xi32>
    %eq3A_2753 = arith.cmpi eq, %and3A_2750, %eq3A_2752 : vector<8x2048xi32>
    %slice3A_2754 = vector.extract_strided_slice %select_n3A_2746 {offsets = [0, 1], sizes = [8, 2047], strides = [1, 1]} : vector<8x2048xf32> to vector<8x2047xf32>
    %slice3A_2755 = vector.extract_strided_slice %select_n3A_2746 {offsets = [0, 0], sizes = [8, 1], strides = [1, 1]} : vector<8x2048xf32> to vector<8x1xf32>
    %concatenate3A_2756 = tpu.concatenate %slice3A_2754, %slice3A_2755 in 1 : vector<8x2047xf32>, vector<8x1xf32> -> vector<8x2048xf32>
    %slice3A_2757 = vector.extract_strided_slice %select_n3A_2746 {offsets = [0, 2047], sizes = [8, 1], strides = [1, 1]} : vector<8x2048xf32> to vector<8x1xf32>
    %slice3A_2758 = vector.extract_strided_slice %select_n3A_2746 {offsets = [0, 0], sizes = [8, 2047], strides = [1, 1]} : vector<8x2048xf32> to vector<8x2047xf32>
    %concatenate3A_2759 = tpu.concatenate %slice3A_2757, %slice3A_2758 in 1 : vector<8x1xf32>, vector<8x2047xf32> -> vector<8x2048xf32>
    %select_n3A_2760 = arith.select %eq3A_2753, %concatenate3A_2756, %concatenate3A_2759 : vector<8x2048xi1>, vector<8x2048xf32>
    %and3A_2761 = arith.constant 1 : i32
    %and3A_2762 = vector.broadcast %and3A_2761 : i32 to vector<8x2048xi32>
    %and3A_2763 = arith.andi %iota3A, %and3A_2762 : vector<8x2048xi32>
    %eq3A_2764 = arith.constant 0 : i32
    %eq3A_2765 = vector.broadcast %eq3A_2764 : i32 to vector<8x2048xi32>
    %eq3A_2766 = arith.cmpi eq, %and3A_2763, %eq3A_2765 : vector<8x2048xi32>
    %slice3A_2767 = vector.extract_strided_slice %select_n3A_2747 {offsets = [0, 1], sizes = [8, 2047], strides = [1, 1]} : vector<8x2048xi32> to vector<8x2047xi32>
    %slice3A_2768 = vector.extract_strided_slice %select_n3A_2747 {offsets = [0, 0], sizes = [8, 1], strides = [1, 1]} : vector<8x2048xi32> to vector<8x1xi32>
    %concatenate3A_2769 = tpu.concatenate %slice3A_2767, %slice3A_2768 in 1 : vector<8x2047xi32>, vector<8x1xi32> -> vector<8x2048xi32>
    %slice3A_2770 = vector.extract_strided_slice %select_n3A_2747 {offsets = [0, 2047], sizes = [8, 1], strides = [1, 1]} : vector<8x2048xi32> to vector<8x1xi32>
    %slice3A_2771 = vector.extract_strided_slice %select_n3A_2747 {offsets = [0, 0], sizes = [8, 2047], strides = [1, 1]} : vector<8x2048xi32> to vector<8x2047xi32>
    %concatenate3A_2772 = tpu.concatenate %slice3A_2770, %slice3A_2771 in 1 : vector<8x1xi32>, vector<8x2047xi32> -> vector<8x2048xi32>
    %select_n3A_2773 = arith.select %eq3A_2766, %concatenate3A_2769, %concatenate3A_2772 : vector<8x2048xi1>, vector<8x2048xi32>
    %gt3A_2774 = arith.cmpf ogt, %select_n3A_2746, %select_n3A_2760 : vector<8x2048xf32>
    %eq3A_2775 = arith.cmpf oeq, %select_n3A_2746, %select_n3A_2760 : vector<8x2048xf32>
    %lt3A_2776 = arith.cmpi slt, %select_n3A_2747, %select_n3A_2773 : vector<8x2048xi32>
    %and3A_2777 = arith.andi %eq3A_2775, %lt3A_2776 : vector<8x2048xi1>
    %or3A_2778 = arith.ori %gt3A_2774, %and3A_2777 : vector<8x2048xi1>
    %and3A_2779 = arith.constant 1 : i32
    %and3A_2780 = vector.broadcast %and3A_2779 : i32 to vector<8x2048xi32>
    %and3A_2781 = arith.andi %iota3A, %and3A_2780 : vector<8x2048xi32>
    %eq3A_2782 = arith.constant 0 : i32
    %eq3A_2783 = vector.broadcast %eq3A_2782 : i32 to vector<8x2048xi32>
    %eq3A_2784 = arith.cmpi eq, %and3A_2781, %eq3A_2783 : vector<8x2048xi32>
    %and3A_2785 = arith.constant 1024 : i32
    %and3A_2786 = vector.broadcast %and3A_2785 : i32 to vector<8x2048xi32>
    %and3A_2787 = arith.andi %iota3A, %and3A_2786 : vector<8x2048xi32>
    %eq3A_2788 = arith.constant 0 : i32
    %eq3A_2789 = vector.broadcast %eq3A_2788 : i32 to vector<8x2048xi32>
    %eq3A_2790 = arith.cmpi eq, %and3A_2787, %eq3A_2789 : vector<8x2048xi32>
    %eq3A_2791 = arith.xori %eq3A_2784, %eq3A_2790 : vector<8x2048xi1>
    %eq3A_2792 = arith.constant dense<true> : vector<8x2048xi1>
    %eq3A_2793 = arith.xori %eq3A_2791, %eq3A_2792 : vector<8x2048xi1>
    %eq3A_2794 = arith.xori %eq3A_2793, %or3A_2778 : vector<8x2048xi1>
    %eq3A_2795 = arith.constant dense<true> : vector<8x2048xi1>
    %eq3A_2796 = arith.xori %eq3A_2794, %eq3A_2795 : vector<8x2048xi1>
    %select_n3A_2797 = arith.select %eq3A_2796, %select_n3A_2746, %select_n3A_2760 : vector<8x2048xi1>, vector<8x2048xf32>
    %select_n3A_2798 = arith.select %eq3A_2796, %select_n3A_2747, %select_n3A_2773 : vector<8x2048xi1>, vector<8x2048xi32>
    %and3A_2799 = arith.constant 1024 : i32
    %and3A_2800 = vector.broadcast %and3A_2799 : i32 to vector<8x2048xi32>
    %and3A_2801 = arith.andi %iota3A, %and3A_2800 : vector<8x2048xi32>
    %eq3A_2802 = arith.constant 0 : i32
    %eq3A_2803 = vector.broadcast %eq3A_2802 : i32 to vector<8x2048xi32>
    %eq3A_2804 = arith.cmpi eq, %and3A_2801, %eq3A_2803 : vector<8x2048xi32>
    %slice3A_2805 = vector.extract_strided_slice %select_n3A_2797 {offsets = [0, 1024], sizes = [8, 1024], strides = [1, 1]} : vector<8x2048xf32> to vector<8x1024xf32>
    %slice3A_2806 = vector.extract_strided_slice %select_n3A_2797 {offsets = [0, 0], sizes = [8, 1024], strides = [1, 1]} : vector<8x2048xf32> to vector<8x1024xf32>
    %concatenate3A_2807 = tpu.concatenate %slice3A_2805, %slice3A_2806 in 1 : vector<8x1024xf32>, vector<8x1024xf32> -> vector<8x2048xf32>
    %slice3A_2808 = vector.extract_strided_slice %select_n3A_2797 {offsets = [0, 1024], sizes = [8, 1024], strides = [1, 1]} : vector<8x2048xf32> to vector<8x1024xf32>
    %slice3A_2809 = vector.extract_strided_slice %select_n3A_2797 {offsets = [0, 0], sizes = [8, 1024], strides = [1, 1]} : vector<8x2048xf32> to vector<8x1024xf32>
    %concatenate3A_2810 = tpu.concatenate %slice3A_2808, %slice3A_2809 in 1 : vector<8x1024xf32>, vector<8x1024xf32> -> vector<8x2048xf32>
    %select_n3A_2811 = arith.select %eq3A_2804, %concatenate3A_2807, %concatenate3A_2810 : vector<8x2048xi1>, vector<8x2048xf32>
    %and3A_2812 = arith.constant 1024 : i32
    %and3A_2813 = vector.broadcast %and3A_2812 : i32 to vector<8x2048xi32>
    %and3A_2814 = arith.andi %iota3A, %and3A_2813 : vector<8x2048xi32>
    %eq3A_2815 = arith.constant 0 : i32
    %eq3A_2816 = vector.broadcast %eq3A_2815 : i32 to vector<8x2048xi32>
    %eq3A_2817 = arith.cmpi eq, %and3A_2814, %eq3A_2816 : vector<8x2048xi32>
    %slice3A_2818 = vector.extract_strided_slice %select_n3A_2798 {offsets = [0, 1024], sizes = [8, 1024], strides = [1, 1]} : vector<8x2048xi32> to vector<8x1024xi32>
    %slice3A_2819 = vector.extract_strided_slice %select_n3A_2798 {offsets = [0, 0], sizes = [8, 1024], strides = [1, 1]} : vector<8x2048xi32> to vector<8x1024xi32>
    %concatenate3A_2820 = tpu.concatenate %slice3A_2818, %slice3A_2819 in 1 : vector<8x1024xi32>, vector<8x1024xi32> -> vector<8x2048xi32>
    %slice3A_2821 = vector.extract_strided_slice %select_n3A_2798 {offsets = [0, 1024], sizes = [8, 1024], strides = [1, 1]} : vector<8x2048xi32> to vector<8x1024xi32>
    %slice3A_2822 = vector.extract_strided_slice %select_n3A_2798 {offsets = [0, 0], sizes = [8, 1024], strides = [1, 1]} : vector<8x2048xi32> to vector<8x1024xi32>
    %concatenate3A_2823 = tpu.concatenate %slice3A_2821, %slice3A_2822 in 1 : vector<8x1024xi32>, vector<8x1024xi32> -> vector<8x2048xi32>
    %select_n3A_2824 = arith.select %eq3A_2817, %concatenate3A_2820, %concatenate3A_2823 : vector<8x2048xi1>, vector<8x2048xi32>
    %gt3A_2825 = arith.cmpf ogt, %select_n3A_2797, %select_n3A_2811 : vector<8x2048xf32>
    %eq3A_2826 = arith.cmpf oeq, %select_n3A_2797, %select_n3A_2811 : vector<8x2048xf32>
    %lt3A_2827 = arith.cmpi slt, %select_n3A_2798, %select_n3A_2824 : vector<8x2048xi32>
    %and3A_2828 = arith.andi %eq3A_2826, %lt3A_2827 : vector<8x2048xi1>
    %or3A_2829 = arith.ori %gt3A_2825, %and3A_2828 : vector<8x2048xi1>
    %and3A_2830 = arith.constant 1024 : i32
    %and3A_2831 = vector.broadcast %and3A_2830 : i32 to vector<8x2048xi32>
    %and3A_2832 = arith.andi %iota3A, %and3A_2831 : vector<8x2048xi32>
    %eq3A_2833 = arith.constant 0 : i32
    %eq3A_2834 = vector.broadcast %eq3A_2833 : i32 to vector<8x2048xi32>
    %eq3A_2835 = arith.cmpi eq, %and3A_2832, %eq3A_2834 : vector<8x2048xi32>
    %and3A_2836 = arith.constant 2048 : i32
    %and3A_2837 = vector.broadcast %and3A_2836 : i32 to vector<8x2048xi32>
    %and3A_2838 = arith.andi %iota3A, %and3A_2837 : vector<8x2048xi32>
    %eq3A_2839 = arith.constant 0 : i32
    %eq3A_2840 = vector.broadcast %eq3A_2839 : i32 to vector<8x2048xi32>
    %eq3A_2841 = arith.cmpi eq, %and3A_2838, %eq3A_2840 : vector<8x2048xi32>
    %eq3A_2842 = arith.xori %eq3A_2835, %eq3A_2841 : vector<8x2048xi1>
    %eq3A_2843 = arith.constant dense<true> : vector<8x2048xi1>
    %eq3A_2844 = arith.xori %eq3A_2842, %eq3A_2843 : vector<8x2048xi1>
    %eq3A_2845 = arith.xori %eq3A_2844, %or3A_2829 : vector<8x2048xi1>
    %eq3A_2846 = arith.constant dense<true> : vector<8x2048xi1>
    %eq3A_2847 = arith.xori %eq3A_2845, %eq3A_2846 : vector<8x2048xi1>
    %select_n3A_2848 = arith.select %eq3A_2847, %select_n3A_2797, %select_n3A_2811 : vector<8x2048xi1>, vector<8x2048xf32>
    %select_n3A_2849 = arith.select %eq3A_2847, %select_n3A_2798, %select_n3A_2824 : vector<8x2048xi1>, vector<8x2048xi32>
    %and3A_2850 = arith.constant 512 : i32
    %and3A_2851 = vector.broadcast %and3A_2850 : i32 to vector<8x2048xi32>
    %and3A_2852 = arith.andi %iota3A, %and3A_2851 : vector<8x2048xi32>
    %eq3A_2853 = arith.constant 0 : i32
    %eq3A_2854 = vector.broadcast %eq3A_2853 : i32 to vector<8x2048xi32>
    %eq3A_2855 = arith.cmpi eq, %and3A_2852, %eq3A_2854 : vector<8x2048xi32>
    %slice3A_2856 = vector.extract_strided_slice %select_n3A_2848 {offsets = [0, 512], sizes = [8, 1536], strides = [1, 1]} : vector<8x2048xf32> to vector<8x1536xf32>
    %slice3A_2857 = vector.extract_strided_slice %select_n3A_2848 {offsets = [0, 0], sizes = [8, 512], strides = [1, 1]} : vector<8x2048xf32> to vector<8x512xf32>
    %concatenate3A_2858 = tpu.concatenate %slice3A_2856, %slice3A_2857 in 1 : vector<8x1536xf32>, vector<8x512xf32> -> vector<8x2048xf32>
    %slice3A_2859 = vector.extract_strided_slice %select_n3A_2848 {offsets = [0, 1536], sizes = [8, 512], strides = [1, 1]} : vector<8x2048xf32> to vector<8x512xf32>
    %slice3A_2860 = vector.extract_strided_slice %select_n3A_2848 {offsets = [0, 0], sizes = [8, 1536], strides = [1, 1]} : vector<8x2048xf32> to vector<8x1536xf32>
    %concatenate3A_2861 = tpu.concatenate %slice3A_2859, %slice3A_2860 in 1 : vector<8x512xf32>, vector<8x1536xf32> -> vector<8x2048xf32>
    %select_n3A_2862 = arith.select %eq3A_2855, %concatenate3A_2858, %concatenate3A_2861 : vector<8x2048xi1>, vector<8x2048xf32>
    %and3A_2863 = arith.constant 512 : i32
    %and3A_2864 = vector.broadcast %and3A_2863 : i32 to vector<8x2048xi32>
    %and3A_2865 = arith.andi %iota3A, %and3A_2864 : vector<8x2048xi32>
    %eq3A_2866 = arith.constant 0 : i32
    %eq3A_2867 = vector.broadcast %eq3A_2866 : i32 to vector<8x2048xi32>
    %eq3A_2868 = arith.cmpi eq, %and3A_2865, %eq3A_2867 : vector<8x2048xi32>
    %slice3A_2869 = vector.extract_strided_slice %select_n3A_2849 {offsets = [0, 512], sizes = [8, 1536], strides = [1, 1]} : vector<8x2048xi32> to vector<8x1536xi32>
    %slice3A_2870 = vector.extract_strided_slice %select_n3A_2849 {offsets = [0, 0], sizes = [8, 512], strides = [1, 1]} : vector<8x2048xi32> to vector<8x512xi32>
    %concatenate3A_2871 = tpu.concatenate %slice3A_2869, %slice3A_2870 in 1 : vector<8x1536xi32>, vector<8x512xi32> -> vector<8x2048xi32>
    %slice3A_2872 = vector.extract_strided_slice %select_n3A_2849 {offsets = [0, 1536], sizes = [8, 512], strides = [1, 1]} : vector<8x2048xi32> to vector<8x512xi32>
    %slice3A_2873 = vector.extract_strided_slice %select_n3A_2849 {offsets = [0, 0], sizes = [8, 1536], strides = [1, 1]} : vector<8x2048xi32> to vector<8x1536xi32>
    %concatenate3A_2874 = tpu.concatenate %slice3A_2872, %slice3A_2873 in 1 : vector<8x512xi32>, vector<8x1536xi32> -> vector<8x2048xi32>
    %select_n3A_2875 = arith.select %eq3A_2868, %concatenate3A_2871, %concatenate3A_2874 : vector<8x2048xi1>, vector<8x2048xi32>
    %gt3A_2876 = arith.cmpf ogt, %select_n3A_2848, %select_n3A_2862 : vector<8x2048xf32>
    %eq3A_2877 = arith.cmpf oeq, %select_n3A_2848, %select_n3A_2862 : vector<8x2048xf32>
    %lt3A_2878 = arith.cmpi slt, %select_n3A_2849, %select_n3A_2875 : vector<8x2048xi32>
    %and3A_2879 = arith.andi %eq3A_2877, %lt3A_2878 : vector<8x2048xi1>
    %or3A_2880 = arith.ori %gt3A_2876, %and3A_2879 : vector<8x2048xi1>
    %and3A_2881 = arith.constant 512 : i32
    %and3A_2882 = vector.broadcast %and3A_2881 : i32 to vector<8x2048xi32>
    %and3A_2883 = arith.andi %iota3A, %and3A_2882 : vector<8x2048xi32>
    %eq3A_2884 = arith.constant 0 : i32
    %eq3A_2885 = vector.broadcast %eq3A_2884 : i32 to vector<8x2048xi32>
    %eq3A_2886 = arith.cmpi eq, %and3A_2883, %eq3A_2885 : vector<8x2048xi32>
    %and3A_2887 = arith.constant 2048 : i32
    %and3A_2888 = vector.broadcast %and3A_2887 : i32 to vector<8x2048xi32>
    %and3A_2889 = arith.andi %iota3A, %and3A_2888 : vector<8x2048xi32>
    %eq3A_2890 = arith.constant 0 : i32
    %eq3A_2891 = vector.broadcast %eq3A_2890 : i32 to vector<8x2048xi32>
    %eq3A_2892 = arith.cmpi eq, %and3A_2889, %eq3A_2891 : vector<8x2048xi32>
    %eq3A_2893 = arith.xori %eq3A_2886, %eq3A_2892 : vector<8x2048xi1>
    %eq3A_2894 = arith.constant dense<true> : vector<8x2048xi1>
    %eq3A_2895 = arith.xori %eq3A_2893, %eq3A_2894 : vector<8x2048xi1>
    %eq3A_2896 = arith.xori %eq3A_2895, %or3A_2880 : vector<8x2048xi1>
    %eq3A_2897 = arith.constant dense<true> : vector<8x2048xi1>
    %eq3A_2898 = arith.xori %eq3A_2896, %eq3A_2897 : vector<8x2048xi1>
    %select_n3A_2899 = arith.select %eq3A_2898, %select_n3A_2848, %select_n3A_2862 : vector<8x2048xi1>, vector<8x2048xf32>
    %select_n3A_2900 = arith.select %eq3A_2898, %select_n3A_2849, %select_n3A_2875 : vector<8x2048xi1>, vector<8x2048xi32>
    %and3A_2901 = arith.constant 256 : i32
    %and3A_2902 = vector.broadcast %and3A_2901 : i32 to vector<8x2048xi32>
    %and3A_2903 = arith.andi %iota3A, %and3A_2902 : vector<8x2048xi32>
    %eq3A_2904 = arith.constant 0 : i32
    %eq3A_2905 = vector.broadcast %eq3A_2904 : i32 to vector<8x2048xi32>
    %eq3A_2906 = arith.cmpi eq, %and3A_2903, %eq3A_2905 : vector<8x2048xi32>
    %slice3A_2907 = vector.extract_strided_slice %select_n3A_2899 {offsets = [0, 256], sizes = [8, 1792], strides = [1, 1]} : vector<8x2048xf32> to vector<8x1792xf32>
    %slice3A_2908 = vector.extract_strided_slice %select_n3A_2899 {offsets = [0, 0], sizes = [8, 256], strides = [1, 1]} : vector<8x2048xf32> to vector<8x256xf32>
    %concatenate3A_2909 = tpu.concatenate %slice3A_2907, %slice3A_2908 in 1 : vector<8x1792xf32>, vector<8x256xf32> -> vector<8x2048xf32>
    %slice3A_2910 = vector.extract_strided_slice %select_n3A_2899 {offsets = [0, 1792], sizes = [8, 256], strides = [1, 1]} : vector<8x2048xf32> to vector<8x256xf32>
    %slice3A_2911 = vector.extract_strided_slice %select_n3A_2899 {offsets = [0, 0], sizes = [8, 1792], strides = [1, 1]} : vector<8x2048xf32> to vector<8x1792xf32>
    %concatenate3A_2912 = tpu.concatenate %slice3A_2910, %slice3A_2911 in 1 : vector<8x256xf32>, vector<8x1792xf32> -> vector<8x2048xf32>
    %select_n3A_2913 = arith.select %eq3A_2906, %concatenate3A_2909, %concatenate3A_2912 : vector<8x2048xi1>, vector<8x2048xf32>
    %and3A_2914 = arith.constant 256 : i32
    %and3A_2915 = vector.broadcast %and3A_2914 : i32 to vector<8x2048xi32>
    %and3A_2916 = arith.andi %iota3A, %and3A_2915 : vector<8x2048xi32>
    %eq3A_2917 = arith.constant 0 : i32
    %eq3A_2918 = vector.broadcast %eq3A_2917 : i32 to vector<8x2048xi32>
    %eq3A_2919 = arith.cmpi eq, %and3A_2916, %eq3A_2918 : vector<8x2048xi32>
    %slice3A_2920 = vector.extract_strided_slice %select_n3A_2900 {offsets = [0, 256], sizes = [8, 1792], strides = [1, 1]} : vector<8x2048xi32> to vector<8x1792xi32>
    %slice3A_2921 = vector.extract_strided_slice %select_n3A_2900 {offsets = [0, 0], sizes = [8, 256], strides = [1, 1]} : vector<8x2048xi32> to vector<8x256xi32>
    %concatenate3A_2922 = tpu.concatenate %slice3A_2920, %slice3A_2921 in 1 : vector<8x1792xi32>, vector<8x256xi32> -> vector<8x2048xi32>
    %slice3A_2923 = vector.extract_strided_slice %select_n3A_2900 {offsets = [0, 1792], sizes = [8, 256], strides = [1, 1]} : vector<8x2048xi32> to vector<8x256xi32>
    %slice3A_2924 = vector.extract_strided_slice %select_n3A_2900 {offsets = [0, 0], sizes = [8, 1792], strides = [1, 1]} : vector<8x2048xi32> to vector<8x1792xi32>
    %concatenate3A_2925 = tpu.concatenate %slice3A_2923, %slice3A_2924 in 1 : vector<8x256xi32>, vector<8x1792xi32> -> vector<8x2048xi32>
    %select_n3A_2926 = arith.select %eq3A_2919, %concatenate3A_2922, %concatenate3A_2925 : vector<8x2048xi1>, vector<8x2048xi32>
    %gt3A_2927 = arith.cmpf ogt, %select_n3A_2899, %select_n3A_2913 : vector<8x2048xf32>
    %eq3A_2928 = arith.cmpf oeq, %select_n3A_2899, %select_n3A_2913 : vector<8x2048xf32>
    %lt3A_2929 = arith.cmpi slt, %select_n3A_2900, %select_n3A_2926 : vector<8x2048xi32>
    %and3A_2930 = arith.andi %eq3A_2928, %lt3A_2929 : vector<8x2048xi1>
    %or3A_2931 = arith.ori %gt3A_2927, %and3A_2930 : vector<8x2048xi1>
    %and3A_2932 = arith.constant 256 : i32
    %and3A_2933 = vector.broadcast %and3A_2932 : i32 to vector<8x2048xi32>
    %and3A_2934 = arith.andi %iota3A, %and3A_2933 : vector<8x2048xi32>
    %eq3A_2935 = arith.constant 0 : i32
    %eq3A_2936 = vector.broadcast %eq3A_2935 : i32 to vector<8x2048xi32>
    %eq3A_2937 = arith.cmpi eq, %and3A_2934, %eq3A_2936 : vector<8x2048xi32>
    %and3A_2938 = arith.constant 2048 : i32
    %and3A_2939 = vector.broadcast %and3A_2938 : i32 to vector<8x2048xi32>
    %and3A_2940 = arith.andi %iota3A, %and3A_2939 : vector<8x2048xi32>
    %eq3A_2941 = arith.constant 0 : i32
    %eq3A_2942 = vector.broadcast %eq3A_2941 : i32 to vector<8x2048xi32>
    %eq3A_2943 = arith.cmpi eq, %and3A_2940, %eq3A_2942 : vector<8x2048xi32>
    %eq3A_2944 = arith.xori %eq3A_2937, %eq3A_2943 : vector<8x2048xi1>
    %eq3A_2945 = arith.constant dense<true> : vector<8x2048xi1>
    %eq3A_2946 = arith.xori %eq3A_2944, %eq3A_2945 : vector<8x2048xi1>
    %eq3A_2947 = arith.xori %eq3A_2946, %or3A_2931 : vector<8x2048xi1>
    %eq3A_2948 = arith.constant dense<true> : vector<8x2048xi1>
    %eq3A_2949 = arith.xori %eq3A_2947, %eq3A_2948 : vector<8x2048xi1>
    %select_n3A_2950 = arith.select %eq3A_2949, %select_n3A_2899, %select_n3A_2913 : vector<8x2048xi1>, vector<8x2048xf32>
    %select_n3A_2951 = arith.select %eq3A_2949, %select_n3A_2900, %select_n3A_2926 : vector<8x2048xi1>, vector<8x2048xi32>
    %and3A_2952 = arith.constant 128 : i32
    %and3A_2953 = vector.broadcast %and3A_2952 : i32 to vector<8x2048xi32>
    %and3A_2954 = arith.andi %iota3A, %and3A_2953 : vector<8x2048xi32>
    %eq3A_2955 = arith.constant 0 : i32
    %eq3A_2956 = vector.broadcast %eq3A_2955 : i32 to vector<8x2048xi32>
    %eq3A_2957 = arith.cmpi eq, %and3A_2954, %eq3A_2956 : vector<8x2048xi32>
    %slice3A_2958 = vector.extract_strided_slice %select_n3A_2950 {offsets = [0, 128], sizes = [8, 1920], strides = [1, 1]} : vector<8x2048xf32> to vector<8x1920xf32>
    %slice3A_2959 = vector.extract_strided_slice %select_n3A_2950 {offsets = [0, 0], sizes = [8, 128], strides = [1, 1]} : vector<8x2048xf32> to vector<8x128xf32>
    %concatenate3A_2960 = tpu.concatenate %slice3A_2958, %slice3A_2959 in 1 : vector<8x1920xf32>, vector<8x128xf32> -> vector<8x2048xf32>
    %slice3A_2961 = vector.extract_strided_slice %select_n3A_2950 {offsets = [0, 1920], sizes = [8, 128], strides = [1, 1]} : vector<8x2048xf32> to vector<8x128xf32>
    %slice3A_2962 = vector.extract_strided_slice %select_n3A_2950 {offsets = [0, 0], sizes = [8, 1920], strides = [1, 1]} : vector<8x2048xf32> to vector<8x1920xf32>
    %concatenate3A_2963 = tpu.concatenate %slice3A_2961, %slice3A_2962 in 1 : vector<8x128xf32>, vector<8x1920xf32> -> vector<8x2048xf32>
    %select_n3A_2964 = arith.select %eq3A_2957, %concatenate3A_2960, %concatenate3A_2963 : vector<8x2048xi1>, vector<8x2048xf32>
    %and3A_2965 = arith.constant 128 : i32
    %and3A_2966 = vector.broadcast %and3A_2965 : i32 to vector<8x2048xi32>
    %and3A_2967 = arith.andi %iota3A, %and3A_2966 : vector<8x2048xi32>
    %eq3A_2968 = arith.constant 0 : i32
    %eq3A_2969 = vector.broadcast %eq3A_2968 : i32 to vector<8x2048xi32>
    %eq3A_2970 = arith.cmpi eq, %and3A_2967, %eq3A_2969 : vector<8x2048xi32>
    %slice3A_2971 = vector.extract_strided_slice %select_n3A_2951 {offsets = [0, 128], sizes = [8, 1920], strides = [1, 1]} : vector<8x2048xi32> to vector<8x1920xi32>
    %slice3A_2972 = vector.extract_strided_slice %select_n3A_2951 {offsets = [0, 0], sizes = [8, 128], strides = [1, 1]} : vector<8x2048xi32> to vector<8x128xi32>
    %concatenate3A_2973 = tpu.concatenate %slice3A_2971, %slice3A_2972 in 1 : vector<8x1920xi32>, vector<8x128xi32> -> vector<8x2048xi32>
    %slice3A_2974 = vector.extract_strided_slice %select_n3A_2951 {offsets = [0, 1920], sizes = [8, 128], strides = [1, 1]} : vector<8x2048xi32> to vector<8x128xi32>
    %slice3A_2975 = vector.extract_strided_slice %select_n3A_2951 {offsets = [0, 0], sizes = [8, 1920], strides = [1, 1]} : vector<8x2048xi32> to vector<8x1920xi32>
    %concatenate3A_2976 = tpu.concatenate %slice3A_2974, %slice3A_2975 in 1 : vector<8x128xi32>, vector<8x1920xi32> -> vector<8x2048xi32>
    %select_n3A_2977 = arith.select %eq3A_2970, %concatenate3A_2973, %concatenate3A_2976 : vector<8x2048xi1>, vector<8x2048xi32>
    %gt3A_2978 = arith.cmpf ogt, %select_n3A_2950, %select_n3A_2964 : vector<8x2048xf32>
    %eq3A_2979 = arith.cmpf oeq, %select_n3A_2950, %select_n3A_2964 : vector<8x2048xf32>
    %lt3A_2980 = arith.cmpi slt, %select_n3A_2951, %select_n3A_2977 : vector<8x2048xi32>
    %and3A_2981 = arith.andi %eq3A_2979, %lt3A_2980 : vector<8x2048xi1>
    %or3A_2982 = arith.ori %gt3A_2978, %and3A_2981 : vector<8x2048xi1>
    %and3A_2983 = arith.constant 128 : i32
    %and3A_2984 = vector.broadcast %and3A_2983 : i32 to vector<8x2048xi32>
    %and3A_2985 = arith.andi %iota3A, %and3A_2984 : vector<8x2048xi32>
    %eq3A_2986 = arith.constant 0 : i32
    %eq3A_2987 = vector.broadcast %eq3A_2986 : i32 to vector<8x2048xi32>
    %eq3A_2988 = arith.cmpi eq, %and3A_2985, %eq3A_2987 : vector<8x2048xi32>
    %and3A_2989 = arith.constant 2048 : i32
    %and3A_2990 = vector.broadcast %and3A_2989 : i32 to vector<8x2048xi32>
    %and3A_2991 = arith.andi %iota3A, %and3A_2990 : vector<8x2048xi32>
    %eq3A_2992 = arith.constant 0 : i32
    %eq3A_2993 = vector.broadcast %eq3A_2992 : i32 to vector<8x2048xi32>
    %eq3A_2994 = arith.cmpi eq, %and3A_2991, %eq3A_2993 : vector<8x2048xi32>
    %eq3A_2995 = arith.xori %eq3A_2988, %eq3A_2994 : vector<8x2048xi1>
    %eq3A_2996 = arith.constant dense<true> : vector<8x2048xi1>
    %eq3A_2997 = arith.xori %eq3A_2995, %eq3A_2996 : vector<8x2048xi1>
    %eq3A_2998 = arith.xori %eq3A_2997, %or3A_2982 : vector<8x2048xi1>
    %eq3A_2999 = arith.constant dense<true> : vector<8x2048xi1>
    %eq3A_3000 = arith.xori %eq3A_2998, %eq3A_2999 : vector<8x2048xi1>
    %select_n3A_3001 = arith.select %eq3A_3000, %select_n3A_2950, %select_n3A_2964 : vector<8x2048xi1>, vector<8x2048xf32>
    %select_n3A_3002 = arith.select %eq3A_3000, %select_n3A_2951, %select_n3A_2977 : vector<8x2048xi1>, vector<8x2048xi32>
    %and3A_3003 = arith.constant 64 : i32
    %and3A_3004 = vector.broadcast %and3A_3003 : i32 to vector<8x2048xi32>
    %and3A_3005 = arith.andi %iota3A, %and3A_3004 : vector<8x2048xi32>
    %eq3A_3006 = arith.constant 0 : i32
    %eq3A_3007 = vector.broadcast %eq3A_3006 : i32 to vector<8x2048xi32>
    %eq3A_3008 = arith.cmpi eq, %and3A_3005, %eq3A_3007 : vector<8x2048xi32>
    %slice3A_3009 = vector.extract_strided_slice %select_n3A_3001 {offsets = [0, 64], sizes = [8, 1984], strides = [1, 1]} : vector<8x2048xf32> to vector<8x1984xf32>
    %slice3A_3010 = vector.extract_strided_slice %select_n3A_3001 {offsets = [0, 0], sizes = [8, 64], strides = [1, 1]} : vector<8x2048xf32> to vector<8x64xf32>
    %concatenate3A_3011 = tpu.concatenate %slice3A_3009, %slice3A_3010 in 1 : vector<8x1984xf32>, vector<8x64xf32> -> vector<8x2048xf32>
    %slice3A_3012 = vector.extract_strided_slice %select_n3A_3001 {offsets = [0, 1984], sizes = [8, 64], strides = [1, 1]} : vector<8x2048xf32> to vector<8x64xf32>
    %slice3A_3013 = vector.extract_strided_slice %select_n3A_3001 {offsets = [0, 0], sizes = [8, 1984], strides = [1, 1]} : vector<8x2048xf32> to vector<8x1984xf32>
    %concatenate3A_3014 = tpu.concatenate %slice3A_3012, %slice3A_3013 in 1 : vector<8x64xf32>, vector<8x1984xf32> -> vector<8x2048xf32>
    %select_n3A_3015 = arith.select %eq3A_3008, %concatenate3A_3011, %concatenate3A_3014 : vector<8x2048xi1>, vector<8x2048xf32>
    %and3A_3016 = arith.constant 64 : i32
    %and3A_3017 = vector.broadcast %and3A_3016 : i32 to vector<8x2048xi32>
    %and3A_3018 = arith.andi %iota3A, %and3A_3017 : vector<8x2048xi32>
    %eq3A_3019 = arith.constant 0 : i32
    %eq3A_3020 = vector.broadcast %eq3A_3019 : i32 to vector<8x2048xi32>
    %eq3A_3021 = arith.cmpi eq, %and3A_3018, %eq3A_3020 : vector<8x2048xi32>
    %slice3A_3022 = vector.extract_strided_slice %select_n3A_3002 {offsets = [0, 64], sizes = [8, 1984], strides = [1, 1]} : vector<8x2048xi32> to vector<8x1984xi32>
    %slice3A_3023 = vector.extract_strided_slice %select_n3A_3002 {offsets = [0, 0], sizes = [8, 64], strides = [1, 1]} : vector<8x2048xi32> to vector<8x64xi32>
    %concatenate3A_3024 = tpu.concatenate %slice3A_3022, %slice3A_3023 in 1 : vector<8x1984xi32>, vector<8x64xi32> -> vector<8x2048xi32>
    %slice3A_3025 = vector.extract_strided_slice %select_n3A_3002 {offsets = [0, 1984], sizes = [8, 64], strides = [1, 1]} : vector<8x2048xi32> to vector<8x64xi32>
    %slice3A_3026 = vector.extract_strided_slice %select_n3A_3002 {offsets = [0, 0], sizes = [8, 1984], strides = [1, 1]} : vector<8x2048xi32> to vector<8x1984xi32>
    %concatenate3A_3027 = tpu.concatenate %slice3A_3025, %slice3A_3026 in 1 : vector<8x64xi32>, vector<8x1984xi32> -> vector<8x2048xi32>
    %select_n3A_3028 = arith.select %eq3A_3021, %concatenate3A_3024, %concatenate3A_3027 : vector<8x2048xi1>, vector<8x2048xi32>
    %gt3A_3029 = arith.cmpf ogt, %select_n3A_3001, %select_n3A_3015 : vector<8x2048xf32>
    %eq3A_3030 = arith.cmpf oeq, %select_n3A_3001, %select_n3A_3015 : vector<8x2048xf32>
    %lt3A_3031 = arith.cmpi slt, %select_n3A_3002, %select_n3A_3028 : vector<8x2048xi32>
    %and3A_3032 = arith.andi %eq3A_3030, %lt3A_3031 : vector<8x2048xi1>
    %or3A_3033 = arith.ori %gt3A_3029, %and3A_3032 : vector<8x2048xi1>
    %and3A_3034 = arith.constant 64 : i32
    %and3A_3035 = vector.broadcast %and3A_3034 : i32 to vector<8x2048xi32>
    %and3A_3036 = arith.andi %iota3A, %and3A_3035 : vector<8x2048xi32>
    %eq3A_3037 = arith.constant 0 : i32
    %eq3A_3038 = vector.broadcast %eq3A_3037 : i32 to vector<8x2048xi32>
    %eq3A_3039 = arith.cmpi eq, %and3A_3036, %eq3A_3038 : vector<8x2048xi32>
    %and3A_3040 = arith.constant 2048 : i32
    %and3A_3041 = vector.broadcast %and3A_3040 : i32 to vector<8x2048xi32>
    %and3A_3042 = arith.andi %iota3A, %and3A_3041 : vector<8x2048xi32>
    %eq3A_3043 = arith.constant 0 : i32
    %eq3A_3044 = vector.broadcast %eq3A_3043 : i32 to vector<8x2048xi32>
    %eq3A_3045 = arith.cmpi eq, %and3A_3042, %eq3A_3044 : vector<8x2048xi32>
    %eq3A_3046 = arith.xori %eq3A_3039, %eq3A_3045 : vector<8x2048xi1>
    %eq3A_3047 = arith.constant dense<true> : vector<8x2048xi1>
    %eq3A_3048 = arith.xori %eq3A_3046, %eq3A_3047 : vector<8x2048xi1>
    %eq3A_3049 = arith.xori %eq3A_3048, %or3A_3033 : vector<8x2048xi1>
    %eq3A_3050 = arith.constant dense<true> : vector<8x2048xi1>
    %eq3A_3051 = arith.xori %eq3A_3049, %eq3A_3050 : vector<8x2048xi1>
    %select_n3A_3052 = arith.select %eq3A_3051, %select_n3A_3001, %select_n3A_3015 : vector<8x2048xi1>, vector<8x2048xf32>
    %select_n3A_3053 = arith.select %eq3A_3051, %select_n3A_3002, %select_n3A_3028 : vector<8x2048xi1>, vector<8x2048xi32>
    %and3A_3054 = arith.constant 32 : i32
    %and3A_3055 = vector.broadcast %and3A_3054 : i32 to vector<8x2048xi32>
    %and3A_3056 = arith.andi %iota3A, %and3A_3055 : vector<8x2048xi32>
    %eq3A_3057 = arith.constant 0 : i32
    %eq3A_3058 = vector.broadcast %eq3A_3057 : i32 to vector<8x2048xi32>
    %eq3A_3059 = arith.cmpi eq, %and3A_3056, %eq3A_3058 : vector<8x2048xi32>
    %slice3A_3060 = vector.extract_strided_slice %select_n3A_3052 {offsets = [0, 32], sizes = [8, 2016], strides = [1, 1]} : vector<8x2048xf32> to vector<8x2016xf32>
    %slice3A_3061 = vector.extract_strided_slice %select_n3A_3052 {offsets = [0, 0], sizes = [8, 32], strides = [1, 1]} : vector<8x2048xf32> to vector<8x32xf32>
    %concatenate3A_3062 = tpu.concatenate %slice3A_3060, %slice3A_3061 in 1 : vector<8x2016xf32>, vector<8x32xf32> -> vector<8x2048xf32>
    %slice3A_3063 = vector.extract_strided_slice %select_n3A_3052 {offsets = [0, 2016], sizes = [8, 32], strides = [1, 1]} : vector<8x2048xf32> to vector<8x32xf32>
    %slice3A_3064 = vector.extract_strided_slice %select_n3A_3052 {offsets = [0, 0], sizes = [8, 2016], strides = [1, 1]} : vector<8x2048xf32> to vector<8x2016xf32>
    %concatenate3A_3065 = tpu.concatenate %slice3A_3063, %slice3A_3064 in 1 : vector<8x32xf32>, vector<8x2016xf32> -> vector<8x2048xf32>
    %select_n3A_3066 = arith.select %eq3A_3059, %concatenate3A_3062, %concatenate3A_3065 : vector<8x2048xi1>, vector<8x2048xf32>
    %and3A_3067 = arith.constant 32 : i32
    %and3A_3068 = vector.broadcast %and3A_3067 : i32 to vector<8x2048xi32>
    %and3A_3069 = arith.andi %iota3A, %and3A_3068 : vector<8x2048xi32>
    %eq3A_3070 = arith.constant 0 : i32
    %eq3A_3071 = vector.broadcast %eq3A_3070 : i32 to vector<8x2048xi32>
    %eq3A_3072 = arith.cmpi eq, %and3A_3069, %eq3A_3071 : vector<8x2048xi32>
    %slice3A_3073 = vector.extract_strided_slice %select_n3A_3053 {offsets = [0, 32], sizes = [8, 2016], strides = [1, 1]} : vector<8x2048xi32> to vector<8x2016xi32>
    %slice3A_3074 = vector.extract_strided_slice %select_n3A_3053 {offsets = [0, 0], sizes = [8, 32], strides = [1, 1]} : vector<8x2048xi32> to vector<8x32xi32>
    %concatenate3A_3075 = tpu.concatenate %slice3A_3073, %slice3A_3074 in 1 : vector<8x2016xi32>, vector<8x32xi32> -> vector<8x2048xi32>
    %slice3A_3076 = vector.extract_strided_slice %select_n3A_3053 {offsets = [0, 2016], sizes = [8, 32], strides = [1, 1]} : vector<8x2048xi32> to vector<8x32xi32>
    %slice3A_3077 = vector.extract_strided_slice %select_n3A_3053 {offsets = [0, 0], sizes = [8, 2016], strides = [1, 1]} : vector<8x2048xi32> to vector<8x2016xi32>
    %concatenate3A_3078 = tpu.concatenate %slice3A_3076, %slice3A_3077 in 1 : vector<8x32xi32>, vector<8x2016xi32> -> vector<8x2048xi32>
    %select_n3A_3079 = arith.select %eq3A_3072, %concatenate3A_3075, %concatenate3A_3078 : vector<8x2048xi1>, vector<8x2048xi32>
    %gt3A_3080 = arith.cmpf ogt, %select_n3A_3052, %select_n3A_3066 : vector<8x2048xf32>
    %eq3A_3081 = arith.cmpf oeq, %select_n3A_3052, %select_n3A_3066 : vector<8x2048xf32>
    %lt3A_3082 = arith.cmpi slt, %select_n3A_3053, %select_n3A_3079 : vector<8x2048xi32>
    %and3A_3083 = arith.andi %eq3A_3081, %lt3A_3082 : vector<8x2048xi1>
    %or3A_3084 = arith.ori %gt3A_3080, %and3A_3083 : vector<8x2048xi1>
    %and3A_3085 = arith.constant 32 : i32
    %and3A_3086 = vector.broadcast %and3A_3085 : i32 to vector<8x2048xi32>
    %and3A_3087 = arith.andi %iota3A, %and3A_3086 : vector<8x2048xi32>
    %eq3A_3088 = arith.constant 0 : i32
    %eq3A_3089 = vector.broadcast %eq3A_3088 : i32 to vector<8x2048xi32>
    %eq3A_3090 = arith.cmpi eq, %and3A_3087, %eq3A_3089 : vector<8x2048xi32>
    %and3A_3091 = arith.constant 2048 : i32
    %and3A_3092 = vector.broadcast %and3A_3091 : i32 to vector<8x2048xi32>
    %and3A_3093 = arith.andi %iota3A, %and3A_3092 : vector<8x2048xi32>
    %eq3A_3094 = arith.constant 0 : i32
    %eq3A_3095 = vector.broadcast %eq3A_3094 : i32 to vector<8x2048xi32>
    %eq3A_3096 = arith.cmpi eq, %and3A_3093, %eq3A_3095 : vector<8x2048xi32>
    %eq3A_3097 = arith.xori %eq3A_3090, %eq3A_3096 : vector<8x2048xi1>
    %eq3A_3098 = arith.constant dense<true> : vector<8x2048xi1>
    %eq3A_3099 = arith.xori %eq3A_3097, %eq3A_3098 : vector<8x2048xi1>
    %eq3A_3100 = arith.xori %eq3A_3099, %or3A_3084 : vector<8x2048xi1>
    %eq3A_3101 = arith.constant dense<true> : vector<8x2048xi1>
    %eq3A_3102 = arith.xori %eq3A_3100, %eq3A_3101 : vector<8x2048xi1>
    %select_n3A_3103 = arith.select %eq3A_3102, %select_n3A_3052, %select_n3A_3066 : vector<8x2048xi1>, vector<8x2048xf32>
    %select_n3A_3104 = arith.select %eq3A_3102, %select_n3A_3053, %select_n3A_3079 : vector<8x2048xi1>, vector<8x2048xi32>
    %and3A_3105 = arith.constant 16 : i32
    %and3A_3106 = vector.broadcast %and3A_3105 : i32 to vector<8x2048xi32>
    %and3A_3107 = arith.andi %iota3A, %and3A_3106 : vector<8x2048xi32>
    %eq3A_3108 = arith.constant 0 : i32
    %eq3A_3109 = vector.broadcast %eq3A_3108 : i32 to vector<8x2048xi32>
    %eq3A_3110 = arith.cmpi eq, %and3A_3107, %eq3A_3109 : vector<8x2048xi32>
    %slice3A_3111 = vector.extract_strided_slice %select_n3A_3103 {offsets = [0, 16], sizes = [8, 2032], strides = [1, 1]} : vector<8x2048xf32> to vector<8x2032xf32>
    %slice3A_3112 = vector.extract_strided_slice %select_n3A_3103 {offsets = [0, 0], sizes = [8, 16], strides = [1, 1]} : vector<8x2048xf32> to vector<8x16xf32>
    %concatenate3A_3113 = tpu.concatenate %slice3A_3111, %slice3A_3112 in 1 : vector<8x2032xf32>, vector<8x16xf32> -> vector<8x2048xf32>
    %slice3A_3114 = vector.extract_strided_slice %select_n3A_3103 {offsets = [0, 2032], sizes = [8, 16], strides = [1, 1]} : vector<8x2048xf32> to vector<8x16xf32>
    %slice3A_3115 = vector.extract_strided_slice %select_n3A_3103 {offsets = [0, 0], sizes = [8, 2032], strides = [1, 1]} : vector<8x2048xf32> to vector<8x2032xf32>
    %concatenate3A_3116 = tpu.concatenate %slice3A_3114, %slice3A_3115 in 1 : vector<8x16xf32>, vector<8x2032xf32> -> vector<8x2048xf32>
    %select_n3A_3117 = arith.select %eq3A_3110, %concatenate3A_3113, %concatenate3A_3116 : vector<8x2048xi1>, vector<8x2048xf32>
    %and3A_3118 = arith.constant 16 : i32
    %and3A_3119 = vector.broadcast %and3A_3118 : i32 to vector<8x2048xi32>
    %and3A_3120 = arith.andi %iota3A, %and3A_3119 : vector<8x2048xi32>
    %eq3A_3121 = arith.constant 0 : i32
    %eq3A_3122 = vector.broadcast %eq3A_3121 : i32 to vector<8x2048xi32>
    %eq3A_3123 = arith.cmpi eq, %and3A_3120, %eq3A_3122 : vector<8x2048xi32>
    %slice3A_3124 = vector.extract_strided_slice %select_n3A_3104 {offsets = [0, 16], sizes = [8, 2032], strides = [1, 1]} : vector<8x2048xi32> to vector<8x2032xi32>
    %slice3A_3125 = vector.extract_strided_slice %select_n3A_3104 {offsets = [0, 0], sizes = [8, 16], strides = [1, 1]} : vector<8x2048xi32> to vector<8x16xi32>
    %concatenate3A_3126 = tpu.concatenate %slice3A_3124, %slice3A_3125 in 1 : vector<8x2032xi32>, vector<8x16xi32> -> vector<8x2048xi32>
    %slice3A_3127 = vector.extract_strided_slice %select_n3A_3104 {offsets = [0, 2032], sizes = [8, 16], strides = [1, 1]} : vector<8x2048xi32> to vector<8x16xi32>
    %slice3A_3128 = vector.extract_strided_slice %select_n3A_3104 {offsets = [0, 0], sizes = [8, 2032], strides = [1, 1]} : vector<8x2048xi32> to vector<8x2032xi32>
    %concatenate3A_3129 = tpu.concatenate %slice3A_3127, %slice3A_3128 in 1 : vector<8x16xi32>, vector<8x2032xi32> -> vector<8x2048xi32>
    %select_n3A_3130 = arith.select %eq3A_3123, %concatenate3A_3126, %concatenate3A_3129 : vector<8x2048xi1>, vector<8x2048xi32>
    %gt3A_3131 = arith.cmpf ogt, %select_n3A_3103, %select_n3A_3117 : vector<8x2048xf32>
    %eq3A_3132 = arith.cmpf oeq, %select_n3A_3103, %select_n3A_3117 : vector<8x2048xf32>
    %lt3A_3133 = arith.cmpi slt, %select_n3A_3104, %select_n3A_3130 : vector<8x2048xi32>
    %and3A_3134 = arith.andi %eq3A_3132, %lt3A_3133 : vector<8x2048xi1>
    %or3A_3135 = arith.ori %gt3A_3131, %and3A_3134 : vector<8x2048xi1>
    %and3A_3136 = arith.constant 16 : i32
    %and3A_3137 = vector.broadcast %and3A_3136 : i32 to vector<8x2048xi32>
    %and3A_3138 = arith.andi %iota3A, %and3A_3137 : vector<8x2048xi32>
    %eq3A_3139 = arith.constant 0 : i32
    %eq3A_3140 = vector.broadcast %eq3A_3139 : i32 to vector<8x2048xi32>
    %eq3A_3141 = arith.cmpi eq, %and3A_3138, %eq3A_3140 : vector<8x2048xi32>
    %and3A_3142 = arith.constant 2048 : i32
    %and3A_3143 = vector.broadcast %and3A_3142 : i32 to vector<8x2048xi32>
    %and3A_3144 = arith.andi %iota3A, %and3A_3143 : vector<8x2048xi32>
    %eq3A_3145 = arith.constant 0 : i32
    %eq3A_3146 = vector.broadcast %eq3A_3145 : i32 to vector<8x2048xi32>
    %eq3A_3147 = arith.cmpi eq, %and3A_3144, %eq3A_3146 : vector<8x2048xi32>
    %eq3A_3148 = arith.xori %eq3A_3141, %eq3A_3147 : vector<8x2048xi1>
    %eq3A_3149 = arith.constant dense<true> : vector<8x2048xi1>
    %eq3A_3150 = arith.xori %eq3A_3148, %eq3A_3149 : vector<8x2048xi1>
    %eq3A_3151 = arith.xori %eq3A_3150, %or3A_3135 : vector<8x2048xi1>
    %eq3A_3152 = arith.constant dense<true> : vector<8x2048xi1>
    %eq3A_3153 = arith.xori %eq3A_3151, %eq3A_3152 : vector<8x2048xi1>
    %select_n3A_3154 = arith.select %eq3A_3153, %select_n3A_3103, %select_n3A_3117 : vector<8x2048xi1>, vector<8x2048xf32>
    %select_n3A_3155 = arith.select %eq3A_3153, %select_n3A_3104, %select_n3A_3130 : vector<8x2048xi1>, vector<8x2048xi32>
    %and3A_3156 = arith.constant 8 : i32
    %and3A_3157 = vector.broadcast %and3A_3156 : i32 to vector<8x2048xi32>
    %and3A_3158 = arith.andi %iota3A, %and3A_3157 : vector<8x2048xi32>
    %eq3A_3159 = arith.constant 0 : i32
    %eq3A_3160 = vector.broadcast %eq3A_3159 : i32 to vector<8x2048xi32>
    %eq3A_3161 = arith.cmpi eq, %and3A_3158, %eq3A_3160 : vector<8x2048xi32>
    %slice3A_3162 = vector.extract_strided_slice %select_n3A_3154 {offsets = [0, 8], sizes = [8, 2040], strides = [1, 1]} : vector<8x2048xf32> to vector<8x2040xf32>
    %slice3A_3163 = vector.extract_strided_slice %select_n3A_3154 {offsets = [0, 0], sizes = [8, 8], strides = [1, 1]} : vector<8x2048xf32> to vector<8x8xf32>
    %concatenate3A_3164 = tpu.concatenate %slice3A_3162, %slice3A_3163 in 1 : vector<8x2040xf32>, vector<8x8xf32> -> vector<8x2048xf32>
    %slice3A_3165 = vector.extract_strided_slice %select_n3A_3154 {offsets = [0, 2040], sizes = [8, 8], strides = [1, 1]} : vector<8x2048xf32> to vector<8x8xf32>
    %slice3A_3166 = vector.extract_strided_slice %select_n3A_3154 {offsets = [0, 0], sizes = [8, 2040], strides = [1, 1]} : vector<8x2048xf32> to vector<8x2040xf32>
    %concatenate3A_3167 = tpu.concatenate %slice3A_3165, %slice3A_3166 in 1 : vector<8x8xf32>, vector<8x2040xf32> -> vector<8x2048xf32>
    %select_n3A_3168 = arith.select %eq3A_3161, %concatenate3A_3164, %concatenate3A_3167 : vector<8x2048xi1>, vector<8x2048xf32>
    %and3A_3169 = arith.constant 8 : i32
    %and3A_3170 = vector.broadcast %and3A_3169 : i32 to vector<8x2048xi32>
    %and3A_3171 = arith.andi %iota3A, %and3A_3170 : vector<8x2048xi32>
    %eq3A_3172 = arith.constant 0 : i32
    %eq3A_3173 = vector.broadcast %eq3A_3172 : i32 to vector<8x2048xi32>
    %eq3A_3174 = arith.cmpi eq, %and3A_3171, %eq3A_3173 : vector<8x2048xi32>
    %slice3A_3175 = vector.extract_strided_slice %select_n3A_3155 {offsets = [0, 8], sizes = [8, 2040], strides = [1, 1]} : vector<8x2048xi32> to vector<8x2040xi32>
    %slice3A_3176 = vector.extract_strided_slice %select_n3A_3155 {offsets = [0, 0], sizes = [8, 8], strides = [1, 1]} : vector<8x2048xi32> to vector<8x8xi32>
    %concatenate3A_3177 = tpu.concatenate %slice3A_3175, %slice3A_3176 in 1 : vector<8x2040xi32>, vector<8x8xi32> -> vector<8x2048xi32>
    %slice3A_3178 = vector.extract_strided_slice %select_n3A_3155 {offsets = [0, 2040], sizes = [8, 8], strides = [1, 1]} : vector<8x2048xi32> to vector<8x8xi32>
    %slice3A_3179 = vector.extract_strided_slice %select_n3A_3155 {offsets = [0, 0], sizes = [8, 2040], strides = [1, 1]} : vector<8x2048xi32> to vector<8x2040xi32>
    %concatenate3A_3180 = tpu.concatenate %slice3A_3178, %slice3A_3179 in 1 : vector<8x8xi32>, vector<8x2040xi32> -> vector<8x2048xi32>
    %select_n3A_3181 = arith.select %eq3A_3174, %concatenate3A_3177, %concatenate3A_3180 : vector<8x2048xi1>, vector<8x2048xi32>
    %gt3A_3182 = arith.cmpf ogt, %select_n3A_3154, %select_n3A_3168 : vector<8x2048xf32>
    %eq3A_3183 = arith.cmpf oeq, %select_n3A_3154, %select_n3A_3168 : vector<8x2048xf32>
    %lt3A_3184 = arith.cmpi slt, %select_n3A_3155, %select_n3A_3181 : vector<8x2048xi32>
    %and3A_3185 = arith.andi %eq3A_3183, %lt3A_3184 : vector<8x2048xi1>
    %or3A_3186 = arith.ori %gt3A_3182, %and3A_3185 : vector<8x2048xi1>
    %and3A_3187 = arith.constant 8 : i32
    %and3A_3188 = vector.broadcast %and3A_3187 : i32 to vector<8x2048xi32>
    %and3A_3189 = arith.andi %iota3A, %and3A_3188 : vector<8x2048xi32>
    %eq3A_3190 = arith.constant 0 : i32
    %eq3A_3191 = vector.broadcast %eq3A_3190 : i32 to vector<8x2048xi32>
    %eq3A_3192 = arith.cmpi eq, %and3A_3189, %eq3A_3191 : vector<8x2048xi32>
    %and3A_3193 = arith.constant 2048 : i32
    %and3A_3194 = vector.broadcast %and3A_3193 : i32 to vector<8x2048xi32>
    %and3A_3195 = arith.andi %iota3A, %and3A_3194 : vector<8x2048xi32>
    %eq3A_3196 = arith.constant 0 : i32
    %eq3A_3197 = vector.broadcast %eq3A_3196 : i32 to vector<8x2048xi32>
    %eq3A_3198 = arith.cmpi eq, %and3A_3195, %eq3A_3197 : vector<8x2048xi32>
    %eq3A_3199 = arith.xori %eq3A_3192, %eq3A_3198 : vector<8x2048xi1>
    %eq3A_3200 = arith.constant dense<true> : vector<8x2048xi1>
    %eq3A_3201 = arith.xori %eq3A_3199, %eq3A_3200 : vector<8x2048xi1>
    %eq3A_3202 = arith.xori %eq3A_3201, %or3A_3186 : vector<8x2048xi1>
    %eq3A_3203 = arith.constant dense<true> : vector<8x2048xi1>
    %eq3A_3204 = arith.xori %eq3A_3202, %eq3A_3203 : vector<8x2048xi1>
    %select_n3A_3205 = arith.select %eq3A_3204, %select_n3A_3154, %select_n3A_3168 : vector<8x2048xi1>, vector<8x2048xf32>
    %select_n3A_3206 = arith.select %eq3A_3204, %select_n3A_3155, %select_n3A_3181 : vector<8x2048xi1>, vector<8x2048xi32>
    %and3A_3207 = arith.constant 4 : i32
    %and3A_3208 = vector.broadcast %and3A_3207 : i32 to vector<8x2048xi32>
    %and3A_3209 = arith.andi %iota3A, %and3A_3208 : vector<8x2048xi32>
    %eq3A_3210 = arith.constant 0 : i32
    %eq3A_3211 = vector.broadcast %eq3A_3210 : i32 to vector<8x2048xi32>
    %eq3A_3212 = arith.cmpi eq, %and3A_3209, %eq3A_3211 : vector<8x2048xi32>
    %slice3A_3213 = vector.extract_strided_slice %select_n3A_3205 {offsets = [0, 4], sizes = [8, 2044], strides = [1, 1]} : vector<8x2048xf32> to vector<8x2044xf32>
    %slice3A_3214 = vector.extract_strided_slice %select_n3A_3205 {offsets = [0, 0], sizes = [8, 4], strides = [1, 1]} : vector<8x2048xf32> to vector<8x4xf32>
    %concatenate3A_3215 = tpu.concatenate %slice3A_3213, %slice3A_3214 in 1 : vector<8x2044xf32>, vector<8x4xf32> -> vector<8x2048xf32>
    %slice3A_3216 = vector.extract_strided_slice %select_n3A_3205 {offsets = [0, 2044], sizes = [8, 4], strides = [1, 1]} : vector<8x2048xf32> to vector<8x4xf32>
    %slice3A_3217 = vector.extract_strided_slice %select_n3A_3205 {offsets = [0, 0], sizes = [8, 2044], strides = [1, 1]} : vector<8x2048xf32> to vector<8x2044xf32>
    %concatenate3A_3218 = tpu.concatenate %slice3A_3216, %slice3A_3217 in 1 : vector<8x4xf32>, vector<8x2044xf32> -> vector<8x2048xf32>
    %select_n3A_3219 = arith.select %eq3A_3212, %concatenate3A_3215, %concatenate3A_3218 : vector<8x2048xi1>, vector<8x2048xf32>
    %and3A_3220 = arith.constant 4 : i32
    %and3A_3221 = vector.broadcast %and3A_3220 : i32 to vector<8x2048xi32>
    %and3A_3222 = arith.andi %iota3A, %and3A_3221 : vector<8x2048xi32>
    %eq3A_3223 = arith.constant 0 : i32
    %eq3A_3224 = vector.broadcast %eq3A_3223 : i32 to vector<8x2048xi32>
    %eq3A_3225 = arith.cmpi eq, %and3A_3222, %eq3A_3224 : vector<8x2048xi32>
    %slice3A_3226 = vector.extract_strided_slice %select_n3A_3206 {offsets = [0, 4], sizes = [8, 2044], strides = [1, 1]} : vector<8x2048xi32> to vector<8x2044xi32>
    %slice3A_3227 = vector.extract_strided_slice %select_n3A_3206 {offsets = [0, 0], sizes = [8, 4], strides = [1, 1]} : vector<8x2048xi32> to vector<8x4xi32>
    %concatenate3A_3228 = tpu.concatenate %slice3A_3226, %slice3A_3227 in 1 : vector<8x2044xi32>, vector<8x4xi32> -> vector<8x2048xi32>
    %slice3A_3229 = vector.extract_strided_slice %select_n3A_3206 {offsets = [0, 2044], sizes = [8, 4], strides = [1, 1]} : vector<8x2048xi32> to vector<8x4xi32>
    %slice3A_3230 = vector.extract_strided_slice %select_n3A_3206 {offsets = [0, 0], sizes = [8, 2044], strides = [1, 1]} : vector<8x2048xi32> to vector<8x2044xi32>
    %concatenate3A_3231 = tpu.concatenate %slice3A_3229, %slice3A_3230 in 1 : vector<8x4xi32>, vector<8x2044xi32> -> vector<8x2048xi32>
    %select_n3A_3232 = arith.select %eq3A_3225, %concatenate3A_3228, %concatenate3A_3231 : vector<8x2048xi1>, vector<8x2048xi32>
    %gt3A_3233 = arith.cmpf ogt, %select_n3A_3205, %select_n3A_3219 : vector<8x2048xf32>
    %eq3A_3234 = arith.cmpf oeq, %select_n3A_3205, %select_n3A_3219 : vector<8x2048xf32>
    %lt3A_3235 = arith.cmpi slt, %select_n3A_3206, %select_n3A_3232 : vector<8x2048xi32>
    %and3A_3236 = arith.andi %eq3A_3234, %lt3A_3235 : vector<8x2048xi1>
    %or3A_3237 = arith.ori %gt3A_3233, %and3A_3236 : vector<8x2048xi1>
    %and3A_3238 = arith.constant 4 : i32
    %and3A_3239 = vector.broadcast %and3A_3238 : i32 to vector<8x2048xi32>
    %and3A_3240 = arith.andi %iota3A, %and3A_3239 : vector<8x2048xi32>
    %eq3A_3241 = arith.constant 0 : i32
    %eq3A_3242 = vector.broadcast %eq3A_3241 : i32 to vector<8x2048xi32>
    %eq3A_3243 = arith.cmpi eq, %and3A_3240, %eq3A_3242 : vector<8x2048xi32>
    %and3A_3244 = arith.constant 2048 : i32
    %and3A_3245 = vector.broadcast %and3A_3244 : i32 to vector<8x2048xi32>
    %and3A_3246 = arith.andi %iota3A, %and3A_3245 : vector<8x2048xi32>
    %eq3A_3247 = arith.constant 0 : i32
    %eq3A_3248 = vector.broadcast %eq3A_3247 : i32 to vector<8x2048xi32>
    %eq3A_3249 = arith.cmpi eq, %and3A_3246, %eq3A_3248 : vector<8x2048xi32>
    %eq3A_3250 = arith.xori %eq3A_3243, %eq3A_3249 : vector<8x2048xi1>
    %eq3A_3251 = arith.constant dense<true> : vector<8x2048xi1>
    %eq3A_3252 = arith.xori %eq3A_3250, %eq3A_3251 : vector<8x2048xi1>
    %eq3A_3253 = arith.xori %eq3A_3252, %or3A_3237 : vector<8x2048xi1>
    %eq3A_3254 = arith.constant dense<true> : vector<8x2048xi1>
    %eq3A_3255 = arith.xori %eq3A_3253, %eq3A_3254 : vector<8x2048xi1>
    %select_n3A_3256 = arith.select %eq3A_3255, %select_n3A_3205, %select_n3A_3219 : vector<8x2048xi1>, vector<8x2048xf32>
    %select_n3A_3257 = arith.select %eq3A_3255, %select_n3A_3206, %select_n3A_3232 : vector<8x2048xi1>, vector<8x2048xi32>
    %and3A_3258 = arith.constant 2 : i32
    %and3A_3259 = vector.broadcast %and3A_3258 : i32 to vector<8x2048xi32>
    %and3A_3260 = arith.andi %iota3A, %and3A_3259 : vector<8x2048xi32>
    %eq3A_3261 = arith.constant 0 : i32
    %eq3A_3262 = vector.broadcast %eq3A_3261 : i32 to vector<8x2048xi32>
    %eq3A_3263 = arith.cmpi eq, %and3A_3260, %eq3A_3262 : vector<8x2048xi32>
    %slice3A_3264 = vector.extract_strided_slice %select_n3A_3256 {offsets = [0, 2], sizes = [8, 2046], strides = [1, 1]} : vector<8x2048xf32> to vector<8x2046xf32>
    %slice3A_3265 = vector.extract_strided_slice %select_n3A_3256 {offsets = [0, 0], sizes = [8, 2], strides = [1, 1]} : vector<8x2048xf32> to vector<8x2xf32>
    %concatenate3A_3266 = tpu.concatenate %slice3A_3264, %slice3A_3265 in 1 : vector<8x2046xf32>, vector<8x2xf32> -> vector<8x2048xf32>
    %slice3A_3267 = vector.extract_strided_slice %select_n3A_3256 {offsets = [0, 2046], sizes = [8, 2], strides = [1, 1]} : vector<8x2048xf32> to vector<8x2xf32>
    %slice3A_3268 = vector.extract_strided_slice %select_n3A_3256 {offsets = [0, 0], sizes = [8, 2046], strides = [1, 1]} : vector<8x2048xf32> to vector<8x2046xf32>
    %concatenate3A_3269 = tpu.concatenate %slice3A_3267, %slice3A_3268 in 1 : vector<8x2xf32>, vector<8x2046xf32> -> vector<8x2048xf32>
    %select_n3A_3270 = arith.select %eq3A_3263, %concatenate3A_3266, %concatenate3A_3269 : vector<8x2048xi1>, vector<8x2048xf32>
    %and3A_3271 = arith.constant 2 : i32
    %and3A_3272 = vector.broadcast %and3A_3271 : i32 to vector<8x2048xi32>
    %and3A_3273 = arith.andi %iota3A, %and3A_3272 : vector<8x2048xi32>
    %eq3A_3274 = arith.constant 0 : i32
    %eq3A_3275 = vector.broadcast %eq3A_3274 : i32 to vector<8x2048xi32>
    %eq3A_3276 = arith.cmpi eq, %and3A_3273, %eq3A_3275 : vector<8x2048xi32>
    %slice3A_3277 = vector.extract_strided_slice %select_n3A_3257 {offsets = [0, 2], sizes = [8, 2046], strides = [1, 1]} : vector<8x2048xi32> to vector<8x2046xi32>
    %slice3A_3278 = vector.extract_strided_slice %select_n3A_3257 {offsets = [0, 0], sizes = [8, 2], strides = [1, 1]} : vector<8x2048xi32> to vector<8x2xi32>
    %concatenate3A_3279 = tpu.concatenate %slice3A_3277, %slice3A_3278 in 1 : vector<8x2046xi32>, vector<8x2xi32> -> vector<8x2048xi32>
    %slice3A_3280 = vector.extract_strided_slice %select_n3A_3257 {offsets = [0, 2046], sizes = [8, 2], strides = [1, 1]} : vector<8x2048xi32> to vector<8x2xi32>
    %slice3A_3281 = vector.extract_strided_slice %select_n3A_3257 {offsets = [0, 0], sizes = [8, 2046], strides = [1, 1]} : vector<8x2048xi32> to vector<8x2046xi32>
    %concatenate3A_3282 = tpu.concatenate %slice3A_3280, %slice3A_3281 in 1 : vector<8x2xi32>, vector<8x2046xi32> -> vector<8x2048xi32>
    %select_n3A_3283 = arith.select %eq3A_3276, %concatenate3A_3279, %concatenate3A_3282 : vector<8x2048xi1>, vector<8x2048xi32>
    %gt3A_3284 = arith.cmpf ogt, %select_n3A_3256, %select_n3A_3270 : vector<8x2048xf32>
    %eq3A_3285 = arith.cmpf oeq, %select_n3A_3256, %select_n3A_3270 : vector<8x2048xf32>
    %lt3A_3286 = arith.cmpi slt, %select_n3A_3257, %select_n3A_3283 : vector<8x2048xi32>
    %and3A_3287 = arith.andi %eq3A_3285, %lt3A_3286 : vector<8x2048xi1>
    %or3A_3288 = arith.ori %gt3A_3284, %and3A_3287 : vector<8x2048xi1>
    %and3A_3289 = arith.constant 2 : i32
    %and3A_3290 = vector.broadcast %and3A_3289 : i32 to vector<8x2048xi32>
    %and3A_3291 = arith.andi %iota3A, %and3A_3290 : vector<8x2048xi32>
    %eq3A_3292 = arith.constant 0 : i32
    %eq3A_3293 = vector.broadcast %eq3A_3292 : i32 to vector<8x2048xi32>
    %eq3A_3294 = arith.cmpi eq, %and3A_3291, %eq3A_3293 : vector<8x2048xi32>
    %and3A_3295 = arith.constant 2048 : i32
    %and3A_3296 = vector.broadcast %and3A_3295 : i32 to vector<8x2048xi32>
    %and3A_3297 = arith.andi %iota3A, %and3A_3296 : vector<8x2048xi32>
    %eq3A_3298 = arith.constant 0 : i32
    %eq3A_3299 = vector.broadcast %eq3A_3298 : i32 to vector<8x2048xi32>
    %eq3A_3300 = arith.cmpi eq, %and3A_3297, %eq3A_3299 : vector<8x2048xi32>
    %eq3A_3301 = arith.xori %eq3A_3294, %eq3A_3300 : vector<8x2048xi1>
    %eq3A_3302 = arith.constant dense<true> : vector<8x2048xi1>
    %eq3A_3303 = arith.xori %eq3A_3301, %eq3A_3302 : vector<8x2048xi1>
    %eq3A_3304 = arith.xori %eq3A_3303, %or3A_3288 : vector<8x2048xi1>
    %eq3A_3305 = arith.constant dense<true> : vector<8x2048xi1>
    %eq3A_3306 = arith.xori %eq3A_3304, %eq3A_3305 : vector<8x2048xi1>
    %select_n3A_3307 = arith.select %eq3A_3306, %select_n3A_3256, %select_n3A_3270 : vector<8x2048xi1>, vector<8x2048xf32>
    %select_n3A_3308 = arith.select %eq3A_3306, %select_n3A_3257, %select_n3A_3283 : vector<8x2048xi1>, vector<8x2048xi32>
    %and3A_3309 = arith.constant 1 : i32
    %and3A_3310 = vector.broadcast %and3A_3309 : i32 to vector<8x2048xi32>
    %and3A_3311 = arith.andi %iota3A, %and3A_3310 : vector<8x2048xi32>
    %eq3A_3312 = arith.constant 0 : i32
    %eq3A_3313 = vector.broadcast %eq3A_3312 : i32 to vector<8x2048xi32>
    %eq3A_3314 = arith.cmpi eq, %and3A_3311, %eq3A_3313 : vector<8x2048xi32>
    %slice3A_3315 = vector.extract_strided_slice %select_n3A_3307 {offsets = [0, 1], sizes = [8, 2047], strides = [1, 1]} : vector<8x2048xf32> to vector<8x2047xf32>
    %slice3A_3316 = vector.extract_strided_slice %select_n3A_3307 {offsets = [0, 0], sizes = [8, 1], strides = [1, 1]} : vector<8x2048xf32> to vector<8x1xf32>
    %concatenate3A_3317 = tpu.concatenate %slice3A_3315, %slice3A_3316 in 1 : vector<8x2047xf32>, vector<8x1xf32> -> vector<8x2048xf32>
    %slice3A_3318 = vector.extract_strided_slice %select_n3A_3307 {offsets = [0, 2047], sizes = [8, 1], strides = [1, 1]} : vector<8x2048xf32> to vector<8x1xf32>
    %slice3A_3319 = vector.extract_strided_slice %select_n3A_3307 {offsets = [0, 0], sizes = [8, 2047], strides = [1, 1]} : vector<8x2048xf32> to vector<8x2047xf32>
    %concatenate3A_3320 = tpu.concatenate %slice3A_3318, %slice3A_3319 in 1 : vector<8x1xf32>, vector<8x2047xf32> -> vector<8x2048xf32>
    %select_n3A_3321 = arith.select %eq3A_3314, %concatenate3A_3317, %concatenate3A_3320 : vector<8x2048xi1>, vector<8x2048xf32>
    %and3A_3322 = arith.constant 1 : i32
    %and3A_3323 = vector.broadcast %and3A_3322 : i32 to vector<8x2048xi32>
    %and3A_3324 = arith.andi %iota3A, %and3A_3323 : vector<8x2048xi32>
    %eq3A_3325 = arith.constant 0 : i32
    %eq3A_3326 = vector.broadcast %eq3A_3325 : i32 to vector<8x2048xi32>
    %eq3A_3327 = arith.cmpi eq, %and3A_3324, %eq3A_3326 : vector<8x2048xi32>
    %slice3A_3328 = vector.extract_strided_slice %select_n3A_3308 {offsets = [0, 1], sizes = [8, 2047], strides = [1, 1]} : vector<8x2048xi32> to vector<8x2047xi32>
    %slice3A_3329 = vector.extract_strided_slice %select_n3A_3308 {offsets = [0, 0], sizes = [8, 1], strides = [1, 1]} : vector<8x2048xi32> to vector<8x1xi32>
    %concatenate3A_3330 = tpu.concatenate %slice3A_3328, %slice3A_3329 in 1 : vector<8x2047xi32>, vector<8x1xi32> -> vector<8x2048xi32>
    %slice3A_3331 = vector.extract_strided_slice %select_n3A_3308 {offsets = [0, 2047], sizes = [8, 1], strides = [1, 1]} : vector<8x2048xi32> to vector<8x1xi32>
    %slice3A_3332 = vector.extract_strided_slice %select_n3A_3308 {offsets = [0, 0], sizes = [8, 2047], strides = [1, 1]} : vector<8x2048xi32> to vector<8x2047xi32>
    %concatenate3A_3333 = tpu.concatenate %slice3A_3331, %slice3A_3332 in 1 : vector<8x1xi32>, vector<8x2047xi32> -> vector<8x2048xi32>
    %select_n3A_3334 = arith.select %eq3A_3327, %concatenate3A_3330, %concatenate3A_3333 : vector<8x2048xi1>, vector<8x2048xi32>
    %gt3A_3335 = arith.cmpf ogt, %select_n3A_3307, %select_n3A_3321 : vector<8x2048xf32>
    %eq3A_3336 = arith.cmpf oeq, %select_n3A_3307, %select_n3A_3321 : vector<8x2048xf32>
    %lt3A_3337 = arith.cmpi slt, %select_n3A_3308, %select_n3A_3334 : vector<8x2048xi32>
    %and3A_3338 = arith.andi %eq3A_3336, %lt3A_3337 : vector<8x2048xi1>
    %or3A_3339 = arith.ori %gt3A_3335, %and3A_3338 : vector<8x2048xi1>
    %and3A_3340 = arith.constant 1 : i32
    %and3A_3341 = vector.broadcast %and3A_3340 : i32 to vector<8x2048xi32>
    %and3A_3342 = arith.andi %iota3A, %and3A_3341 : vector<8x2048xi32>
    %eq3A_3343 = arith.constant 0 : i32
    %eq3A_3344 = vector.broadcast %eq3A_3343 : i32 to vector<8x2048xi32>
    %eq3A_3345 = arith.cmpi eq, %and3A_3342, %eq3A_3344 : vector<8x2048xi32>
    %and3A_3346 = arith.constant 2048 : i32
    %and3A_3347 = vector.broadcast %and3A_3346 : i32 to vector<8x2048xi32>
    %and3A_3348 = arith.andi %iota3A, %and3A_3347 : vector<8x2048xi32>
    %eq3A_3349 = arith.constant 0 : i32
    %eq3A_3350 = vector.broadcast %eq3A_3349 : i32 to vector<8x2048xi32>
    %eq3A_3351 = arith.cmpi eq, %and3A_3348, %eq3A_3350 : vector<8x2048xi32>
    %eq3A_3352 = arith.xori %eq3A_3345, %eq3A_3351 : vector<8x2048xi1>
    %eq3A_3353 = arith.constant dense<true> : vector<8x2048xi1>
    %eq3A_3354 = arith.xori %eq3A_3352, %eq3A_3353 : vector<8x2048xi1>
    %eq3A_3355 = arith.xori %eq3A_3354, %or3A_3339 : vector<8x2048xi1>
    %eq3A_3356 = arith.constant dense<true> : vector<8x2048xi1>
    %eq3A_3357 = arith.xori %eq3A_3355, %eq3A_3356 : vector<8x2048xi1>
    %select_n3A_3358 = arith.select %eq3A_3357, %select_n3A_3307, %select_n3A_3321 : vector<8x2048xi1>, vector<8x2048xf32>
    %select_n3A_3359 = arith.select %eq3A_3357, %select_n3A_3308, %select_n3A_3334 : vector<8x2048xi1>, vector<8x2048xi32>
    %slice3A_3360 = vector.extract_strided_slice %select_n3A_3359 {offsets = [0, 0], sizes = [8, 512], strides = [1, 1]} : vector<8x2048xi32> to vector<8x512xi32>
    %swap3A = arith.constant 0 : index
    %swap3A_3361 = arith.constant 0 : index
    %swap3A_3362 = vector.load %arg2[%swap3A, %swap3A_3361] : memref<8x512xi32, #tpu.memory_space<vmem>>, vector<8x512xi32>
    tpu.vector_store %arg2[%swap3A, %swap3A_3361], %slice3A_3360 {strides = array<i32>} : memref<8x512xi32, #tpu.memory_space<vmem>>, vector<8x512xi32>,
    %slice3A_3363 = vector.extract_strided_slice %select_n3A_3358 {offsets = [0, 0], sizes = [8, 512], strides = [1, 1]} : vector<8x2048xf32> to vector<8x512xf32>
    %neg3A = arith.constant 0.000000e+00 : f32
    %neg3A_3364 = vector.broadcast %neg3A : f32 to vector<8x512xf32>
    %neg3A_3365 = arith.subf %neg3A_3364, %slice3A_3363 : vector<8x512xf32>
    %exp3A = math.exp %neg3A_3365 : vector<8x512xf32>
    %add3A = arith.constant 1.000000e+00 : f32
    %add3A_3366 = vector.broadcast %add3A : f32 to vector<8x512xf32>
    %add3A_3367 = arith.addf %exp3A, %add3A_3366 : vector<8x512xf32>
    %div3A = arith.constant 1.000000e+00 : f32
    %div3A_3368 = vector.broadcast %div3A : f32 to vector<8x512xf32>
    %div3A_3369 = arith.divf %div3A_3368, %add3A_3367 : vector<8x512xf32>
    %swap3A_3370 = arith.constant 0 : index
    %swap3A_3371 = arith.constant 0 : index
    %swap3A_3372 = vector.load %arg3[%swap3A_3370, %swap3A_3371] : memref<8x512xf32, #tpu.memory_space<vmem>>, vector<8x512xf32>
    tpu.vector_store %arg3[%swap3A_3370, %swap3A_3371], %div3A_3369 {strides = array<i32>} : memref<8x512xf32, #tpu.memory_space<vmem>>, vector<8x512xf32>,
    return
  }
  func.func @transform_0(%arg0: i32) -> (i32, i32) {
    %c0_i32 = arith.constant 0 : i32
    %c0_i32_0 = arith.constant 0 : i32
    %c0_i32_1 = arith.constant 0 : i32
    return %c0_i32, %c0_i32_0 : i32, i32
  }
  func.func @transform_1(%arg0: i32) -> (i32, i32) {
    %c0_i32 = arith.constant 0 : i32
    %c0_i32_0 = arith.constant 0 : i32
    %c0_i32_1 = arith.constant 0 : i32
    return %c0_i32, %c0_i32_0 : i32, i32
  }
  func.func @transform_2(%arg0: i32) -> (i32, i32) {
    %c0_i32 = arith.constant 0 : i32
    %c0_i32_0 = arith.constant 0 : i32
    %c0_i32_1 = arith.constant 0 : i32
    return %c0_i32, %c0_i32_0 : i32, i32
  }
}

</mosaic_0001>

<sc_bundles>
// kernel: kernel.7.cloned.1.call-start
scs
__scs_entry_jumppad:
0x0: {  	(pc) =	sbr.rel $0x88, $3  }
0x1: {  	(tag) =	ssettag $0x0;
	lr =	simm.s32 $0x1  }
0x2: {  	[smem:$0x3F9E] =	sst lr;
	_ =	strace $0xD0000000  }
0x3: {  	_ = 	snop  }
0x4: {  	_ = 	snop  }
0x5: {  	_ = 	snop  }
0x6: {  	_ = 	snop  }
0x7: {  	_ = 	snop  }
__scs_overlays_trampoline_lowered:
0x8: {  	[smem:$0x3FAD] =	sst s0  }
0x9: {  	[smem:$0x3FAE] =	sst s1  }
0xa: {  	[smem:$0x3FAF] =	sst s2  }
0xb: {  	[smem:$0x3FB0] =	sst s3  }
0xc: {  	[smem:$0x3FB1] =	sst s4  }
0xd: {  	[smem:$0x3FB2] =	sst s5  }
0xe: {  	[smem:$0x3FB3] =	sst s6  }
0xf: {  	[smem:$0x3FB4] =	sst s7  }
0x10: {  	[smem:$0x3FB5] =	sst s8  }
0x11: {  	[smem:$0x3FB6] =	sst s9;
	s0 =	simm.s32 @!p0 $0x0  }
0x12: {  	s1 =	sld [smem:$0x3F9C];
	s0 =	simm.s32 @p0 $0x1  }
0x13: {  	[smem:$0x3FB7] =	sst s0;
	s0 =	simm.s32 @!p1 $0x0  }
0x14: {  	s2 =	sld [smem:$0x3F9B];
	s0 =	simm.s32 @p1 $0x1  }
0x15: {  	[smem:$0x3FB8] =	sst s0;
	s0 =	simm.s32 @!p2 $0x0  }
0x16: {  	s3 =	sld [smem:$0x3FDB];
	s0 =	simm.s32 @p2 $0x1  }
0x17: {  	s4 =	simm.s32 $0x1BF5;
	[smem:$0x3FBA] =	sst s0  }
0x18: {  	s0 =	sld [smem:$0x3F9D];
	_ =	swait.ge [sflag:s4], $0x0  }
0x19: {  	s7 =	sld [smem:$0x3F9E]  }
0x1a: {  	s8 =	sadd.s32 $0xFFFFE003, lr  }
0x1b: {  	s9 =	sadd.s32 $0xFFFFFEF7, lr;
	s5 =	simm.s32 $0xFFFFFFFF;
	p2 =	slt.u32 s8, $0xFFFFF086  }
0x1c: {  	p1 =	slt.u32 s9, $0xF7A;
	s5 =	simm.s32 @!p2 $0x0  }
0x1d: {  	s5 =	simm.s32 @p1 $0x1;
	p0 =	seq.s32 s7, s2  }
0x1e: {  	s7 =	smul.u32 @!p0 $0xF7A, s2;
	p2 =	seq.s32 @!p0 s5, $0x0  }
0x1f: {  	s9 =	smul.u32 $0xF7A, s1;
	s8 =	simm.s32 @!p0 $0x1BF5;
	p2 =	por !p2, p0  }
0x20: {  	[sflag:s8] =	ssyncset.s32 @!p0 $0xFFFFF086;
	s6 =	sadd.s32 @!p0 s3, s7;
	s7 =	simm.s32 @!p0 $0x108  }
0x21: {  	s3 =	sadd.s32 s3, s9;
	s6 =	sadd.s32 @!p0 $0x88, s6;
	s7 =	simm.s32 @p2 $0x1082  }
0x22: {  	[simem:s7], [sflag:s8] =	dma.local @!p0 [hbm:s6], $0xF7A  }
0x23: {  	s9 =	sor.u32 $0xD0000000, s2;
	s6 =	simm.s32 $0x108;
	_ =	swait.ge @!p0 [sflag:s8], $0x0  }
0x24: {  	s3 =	sadd.s32 $0x88, s3;
	s6 =	simm.s32 @!p1 $0x1082;
	[sflag:s4] =	ssyncset.s32 $0xFFFFF086  }
0x25: {  	[simem:s6], [sflag:s4] =	dma.local [hbm:s3], $0xF7A  }
0x26: {  	[smem:$0x3F9E] =	sst s1;
	(tag) =	ssettag s2;
	_ =	strace s9  }
0x27: {  	s1 =	sld [smem:$0x3FAE]  }
0x28: {  	s2 =	sld [smem:$0x3FAF]  }
0x29: {  	s4 =	sld [smem:$0x3FB1]  }
0x2a: {  	p0 =	seq.s32 s5, $0x0;
	s5 =	sld [smem:$0x3FB2]  }
0x2b: {  	s6 =	sld [smem:$0x3FB3]  }
0x2c: {  	s7 =	sld [smem:$0x3FB4]  }
0x2d: {  	s3 =	simm.s32 $0x108;
	s8 =	sld [smem:$0x3FB5]  }
0x2e: {  	s3 =	simm.s32 @!p0 $0x1082;
	s9 =	sld [smem:$0x3FB6]  }
0x2f: {  	lr =	sadd.s32 s0, s3;
	s0 =	sld [smem:$0x3FAD]  }
0x30: {  	s3 =	sld [smem:$0x3FB0]  }
0x31: {  	[smem:$0x3FB9] =	sst s10  }
0x32: {  	s10 =	sld [smem:$0x3FB7];
	_ =	sdelay $0x3  }
0x33: {  	p0 =	seq.s32 s10, $0x1;
	s10 =	sld [smem:$0x3FB9];
	_ =	sdelay $0x3  }
0x34: {  	[smem:$0x3FB9] =	sst s10  }
0x35: {  	s10 =	sld [smem:$0x3FB8];
	_ =	sdelay $0x3  }
0x36: {  	p1 =	seq.s32 s10, $0x1;
	s10 =	sld [smem:$0x3FB9];
	_ =	sdelay $0x3  }
0x37: {  	[smem:$0x3FB9] =	sst s10  }
0x38: {  	s10 =	sld [smem:$0x3FBA]  }
0x39: {  	_ = 	snop;
	(pc) =	sbr.ind lr, $3  }
0x3a: {  	_ = 	snop  }
0x3b: {  	_ = 	snop  }
0x3c: {  	p2 =	seq.s32 s10, $0x1;
	s10 =	sld [smem:$0x3FB9]  }
0x3d: {  	_ =	shalt  }
0x3e: {  	_ =	shalt  }
0x3f: {  	_ =	shalt  }
0x40: {  	_ =	shalt  }
0x41: {  	_ =	shalt  }
0x42: {  	_ =	shalt  }
0x43: {  	_ =	shalt  }
0x44: {  	_ =	shalt  }
0x45: {  	_ =	shalt  }
0x46: {  	_ =	shalt  }
0x47: {  	_ =	shalt  }
0x48: {  	_ =	shalt  }
0x49: {  	_ =	shalt  }
0x4a: {  	_ =	shalt  }
0x4b: {  	_ =	shalt  }
0x4c: {  	_ =	shalt  }
0x4d: {  	_ =	shalt  }
0x4e: {  	_ =	shalt  }
0x4f: {  	_ =	shalt  }
0x50: {  	_ =	shalt  }
0x51: {  	_ =	shalt  }
0x52: {  	_ =	shalt  }
0x53: {  	_ =	shalt  }
0x54: {  	_ =	shalt  }
0x55: {  	_ =	shalt  }
0x56: {  	_ =	shalt  }
0x57: {  	_ =	shalt  }
0x58: {  	_ =	shalt  }
0x59: {  	_ =	shalt  }
0x5a: {  	_ =	shalt  }
0x5b: {  	_ =	shalt  }
0x5c: {  	_ =	shalt  }
0x5d: {  	_ =	shalt  }
0x5e: {  	_ =	shalt  }
0x5f: {  	_ =	shalt  }
0x60: {  	_ =	shalt  }
0x61: {  	_ =	shalt  }
0x62: {  	_ =	shalt  }
0x63: {  	_ =	shalt  }
0x64: {  	_ =	shalt  }
0x65: {  	_ =	shalt  }
0x66: {  	_ =	shalt  }
0x67: {  	_ =	shalt  }
0x68: {  	_ =	shalt  }
0x69: {  	_ =	shalt  }
0x6a: {  	_ =	shalt  }
0x6b: {  	_ =	shalt  }
0x6c: {  	_ =	shalt  }
0x6d: {  	_ =	shalt  }
0x6e: {  	_ =	shalt  }
0x6f: {  	_ =	shalt  }
0x70: {  	_ =	shalt  }
0x71: {  	_ =	shalt  }
0x72: {  	_ =	shalt  }
0x73: {  	_ =	shalt  }
0x74: {  	_ =	shalt  }
0x75: {  	_ =	shalt  }
0x76: {  	_ =	shalt  }
0x77: {  	_ =	shalt  }
0x78: {  	_ =	shalt  }
0x79: {  	_ =	shalt  }
0x7a: {  	_ =	shalt  }
0x7b: {  	_ =	shalt  }
0x7c: {  	_ =	shalt  }
0x7d: {  	_ =	shalt  }
0x7e: {  	_ =	shalt  }
0x7f: {  	_ =	shalt  }
0x80: {  	_ =	shalt  }
0x81: {  	_ =	shalt  }
0x82: {  	_ =	shalt  }
0x83: {  	_ =	shalt  }
0x84: {  	_ =	shalt  }
0x85: {  	_ =	shalt  }
0x86: {  	_ =	shalt  }
0x87: {  	_ =	shalt  }
.Lfunc_end0:
.L_simem_size_0:
called_computation.1_lowered:
.L_overlay_start_0:
0x88: {  	s2 =	sld [smem:$0x3FD9]  }
0x89: {  	s3 =	sld [smem:$0x3FFE];
	_ =	sdelay $0x1  }
0x8a: {  	s1 =	srdreg.scid  }
0x8b: {  	s0 =	sand.u32 $0x1, s1  }
0x8c: {  	s17 =	sshll.u32 s0, $0xA;
	s2 =	sadd.s32 s3, s2  }
0x8d: {  	s2 =	sadd.s32 s2, s17  }
0x8e: {  	[smem:$0x3FC5] =	sst s2  }
0x8f: {  	_ = 	snop  }
0x90: {  	s2 =	sld [smem:$0x3FD0];
	(tm) =	ssettm $0x1  }
0x91: {  	s18 =	sld [smem:$0x3FFB];
	_ =	sdelay $0x3  }
0x92: {  	_ =	strace s18  }
0x93: {  	s3 =	sld [smem:$0x3FFC];
	_ =	sdelay $0x3  }
0x94: {  	_ =	strace s3  }
0x95: {  	s3 =	sld [smem:$0x3FFD];
	_ =	sdelay $0x3  }
0x96: {  	_ =	strace s3  }
0x97: {  	_ =	strace $0x8FFFFFFF  }
0x98: {  	s19 =	sld [smem:$0x3FDB];
	_ =	sdelay $0x1  }
0x99: {  	s4 =	simm.s32 $_scs_section_size  }
0x9a: {  	s5 =	simm.s32 $_size__tile_overlayer_lowered;
	s6 =	simm.s32 $_tile_overlayer_lowered  }
0x9b: {  	s22 =	simm.s32 $0x1BFF;
	s21 =	sshll.u32 s6, $0x1;
	s3 =	sadd.s32 s4, s19  }
0x9c: {  	s7 =	simm.s32 $0x0;
	s20 =	sshll.u32 s5, $0x1;
	s5 =	sadd.s32 s21, s3  }
0x9d: {  	[timem:s7], [sflag:s22] =	dma.local [hbm:s5], s20  }
0x9e: {  	_ =	swait.ge [sflag:s22], s20  }
0x9f: {  	s4 =	ssub.s32 $0x0, s20;
	[sflag:s22] =	ssyncset.done $0x0  }
0xa0: {  	[sflag:s22] =	ssyncadd.s32 s4;
	_ =	sdelay $0x1  }
0xa1: {  	s23 =	simm.s32 $0x1B8B  }
0xa2: {  	_ =	swait.ge [sflag:s23], $0x1  }
0xa3: {  	[sflag:s23] =	ssyncset.done $0x0  }
0xa4: {  	s25 =	simm.s32 $0x1B8E;
	s24 =	sld [smem:$0x3FFE];
	[sflag:s23] =	ssyncadd.s32 $0xFFFFFFFF  }
0xa5: {  	s26 =	simm.s32 $execute0_lowered;
	[smem:$0x3FD2] =	sst s25  }
0xa6: {  	s5 =	sshll.u32 s26, $0x1;
	_ =	strace $0x80000046;
	[dreg:$0x1] =	wrdreg $0xFFFFFFFF  }
0xa7: {  	s28 =	simm.s32 $_size_execute0_lowered;
	s3 =	sadd.s32 s3, s5;
	[dreg:$0x0] =	wrdreg $0x0  }
0xa8: {  	s5 =	sshll.u32 s28, $0x1;
	[dreg:$0x2] =	wrdreg s3  }
0xa9: {  	[dreg:$0x3] =	wrdreg s5  }
0xaa: {  	[dreg:$0x4] =	wrdreg $0xC0  }
0xab: {  	_ =	task [dreg:s7], $0x5FFFF  }
0xac: {  	[dreg:$0x1] =	wrdreg $0xFFFFFFFF  }
0xad: {  	[dreg:$0x0] =	wrdreg $0x60  }
0xae: {  	[dreg:$0x2] =	wrdreg s24  }
0xaf: {  	[dreg:$0x3] =	wrdreg s2  }
0xb0: {  	[dreg:$0x4] =	wrdreg $0x9  }
0xb1: {  	_ =	task.clear_ibuf [dreg:s7], $0x5FFFF;
	_ =	strace $0x90000046  }
0xb2: {  	s29 =	simm.s32 $0x9;
	_ =	strace $0x80000048  }
0xb3: {  	_ =	swait.ge [sflag:s29], $0x1  }
0xb4: {  	[sflag:s29] =	ssyncadd.s32 $0xFFFFFFFF  }
0xb5: {  	_ =	strace $0x90000048  }
0xb6: {  	_ =	sfence  }
0xb7: {  	s30 =	sld [smem:$0x0];
	_ =	sdelay $0x2  }
0xb8: {  	s31 =	sshll.u32 s1, $0xD;
	s1 =	sshrl.u32 s1, $0x2  }
0xb9: {  	s3 =	sand.u32 $0x4000, s31;
	s1 =	sadd.s32 s1, s30  }
0xba: {  	s0 =	sor.u32 s3, s0;
	s1 =	sshll.u32 s1, $0x11  }
0xbb: {  	s0 =	sor.u32 s1, s0  }
0xbc: {  	s0 =	sadd.s32 $0x8F2B, s0  }
0xbd: {  	[sflag:s0] =	ssyncadd.remote.s32 $0x1  }
0xbe: {  	_ =	sfence.sel $0xFFFF  }
0xbf: {  	[dreg:$0x0] =	wrdreg $0xFFFFFFFF;
	(pc) =	sbr.abs _section_cstart, $3  }
0xc0: {  	[dreg:$0x1] =	wrdreg $0xFFFFFFFF  }
0xc1: {  	_ =	task.clear_ibuf [dreg:s7], $0x2FFFF;
	_ =	strace $0x9FFFFFFF  }
0xc2: {  	(tm) =	ssettm $0x7FFFFFFF  }
0xc3: {  	_ =	shalt  }
tec
execute0_lowered:
.L_overlay_start_1:
0x0: {  	(tag) =	ssettag $0x1  }
0x1: {  	s5 =	rddreg [dreg:$0x0]  }
0x2: {  	s1 =	rddreg [dreg:$0x1]  }
0x3: {  	s0 =	rddreg [dreg:$0x2]  }
0x4: {  	s3 =	simm.s32 $0x0;
	s2 =	stileid.u32;
	s6 =	srdreg.scid  }
0x5: {  	s11 =	simm.s32 $0x80;
	s12 =	simm.s32 $0x400;
	s13 =	simm.s32 $0x3  }
0x6: {  	s14 =	simm.s32 $0x3200;
	s15 =	simm.s32 $0x6400;
	s16 =	simm.s32 $0x9600  }
0x7: {  	s17 =	simm.s32 $0xC800;
	s18 =	simm.s32 $0xFA00;
	s19 =	simm.s32 $0x1  }
0x8: {  	s20 =	simm.s32 $0x2;
	s21 =	simm.s32 $0x0;
	[smem:$0x7FF] =	sst s3  }
0x9: {  	s4 =	sadd.s32 $0x2000A00, s5;
	s9 =	sshrl.u32 s2, $0x1;
	s6 =	sand.u32 $0x1, s6  }
0xa: {  	s7 =	sshll.u32 s2, $0x1;
	_ =	strace $0x80000047;
	s10 =	ssub.s32 $0x2, s6  }
0xb: {  	s8 =	sshll.u32 s9, $0x4;
	s7 =	sand.u32 $0x2, s7;
	s31 =	sshrl.u32 s10, $0x1  }
0xc: {  	s8 =	sadd.s32 s8, s5;
	s6 =	sor.u32 s6, s7;
	s10 =	ssub.s32 s10, s31  }
0xd: {  	s5 =	sshll.u32 s6, $0x5;
	s6 =	sadd.s32 $0x3C00, s8;
	s7 =	sadd.s32 $0xA00, s8  }
0xe: {  	s8 =	sshll.u32 s9, $0x7;
	s9 =	smul.u32 $0x190000, s9;
	s10 =	smax.u32 s10, $0x1  }
.LBB2_1:
0xf: {  	[tilespmem:s3], [sflag:$0x3] =	stream.strided.gather [hbm4b:s6+s11], $0x3200, s12, s11, $0x38;
	[tilespmem:$0x12C00] =	vst v63  }
0x10: {  	_ =	swait.ge [sflag:s13], $0x3200  }
0x11: {  	[sflag:s13] =	ssyncset.done $0x0  }
0x12: {  	[sflag:s13] =	ssyncadd.s32 $0xFFFFCE00  }
0x13: {  	[tilespmem:s14], [sflag:$0x3] =	stream.strided.gather [hbm4b:s7+s11], $0x3200, s12, s11, $0x38;
	[tilespmem:$0x12C00] =	vst v63  }
0x14: {  	_ =	swait.ge [sflag:s13], $0x3200  }
0x15: {  	[sflag:s13] =	ssyncset.done $0x0  }
0x16: {  	s22 =	simm.s32 $0x0;
	[sflag:s13] =	ssyncadd.s32 $0xFFFFCE00  }
.LBB2_2:
0x17: {  	s23 =	simm.s32 $0x0;
	s24 =	sshll.u32 s22, $0x1  }
0x18: {  	v3 =	vld [tilespmem:s23+$0x70];
	s24 =	sadd.s32 s5, s24  }
0x19: {  	v5 =	vld [tilespmem:s23+$0x0];
	s25 =	sadd.s32 s8, s24  }
0x1a: {  	v6 =	vld [tilespmem:s23+$0x10];
	s25 =	smul.u32 $0xC800, s25  }
0x1b: {  	v4 =	vld [tilespmem:s23+$0x20]  }
0x1c: {  	v2 =	vld [tilespmem:s23+$0x30];
	v0 =	vmov s25  }
0x1d: {  	v1 =	vld [tilespmem:s23+$0x40];
	v7 =	vadd.s32 v0, v3  }
0x1e: {  	v3 =	vld [tilespmem:s23+$0x50];
	v5 =	vadd.s32 v0, v5;
	[tilespmem:s23+$0x6470] =	vst v7  }
0x1f: {  	s26 =	simm.s32 $0x400;
	s25 =	simm.s32 $0x80;
	v6 =	vadd.s32 v0, v6;
	[tilespmem:s23+$0x6400] =	vst v5;
	v5 =	vld [tilespmem:s23+$0x60]  }
.LBB2_3:
0x20: {  	p0 =	sne.s32 s26, $0xC600;
	v7 =	vld [tilespmem:s25+$0x70];
	[tilespmem:s23+$0x6410] =	vst v6;
	v4 =	vadd.s32 v0, v4  }
0x21: {  	v6 =	vld [tilespmem:s25+$0x0];
	[tilespmem:s23+$0x6420] =	vst v4;
	v2 =	vadd.s32 v0, v2  }
0x22: {  	v8 =	vld [tilespmem:s25+$0x10];
	[tilespmem:s23+$0x6430] =	vst v2;
	v1 =	vadd.s32 v0, v1  }
.Ltmp0:
0x23: {  	v4 =	vld [tilespmem:s25+$0x20];
	[tilespmem:s23+$0x6440] =	vst v1;
	v1 =	vadd.s32 v0, v3;
	(pc) =	sbr.rel @p0 .LBB2_3-.Ltmp0, $4  }
0x24: {  	v2 =	vld [tilespmem:s25+$0x30];
	[tilespmem:s23+$0x6450] =	vst v1;
	v3 =	vadd.s32 v0, v5  }
0x25: {  	v1 =	vld [tilespmem:s25+$0x40];
	v5 =	vadd.s32 v0, v7;
	[tilespmem:s23+$0x6460] =	vst v3;
	s23 =	smov.u32 s25  }
0x26: {  	v6 =	vadd.s32 v0, v6;
	v3 =	vld [tilespmem:s23+$0x50];
	[tilespmem:s23+$0x6470] =	vst v5  }
0x27: {  	s25 =	sshra.s32 s26, $0x2;
	s26 =	sadd.s32 $0x200, s26;
	[tilespmem:s23+$0x6400] =	vst v6;
	v6 =	vadd.s32 v0, v8;
	v5 =	vld [tilespmem:s23+$0x60]  }
0x28: {  	v7 =	vld [tilespmem:s25+$0x70];
	[tilespmem:s23+$0x6410] =	vst v6;
	v4 =	vadd.s32 v0, v4  }
0x29: {  	v6 =	vld [tilespmem:s25+$0x0];
	[tilespmem:s23+$0x6420] =	vst v4;
	v2 =	vadd.s32 v0, v2  }
0x2a: {  	v4 =	vld [tilespmem:s25+$0x10];
	[tilespmem:s23+$0x6430] =	vst v2;
	v1 =	vadd.s32 v0, v1  }
0x2b: {  	v2 =	vld [tilespmem:s25+$0x20];
	[tilespmem:s23+$0x6440] =	vst v1;
	v1 =	vadd.s32 v0, v3  }
0x2c: {  	v3 =	vld [tilespmem:s25+$0x30];
	[tilespmem:s23+$0x6450] =	vst v1;
	v1 =	vadd.s32 v0, v5  }
0x2d: {  	v5 =	vld [tilespmem:s25+$0x40];
	[tilespmem:s23+$0x6460] =	vst v1;
	v1 =	vadd.s32 v0, v7  }
0x2e: {  	v7 =	vld [tilespmem:s25+$0x50];
	v6 =	vadd.s32 v0, v6;
	[tilespmem:s25+$0x6470] =	vst v1  }
0x2f: {  	[tilespmem:s25+$0x6400] =	vst v6;
	v1 =	vadd.s32 v0, v4;
	v4 =	vld [tilespmem:s25+$0x60]  }
0x30: {  	[tilespmem:s25+$0x6410] =	vst v1;
	v1 =	vadd.s32 v0, v2  }
0x31: {  	[tilespmem:s25+$0x6420] =	vst v1;
	v1 =	vadd.s32 v0, v3  }
0x32: {  	[tilespmem:s25+$0x6430] =	vst v1;
	v1 =	vadd.s32 v0, v5  }
0x33: {  	[tilespmem:s25+$0x6440] =	vst v1;
	v1 =	vadd.s32 v0, v7  }
0x34: {  	[tilespmem:s25+$0x6450] =	vst v1;
	v0 =	vadd.s32 v0, v4  }
0x35: {  	[tilespmem:s25+$0x6460] =	vst v0;
	s25 =	simm.s32 $0x0  }
0x36: {  	[tilespmem:s16], [sflag:$0x1] =	stream.indirect.gather [hbm4b:s4+s14], $0x1, s15, s14, $0xb8;
	[tilespmem:$0x12C00] =	vst v63  }
0x37: {  	s23 =	sor.u32 $0x1, s24;
	v3 =	vld [tilespmem:s25+$0x70]  }
0x38: {  	s26 =	sadd.s32 s8, s23;
	v5 =	vld [tilespmem:s25+$0x0]  }
0x39: {  	s26 =	smul.u32 $0xC800, s26;
	v6 =	vld [tilespmem:s25+$0x10]  }
0x3a: {  	v4 =	vld [tilespmem:s25+$0x20]  }
0x3b: {  	v0 =	vmov s26;
	v2 =	vld [tilespmem:s25+$0x30]  }
0x3c: {  	v1 =	vld [tilespmem:s25+$0x40];
	v7 =	vadd.s32 v0, v3  }
0x3d: {  	v3 =	vld [tilespmem:s25+$0x50];
	v5 =	vadd.s32 v0, v5;
	[tilespmem:s25+$0xC870] =	vst v7  }
0x3e: {  	s28 =	simm.s32 $0x400;
	s26 =	simm.s32 $0x80;
	v6 =	vadd.s32 v0, v6;
	[tilespmem:s25+$0xC800] =	vst v5;
	v5 =	vld [tilespmem:s25+$0x60]  }
.LBB2_5:
0x3f: {  	p0 =	sne.s32 s28, $0xC600;
	v7 =	vld [tilespmem:s26+$0x70];
	[tilespmem:s25+$0xC810] =	vst v6;
	v4 =	vadd.s32 v0, v4  }
0x40: {  	v6 =	vld [tilespmem:s26+$0x0];
	[tilespmem:s25+$0xC820] =	vst v4;
	v2 =	vadd.s32 v0, v2  }
0x41: {  	v8 =	vld [tilespmem:s26+$0x10];
	[tilespmem:s25+$0xC830] =	vst v2;
	v1 =	vadd.s32 v0, v1  }
.Ltmp1:
0x42: {  	v4 =	vld [tilespmem:s26+$0x20];
	[tilespmem:s25+$0xC840] =	vst v1;
	v1 =	vadd.s32 v0, v3;
	(pc) =	sbr.rel @p0 .LBB2_5-.Ltmp1, $4  }
0x43: {  	v2 =	vld [tilespmem:s26+$0x30];
	[tilespmem:s25+$0xC850] =	vst v1;
	v3 =	vadd.s32 v0, v5  }
0x44: {  	v1 =	vld [tilespmem:s26+$0x40];
	v5 =	vadd.s32 v0, v7;
	[tilespmem:s25+$0xC860] =	vst v3;
	s25 =	smov.u32 s26  }
0x45: {  	v6 =	vadd.s32 v0, v6;
	v3 =	vld [tilespmem:s25+$0x50];
	[tilespmem:s25+$0xC870] =	vst v5  }
0x46: {  	s26 =	sshra.s32 s28, $0x2;
	s28 =	sadd.s32 $0x200, s28;
	[tilespmem:s25+$0xC800] =	vst v6;
	v6 =	vadd.s32 v0, v8;
	v5 =	vld [tilespmem:s25+$0x60]  }
0x47: {  	v7 =	vld [tilespmem:s26+$0x70];
	[tilespmem:s25+$0xC810] =	vst v6;
	v4 =	vadd.s32 v0, v4  }
0x48: {  	v6 =	vld [tilespmem:s26+$0x0];
	[tilespmem:s25+$0xC820] =	vst v4;
	v2 =	vadd.s32 v0, v2  }
0x49: {  	v4 =	vld [tilespmem:s26+$0x10];
	[tilespmem:s25+$0xC830] =	vst v2;
	v1 =	vadd.s32 v0, v1  }
0x4a: {  	v2 =	vld [tilespmem:s26+$0x20];
	[tilespmem:s25+$0xC840] =	vst v1;
	v1 =	vadd.s32 v0, v3  }
0x4b: {  	v3 =	vld [tilespmem:s26+$0x30];
	[tilespmem:s25+$0xC850] =	vst v1;
	v1 =	vadd.s32 v0, v5  }
0x4c: {  	v5 =	vld [tilespmem:s26+$0x40];
	[tilespmem:s25+$0xC860] =	vst v1;
	v1 =	vadd.s32 v0, v7  }
0x4d: {  	v7 =	vld [tilespmem:s26+$0x50];
	v6 =	vadd.s32 v0, v6;
	[tilespmem:s26+$0xC870] =	vst v1  }
0x4e: {  	[tilespmem:s26+$0xC800] =	vst v6;
	v1 =	vadd.s32 v0, v4;
	v4 =	vld [tilespmem:s26+$0x60]  }
0x4f: {  	[tilespmem:s26+$0xC810] =	vst v1;
	v1 =	vadd.s32 v0, v2  }
0x50: {  	[tilespmem:s26+$0xC820] =	vst v1;
	v1 =	vadd.s32 v0, v3  }
0x51: {  	[tilespmem:s26+$0xC830] =	vst v1;
	v1 =	vadd.s32 v0, v5  }
0x52: {  	[tilespmem:s26+$0xC840] =	vst v1;
	v1 =	vadd.s32 v0, v7  }
0x53: {  	[tilespmem:s26+$0xC850] =	vst v1;
	v0 =	vadd.s32 v0, v4  }
0x54: {  	[tilespmem:s26+$0xC860] =	vst v0  }
0x55: {  	[tilespmem:s18], [sflag:$0x2] =	stream.indirect.gather [hbm4b:s4+s14], $0x1, s17, s14, $0xb8;
	[tilespmem:$0x12C00] =	vst v63  }
0x56: {  	_ =	swait.ge [sflag:s19], $0x3200  }
0x57: {  	[sflag:s19] =	ssyncset.done $0x0  }
0x58: {  	s25 =	simm.s32 $0x0;
	[sflag:s19] =	ssyncadd.s32 $0xFFFFCE00  }
0x59: {  	v6 =	vld [tilespmem:s25+$0x3200]  }
0x5a: {  	v11 =	vld [tilespmem:s25+$0x3210]  }
0x5b: {  	v5 =	vld [tilespmem:s25+$0x3220]  }
0x5c: {  	v4 =	vld [tilespmem:s25+$0x3230]  }
0x5d: {  	v3 =	vld [tilespmem:s25+$0x3240]  }
0x5e: {  	v2 =	vld [tilespmem:s25+$0x3250]  }
0x5f: {  	v1 =	vld [tilespmem:s25+$0x3260]  }
0x60: {  	v0 =	vld [tilespmem:s25+$0x3270]  }
0x61: {  	v12 =	vld [tilespmem:s25+$0x9600]  }
0x62: {  	v13 =	vld [tilespmem:s25+$0x9610]  }
0x63: {  	v10 =	vld [tilespmem:s25+$0x9620]  }
0x64: {  	v9 =	vld [tilespmem:s25+$0x9630]  }
0x65: {  	v8 =	vld [tilespmem:s25+$0x9640]  }
0x66: {  	v7 =	vld [tilespmem:s25+$0x9650];
	v12 =	vmul.f32 v6, v12  }
0x67: {  	s26 =	simm.s32 $0x200;
	v11 =	vmul.f32 v11, v13;
	v6 =	vld [tilespmem:s25+$0x9660]  }
.LBB2_7:
0x68: {  	s28 =	sshra.s32 s26, $0x2;
	p0 =	sne.s32 s26, $0xC600;
	[tilespmem:s25+$0x9600] =	vst v12;
	v5 =	vmul.f32 v5, v10;
	v10 =	vld [tilespmem:s25+$0x9670]  }
0x69: {  	v12 =	vld [tilespmem:s28+$0x3200];
	[tilespmem:s25+$0x9610] =	vst v11;
	v4 =	vmul.f32 v4, v9  }
0x6a: {  	v11 =	vld [tilespmem:s28+$0x3210];
	[tilespmem:s25+$0x9620] =	vst v5;
	v3 =	vmul.f32 v3, v8  }
0x6b: {  	v5 =	vld [tilespmem:s28+$0x3220];
	[tilespmem:s25+$0x9630] =	vst v4;
	v2 =	vmul.f32 v2, v7  }
0x6c: {  	v4 =	vld [tilespmem:s28+$0x3230];
	[tilespmem:s25+$0x9640] =	vst v3;
	v1 =	vmul.f32 v1, v6  }
0x6d: {  	v3 =	vld [tilespmem:s28+$0x3240];
	[tilespmem:s25+$0x9650] =	vst v2;
	v0 =	vmul.f32 v0, v10  }
0x6e: {  	v2 =	vld [tilespmem:s28+$0x3250];
	[tilespmem:s25+$0x9660] =	vst v1  }
0x6f: {  	v1 =	vld [tilespmem:s28+$0x3260];
	[tilespmem:s25+$0x9670] =	vst v0;
	s25 =	smov.u32 s28  }
0x70: {  	v0 =	vld [tilespmem:s25+$0x3270]  }
0x71: {  	v6 =	vld [tilespmem:s25+$0x9600]  }
0x72: {  	v13 =	vld [tilespmem:s25+$0x9610]  }
.Ltmp2:
0x73: {  	v10 =	vld [tilespmem:s25+$0x9620];
	(pc) =	sbr.rel @p0 .LBB2_7-.Ltmp2, $4  }
0x74: {  	v9 =	vld [tilespmem:s25+$0x9630]  }
0x75: {  	v8 =	vld [tilespmem:s25+$0x9640]  }
0x76: {  	v12 =	vmul.f32 v12, v6;
	v7 =	vld [tilespmem:s25+$0x9650]  }
0x77: {  	s26 =	sadd.s32 $0x200, s26;
	v11 =	vmul.f32 v11, v13;
	v6 =	vld [tilespmem:s25+$0x9660]  }
0x78: {  	[tilespmem:s25+$0x9600] =	vst v12;
	v5 =	vmul.f32 v5, v10;
	v10 =	vld [tilespmem:s25+$0x9670]  }
0x79: {  	s24 =	sshrl.u32 s24, $0x3;
	[tilespmem:s25+$0x9610] =	vst v11;
	v4 =	vmul.f32 v4, v9  }
0x7a: {  	s24 =	smul.u32 $0x19000, s24;
	[tilespmem:s25+$0x9620] =	vst v5;
	v3 =	vmul.f32 v3, v8  }
0x7b: {  	s26 =	sshll.u32 s22, $0x8;
	[tilespmem:s25+$0x9630] =	vst v4;
	v2 =	vmul.f32 v2, v7  }
0x7c: {  	s26 =	sand.u32 $0x300, s26;
	s24 =	sadd.s32 s9, s24;
	[tilespmem:s25+$0x9640] =	vst v3;
	v1 =	vmul.f32 v1, v6  }
0x7d: {  	s26 =	sor.u32 s26, s24;
	[tilespmem:s25+$0x9650] =	vst v2;
	v0 =	vmul.f32 v0, v10  }
0x7e: {  	s26 =	sshrl.u32 s26, $0x3;
	[tilespmem:s25+$0x9660] =	vst v1  }
0x7f: {  	s31 =	sadd.s32 s1, s26;
	[tilespmem:s25+$0x9670] =	vst v0  }
0x80: {  	[hbm4b:s31+s11] =	stream.strided.scatter [tilespmem:s16], [sflag:$0x3], $0x3200, s12, s11, $0x38;
	[tilespmem:$0x12C00] =	vst v63  }
0x81: {  	_ =	swait.ge [sflag:s13], $0x3200  }
0x82: {  	[sflag:s13] =	ssyncset.done $0x0  }
0x83: {  	[sflag:s13] =	ssyncadd.s32 $0xFFFFCE00  }
0x84: {  	_ =	swait.ge [sflag:s20], $0x3200  }
0x85: {  	[sflag:s20] =	ssyncset.done $0x0  }
0x86: {  	s25 =	simm.s32 $0x0;
	[sflag:s20] =	ssyncadd.s32 $0xFFFFCE00  }
0x87: {  	v6 =	vld [tilespmem:s25+$0x3200]  }
0x88: {  	v11 =	vld [tilespmem:s25+$0x3210]  }
0x89: {  	v5 =	vld [tilespmem:s25+$0x3220]  }
0x8a: {  	v4 =	vld [tilespmem:s25+$0x3230]  }
0x8b: {  	v3 =	vld [tilespmem:s25+$0x3240]  }
0x8c: {  	v2 =	vld [tilespmem:s25+$0x3250]  }
0x8d: {  	v1 =	vld [tilespmem:s25+$0x3260]  }
0x8e: {  	v0 =	vld [tilespmem:s25+$0x3270]  }
0x8f: {  	v12 =	vld [tilespmem:s25+$0xFA00]  }
0x90: {  	v13 =	vld [tilespmem:s25+$0xFA10]  }
0x91: {  	v10 =	vld [tilespmem:s25+$0xFA20]  }
0x92: {  	v9 =	vld [tilespmem:s25+$0xFA30]  }
0x93: {  	v8 =	vld [tilespmem:s25+$0xFA40]  }
0x94: {  	v7 =	vld [tilespmem:s25+$0xFA50];
	v12 =	vmul.f32 v6, v12  }
0x95: {  	s26 =	simm.s32 $0x200;
	v11 =	vmul.f32 v11, v13;
	v6 =	vld [tilespmem:s25+$0xFA60]  }
.LBB2_9:
0x96: {  	s28 =	sshra.s32 s26, $0x2;
	p0 =	sne.s32 s26, $0xC600;
	[tilespmem:s25+$0xFA00] =	vst v12;
	v5 =	vmul.f32 v5, v10;
	v10 =	vld [tilespmem:s25+$0xFA70]  }
0x97: {  	v12 =	vld [tilespmem:s28+$0x3200];
	[tilespmem:s25+$0xFA10] =	vst v11;
	v4 =	vmul.f32 v4, v9  }
0x98: {  	v11 =	vld [tilespmem:s28+$0x3210];
	[tilespmem:s25+$0xFA20] =	vst v5;
	v3 =	vmul.f32 v3, v8  }
0x99: {  	v5 =	vld [tilespmem:s28+$0x3220];
	[tilespmem:s25+$0xFA30] =	vst v4;
	v2 =	vmul.f32 v2, v7  }
0x9a: {  	v4 =	vld [tilespmem:s28+$0x3230];
	[tilespmem:s25+$0xFA40] =	vst v3;
	v1 =	vmul.f32 v1, v6  }
0x9b: {  	v3 =	vld [tilespmem:s28+$0x3240];
	[tilespmem:s25+$0xFA50] =	vst v2;
	v0 =	vmul.f32 v0, v10  }
0x9c: {  	v2 =	vld [tilespmem:s28+$0x3250];
	[tilespmem:s25+$0xFA60] =	vst v1  }
0x9d: {  	v1 =	vld [tilespmem:s28+$0x3260];
	[tilespmem:s25+$0xFA70] =	vst v0;
	s25 =	smov.u32 s28  }
0x9e: {  	v0 =	vld [tilespmem:s25+$0x3270]  }
0x9f: {  	v6 =	vld [tilespmem:s25+$0xFA00]  }
0xa0: {  	v13 =	vld [tilespmem:s25+$0xFA10]  }
.Ltmp3:
0xa1: {  	v10 =	vld [tilespmem:s25+$0xFA20];
	(pc) =	sbr.rel @p0 .LBB2_9-.Ltmp3, $4  }
0xa2: {  	v9 =	vld [tilespmem:s25+$0xFA30]  }
0xa3: {  	v8 =	vld [tilespmem:s25+$0xFA40]  }
0xa4: {  	v12 =	vmul.f32 v12, v6;
	v7 =	vld [tilespmem:s25+$0xFA50]  }
0xa5: {  	s26 =	sadd.s32 $0x200, s26;
	v11 =	vmul.f32 v11, v13;
	v6 =	vld [tilespmem:s25+$0xFA60]  }
0xa6: {  	[tilespmem:s25+$0xFA00] =	vst v12;
	v5 =	vmul.f32 v5, v10;
	v63 =	vld [tilespmem:s25+$0xFA70]  }
0xa7: {  	[tilespmem:s25+$0xFA10] =	vst v11;
	v4 =	vmul.f32 v4, v9  }
0xa8: {  	[tilespmem:s25+$0xFA20] =	vst v5;
	v3 =	vmul.f32 v3, v8  }
0xa9: {  	s23 =	sshll.u32 s23, $0x7;
	[tilespmem:s25+$0xFA30] =	vst v4;
	v2 =	vmul.f32 v2, v7  }
0xaa: {  	s23 =	sand.u32 $0x380, s23;
	[tilespmem:s25+$0xFA40] =	vst v3;
	v1 =	vmul.f32 v1, v6  }
0xab: {  	s22 =	sadd.s32 $0x1, s22;
	s23 =	sor.u32 s23, s24;
	[tilespmem:s25+$0xFA50] =	vst v2;
	v0 =	vmul.f32 v0, v63  }
0xac: {  	p0 =	sne.s32 s22, $0x10;
	s23 =	sshrl.u32 s23, $0x3;
	[tilespmem:s25+$0xFA60] =	vst v1  }
.Ltmp4:
0xad: {  	s23 =	sadd.s32 s1, s23;
	[tilespmem:s25+$0xFA70] =	vst v0;
	(pc) =	sbr.rel @p0 .LBB2_2-.Ltmp4, $4  }
0xae: {  	[hbm4b:s23+s11] =	stream.strided.scatter [tilespmem:s18], [sflag:$0x3], $0x3200, s12, s11, $0x38;
	[tilespmem:$0x12C00] =	vst v63  }
0xaf: {  	_ =	swait.ge [sflag:s13], $0x3200  }
0xb0: {  	[sflag:s13] =	ssyncset.done $0x0  }
0xb1: {  	[sflag:s13] =	ssyncadd.s32 $0xFFFFCE00  }
0xb2: {  	s21 =	sadd.s32 $0x1, s21  }
0xb3: {  	p0 =	sne.s32 s21, s10  }
.Ltmp5:
0xb4: {  	_ = 	snop;
	(pc) =	sbr.rel @p0 .LBB2_1-.Ltmp5, $1  }
0xb5: {  	_ =	sdelay $0x3  }
0xb6: {  	_ =	sfence.sel $0x180000  }
0xb7: {  	[bflag:$0x0] =	sbarrier.arrive $0xFFFF  }
0xb8: {  	p0 =	sne.s32 s2, $0x0;
	_ =	strace $0x90000047  }
0xb9: {  	s0 =	sadd.s32 @!p0 $0x100000, s0;
	[bflag:$0x2] =	sbarrier.arrive $0xFFFF  }
0xba: {  	[sflag:s0] =	ssyncadd.tile.s32 @!p0 $0x1;
	_ =	shalt  }
.Lfunc_end2:
_tile_overlayer_lowered:
.L_overlay_start_2:
0xbb: {  	(tag) =	ssettag $0x2  }
0xbc: {  	s0 =	rddreg [dreg:$0x0];
	s2 =	stileid.u32  }
0xbd: {  	s1 =	rddreg [dreg:$0x1];
	p0 =	sne.s32 s2, $0x0  }
0xbe: {  	s3 =	rddreg [dreg:$0x2];
	[bflag:$0x3] =	sbarrier.arrive $0xFFFF;
	s2 =	simm.s32 @!p0 $0x1C03  }
0xbf: {  	[timem:s3], [sflag:s2] =	dma.local @!p0 [hbm:s0], s1  }
0xc0: {  	s0 =	simm.s32 @!p0 $0x3  }
0xc1: {  	_ =	swait.ge @!p0 [sflag:s0], s1  }
0xc2: {  	s1 =	ssub.s32 @!p0 $0x0, s1;
	[sflag:s0] =	ssyncset.done @!p0 $0x0  }
0xc3: {  	[sflag:s0] =	ssyncadd.s32 @!p0 s1  }
0xc4: {  	[bflag:$0x3] =	sbarrier.arrive $0xFFFF  }
0xc5: {  	_ =	shalt  }

// kernel: sparse-core-data-format-call.cloned.1.call-start
scs
called_computation_lowered:
.L_overlay_start_0:
0x0: {  	s2 =	sld [smem:$0x3FD9]  }
0x1: {  	s3 =	sld [smem:$0x3FFE];
	_ =	sdelay $0x1  }
0x2: {  	s1 =	srdreg.scid  }
0x3: {  	s0 =	sand.u32 $0x1, s1  }
0x4: {  	s18 =	sshll.u32 s0, $0xA;
	s2 =	sadd.s32 s3, s2  }
0x5: {  	s2 =	sadd.s32 s2, s18  }
0x6: {  	[smem:$0x3FC5] =	sst s2  }
0x7: {  	_ = 	snop  }
0x8: {  	s2 =	sld [smem:$0x3FD0];
	(tm) =	ssettm $0x1  }
0x9: {  	s19 =	sld [smem:$0x3FFB];
	_ =	sdelay $0x3  }
0xa: {  	_ =	strace s19  }
0xb: {  	s3 =	sld [smem:$0x3FFC];
	_ =	sdelay $0x3  }
0xc: {  	_ =	strace s3  }
0xd: {  	s3 =	sld [smem:$0x3FFD];
	_ =	sdelay $0x3  }
0xe: {  	_ =	strace s3  }
0xf: {  	_ =	strace $0x8FFFFFFF  }
0x10: {  	s20 =	sld [smem:$0x3FDB];
	_ =	sdelay $0x1  }
0x11: {  	s4 =	simm.s32 $_scs_section_size  }
0x12: {  	s5 =	simm.s32 $_size__tile_overlayer_lowered;
	s6 =	simm.s32 $_tile_overlayer_lowered  }
0x13: {  	s23 =	simm.s32 $0x1BFF;
	s22 =	sshll.u32 s6, $0x1;
	s3 =	sadd.s32 s4, s20  }
0x14: {  	s7 =	simm.s32 $0x0;
	s21 =	sshll.u32 s5, $0x1;
	s5 =	sadd.s32 s22, s3  }
0x15: {  	[timem:s7], [sflag:s23] =	dma.local [hbm:s5], s21  }
0x16: {  	_ =	swait.ge [sflag:s23], s21  }
0x17: {  	s4 =	ssub.s32 $0x0, s21;
	[sflag:s23] =	ssyncset.done $0x0  }
0x18: {  	[sflag:s23] =	ssyncadd.s32 s4;
	_ =	sdelay $0x1  }
0x19: {  	s24 =	simm.s32 $0x1B8B  }
0x1a: {  	_ =	swait.ge [sflag:s24], $0x1  }
0x1b: {  	[sflag:s24] =	ssyncset.done $0x0  }
0x1c: {  	s26 =	simm.s32 $0x1B8E;
	s25 =	sld [smem:$0x3FFE];
	[sflag:s24] =	ssyncadd.s32 $0xFFFFFFFF  }
0x1d: {  	s27 =	simm.s32 $execute0_lowered;
	[smem:$0x3FD2] =	sst s26  }
0x1e: {  	s5 =	sshll.u32 s27, $0x1;
	_ =	strace $0x80000049;
	[dreg:$0x1] =	wrdreg $0xFFFFFFFF  }
0x1f: {  	s28 =	simm.s32 $_size_execute0_lowered;
	s3 =	sadd.s32 s3, s5;
	[dreg:$0x0] =	wrdreg $0x0  }
0x20: {  	s5 =	sshll.u32 s28, $0x1;
	[dreg:$0x2] =	wrdreg s3  }
0x21: {  	[dreg:$0x3] =	wrdreg s5  }
0x22: {  	[dreg:$0x4] =	wrdreg $0xC0  }
0x23: {  	_ =	task [dreg:s7], $0x5FFFF  }
0x24: {  	[dreg:$0x1] =	wrdreg $0xFFFFFFFF  }
0x25: {  	[dreg:$0x0] =	wrdreg $0x60  }
0x26: {  	[dreg:$0x2] =	wrdreg s25  }
0x27: {  	[dreg:$0x3] =	wrdreg s2  }
0x28: {  	[dreg:$0x4] =	wrdreg $0x9  }
0x29: {  	_ =	task.clear_ibuf [dreg:s7], $0x5FFFF;
	_ =	strace $0x90000049  }
0x2a: {  	s29 =	simm.s32 $0x9;
	_ =	strace $0x8000004B  }
0x2b: {  	_ =	swait.ge [sflag:s29], $0x1  }
0x2c: {  	[sflag:s29] =	ssyncadd.s32 $0xFFFFFFFF  }
0x2d: {  	_ =	strace $0x9000004B  }
0x2e: {  	_ =	sfence  }
0x2f: {  	s30 =	sld [smem:$0x0];
	_ =	sdelay $0x2  }
0x30: {  	s31 =	sshll.u32 s1, $0xD;
	s1 =	sshrl.u32 s1, $0x2  }
0x31: {  	s3 =	sand.u32 $0x4000, s31;
	s1 =	sadd.s32 s1, s30  }
0x32: {  	s0 =	sor.u32 s3, s0;
	s1 =	sshll.u32 s1, $0x11  }
0x33: {  	s0 =	sor.u32 s1, s0  }
0x34: {  	s0 =	sadd.s32 $0x8F2B, s0  }
0x35: {  	[sflag:s0] =	ssyncadd.remote.s32 $0x1  }
0x36: {  	_ =	sfence.sel $0xFFFF  }
0x37: {  	[dreg:$0x0] =	wrdreg $0xFFFFFFFF;
	(pc) =	sbr.abs _section_cstart, $3  }
0x38: {  	[dreg:$0x1] =	wrdreg $0xFFFFFFFF  }
0x39: {  	_ =	task.clear_ibuf [dreg:s7], $0x2FFFF;
	_ =	strace $0x9FFFFFFF  }
0x3a: {  	(tm) =	ssettm $0x7FFFFFFF  }
0x3b: {  	_ =	shalt  }
tec
execute0_lowered:
.L_overlay_start_1:
0x0: {  	(tag) =	ssettag $0x1  }
0x1: {  	s0 =	stileid.u32;
	s7 =	rddreg [dreg:$0x0]  }
0x2: {  	s2 =	rddreg [dreg:$0x1];
	s4 =	srdreg.scid  }
0x3: {  	s31 =	simm.s32 $0x2;
	s15 =	simm.s32 $0x0;
	s14 =	simm.s32 $0x0  }
0x4: {  	s13 =	simm.s32 $0x0;
	s10 =	simm.s32 $0x0;
	s1 =	sshll.u32 s0, $0x7  }
0x5: {  	s12 =	simm.s32 $0x0;
	s4 =	sshll.u32 s4, $0x4;
	s3 =	sand.u32 $0x180, s1  }
0x6: {  	s1 =	rddreg [dreg:$0x2];
	s4 =	sand.u32 $0x10, s4;
	s5 =	ssub.s32 $0x200, s3  }
0x7: {  	_ =	strace $0x8000004A;
	s4 =	sor.u32 s0, s4;
	s6 =	sand.u32 $0x180, s5  }
0x8: {  	s11 =	smov.u32 s3;
	p0 =	sne.s32 s6, $0x0;
	s6 =	simm.s32 $0x1  }
.Ltmp0:
0x9: {  	s8 =	sshrl.u32 s5, $0x9;
	s6 =	simm.s32 @!p0 $0x0;
	(pc) =	sbr.rel .LBB1_1-.Ltmp0, $4  }
0xa: {  	s4 =	sshrl.u32 s4, $0x2;
	s5 =	simm.s32 $0x1;
	s6 =	sadd.s32 s6, s8  }
0xb: {  	s9 =	sshll.u32 s4, $0x4;
	[sflag:s5] =	ssyncpa.u1 $0x0;
	s6 =	smul.u32 $0x19, s6  }
0xc: {  	s7 =	sadd.s32 s9, s7;
	[sflag:s31] =	ssyncpa.u1 $0x0;
	p0 =	por $0x0, $0x0  }
0xd: {  	s9 =	simm.s32 $0x1000;
	s7 =	sadd.s32 $0xA00, s7;
	s8 =	sadd.s32 $0x1, s6  }
.LBB1_4:
0xe: {  	v5 =	vld [tilespmem:s19+$0xFFFFFFD0];
	[tilespmem:s18+$0x2040 ss:$0x81] =	vst.msk $0xffff, v1  }
0xf: {  	v58 =	vld [tilespmem:s19+$0xFFFFFFE0];
	[tilespmem:s18+$0x2850 ss:$0x81] =	vst.msk $0xffff, v2  }
0x10: {  	s20 =	sshra.s32 s20, $0x2;
	v59 =	vld [tilespmem:s19+$0xFFFFFFF0];
	[tilespmem:s18+$0x3060 ss:$0x81] =	vst.msk $0xffff, v3  }
0x11: {  	v60 =	vld [tilespmem:s19+$0x0];
	[tilespmem:s18+$0x0 ss:$0x81] =	vst.msk $0xffff, v0;
	s17 =	sadd.s32 s20, s17  }
0x12: {  	v61 =	vld [tilespmem:s19+$0x10];
	[tilespmem:s17+$0x3870 ss:$0x81] =	vst.msk $0xffff, v4  }
0x13: {  	v62 =	vld [tilespmem:s19+$0x20];
	[tilespmem:s17+$0x810 ss:$0x81] =	vst.msk $0xffff, v5  }
0x14: {  	v63 =	vld [tilespmem:s19+$0xFFFFFFC0];
	[tilespmem:s17+$0x1020 ss:$0x81] =	vst.msk $0xffff, v58  }
0x15: {  	s29 =	sand.u32 $0x1F80, s13;
	s15 =	smul.u32 $0x32000, s15;
	[tilespmem:s17+$0x1830 ss:$0x81] =	vst.msk $0xffff, v59  }
0x16: {  	s14 =	sshll.u32 s14, $0xD;
	s30 =	sshrl.u32 s13, $0x3;
	s18 =	sadd.s32 s2, s29;
	[tilespmem:s17+$0x2040 ss:$0x81] =	vst.msk $0xffff, v60  }
0x17: {  	s31 =	sand.u32 $0x7, s13;
	s19 =	sand.u32 $0xF, s30;
	s14 =	sadd.s32 s14, s18;
	[tilespmem:s17+$0x2850 ss:$0x81] =	vst.msk $0xffff, v61  }
0x18: {  	s13 =	sshll.u32 s31, $0x12;
	s14 =	sadd.s32 s19, s14;
	[tilespmem:s17+$0x3060 ss:$0x81] =	vst.msk $0xffff, v62  }
0x19: {  	s13 =	sor.u32 $0x400, s13;
	s14 =	sadd.s32 s15, s14;
	[tilespmem:s17+$0x0 ss:$0x81] =	vst.msk $0xffff, v63  }
0x1a: {  	[hbm4b:s14+s13] =	stream.strided.scatter [tilespmem:s16], [sflag:$0x2], $0x4000, s9, s13, $0x20;
	[tilespmem:$0x10100] =	vst v63  }
.LBB1_5:
0x1b: {  	s16 =	sadd.s32 $0x1, s10  }
0x1c: {  	s13 =	sadd.s32 $0x200, s11;
	s17 =	smov.u32 s11;
	p2 =	sgt.s32 s16, $0x18  }
0x1d: {  	s17 =	smov.u32 @p2 s13  }
0x1e: {  	s16 =	simm.s32 @p2 $0x0;
	p2 =	sgt.s32 s17, $0x1FF  }
0x1f: {  	s17 =	smov.u32 @p2 s3;
	p2 =	sne.s32 s12, s8  }
.Ltmp1:
0x20: {  	p1 =	slt.u32 s12, $0x2;
	(pc) =	sbr.rel @!p2 .LBB1_6-.Ltmp1, $4  }
0x21: {  	s14 =	smov.u32 s10;
	s15 =	simm.s32 @!p1 $0x2  }
0x22: {  	p0 =	por !p0, !p0;
	_ =	swait.ge @!p1 [sflag:s15], $0x4000;
	s13 =	smov.u32 s11  }
0x23: {  	[sflag:s15] =	ssyncset.done @!p1 $0x0;
	s10 =	smov.u32 s16;
	s12 =	sadd.s32 $0x1, s12  }
0x24: {  	[sflag:s15] =	ssyncadd.s32 @!p1 $0xFFFFC000;
	s15 =	smov.u32 s4;
	s11 =	smov.u32 s17  }
.LBB1_1:
0x25: {  	p1 =	sge.u32 s12, s6  }
0x26: {  	s17 =	smul.u32 @!p1 $0xC80, s11  }
0x27: {  	s31 =	sadd.s32 $0xFFFFFFFF, s12;
	s16 =	sxor.u32 @!p1 $0xFFFFFFFF, s12;
	s18 =	sshll.u32 @!p1 s10, $0x7  }
0x28: {  	s19 =	simm.s32 @!p1 $0x6400;
	s16 =	sshll.u32 @!p1 s16, $0xE;
	s17 =	sadd.s32 @!p1 s17, s7  }
0x29: {  	s16 =	sand.u32 @!p1 $0x4000, s16;
	s17 =	sadd.s32 @!p1 s18, s17;
	s18 =	simm.s32 @!p1 $0x80  }
0x2a: {  	[tilespmem:s16], [sflag:$0x1] =	stream.strided.gather @!p1 [hbm4b:s17+s18], $0x4000, s19, s18, $0x38;
	[tilespmem:$0x10100] =	vst v63  }
0x2b: {  	p1 =	sge.u32 s31, s6  }
.Ltmp2:
0x2c: {  	_ = 	snop;
	(pc) =	sbr.rel @p1 .LBB1_5-.Ltmp2, $1  }
0x2d: {  	_ =	sdelay $0x3  }
0x2e: {  	s16 =	simm.s32 $0x1  }
0x2f: {  	_ =	swait.ge [sflag:s5], $0x4000;
	s16 =	simm.s32 @!p0 $0x0  }
0x30: {  	[sflag:s5] =	ssyncset.done $0x0;
	s17 =	sshll.u32 s16, $0xE  }
0x31: {  	[sflag:s5] =	ssyncadd.s32 $0xFFFFC000;
	s19 =	sor.u32 $0x40, s17  }
0x32: {  	s16 =	smul.u32 $0x10200, s16;
	v0 =	vld [tilespmem:s19+$0x30]  }
0x33: {  	v3 =	vld [tilespmem:s19+$0xFFFFFFD0]  }
0x34: {  	s16 =	sshrl.u32 s16, $0x2;
	v4 =	vld [tilespmem:s19+$0xFFFFFFE0]  }
0x35: {  	v5 =	vld [tilespmem:s19+$0xFFFFFFF0];
	s17 =	sor.u32 $0x8000, s16  }
0x36: {  	s31 =	sand.u32 $0x1, s12;
	v1 =	vld [tilespmem:s19+$0x0];
	s18 =	sadd.s32 $0x0, s17  }
0x37: {  	v2 =	vld [tilespmem:s19+$0x10];
	s16 =	smul.u32 $0x10200, s31;
	[tilespmem:s18+$0x3870 ss:$0x81] =	vst.msk $0xffff, v0  }
0x38: {  	[tilespmem:s18+$0x810 ss:$0x81] =	vst.msk $0xffff, v3;
	v3 =	vld [tilespmem:s19+$0x20]  }
0x39: {  	s16 =	sshrl.u32 s16, $0x2;
	v0 =	vld [tilespmem:s19+$0xFFFFFFC0];
	[tilespmem:s18+$0x1020 ss:$0x81] =	vst.msk $0xffff, v4;
	s19 =	sadd.s32 $0x80, s19  }
0x3a: {  	s20 =	simm.s32 $0x4;
	s21 =	simm.s32 $0x8;
	s16 =	sor.u32 $0x8000, s16;
	[tilespmem:s18+$0x1830 ss:$0x81] =	vst.msk $0xffff, v5;
	v4 =	vld [tilespmem:s19+$0x30]  }
.LBB1_3:
0x3b: {  	p1 =	sne.s32 s21, $0x1FC;
	v5 =	vld [tilespmem:s19+$0xFFFFFFD0];
	[tilespmem:s18+$0x2040 ss:$0x81] =	vst.msk $0xffff, v1  }
0x3c: {  	v6 =	vld [tilespmem:s19+$0xFFFFFFE0];
	[tilespmem:s18+$0x2850 ss:$0x81] =	vst.msk $0xffff, v2  }
0x3d: {  	s22 =	sshra.s32 s20, $0x2;
	s20 =	smov.u32 s21;
	v7 =	vld [tilespmem:s19+$0xFFFFFFF0];
	[tilespmem:s18+$0x3060 ss:$0x81] =	vst.msk $0xffff, v3  }
.Ltmp3:
0x3e: {  	v1 =	vld [tilespmem:s19+$0x0];
	[tilespmem:s18+$0x0 ss:$0x81] =	vst.msk $0xffff, v0;
	s18 =	sadd.s32 s22, s17;
	(pc) =	sbr.rel @p1 .LBB1_3-.Ltmp3, $4  }
0x3f: {  	v2 =	vld [tilespmem:s19+$0x10];
	[tilespmem:s18+$0x3870 ss:$0x81] =	vst.msk $0xffff, v4  }
0x40: {  	[tilespmem:s18+$0x810 ss:$0x81] =	vst.msk $0xffff, v5;
	v3 =	vld [tilespmem:s19+$0x20]  }
0x41: {  	v0 =	vld [tilespmem:s19+$0xFFFFFFC0];
	[tilespmem:s18+$0x1020 ss:$0x81] =	vst.msk $0xffff, v6;
	s19 =	sadd.s32 $0x80, s19  }
0x42: {  	s21 =	sadd.s32 $0x4, s21;
	v4 =	vld [tilespmem:s19+$0x30];
	[tilespmem:s18+$0x1830 ss:$0x81] =	vst.msk $0xffff, v7  }
.Ltmp4:
0x43: {  	_ = 	snop;
	(pc) =	sbr.rel .LBB1_4-.Ltmp4, $1  }
0x44: {  	_ =	sdelay $0x3  }
.LBB1_6:
0x45: {  	_ =	sfence.sel $0x180000  }
0x46: {  	s2 =	simm.s32 $0x1;
	[bflag:$0x0] =	sbarrier.arrive $0xFFFF  }
0x47: {  	s31 =	simm.s32 $0x2;
	[sflag:s2] =	ssyncpa.u1 $0x1  }
0x48: {  	[sflag:s31] =	ssyncpa.u1 $0x1  }
0x49: {  	p0 =	sne.s32 s0, $0x0;
	_ =	strace $0x9000004A  }
0x4a: {  	s0 =	sadd.s32 @!p0 $0x100000, s1;
	[bflag:$0x2] =	sbarrier.arrive $0xFFFF  }
0x4b: {  	[sflag:s0] =	ssyncadd.tile.s32 @!p0 $0x1;
	_ =	shalt  }
.Lfunc_end1:
_tile_overlayer_lowered:
.L_overlay_start_2:
0x4c: {  	(tag) =	ssettag $0x2  }
0x4d: {  	s0 =	rddreg [dreg:$0x0];
	s2 =	stileid.u32  }
0x4e: {  	s1 =	rddreg [dreg:$0x1];
	p0 =	sne.s32 s2, $0x0  }
0x4f: {  	s3 =	rddreg [dreg:$0x2];
	[bflag:$0x3] =	sbarrier.arrive $0xFFFF;
	s2 =	simm.s32 @!p0 $0x1C01  }
0x50: {  	[timem:s3], [sflag:s2] =	dma.local @!p0 [hbm:s0], s1  }
0x51: {  	s0 =	simm.s32 @!p0 $0x1  }
0x52: {  	_ =	swait.ge @!p0 [sflag:s0], s1  }
0x53: {  	s1 =	ssub.s32 @!p0 $0x0, s1;
	[sflag:s0] =	ssyncset.done @!p0 $0x0  }
0x54: {  	[sflag:s0] =	ssyncadd.s32 @!p0 s1  }
0x55: {  	[bflag:$0x3] =	sbarrier.arrive $0xFFFF  }
0x56: {  	_ =	shalt  }

</sc_bundles>
